<compile_context>
chip_gen: v7x
topology: tpu7x:2x2x1
jax: 0.10.2.dev20260603
libtpu: 0.0.44.dev20260713+nightly
codegen_flags: <defaults>
</compile_context>

<pallas_src>
import dataclasses
import functools

import numpy as np

import jax
import jax.numpy as jnp
from jax import lax
from jax.experimental import pallas as pl
from jax.experimental.pallas import tpu as pltpu
from jax.experimental.pallas import tpu_sc as plsc

_N = 10000
_E = 320000
_D = 128
_NC = 2
_NS = 16
_NW = _NC * _NS
_EB = 128
_BPW = 80
_NBLK = _NW * _BPW
_EPAD = _NBLK * _EB
_NPAD = 10240
_RPS = _NPAD // _NS
_MBLK = 2000

_NRBLK = _E // _EB
_PAD3 = np.stack(
    [
        (np.arange(_EPAD - _E, dtype=np.int32) % 8192).reshape(_NBLK - _NRBLK, _EB),
        (_N + np.arange(_EPAD - _E, dtype=np.int32) % 240).reshape(_NBLK - _NRBLK, _EB),
    ],
    axis=1,
)

_mesh = plsc.VectorSubcoreMesh(
    core_axis_name="c", subcore_axis_name="s", num_cores=_NC, num_subcores=_NS
)


_DIBC = 40
_DNCH = _BPW // _DIBC


def _deg_body(dst_hbm, tail_hbm, out_hbm, dstv, hist_v, red_v, out16_v, sh):
    c = lax.axis_index("c")
    s = lax.axis_index("s")
    wid = s * _NC + c

    @pl.loop(0, _NPAD, step=16)
    def _(k):
        hist_v[pl.ds(k, 16)] = jnp.zeros((16,), jnp.int32)

    def hist_slab(src_ref, base):
        @pl.loop(0, _DNCH)
        def _(ci):
            pltpu.sync_copy(src_ref.at[pl.ds(base + ci * _DIBC, _DIBC)], dstv)

            @pl.loop(0, _DIBC)
            def _(j):
                for k in range(_EB // 16):
                    idx = dstv[j, 1, pl.ds(k * 16, 16)]
                    cnt, last = plsc.scan_count(idx)
                    plsc.addupdate_scatter(hist_v, [idx], cnt, mask=last)

    @pl.when(wid < _NW - 1)
    def _():
        hist_slab(dst_hbm, wid * _BPW)

    @pl.when(wid == _NW - 1)
    def _():
        hist_slab(tail_hbm, 0)

    pltpu.sync_copy(hist_v, sh.at[s])
    plsc.subcore_barrier()
    for k in range(_NS):
        pltpu.sync_copy(sh.at[k].at[pl.ds(s * _RPS, _RPS)], red_v.at[k])

    @pl.loop(0, _RPS, step=16)
    def _(l):
        acc = jnp.zeros((16,), jnp.int32)
        for k in range(_NS):
            acc = acc + red_v[k, pl.ds(l, 16)]
        cf = acc.astype(jnp.float32)
        for i in range(16):
            out16_v[l + i, :] = jnp.full((16,), cf[i], jnp.float32)

    pltpu.sync_copy(out16_v, out_hbm.at[c].at[pl.ds(s * _RPS, _RPS)])


_cp = pltpu.CompilerParams()
if "needs_layout_passes" in pltpu.CompilerParams.__dataclass_fields__:
    _cp = dataclasses.replace(_cp, needs_layout_passes=False)

_deg = functools.partial(
    pl.kernel,
    out_type=jax.ShapeDtypeStruct((_NC, _NPAD, 16), jnp.float32),
    compiler_params=_cp,
    mesh=_mesh,
    scratch_types=[
        pltpu.VMEM((_DIBC, 2, _EB), jnp.int32),
        pltpu.VMEM((_NPAD,), jnp.int32),
        pltpu.VMEM((_NS, _RPS), jnp.int32),
        pltpu.VMEM((_RPS, 16), jnp.float32),
        pltpu.VMEM_SHARED((_NS, _NPAD), jnp.int32),
    ],
)(_deg_body)


_NBUF = 2
_IBC = 40
_NCH = _BPW // _IBC


def _agg_body(
    hs_hbm, eidx_hbm, tail_hbm, out_hbm,
    ev, rows0, rows1, sem0, sem1, acc_sh
):
    c = lax.axis_index("c")
    s = lax.axis_index("s")
    wid = s * _NC + c

    @pl.loop(0, _EB)
    def _(i):
        for k in range(_D // 16):
            rows0[i, pl.ds(k * 16, 16)] = jnp.zeros((16,), jnp.float32)

    @pl.loop(0, _RPS // _EB)
    def _(i):
        pltpu.sync_copy(rows0, acc_sh.at[pl.ds(s * _RPS + i * _EB, _EB)])

    plsc.subcore_barrier()

    bufs = (rows0, rows1)
    sems = (sem0, sem1)

    def agg_slab(src_ref, base):
        @pl.loop(0, _NCH)
        def _(ci):
            cb = base + ci * _IBC
            pltpu.sync_copy(src_ref.at[pl.ds(cb, _IBC)], ev)
            for b in range(_NBUF):
                pltpu.async_copy(hs_hbm.at[ev.at[b, 0]], bufs[b], sems[b])

            @pl.loop(0, _IBC, step=_NBUF)
            def _(j):
                for b in range(_NBUF):
                    jb = j + b
                    pltpu.make_async_copy(
                        hs_hbm.at[ev.at[jb, 0]], bufs[b], sems[b]
                    ).wait()
                    pltpu.sync_copy(bufs[b], acc_sh.at[ev.at[jb, 1]], add=True)

                    @pl.when(jb + _NBUF < _IBC)
                    def _():
                        pltpu.async_copy(
                            hs_hbm.at[ev.at[jb + _NBUF, 0]], bufs[b], sems[b]
                        )

    @pl.when(wid < _NW - 1)
    def _():
        agg_slab(eidx_hbm, wid * _BPW)

    @pl.when(wid == _NW - 1)
    def _():
        agg_slab(tail_hbm, 0)

    plsc.subcore_barrier()
    pltpu.sync_copy(
        acc_sh.at[pl.ds(s * _RPS, _RPS)],
        out_hbm.at[c].at[pl.ds(s * _RPS, _RPS)],
    )


_agg = functools.partial(
    pl.kernel,
    out_type=jax.ShapeDtypeStruct((_NC, _NPAD, _D), jnp.float32),
    mesh=_mesh,
    scratch_types=[
        pltpu.VMEM((_IBC, 2, _EB), jnp.int32),
        pltpu.VMEM((_EB, _D), jnp.float32),
        pltpu.VMEM((_EB, _D), jnp.float32),
        pltpu.SemaphoreType.DMA,
        pltpu.SemaphoreType.DMA,
        pltpu.VMEM_SHARED((_NPAD, _D), jnp.float32),
    ],
)(_agg_body)


def _dot(a, b):
    return lax.dot_general(
        a,
        b,
        (((1,), (0,)), ((), ())),
        precision=lax.Precision.HIGHEST,
        preferred_element_type=jnp.float32,
    )


def _dinv_col(degp_ref):
    deg = degp_ref[0, :, 0:1] + degp_ref[1, :, 0:1] + 1.0
    return lax.rsqrt(deg)


def _mm_body(x_ref, w_ref, o_ref):
    o_ref[...] = _dot(x_ref[...], w_ref[...])


def _scale_body(h_ref, degp_ref, hs_ref):
    hs_ref[...] = h_ref[...] * _dinv_col(degp_ref)


def _combine_mm_body(accp_ref, hs_ref, degp_ref, b_ref, w_ref, o_ref):
    d = _dinv_col(degp_ref)
    z = d * (accp_ref[0] + accp_ref[1] + hs_ref[...]) + b_ref[...]
    z = jnp.maximum(z, 0.0)
    o_ref[...] = _dot(z, w_ref[...]) * d


def _final_body(accp_ref, hs_ref, degp_ref, b_ref, o_ref):
    d = _dinv_col(degp_ref)
    o_ref[...] = d * (accp_ref[0] + accp_ref[1] + hs_ref[...]) + b_ref[...]


def kernel(x, edge_idx, W1, b1, W2, b2):
    n, d = x.shape
    grid = (n // _MBLK,)
    ei3 = jnp.transpose(edge_idx.reshape(2, _NRBLK, _EB), (1, 0, 2))
    tail = jnp.concatenate([ei3[(_NW - 1) * _BPW :], jnp.asarray(_PAD3)])

    degp = _deg(ei3, tail)

    h1 = pl.pallas_call(
        _mm_body,
        grid=grid,
        in_specs=[
            pl.BlockSpec((_MBLK, d), lambda i: (i, 0)),
            pl.BlockSpec((d, d), lambda i: (0, 0)),
        ],
        out_specs=pl.BlockSpec((_MBLK, d), lambda i: (i, 0)),
        out_shape=jax.ShapeDtypeStruct((n, d), jnp.float32),
    )(x, W1)

    hs1 = pl.pallas_call(
        _scale_body,
        grid=grid,
        in_specs=[
            pl.BlockSpec((_MBLK, d), lambda i: (i, 0)),
            pl.BlockSpec((_NC, _MBLK, 16), lambda i: (0, i, 0)),
        ],
        out_specs=pl.BlockSpec((_MBLK, d), lambda i: (i, 0)),
        out_shape=jax.ShapeDtypeStruct((n, d), jnp.float32),
    )(h1, degp)

    acc1 = _agg(hs1, ei3, tail)

    hs2 = pl.pallas_call(
        _combine_mm_body,
        grid=grid,
        in_specs=[
            pl.BlockSpec((_NC, _MBLK, _D), lambda i: (0, i, 0)),
            pl.BlockSpec((_MBLK, d), lambda i: (i, 0)),
            pl.BlockSpec((_NC, _MBLK, 16), lambda i: (0, i, 0)),
            pl.BlockSpec((1, d), lambda i: (0, 0)),
            pl.BlockSpec((d, d), lambda i: (0, 0)),
        ],
        out_specs=pl.BlockSpec((_MBLK, d), lambda i: (i, 0)),
        out_shape=jax.ShapeDtypeStruct((n, d), jnp.float32),
    )(acc1, hs1, degp, b1.reshape(1, d), W2)

    acc2 = _agg(hs2, ei3, tail)

    out = pl.pallas_call(
        _final_body,
        grid=grid,
        in_specs=[
            pl.BlockSpec((_NC, _MBLK, _D), lambda i: (0, i, 0)),
            pl.BlockSpec((_MBLK, d), lambda i: (i, 0)),
            pl.BlockSpec((_NC, _MBLK, 16), lambda i: (0, i, 0)),
            pl.BlockSpec((1, d), lambda i: (0, 0)),
        ],
        out_specs=pl.BlockSpec((_MBLK, d), lambda i: (i, 0)),
        out_shape=jax.ShapeDtypeStruct((n, d), jnp.float32),
    )(acc2, hs2, degp, b2.reshape(1, d))

    return out

# --- scband reference (transcript-rebuilt; emitter-appended) ---
"""Pipeline reference for scband-gcn-16518444220872 (READ-ONLY COPY).

The authoritative reference and input builder live on the scoring server;
editing this copy changes nothing except your own understanding.
"""

import jax, jax.numpy as jnp
import numpy as np

N = 10000
E = 320000
D_IN = 128
D_H = 128
D_OUT = 128


def setup_inputs(seed: int = 0) -> dict:
    key = jax.random.key(seed)
    k1, k2, k3, k4 = jax.random.split(key, 4)
    x = jax.random.normal(k1, (N, D_IN), dtype=jnp.float32)
    edge_idx = jax.random.randint(k2, (2, E), 0, N, dtype=jnp.int32)
    W1 = jax.random.normal(k3, (D_IN, D_H), dtype=jnp.float32) * (1.0 / np.sqrt(D_IN))
    b1 = jnp.zeros((D_H,), dtype=jnp.float32)
    W2 = jax.random.normal(k4, (D_H, D_OUT), dtype=jnp.float32) * (1.0 / np.sqrt(D_H))
    b2 = jnp.zeros((D_OUT,), dtype=jnp.float32)
    return {"x": x, "edge_idx": edge_idx, "W1": W1, "b1": b1, "W2": W2, "b2": b2}


def _gcn_conv(x, src, dst, W, b):
    # PyG GCNConv with gcn_norm: add self-loops, symmetric D^-1/2 (A+I) D^-1/2
    n = x.shape[0]
    h = x @ W
    loop = jnp.arange(n, dtype=src.dtype)
    src2 = jnp.concatenate([src, loop])
    dst2 = jnp.concatenate([dst, loop])
    ew = jnp.ones(src2.shape[0], dtype=h.dtype)
    deg = jax.ops.segment_sum(ew, dst2, num_segments=n)
    dinv = jnp.where(deg > 0, 1.0 / jnp.sqrt(deg), 0.0)
    norm = dinv[src2] * dinv[dst2]
    msg = h[src2] * norm[:, None]
    out = jax.ops.segment_sum(msg, dst2, num_segments=n)
    return out + b


def reference(x, edge_idx, W1, b1, W2, b2):
    src = edge_idx[0]
    dst = edge_idx[1]
    h = _gcn_conv(x, src, dst, W1, b1)
    h = jax.nn.relu(h)
    out = _gcn_conv(h, src, dst, W2, b2)
    return out

if __name__ == "__main__":
    import jax
    _d = setup_inputs()
    print(jax.jit(kernel)(*tuple(_d.values())))

</pallas_src>

<mosaic_0001>
#map = affine_map<(d0, d1) -> (0, 0, 0)>
module attributes {stable_mosaic.version = 14 : i64} {
  func.func @_deg_body(%arg0: i32, %arg1: i32, %arg2: memref<2500x2x128xi32, #tpu.memory_space<hbm>>, %arg3: memref<80x2x128xi32, #tpu.memory_space<hbm>>, %arg4: memref<2x10240x16xf32, #tpu.memory_space<hbm>>, %arg5: memref<40x2x128xi32, #tpu.memory_space<vmem>>, %arg6: memref<10240xi32, #tpu.memory_space<vmem>>, %arg7: memref<16x640xi32, #tpu.memory_space<vmem>>, %arg8: memref<640x16xf32, #tpu.memory_space<vmem>>, %arg9: memref<16x10240xi32, #tpu.memory_space<vmem_shared>>) attributes {dimension_semantics = [#tpu.dimension_semantics<core_parallel>, #tpu.dimension_semantics<subcore_parallel>], iteration_bounds = array<i64: 2, 16>, scalar_prefetch = 0 : i64, scratch_operands = 5 : i64, tpu.core_type = #tpu.core_type<sc_vector_subcore>, window_params = [{transform_indices = #map}, {transform_indices = #map}, {transform_indices = #map}]} {
    %mul3A = arith.constant 2 : i32
    %mul3A_0 = arith.muli %arg1, %mul3A : i32
    %add3A = arith.addi %mul3A_0, %arg0 : i32
    %scan3A = arith.constant 0 : i32
    %scan3A_1 = arith.constant 640 : i32
    %scan3A_2 = arith.addi %scan3A, %scan3A_1 : i32
    %scan3A_3 = arith.constant 1 : i32
    scf.for %scan3A_81 = %scan3A to %scan3A_2 step %scan3A_3  : i32 {
      %mul3A_82 = arith.constant 16 : i32
      %mul3A_83 = arith.muli %scan3A_81, %mul3A_82 : i32
      %add3A_84 = arith.constant 0 : i32
      %add3A_85 = arith.addi %add3A_84, %mul3A_83 : i32
      %broadcast_in_dim3A = arith.constant 0 : i32
      %broadcast_in_dim3A_86 = vector.broadcast %broadcast_in_dim3A : i32 to vector<16xi32>
      %swap3A = arith.index_cast %add3A_85 : i32 to index
      %swap3A_87 = tpu.vector_load %arg6[%swap3A] {strides = array<i32>} : memref<10240xi32, #tpu.memory_space<vmem>>, vector<16xi32>,
      tpu.vector_store %arg6[%swap3A], %broadcast_in_dim3A_86 {strides = array<i32>} : memref<10240xi32, #tpu.memory_space<vmem>>, vector<16xi32>,
    }
    %scan3A_4 = arith.constant 640 : i32
    %lt3A = arith.constant 31 : i32
    %lt3A_5 = arith.cmpi slt, %add3A, %lt3A : i32
    %convert_element_type3A = arith.extui %lt3A_5 : i1 to i32
    %cond3A = arith.constant 0 : i32
    %cond3A_6 = arith.cmpi ne, %convert_element_type3A, %cond3A : i32
    scf.if %cond3A_6 {
      %mul3A_81 = arith.constant 80 : i32
      %mul3A_82 = arith.muli %add3A, %mul3A_81 : i32
      %scan3A_83 = arith.constant 0 : i32
      %scan3A_84 = arith.constant 2 : i32
      %scan3A_85 = arith.addi %scan3A_83, %scan3A_84 : i32
      %scan3A_86 = arith.constant 1 : i32
      scf.for %scan3A_88 = %scan3A_83 to %scan3A_85 step %scan3A_86  : i32 {
        %mul3A_89 = arith.constant 1 : i32
        %mul3A_90 = arith.muli %scan3A_88, %mul3A_89 : i32
        %add3A_91 = arith.constant 0 : i32
        %add3A_92 = arith.addi %add3A_91, %mul3A_90 : i32
        %mul3A_93 = arith.constant 40 : i32
        %mul3A_94 = arith.muli %add3A_92, %mul3A_93 : i32
        %add3A_95 = arith.addi %mul3A_82, %mul3A_94 : i32
        "tpu.region"() ({
          %run_scoped3A_101 = tpu.sem_alloc : memref<!tpu.dma_semaphore, #tpu.memory_space<semaphore_mem>>
          %dma_start3A = arith.constant 0 : i32
          %dma_start3A_102 = arith.constant 0 : i32
          %dma_start3A_103 = tpu.memref_slice %arg2[%add3A_95, %dma_start3A, %dma_start3A_102] : memref<2500x2x128xi32, #tpu.memory_space<hbm>> -> memref<40x2x128xi32, #tpu.memory_space<hbm>>
          %dma_start3A_104 = arith.constant 0 : i32
          %dma_start3A_105 = arith.constant 0 : i32
          %dma_start3A_106 = tpu.memref_slice %arg2[%add3A_95, %dma_start3A_104, %dma_start3A_105] : memref<2500x2x128xi32, #tpu.memory_space<hbm>> -> memref<40x2x128xi32, #tpu.memory_space<hbm>>
          tpu.enqueue_dma source(%dma_start3A_106 : memref<40x2x128xi32, #tpu.memory_space<hbm>>) target(%arg5 : memref<40x2x128xi32, #tpu.memory_space<vmem>>) target_semaphore(%run_scoped3A_101 : memref<!tpu.dma_semaphore, #tpu.memory_space<semaphore_mem>>)
          %dma_wait3A = arith.constant 0 : i32
          %dma_wait3A_107 = arith.constant 0 : i32
          %dma_wait3A_108 = tpu.memref_slice %arg2[%add3A_95, %dma_wait3A, %dma_wait3A_107] : memref<2500x2x128xi32, #tpu.memory_space<hbm>> -> memref<40x2x128xi32, #tpu.memory_space<hbm>>
          %dma_wait3A_109 = arith.constant 0 : i32
          %dma_wait3A_110 = arith.constant 0 : i32
          %dma_wait3A_111 = tpu.memref_slice %arg2[%add3A_95, %dma_wait3A_109, %dma_wait3A_110] : memref<2500x2x128xi32, #tpu.memory_space<hbm>> -> memref<40x2x128xi32, #tpu.memory_space<hbm>>
          tpu.wait_dma2 semaphore(%run_scoped3A_101 : memref<!tpu.dma_semaphore, #tpu.memory_space<semaphore_mem>>) src(%dma_wait3A_111 : memref<40x2x128xi32, #tpu.memory_space<hbm>>) dst(%arg5 : memref<40x2x128xi32, #tpu.memory_space<vmem>>)
          tpu.yield
        }) : () -> ()
        %scan3A_96 = arith.constant 0 : i32
        %scan3A_97 = arith.constant 40 : i32
        %scan3A_98 = arith.addi %scan3A_96, %scan3A_97 : i32
        %scan3A_99 = arith.constant 1 : i32
        scf.for %scan3A_101 = %scan3A_96 to %scan3A_98 step %scan3A_99  : i32 {
          %mul3A_102 = arith.constant 1 : i32
          %mul3A_103 = arith.muli %scan3A_101, %mul3A_102 : i32
          %add3A_104 = arith.constant 0 : i32
          %add3A_105 = arith.addi %add3A_104, %mul3A_103 : i32
          %get3A = arith.constant 1 : i32
          %get3A_106 = arith.index_cast %add3A_105 : i32 to index
          %get3A_107 = arith.index_cast %get3A : i32 to index
          %get3A_108 = arith.constant 0 : index
          %get3A_109 = tpu.vector_load %arg5[%get3A_106, %get3A_107, %get3A_108] {strides = array<i32>} : memref<40x2x128xi32, #tpu.memory_space<vmem>>, vector<16xi32>,
          %broadcast_in_dim3A = arith.constant true
          %broadcast_in_dim3A_110 = vector.broadcast %broadcast_in_dim3A : i1 to vector<16xi1>
          %unique3A, %unique3A_111 = tpu.scan_count mask(%broadcast_in_dim3A_110 : vector<16xi1>) value(%get3A_109 : vector<16xi32>) : vector<16xi1>, vector<16xi32>
          tpu.vector_store_idx %arg6[%get3A_109], %unique3A_111 masked %unique3A {add = true} : memref<10240xi32, #tpu.memory_space<vmem>>[vector<16xi32>], vector<16xi32>, vector<16xi1>
          %get3A_112 = arith.constant 1 : i32
          %get3A_113 = arith.index_cast %add3A_105 : i32 to index
          %get3A_114 = arith.index_cast %get3A_112 : i32 to index
          %get3A_115 = arith.constant 16 : index
          %get3A_116 = tpu.vector_load %arg5[%get3A_113, %get3A_114, %get3A_115] {strides = array<i32>} : memref<40x2x128xi32, #tpu.memory_space<vmem>>, vector<16xi32>,
          %broadcast_in_dim3A_117 = arith.constant true
          %broadcast_in_dim3A_118 = vector.broadcast %broadcast_in_dim3A_117 : i1 to vector<16xi1>
          %unique3A_119, %unique3A_120 = tpu.scan_count mask(%broadcast_in_dim3A_118 : vector<16xi1>) value(%get3A_116 : vector<16xi32>) : vector<16xi1>, vector<16xi32>
          tpu.vector_store_idx %arg6[%get3A_116], %unique3A_120 masked %unique3A_119 {add = true} : memref<10240xi32, #tpu.memory_space<vmem>>[vector<16xi32>], vector<16xi32>, vector<16xi1>
          %get3A_121 = arith.constant 1 : i32
          %get3A_122 = arith.index_cast %add3A_105 : i32 to index
          %get3A_123 = arith.index_cast %get3A_121 : i32 to index
          %get3A_124 = arith.constant 32 : index
          %get3A_125 = tpu.vector_load %arg5[%get3A_122, %get3A_123, %get3A_124] {strides = array<i32>} : memref<40x2x128xi32, #tpu.memory_space<vmem>>, vector<16xi32>,
          %broadcast_in_dim3A_126 = arith.constant true
          %broadcast_in_dim3A_127 = vector.broadcast %broadcast_in_dim3A_126 : i1 to vector<16xi1>
          %unique3A_128, %unique3A_129 = tpu.scan_count mask(%broadcast_in_dim3A_127 : vector<16xi1>) value(%get3A_125 : vector<16xi32>) : vector<16xi1>, vector<16xi32>
          tpu.vector_store_idx %arg6[%get3A_125], %unique3A_129 masked %unique3A_128 {add = true} : memref<10240xi32, #tpu.memory_space<vmem>>[vector<16xi32>], vector<16xi32>, vector<16xi1>
          %get3A_130 = arith.constant 1 : i32
          %get3A_131 = arith.index_cast %add3A_105 : i32 to index
          %get3A_132 = arith.index_cast %get3A_130 : i32 to index
          %get3A_133 = arith.constant 48 : index
          %get3A_134 = tpu.vector_load %arg5[%get3A_131, %get3A_132, %get3A_133] {strides = array<i32>} : memref<40x2x128xi32, #tpu.memory_space<vmem>>, vector<16xi32>,
          %broadcast_in_dim3A_135 = arith.constant true
          %broadcast_in_dim3A_136 = vector.broadcast %broadcast_in_dim3A_135 : i1 to vector<16xi1>
          %unique3A_137, %unique3A_138 = tpu.scan_count mask(%broadcast_in_dim3A_136 : vector<16xi1>) value(%get3A_134 : vector<16xi32>) : vector<16xi1>, vector<16xi32>
          tpu.vector_store_idx %arg6[%get3A_134], %unique3A_138 masked %unique3A_137 {add = true} : memref<10240xi32, #tpu.memory_space<vmem>>[vector<16xi32>], vector<16xi32>, vector<16xi1>
          %get3A_139 = arith.constant 1 : i32
          %get3A_140 = arith.index_cast %add3A_105 : i32 to index
          %get3A_141 = arith.index_cast %get3A_139 : i32 to index
          %get3A_142 = arith.constant 64 : index
          %get3A_143 = tpu.vector_load %arg5[%get3A_140, %get3A_141, %get3A_142] {strides = array<i32>} : memref<40x2x128xi32, #tpu.memory_space<vmem>>, vector<16xi32>,
          %broadcast_in_dim3A_144 = arith.constant true
          %broadcast_in_dim3A_145 = vector.broadcast %broadcast_in_dim3A_144 : i1 to vector<16xi1>
          %unique3A_146, %unique3A_147 = tpu.scan_count mask(%broadcast_in_dim3A_145 : vector<16xi1>) value(%get3A_143 : vector<16xi32>) : vector<16xi1>, vector<16xi32>
          tpu.vector_store_idx %arg6[%get3A_143], %unique3A_147 masked %unique3A_146 {add = true} : memref<10240xi32, #tpu.memory_space<vmem>>[vector<16xi32>], vector<16xi32>, vector<16xi1>
          %get3A_148 = arith.constant 1 : i32
          %get3A_149 = arith.index_cast %add3A_105 : i32 to index
          %get3A_150 = arith.index_cast %get3A_148 : i32 to index
          %get3A_151 = arith.constant 80 : index
          %get3A_152 = tpu.vector_load %arg5[%get3A_149, %get3A_150, %get3A_151] {strides = array<i32>} : memref<40x2x128xi32, #tpu.memory_space<vmem>>, vector<16xi32>,
          %broadcast_in_dim3A_153 = arith.constant true
          %broadcast_in_dim3A_154 = vector.broadcast %broadcast_in_dim3A_153 : i1 to vector<16xi1>
          %unique3A_155, %unique3A_156 = tpu.scan_count mask(%broadcast_in_dim3A_154 : vector<16xi1>) value(%get3A_152 : vector<16xi32>) : vector<16xi1>, vector<16xi32>
          tpu.vector_store_idx %arg6[%get3A_152], %unique3A_156 masked %unique3A_155 {add = true} : memref<10240xi32, #tpu.memory_space<vmem>>[vector<16xi32>], vector<16xi32>, vector<16xi1>
          %get3A_157 = arith.constant 1 : i32
          %get3A_158 = arith.index_cast %add3A_105 : i32 to index
          %get3A_159 = arith.index_cast %get3A_157 : i32 to index
          %get3A_160 = arith.constant 96 : index
          %get3A_161 = tpu.vector_load %arg5[%get3A_158, %get3A_159, %get3A_160] {strides = array<i32>} : memref<40x2x128xi32, #tpu.memory_space<vmem>>, vector<16xi32>,
          %broadcast_in_dim3A_162 = arith.constant true
          %broadcast_in_dim3A_163 = vector.broadcast %broadcast_in_dim3A_162 : i1 to vector<16xi1>
          %unique3A_164, %unique3A_165 = tpu.scan_count mask(%broadcast_in_dim3A_163 : vector<16xi1>) value(%get3A_161 : vector<16xi32>) : vector<16xi1>, vector<16xi32>
          tpu.vector_store_idx %arg6[%get3A_161], %unique3A_165 masked %unique3A_164 {add = true} : memref<10240xi32, #tpu.memory_space<vmem>>[vector<16xi32>], vector<16xi32>, vector<16xi1>
          %get3A_166 = arith.constant 1 : i32
          %get3A_167 = arith.index_cast %add3A_105 : i32 to index
          %get3A_168 = arith.index_cast %get3A_166 : i32 to index
          %get3A_169 = arith.constant 112 : index
          %get3A_170 = tpu.vector_load %arg5[%get3A_167, %get3A_168, %get3A_169] {strides = array<i32>} : memref<40x2x128xi32, #tpu.memory_space<vmem>>, vector<16xi32>,
          %broadcast_in_dim3A_171 = arith.constant true
          %broadcast_in_dim3A_172 = vector.broadcast %broadcast_in_dim3A_171 : i1 to vector<16xi1>
          %unique3A_173, %unique3A_174 = tpu.scan_count mask(%broadcast_in_dim3A_172 : vector<16xi1>) value(%get3A_170 : vector<16xi32>) : vector<16xi1>, vector<16xi32>
          tpu.vector_store_idx %arg6[%get3A_170], %unique3A_174 masked %unique3A_173 {add = true} : memref<10240xi32, #tpu.memory_space<vmem>>[vector<16xi32>], vector<16xi32>, vector<16xi1>
        }
        %scan3A_100 = arith.constant 40 : i32
      }
      %scan3A_87 = arith.constant 2 : i32
    } else {
    }
    %eq3A = arith.constant 31 : i32
    %eq3A_7 = arith.cmpi eq, %add3A, %eq3A : i32
    %convert_element_type3A_8 = arith.extui %eq3A_7 : i1 to i32
    %cond3A_9 = arith.constant 0 : i32
    %cond3A_10 = arith.cmpi ne, %convert_element_type3A_8, %cond3A_9 : i32
    scf.if %cond3A_10 {
      %scan3A_81 = arith.constant 0 : i32
      %scan3A_82 = arith.constant 2 : i32
      %scan3A_83 = arith.addi %scan3A_81, %scan3A_82 : i32
      %scan3A_84 = arith.constant 1 : i32
      scf.for %scan3A_86 = %scan3A_81 to %scan3A_83 step %scan3A_84  : i32 {
        %mul3A_87 = arith.constant 1 : i32
        %mul3A_88 = arith.muli %scan3A_86, %mul3A_87 : i32
        %add3A_89 = arith.constant 0 : i32
        %add3A_90 = arith.addi %add3A_89, %mul3A_88 : i32
        %mul3A_91 = arith.constant 40 : i32
        %mul3A_92 = arith.muli %add3A_90, %mul3A_91 : i32
        %add3A_93 = arith.constant 0 : i32
        %add3A_94 = arith.addi %add3A_93, %mul3A_92 : i32
        "tpu.region"() ({
          %run_scoped3A_100 = tpu.sem_alloc : memref<!tpu.dma_semaphore, #tpu.memory_space<semaphore_mem>>
          %dma_start3A = arith.constant 0 : i32
          %dma_start3A_101 = arith.constant 0 : i32
          %dma_start3A_102 = tpu.memref_slice %arg3[%add3A_94, %dma_start3A, %dma_start3A_101] : memref<80x2x128xi32, #tpu.memory_space<hbm>> -> memref<40x2x128xi32, #tpu.memory_space<hbm>>
          %dma_start3A_103 = arith.constant 0 : i32
          %dma_start3A_104 = arith.constant 0 : i32
          %dma_start3A_105 = tpu.memref_slice %arg3[%add3A_94, %dma_start3A_103, %dma_start3A_104] : memref<80x2x128xi32, #tpu.memory_space<hbm>> -> memref<40x2x128xi32, #tpu.memory_space<hbm>>
          tpu.enqueue_dma source(%dma_start3A_105 : memref<40x2x128xi32, #tpu.memory_space<hbm>>) target(%arg5 : memref<40x2x128xi32, #tpu.memory_space<vmem>>) target_semaphore(%run_scoped3A_100 : memref<!tpu.dma_semaphore, #tpu.memory_space<semaphore_mem>>)
          %dma_wait3A = arith.constant 0 : i32
          %dma_wait3A_106 = arith.constant 0 : i32
          %dma_wait3A_107 = tpu.memref_slice %arg3[%add3A_94, %dma_wait3A, %dma_wait3A_106] : memref<80x2x128xi32, #tpu.memory_space<hbm>> -> memref<40x2x128xi32, #tpu.memory_space<hbm>>
          %dma_wait3A_108 = arith.constant 0 : i32
          %dma_wait3A_109 = arith.constant 0 : i32
          %dma_wait3A_110 = tpu.memref_slice %arg3[%add3A_94, %dma_wait3A_108, %dma_wait3A_109] : memref<80x2x128xi32, #tpu.memory_space<hbm>> -> memref<40x2x128xi32, #tpu.memory_space<hbm>>
          tpu.wait_dma2 semaphore(%run_scoped3A_100 : memref<!tpu.dma_semaphore, #tpu.memory_space<semaphore_mem>>) src(%dma_wait3A_110 : memref<40x2x128xi32, #tpu.memory_space<hbm>>) dst(%arg5 : memref<40x2x128xi32, #tpu.memory_space<vmem>>)
          tpu.yield
        }) : () -> ()
        %scan3A_95 = arith.constant 0 : i32
        %scan3A_96 = arith.constant 40 : i32
        %scan3A_97 = arith.addi %scan3A_95, %scan3A_96 : i32
        %scan3A_98 = arith.constant 1 : i32
        scf.for %scan3A_100 = %scan3A_95 to %scan3A_97 step %scan3A_98  : i32 {
          %mul3A_101 = arith.constant 1 : i32
          %mul3A_102 = arith.muli %scan3A_100, %mul3A_101 : i32
          %add3A_103 = arith.constant 0 : i32
          %add3A_104 = arith.addi %add3A_103, %mul3A_102 : i32
          %get3A = arith.constant 1 : i32
          %get3A_105 = arith.index_cast %add3A_104 : i32 to index
          %get3A_106 = arith.index_cast %get3A : i32 to index
          %get3A_107 = arith.constant 0 : index
          %get3A_108 = tpu.vector_load %arg5[%get3A_105, %get3A_106, %get3A_107] {strides = array<i32>} : memref<40x2x128xi32, #tpu.memory_space<vmem>>, vector<16xi32>,
          %broadcast_in_dim3A = arith.constant true
          %broadcast_in_dim3A_109 = vector.broadcast %broadcast_in_dim3A : i1 to vector<16xi1>
          %unique3A, %unique3A_110 = tpu.scan_count mask(%broadcast_in_dim3A_109 : vector<16xi1>) value(%get3A_108 : vector<16xi32>) : vector<16xi1>, vector<16xi32>
          tpu.vector_store_idx %arg6[%get3A_108], %unique3A_110 masked %unique3A {add = true} : memref<10240xi32, #tpu.memory_space<vmem>>[vector<16xi32>], vector<16xi32>, vector<16xi1>
          %get3A_111 = arith.constant 1 : i32
          %get3A_112 = arith.index_cast %add3A_104 : i32 to index
          %get3A_113 = arith.index_cast %get3A_111 : i32 to index
          %get3A_114 = arith.constant 16 : index
          %get3A_115 = tpu.vector_load %arg5[%get3A_112, %get3A_113, %get3A_114] {strides = array<i32>} : memref<40x2x128xi32, #tpu.memory_space<vmem>>, vector<16xi32>,
          %broadcast_in_dim3A_116 = arith.constant true
          %broadcast_in_dim3A_117 = vector.broadcast %broadcast_in_dim3A_116 : i1 to vector<16xi1>
          %unique3A_118, %unique3A_119 = tpu.scan_count mask(%broadcast_in_dim3A_117 : vector<16xi1>) value(%get3A_115 : vector<16xi32>) : vector<16xi1>, vector<16xi32>
          tpu.vector_store_idx %arg6[%get3A_115], %unique3A_119 masked %unique3A_118 {add = true} : memref<10240xi32, #tpu.memory_space<vmem>>[vector<16xi32>], vector<16xi32>, vector<16xi1>
          %get3A_120 = arith.constant 1 : i32
          %get3A_121 = arith.index_cast %add3A_104 : i32 to index
          %get3A_122 = arith.index_cast %get3A_120 : i32 to index
          %get3A_123 = arith.constant 32 : index
          %get3A_124 = tpu.vector_load %arg5[%get3A_121, %get3A_122, %get3A_123] {strides = array<i32>} : memref<40x2x128xi32, #tpu.memory_space<vmem>>, vector<16xi32>,
          %broadcast_in_dim3A_125 = arith.constant true
          %broadcast_in_dim3A_126 = vector.broadcast %broadcast_in_dim3A_125 : i1 to vector<16xi1>
          %unique3A_127, %unique3A_128 = tpu.scan_count mask(%broadcast_in_dim3A_126 : vector<16xi1>) value(%get3A_124 : vector<16xi32>) : vector<16xi1>, vector<16xi32>
          tpu.vector_store_idx %arg6[%get3A_124], %unique3A_128 masked %unique3A_127 {add = true} : memref<10240xi32, #tpu.memory_space<vmem>>[vector<16xi32>], vector<16xi32>, vector<16xi1>
          %get3A_129 = arith.constant 1 : i32
          %get3A_130 = arith.index_cast %add3A_104 : i32 to index
          %get3A_131 = arith.index_cast %get3A_129 : i32 to index
          %get3A_132 = arith.constant 48 : index
          %get3A_133 = tpu.vector_load %arg5[%get3A_130, %get3A_131, %get3A_132] {strides = array<i32>} : memref<40x2x128xi32, #tpu.memory_space<vmem>>, vector<16xi32>,
          %broadcast_in_dim3A_134 = arith.constant true
          %broadcast_in_dim3A_135 = vector.broadcast %broadcast_in_dim3A_134 : i1 to vector<16xi1>
          %unique3A_136, %unique3A_137 = tpu.scan_count mask(%broadcast_in_dim3A_135 : vector<16xi1>) value(%get3A_133 : vector<16xi32>) : vector<16xi1>, vector<16xi32>
          tpu.vector_store_idx %arg6[%get3A_133], %unique3A_137 masked %unique3A_136 {add = true} : memref<10240xi32, #tpu.memory_space<vmem>>[vector<16xi32>], vector<16xi32>, vector<16xi1>
          %get3A_138 = arith.constant 1 : i32
          %get3A_139 = arith.index_cast %add3A_104 : i32 to index
          %get3A_140 = arith.index_cast %get3A_138 : i32 to index
          %get3A_141 = arith.constant 64 : index
          %get3A_142 = tpu.vector_load %arg5[%get3A_139, %get3A_140, %get3A_141] {strides = array<i32>} : memref<40x2x128xi32, #tpu.memory_space<vmem>>, vector<16xi32>,
          %broadcast_in_dim3A_143 = arith.constant true
          %broadcast_in_dim3A_144 = vector.broadcast %broadcast_in_dim3A_143 : i1 to vector<16xi1>
          %unique3A_145, %unique3A_146 = tpu.scan_count mask(%broadcast_in_dim3A_144 : vector<16xi1>) value(%get3A_142 : vector<16xi32>) : vector<16xi1>, vector<16xi32>
          tpu.vector_store_idx %arg6[%get3A_142], %unique3A_146 masked %unique3A_145 {add = true} : memref<10240xi32, #tpu.memory_space<vmem>>[vector<16xi32>], vector<16xi32>, vector<16xi1>
          %get3A_147 = arith.constant 1 : i32
          %get3A_148 = arith.index_cast %add3A_104 : i32 to index
          %get3A_149 = arith.index_cast %get3A_147 : i32 to index
          %get3A_150 = arith.constant 80 : index
          %get3A_151 = tpu.vector_load %arg5[%get3A_148, %get3A_149, %get3A_150] {strides = array<i32>} : memref<40x2x128xi32, #tpu.memory_space<vmem>>, vector<16xi32>,
          %broadcast_in_dim3A_152 = arith.constant true
          %broadcast_in_dim3A_153 = vector.broadcast %broadcast_in_dim3A_152 : i1 to vector<16xi1>
          %unique3A_154, %unique3A_155 = tpu.scan_count mask(%broadcast_in_dim3A_153 : vector<16xi1>) value(%get3A_151 : vector<16xi32>) : vector<16xi1>, vector<16xi32>
          tpu.vector_store_idx %arg6[%get3A_151], %unique3A_155 masked %unique3A_154 {add = true} : memref<10240xi32, #tpu.memory_space<vmem>>[vector<16xi32>], vector<16xi32>, vector<16xi1>
          %get3A_156 = arith.constant 1 : i32
          %get3A_157 = arith.index_cast %add3A_104 : i32 to index
          %get3A_158 = arith.index_cast %get3A_156 : i32 to index
          %get3A_159 = arith.constant 96 : index
          %get3A_160 = tpu.vector_load %arg5[%get3A_157, %get3A_158, %get3A_159] {strides = array<i32>} : memref<40x2x128xi32, #tpu.memory_space<vmem>>, vector<16xi32>,
          %broadcast_in_dim3A_161 = arith.constant true
          %broadcast_in_dim3A_162 = vector.broadcast %broadcast_in_dim3A_161 : i1 to vector<16xi1>
          %unique3A_163, %unique3A_164 = tpu.scan_count mask(%broadcast_in_dim3A_162 : vector<16xi1>) value(%get3A_160 : vector<16xi32>) : vector<16xi1>, vector<16xi32>
          tpu.vector_store_idx %arg6[%get3A_160], %unique3A_164 masked %unique3A_163 {add = true} : memref<10240xi32, #tpu.memory_space<vmem>>[vector<16xi32>], vector<16xi32>, vector<16xi1>
          %get3A_165 = arith.constant 1 : i32
          %get3A_166 = arith.index_cast %add3A_104 : i32 to index
          %get3A_167 = arith.index_cast %get3A_165 : i32 to index
          %get3A_168 = arith.constant 112 : index
          %get3A_169 = tpu.vector_load %arg5[%get3A_166, %get3A_167, %get3A_168] {strides = array<i32>} : memref<40x2x128xi32, #tpu.memory_space<vmem>>, vector<16xi32>,
          %broadcast_in_dim3A_170 = arith.constant true
          %broadcast_in_dim3A_171 = vector.broadcast %broadcast_in_dim3A_170 : i1 to vector<16xi1>
          %unique3A_172, %unique3A_173 = tpu.scan_count mask(%broadcast_in_dim3A_171 : vector<16xi1>) value(%get3A_169 : vector<16xi32>) : vector<16xi1>, vector<16xi32>
          tpu.vector_store_idx %arg6[%get3A_169], %unique3A_173 masked %unique3A_172 {add = true} : memref<10240xi32, #tpu.memory_space<vmem>>[vector<16xi32>], vector<16xi32>, vector<16xi1>
        }
        %scan3A_99 = arith.constant 40 : i32
      }
      %scan3A_85 = arith.constant 2 : i32
    } else {
    }
    "tpu.region"() ({
      %run_scoped3A_81 = tpu.sem_alloc : memref<!tpu.dma_semaphore, #tpu.memory_space<semaphore_mem>>
      %dma_start3A = arith.constant 0 : i32
      %dma_start3A_82 = tpu.memref_slice %arg9[%arg1, %dma_start3A] : memref<16x10240xi32, #tpu.memory_space<vmem_shared>> -> memref<1x10240xi32, #tpu.memory_space<vmem_shared>>
      %dma_start3A_83 = tpu.memref_squeeze %dma_start3A_82 : memref<1x10240xi32, #tpu.memory_space<vmem_shared>> -> memref<10240xi32, #tpu.memory_space<vmem_shared>>
      %dma_start3A_84 = arith.constant 0 : i32
      %dma_start3A_85 = tpu.memref_slice %arg9[%arg1, %dma_start3A_84] : memref<16x10240xi32, #tpu.memory_space<vmem_shared>> -> memref<1x10240xi32, #tpu.memory_space<vmem_shared>>
      %dma_start3A_86 = tpu.memref_squeeze %dma_start3A_85 : memref<1x10240xi32, #tpu.memory_space<vmem_shared>> -> memref<10240xi32, #tpu.memory_space<vmem_shared>>
      tpu.enqueue_dma source(%arg6 : memref<10240xi32, #tpu.memory_space<vmem>>) target(%dma_start3A_86 : memref<10240xi32, #tpu.memory_space<vmem_shared>>) target_semaphore(%run_scoped3A_81 : memref<!tpu.dma_semaphore, #tpu.memory_space<semaphore_mem>>)
      %dma_wait3A = arith.constant 0 : i32
      %dma_wait3A_87 = tpu.memref_slice %arg9[%arg1, %dma_wait3A] : memref<16x10240xi32, #tpu.memory_space<vmem_shared>> -> memref<1x10240xi32, #tpu.memory_space<vmem_shared>>
      %dma_wait3A_88 = tpu.memref_squeeze %dma_wait3A_87 : memref<1x10240xi32, #tpu.memory_space<vmem_shared>> -> memref<10240xi32, #tpu.memory_space<vmem_shared>>
      %dma_wait3A_89 = arith.constant 0 : i32
      %dma_wait3A_90 = tpu.memref_slice %arg9[%arg1, %dma_wait3A_89] : memref<16x10240xi32, #tpu.memory_space<vmem_shared>> -> memref<1x10240xi32, #tpu.memory_space<vmem_shared>>
      %dma_wait3A_91 = tpu.memref_squeeze %dma_wait3A_90 : memref<1x10240xi32, #tpu.memory_space<vmem_shared>> -> memref<10240xi32, #tpu.memory_space<vmem_shared>>
      tpu.wait_dma2 semaphore(%run_scoped3A_81 : memref<!tpu.dma_semaphore, #tpu.memory_space<semaphore_mem>>) src(%arg6 : memref<10240xi32, #tpu.memory_space<vmem>>) dst(%dma_wait3A_91 : memref<10240xi32, #tpu.memory_space<vmem_shared>>)
      tpu.yield
    }) : () -> ()
    %barrier3A = arith.constant 0 : index
    tpu.barrier barrier_id(%barrier3A)
    %mul3A_11 = arith.constant 640 : i32
    %mul3A_12 = arith.muli %arg1, %mul3A_11 : i32
    %run_scoped3A = arith.constant 0 : i32
    %run_scoped3A_13 = arith.constant 0 : i32
    "tpu.region"() ({
      %run_scoped3A_81 = tpu.sem_alloc : memref<!tpu.dma_semaphore, #tpu.memory_space<semaphore_mem>>
      %dma_start3A = arith.constant 0 : i32
      %dma_start3A_82 = tpu.memref_slice %arg7[%run_scoped3A_13, %dma_start3A] : memref<16x640xi32, #tpu.memory_space<vmem>> -> memref<1x640xi32, #tpu.memory_space<vmem>>
      %dma_start3A_83 = tpu.memref_squeeze %dma_start3A_82 : memref<1x640xi32, #tpu.memory_space<vmem>> -> memref<640xi32, #tpu.memory_space<vmem>>
      %dma_start3A_84 = arith.constant 0 : i32
      %dma_start3A_85 = tpu.memref_slice %arg9[%run_scoped3A, %dma_start3A_84] : memref<16x10240xi32, #tpu.memory_space<vmem_shared>> -> memref<1x10240xi32, #tpu.memory_space<vmem_shared>>
      %dma_start3A_86 = tpu.memref_squeeze %dma_start3A_85 : memref<1x10240xi32, #tpu.memory_space<vmem_shared>> -> memref<10240xi32, #tpu.memory_space<vmem_shared>>
      %dma_start3A_87 = tpu.memref_slice %dma_start3A_86[%mul3A_12] : memref<10240xi32, #tpu.memory_space<vmem_shared>> -> memref<640xi32, #tpu.memory_space<vmem_shared>>
      %dma_start3A_88 = arith.constant 0 : i32
      %dma_start3A_89 = tpu.memref_slice %arg7[%run_scoped3A_13, %dma_start3A_88] : memref<16x640xi32, #tpu.memory_space<vmem>> -> memref<1x640xi32, #tpu.memory_space<vmem>>
      %dma_start3A_90 = tpu.memref_squeeze %dma_start3A_89 : memref<1x640xi32, #tpu.memory_space<vmem>> -> memref<640xi32, #tpu.memory_space<vmem>>
      %dma_start3A_91 = arith.constant 0 : i32
      %dma_start3A_92 = tpu.memref_slice %arg9[%run_scoped3A, %dma_start3A_91] : memref<16x10240xi32, #tpu.memory_space<vmem_shared>> -> memref<1x10240xi32, #tpu.memory_space<vmem_shared>>
      %dma_start3A_93 = tpu.memref_squeeze %dma_start3A_92 : memref<1x10240xi32, #tpu.memory_space<vmem_shared>> -> memref<10240xi32, #tpu.memory_space<vmem_shared>>
      %dma_start3A_94 = tpu.memref_slice %dma_start3A_93[%mul3A_12] : memref<10240xi32, #tpu.memory_space<vmem_shared>> -> memref<640xi32, #tpu.memory_space<vmem_shared>>
      tpu.enqueue_dma source(%dma_start3A_94 : memref<640xi32, #tpu.memory_space<vmem_shared>>) target(%dma_start3A_90 : memref<640xi32, #tpu.memory_space<vmem>>) target_semaphore(%run_scoped3A_81 : memref<!tpu.dma_semaphore, #tpu.memory_space<semaphore_mem>>)
      %dma_wait3A = arith.constant 0 : i32
      %dma_wait3A_95 = tpu.memref_slice %arg7[%run_scoped3A_13, %dma_wait3A] : memref<16x640xi32, #tpu.memory_space<vmem>> -> memref<1x640xi32, #tpu.memory_space<vmem>>
      %dma_wait3A_96 = tpu.memref_squeeze %dma_wait3A_95 : memref<1x640xi32, #tpu.memory_space<vmem>> -> memref<640xi32, #tpu.memory_space<vmem>>
      %dma_wait3A_97 = arith.constant 0 : i32
      %dma_wait3A_98 = tpu.memref_slice %arg9[%run_scoped3A, %dma_wait3A_97] : memref<16x10240xi32, #tpu.memory_space<vmem_shared>> -> memref<1x10240xi32, #tpu.memory_space<vmem_shared>>
      %dma_wait3A_99 = tpu.memref_squeeze %dma_wait3A_98 : memref<1x10240xi32, #tpu.memory_space<vmem_shared>> -> memref<10240xi32, #tpu.memory_space<vmem_shared>>
      %dma_wait3A_100 = tpu.memref_slice %dma_wait3A_99[%mul3A_12] : memref<10240xi32, #tpu.memory_space<vmem_shared>> -> memref<640xi32, #tpu.memory_space<vmem_shared>>
      %dma_wait3A_101 = arith.constant 0 : i32
      %dma_wait3A_102 = tpu.memref_slice %arg7[%run_scoped3A_13, %dma_wait3A_101] : memref<16x640xi32, #tpu.memory_space<vmem>> -> memref<1x640xi32, #tpu.memory_space<vmem>>
      %dma_wait3A_103 = tpu.memref_squeeze %dma_wait3A_102 : memref<1x640xi32, #tpu.memory_space<vmem>> -> memref<640xi32, #tpu.memory_space<vmem>>
      %dma_wait3A_104 = arith.constant 0 : i32
      %dma_wait3A_105 = tpu.memref_slice %arg9[%run_scoped3A, %dma_wait3A_104] : memref<16x10240xi32, #tpu.memory_space<vmem_shared>> -> memref<1x10240xi32, #tpu.memory_space<vmem_shared>>
      %dma_wait3A_106 = tpu.memref_squeeze %dma_wait3A_105 : memref<1x10240xi32, #tpu.memory_space<vmem_shared>> -> memref<10240xi32, #tpu.memory_space<vmem_shared>>
      %dma_wait3A_107 = tpu.memref_slice %dma_wait3A_106[%mul3A_12] : memref<10240xi32, #tpu.memory_space<vmem_shared>> -> memref<640xi32, #tpu.memory_space<vmem_shared>>
      tpu.wait_dma2 semaphore(%run_scoped3A_81 : memref<!tpu.dma_semaphore, #tpu.memory_space<semaphore_mem>>) src(%dma_wait3A_107 : memref<640xi32, #tpu.memory_space<vmem_shared>>) dst(%dma_wait3A_103 : memref<640xi32, #tpu.memory_space<vmem>>)
      tpu.yield
    }) : () -> ()
    %mul3A_14 = arith.constant 640 : i32
    %mul3A_15 = arith.muli %arg1, %mul3A_14 : i32
    %run_scoped3A_16 = arith.constant 1 : i32
    %run_scoped3A_17 = arith.constant 1 : i32
    "tpu.region"() ({
      %run_scoped3A_81 = tpu.sem_alloc : memref<!tpu.dma_semaphore, #tpu.memory_space<semaphore_mem>>
      %dma_start3A = arith.constant 0 : i32
      %dma_start3A_82 = tpu.memref_slice %arg7[%run_scoped3A_17, %dma_start3A] : memref<16x640xi32, #tpu.memory_space<vmem>> -> memref<1x640xi32, #tpu.memory_space<vmem>>
      %dma_start3A_83 = tpu.memref_squeeze %dma_start3A_82 : memref<1x640xi32, #tpu.memory_space<vmem>> -> memref<640xi32, #tpu.memory_space<vmem>>
      %dma_start3A_84 = arith.constant 0 : i32
      %dma_start3A_85 = tpu.memref_slice %arg9[%run_scoped3A_16, %dma_start3A_84] : memref<16x10240xi32, #tpu.memory_space<vmem_shared>> -> memref<1x10240xi32, #tpu.memory_space<vmem_shared>>
      %dma_start3A_86 = tpu.memref_squeeze %dma_start3A_85 : memref<1x10240xi32, #tpu.memory_space<vmem_shared>> -> memref<10240xi32, #tpu.memory_space<vmem_shared>>
      %dma_start3A_87 = tpu.memref_slice %dma_start3A_86[%mul3A_15] : memref<10240xi32, #tpu.memory_space<vmem_shared>> -> memref<640xi32, #tpu.memory_space<vmem_shared>>
      %dma_start3A_88 = arith.constant 0 : i32
      %dma_start3A_89 = tpu.memref_slice %arg7[%run_scoped3A_17, %dma_start3A_88] : memref<16x640xi32, #tpu.memory_space<vmem>> -> memref<1x640xi32, #tpu.memory_space<vmem>>
      %dma_start3A_90 = tpu.memref_squeeze %dma_start3A_89 : memref<1x640xi32, #tpu.memory_space<vmem>> -> memref<640xi32, #tpu.memory_space<vmem>>
      %dma_start3A_91 = arith.constant 0 : i32
      %dma_start3A_92 = tpu.memref_slice %arg9[%run_scoped3A_16, %dma_start3A_91] : memref<16x10240xi32, #tpu.memory_space<vmem_shared>> -> memref<1x10240xi32, #tpu.memory_space<vmem_shared>>
      %dma_start3A_93 = tpu.memref_squeeze %dma_start3A_92 : memref<1x10240xi32, #tpu.memory_space<vmem_shared>> -> memref<10240xi32, #tpu.memory_space<vmem_shared>>
      %dma_start3A_94 = tpu.memref_slice %dma_start3A_93[%mul3A_15] : memref<10240xi32, #tpu.memory_space<vmem_shared>> -> memref<640xi32, #tpu.memory_space<vmem_shared>>
      tpu.enqueue_dma source(%dma_start3A_94 : memref<640xi32, #tpu.memory_space<vmem_shared>>) target(%dma_start3A_90 : memref<640xi32, #tpu.memory_space<vmem>>) target_semaphore(%run_scoped3A_81 : memref<!tpu.dma_semaphore, #tpu.memory_space<semaphore_mem>>)
      %dma_wait3A = arith.constant 0 : i32
      %dma_wait3A_95 = tpu.memref_slice %arg7[%run_scoped3A_17, %dma_wait3A] : memref<16x640xi32, #tpu.memory_space<vmem>> -> memref<1x640xi32, #tpu.memory_space<vmem>>
      %dma_wait3A_96 = tpu.memref_squeeze %dma_wait3A_95 : memref<1x640xi32, #tpu.memory_space<vmem>> -> memref<640xi32, #tpu.memory_space<vmem>>
      %dma_wait3A_97 = arith.constant 0 : i32
      %dma_wait3A_98 = tpu.memref_slice %arg9[%run_scoped3A_16, %dma_wait3A_97] : memref<16x10240xi32, #tpu.memory_space<vmem_shared>> -> memref<1x10240xi32, #tpu.memory_space<vmem_shared>>
      %dma_wait3A_99 = tpu.memref_squeeze %dma_wait3A_98 : memref<1x10240xi32, #tpu.memory_space<vmem_shared>> -> memref<10240xi32, #tpu.memory_space<vmem_shared>>
      %dma_wait3A_100 = tpu.memref_slice %dma_wait3A_99[%mul3A_15] : memref<10240xi32, #tpu.memory_space<vmem_shared>> -> memref<640xi32, #tpu.memory_space<vmem_shared>>
      %dma_wait3A_101 = arith.constant 0 : i32
      %dma_wait3A_102 = tpu.memref_slice %arg7[%run_scoped3A_17, %dma_wait3A_101] : memref<16x640xi32, #tpu.memory_space<vmem>> -> memref<1x640xi32, #tpu.memory_space<vmem>>
      %dma_wait3A_103 = tpu.memref_squeeze %dma_wait3A_102 : memref<1x640xi32, #tpu.memory_space<vmem>> -> memref<640xi32, #tpu.memory_space<vmem>>
      %dma_wait3A_104 = arith.constant 0 : i32
      %dma_wait3A_105 = tpu.memref_slice %arg9[%run_scoped3A_16, %dma_wait3A_104] : memref<16x10240xi32, #tpu.memory_space<vmem_shared>> -> memref<1x10240xi32, #tpu.memory_space<vmem_shared>>
      %dma_wait3A_106 = tpu.memref_squeeze %dma_wait3A_105 : memref<1x10240xi32, #tpu.memory_space<vmem_shared>> -> memref<10240xi32, #tpu.memory_space<vmem_shared>>
      %dma_wait3A_107 = tpu.memref_slice %dma_wait3A_106[%mul3A_15] : memref<10240xi32, #tpu.memory_space<vmem_shared>> -> memref<640xi32, #tpu.memory_space<vmem_shared>>
      tpu.wait_dma2 semaphore(%run_scoped3A_81 : memref<!tpu.dma_semaphore, #tpu.memory_space<semaphore_mem>>) src(%dma_wait3A_107 : memref<640xi32, #tpu.memory_space<vmem_shared>>) dst(%dma_wait3A_103 : memref<640xi32, #tpu.memory_space<vmem>>)
      tpu.yield
    }) : () -> ()
    %mul3A_18 = arith.constant 640 : i32
    %mul3A_19 = arith.muli %arg1, %mul3A_18 : i32
    %run_scoped3A_20 = arith.constant 2 : i32
    %run_scoped3A_21 = arith.constant 2 : i32
    "tpu.region"() ({
      %run_scoped3A_81 = tpu.sem_alloc : memref<!tpu.dma_semaphore, #tpu.memory_space<semaphore_mem>>
      %dma_start3A = arith.constant 0 : i32
      %dma_start3A_82 = tpu.memref_slice %arg7[%run_scoped3A_21, %dma_start3A] : memref<16x640xi32, #tpu.memory_space<vmem>> -> memref<1x640xi32, #tpu.memory_space<vmem>>
      %dma_start3A_83 = tpu.memref_squeeze %dma_start3A_82 : memref<1x640xi32, #tpu.memory_space<vmem>> -> memref<640xi32, #tpu.memory_space<vmem>>
      %dma_start3A_84 = arith.constant 0 : i32
      %dma_start3A_85 = tpu.memref_slice %arg9[%run_scoped3A_20, %dma_start3A_84] : memref<16x10240xi32, #tpu.memory_space<vmem_shared>> -> memref<1x10240xi32, #tpu.memory_space<vmem_shared>>
      %dma_start3A_86 = tpu.memref_squeeze %dma_start3A_85 : memref<1x10240xi32, #tpu.memory_space<vmem_shared>> -> memref<10240xi32, #tpu.memory_space<vmem_shared>>
      %dma_start3A_87 = tpu.memref_slice %dma_start3A_86[%mul3A_19] : memref<10240xi32, #tpu.memory_space<vmem_shared>> -> memref<640xi32, #tpu.memory_space<vmem_shared>>
      %dma_start3A_88 = arith.constant 0 : i32
      %dma_start3A_89 = tpu.memref_slice %arg7[%run_scoped3A_21, %dma_start3A_88] : memref<16x640xi32, #tpu.memory_space<vmem>> -> memref<1x640xi32, #tpu.memory_space<vmem>>
      %dma_start3A_90 = tpu.memref_squeeze %dma_start3A_89 : memref<1x640xi32, #tpu.memory_space<vmem>> -> memref<640xi32, #tpu.memory_space<vmem>>
      %dma_start3A_91 = arith.constant 0 : i32
      %dma_start3A_92 = tpu.memref_slice %arg9[%run_scoped3A_20, %dma_start3A_91] : memref<16x10240xi32, #tpu.memory_space<vmem_shared>> -> memref<1x10240xi32, #tpu.memory_space<vmem_shared>>
      %dma_start3A_93 = tpu.memref_squeeze %dma_start3A_92 : memref<1x10240xi32, #tpu.memory_space<vmem_shared>> -> memref<10240xi32, #tpu.memory_space<vmem_shared>>
      %dma_start3A_94 = tpu.memref_slice %dma_start3A_93[%mul3A_19] : memref<10240xi32, #tpu.memory_space<vmem_shared>> -> memref<640xi32, #tpu.memory_space<vmem_shared>>
      tpu.enqueue_dma source(%dma_start3A_94 : memref<640xi32, #tpu.memory_space<vmem_shared>>) target(%dma_start3A_90 : memref<640xi32, #tpu.memory_space<vmem>>) target_semaphore(%run_scoped3A_81 : memref<!tpu.dma_semaphore, #tpu.memory_space<semaphore_mem>>)
      %dma_wait3A = arith.constant 0 : i32
      %dma_wait3A_95 = tpu.memref_slice %arg7[%run_scoped3A_21, %dma_wait3A] : memref<16x640xi32, #tpu.memory_space<vmem>> -> memref<1x640xi32, #tpu.memory_space<vmem>>
      %dma_wait3A_96 = tpu.memref_squeeze %dma_wait3A_95 : memref<1x640xi32, #tpu.memory_space<vmem>> -> memref<640xi32, #tpu.memory_space<vmem>>
      %dma_wait3A_97 = arith.constant 0 : i32
      %dma_wait3A_98 = tpu.memref_slice %arg9[%run_scoped3A_20, %dma_wait3A_97] : memref<16x10240xi32, #tpu.memory_space<vmem_shared>> -> memref<1x10240xi32, #tpu.memory_space<vmem_shared>>
      %dma_wait3A_99 = tpu.memref_squeeze %dma_wait3A_98 : memref<1x10240xi32, #tpu.memory_space<vmem_shared>> -> memref<10240xi32, #tpu.memory_space<vmem_shared>>
      %dma_wait3A_100 = tpu.memref_slice %dma_wait3A_99[%mul3A_19] : memref<10240xi32, #tpu.memory_space<vmem_shared>> -> memref<640xi32, #tpu.memory_space<vmem_shared>>
      %dma_wait3A_101 = arith.constant 0 : i32
      %dma_wait3A_102 = tpu.memref_slice %arg7[%run_scoped3A_21, %dma_wait3A_101] : memref<16x640xi32, #tpu.memory_space<vmem>> -> memref<1x640xi32, #tpu.memory_space<vmem>>
      %dma_wait3A_103 = tpu.memref_squeeze %dma_wait3A_102 : memref<1x640xi32, #tpu.memory_space<vmem>> -> memref<640xi32, #tpu.memory_space<vmem>>
      %dma_wait3A_104 = arith.constant 0 : i32
      %dma_wait3A_105 = tpu.memref_slice %arg9[%run_scoped3A_20, %dma_wait3A_104] : memref<16x10240xi32, #tpu.memory_space<vmem_shared>> -> memref<1x10240xi32, #tpu.memory_space<vmem_shared>>
      %dma_wait3A_106 = tpu.memref_squeeze %dma_wait3A_105 : memref<1x10240xi32, #tpu.memory_space<vmem_shared>> -> memref<10240xi32, #tpu.memory_space<vmem_shared>>
      %dma_wait3A_107 = tpu.memref_slice %dma_wait3A_106[%mul3A_19] : memref<10240xi32, #tpu.memory_space<vmem_shared>> -> memref<640xi32, #tpu.memory_space<vmem_shared>>
      tpu.wait_dma2 semaphore(%run_scoped3A_81 : memref<!tpu.dma_semaphore, #tpu.memory_space<semaphore_mem>>) src(%dma_wait3A_107 : memref<640xi32, #tpu.memory_space<vmem_shared>>) dst(%dma_wait3A_103 : memref<640xi32, #tpu.memory_space<vmem>>)
      tpu.yield
    }) : () -> ()
    %mul3A_22 = arith.constant 640 : i32
    %mul3A_23 = arith.muli %arg1, %mul3A_22 : i32
    %run_scoped3A_24 = arith.constant 3 : i32
    %run_scoped3A_25 = arith.constant 3 : i32
    "tpu.region"() ({
      %run_scoped3A_81 = tpu.sem_alloc : memref<!tpu.dma_semaphore, #tpu.memory_space<semaphore_mem>>
      %dma_start3A = arith.constant 0 : i32
      %dma_start3A_82 = tpu.memref_slice %arg7[%run_scoped3A_25, %dma_start3A] : memref<16x640xi32, #tpu.memory_space<vmem>> -> memref<1x640xi32, #tpu.memory_space<vmem>>
      %dma_start3A_83 = tpu.memref_squeeze %dma_start3A_82 : memref<1x640xi32, #tpu.memory_space<vmem>> -> memref<640xi32, #tpu.memory_space<vmem>>
      %dma_start3A_84 = arith.constant 0 : i32
      %dma_start3A_85 = tpu.memref_slice %arg9[%run_scoped3A_24, %dma_start3A_84] : memref<16x10240xi32, #tpu.memory_space<vmem_shared>> -> memref<1x10240xi32, #tpu.memory_space<vmem_shared>>
      %dma_start3A_86 = tpu.memref_squeeze %dma_start3A_85 : memref<1x10240xi32, #tpu.memory_space<vmem_shared>> -> memref<10240xi32, #tpu.memory_space<vmem_shared>>
      %dma_start3A_87 = tpu.memref_slice %dma_start3A_86[%mul3A_23] : memref<10240xi32, #tpu.memory_space<vmem_shared>> -> memref<640xi32, #tpu.memory_space<vmem_shared>>
      %dma_start3A_88 = arith.constant 0 : i32
      %dma_start3A_89 = tpu.memref_slice %arg7[%run_scoped3A_25, %dma_start3A_88] : memref<16x640xi32, #tpu.memory_space<vmem>> -> memref<1x640xi32, #tpu.memory_space<vmem>>
      %dma_start3A_90 = tpu.memref_squeeze %dma_start3A_89 : memref<1x640xi32, #tpu.memory_space<vmem>> -> memref<640xi32, #tpu.memory_space<vmem>>
      %dma_start3A_91 = arith.constant 0 : i32
      %dma_start3A_92 = tpu.memref_slice %arg9[%run_scoped3A_24, %dma_start3A_91] : memref<16x10240xi32, #tpu.memory_space<vmem_shared>> -> memref<1x10240xi32, #tpu.memory_space<vmem_shared>>
      %dma_start3A_93 = tpu.memref_squeeze %dma_start3A_92 : memref<1x10240xi32, #tpu.memory_space<vmem_shared>> -> memref<10240xi32, #tpu.memory_space<vmem_shared>>
      %dma_start3A_94 = tpu.memref_slice %dma_start3A_93[%mul3A_23] : memref<10240xi32, #tpu.memory_space<vmem_shared>> -> memref<640xi32, #tpu.memory_space<vmem_shared>>
      tpu.enqueue_dma source(%dma_start3A_94 : memref<640xi32, #tpu.memory_space<vmem_shared>>) target(%dma_start3A_90 : memref<640xi32, #tpu.memory_space<vmem>>) target_semaphore(%run_scoped3A_81 : memref<!tpu.dma_semaphore, #tpu.memory_space<semaphore_mem>>)
      %dma_wait3A = arith.constant 0 : i32
      %dma_wait3A_95 = tpu.memref_slice %arg7[%run_scoped3A_25, %dma_wait3A] : memref<16x640xi32, #tpu.memory_space<vmem>> -> memref<1x640xi32, #tpu.memory_space<vmem>>
      %dma_wait3A_96 = tpu.memref_squeeze %dma_wait3A_95 : memref<1x640xi32, #tpu.memory_space<vmem>> -> memref<640xi32, #tpu.memory_space<vmem>>
      %dma_wait3A_97 = arith.constant 0 : i32
      %dma_wait3A_98 = tpu.memref_slice %arg9[%run_scoped3A_24, %dma_wait3A_97] : memref<16x10240xi32, #tpu.memory_space<vmem_shared>> -> memref<1x10240xi32, #tpu.memory_space<vmem_shared>>
      %dma_wait3A_99 = tpu.memref_squeeze %dma_wait3A_98 : memref<1x10240xi32, #tpu.memory_space<vmem_shared>> -> memref<10240xi32, #tpu.memory_space<vmem_shared>>
      %dma_wait3A_100 = tpu.memref_slice %dma_wait3A_99[%mul3A_23] : memref<10240xi32, #tpu.memory_space<vmem_shared>> -> memref<640xi32, #tpu.memory_space<vmem_shared>>
      %dma_wait3A_101 = arith.constant 0 : i32
      %dma_wait3A_102 = tpu.memref_slice %arg7[%run_scoped3A_25, %dma_wait3A_101] : memref<16x640xi32, #tpu.memory_space<vmem>> -> memref<1x640xi32, #tpu.memory_space<vmem>>
      %dma_wait3A_103 = tpu.memref_squeeze %dma_wait3A_102 : memref<1x640xi32, #tpu.memory_space<vmem>> -> memref<640xi32, #tpu.memory_space<vmem>>
      %dma_wait3A_104 = arith.constant 0 : i32
      %dma_wait3A_105 = tpu.memref_slice %arg9[%run_scoped3A_24, %dma_wait3A_104] : memref<16x10240xi32, #tpu.memory_space<vmem_shared>> -> memref<1x10240xi32, #tpu.memory_space<vmem_shared>>
      %dma_wait3A_106 = tpu.memref_squeeze %dma_wait3A_105 : memref<1x10240xi32, #tpu.memory_space<vmem_shared>> -> memref<10240xi32, #tpu.memory_space<vmem_shared>>
      %dma_wait3A_107 = tpu.memref_slice %dma_wait3A_106[%mul3A_23] : memref<10240xi32, #tpu.memory_space<vmem_shared>> -> memref<640xi32, #tpu.memory_space<vmem_shared>>
      tpu.wait_dma2 semaphore(%run_scoped3A_81 : memref<!tpu.dma_semaphore, #tpu.memory_space<semaphore_mem>>) src(%dma_wait3A_107 : memref<640xi32, #tpu.memory_space<vmem_shared>>) dst(%dma_wait3A_103 : memref<640xi32, #tpu.memory_space<vmem>>)
      tpu.yield
    }) : () -> ()
    %mul3A_26 = arith.constant 640 : i32
    %mul3A_27 = arith.muli %arg1, %mul3A_26 : i32
    %run_scoped3A_28 = arith.constant 4 : i32
    %run_scoped3A_29 = arith.constant 4 : i32
    "tpu.region"() ({
      %run_scoped3A_81 = tpu.sem_alloc : memref<!tpu.dma_semaphore, #tpu.memory_space<semaphore_mem>>
      %dma_start3A = arith.constant 0 : i32
      %dma_start3A_82 = tpu.memref_slice %arg7[%run_scoped3A_29, %dma_start3A] : memref<16x640xi32, #tpu.memory_space<vmem>> -> memref<1x640xi32, #tpu.memory_space<vmem>>
      %dma_start3A_83 = tpu.memref_squeeze %dma_start3A_82 : memref<1x640xi32, #tpu.memory_space<vmem>> -> memref<640xi32, #tpu.memory_space<vmem>>
      %dma_start3A_84 = arith.constant 0 : i32
      %dma_start3A_85 = tpu.memref_slice %arg9[%run_scoped3A_28, %dma_start3A_84] : memref<16x10240xi32, #tpu.memory_space<vmem_shared>> -> memref<1x10240xi32, #tpu.memory_space<vmem_shared>>
      %dma_start3A_86 = tpu.memref_squeeze %dma_start3A_85 : memref<1x10240xi32, #tpu.memory_space<vmem_shared>> -> memref<10240xi32, #tpu.memory_space<vmem_shared>>
      %dma_start3A_87 = tpu.memref_slice %dma_start3A_86[%mul3A_27] : memref<10240xi32, #tpu.memory_space<vmem_shared>> -> memref<640xi32, #tpu.memory_space<vmem_shared>>
      %dma_start3A_88 = arith.constant 0 : i32
      %dma_start3A_89 = tpu.memref_slice %arg7[%run_scoped3A_29, %dma_start3A_88] : memref<16x640xi32, #tpu.memory_space<vmem>> -> memref<1x640xi32, #tpu.memory_space<vmem>>
      %dma_start3A_90 = tpu.memref_squeeze %dma_start3A_89 : memref<1x640xi32, #tpu.memory_space<vmem>> -> memref<640xi32, #tpu.memory_space<vmem>>
      %dma_start3A_91 = arith.constant 0 : i32
      %dma_start3A_92 = tpu.memref_slice %arg9[%run_scoped3A_28, %dma_start3A_91] : memref<16x10240xi32, #tpu.memory_space<vmem_shared>> -> memref<1x10240xi32, #tpu.memory_space<vmem_shared>>
      %dma_start3A_93 = tpu.memref_squeeze %dma_start3A_92 : memref<1x10240xi32, #tpu.memory_space<vmem_shared>> -> memref<10240xi32, #tpu.memory_space<vmem_shared>>
      %dma_start3A_94 = tpu.memref_slice %dma_start3A_93[%mul3A_27] : memref<10240xi32, #tpu.memory_space<vmem_shared>> -> memref<640xi32, #tpu.memory_space<vmem_shared>>
      tpu.enqueue_dma source(%dma_start3A_94 : memref<640xi32, #tpu.memory_space<vmem_shared>>) target(%dma_start3A_90 : memref<640xi32, #tpu.memory_space<vmem>>) target_semaphore(%run_scoped3A_81 : memref<!tpu.dma_semaphore, #tpu.memory_space<semaphore_mem>>)
      %dma_wait3A = arith.constant 0 : i32
      %dma_wait3A_95 = tpu.memref_slice %arg7[%run_scoped3A_29, %dma_wait3A] : memref<16x640xi32, #tpu.memory_space<vmem>> -> memref<1x640xi32, #tpu.memory_space<vmem>>
      %dma_wait3A_96 = tpu.memref_squeeze %dma_wait3A_95 : memref<1x640xi32, #tpu.memory_space<vmem>> -> memref<640xi32, #tpu.memory_space<vmem>>
      %dma_wait3A_97 = arith.constant 0 : i32
      %dma_wait3A_98 = tpu.memref_slice %arg9[%run_scoped3A_28, %dma_wait3A_97] : memref<16x10240xi32, #tpu.memory_space<vmem_shared>> -> memref<1x10240xi32, #tpu.memory_space<vmem_shared>>
      %dma_wait3A_99 = tpu.memref_squeeze %dma_wait3A_98 : memref<1x10240xi32, #tpu.memory_space<vmem_shared>> -> memref<10240xi32, #tpu.memory_space<vmem_shared>>
      %dma_wait3A_100 = tpu.memref_slice %dma_wait3A_99[%mul3A_27] : memref<10240xi32, #tpu.memory_space<vmem_shared>> -> memref<640xi32, #tpu.memory_space<vmem_shared>>
      %dma_wait3A_101 = arith.constant 0 : i32
      %dma_wait3A_102 = tpu.memref_slice %arg7[%run_scoped3A_29, %dma_wait3A_101] : memref<16x640xi32, #tpu.memory_space<vmem>> -> memref<1x640xi32, #tpu.memory_space<vmem>>
      %dma_wait3A_103 = tpu.memref_squeeze %dma_wait3A_102 : memref<1x640xi32, #tpu.memory_space<vmem>> -> memref<640xi32, #tpu.memory_space<vmem>>
      %dma_wait3A_104 = arith.constant 0 : i32
      %dma_wait3A_105 = tpu.memref_slice %arg9[%run_scoped3A_28, %dma_wait3A_104] : memref<16x10240xi32, #tpu.memory_space<vmem_shared>> -> memref<1x10240xi32, #tpu.memory_space<vmem_shared>>
      %dma_wait3A_106 = tpu.memref_squeeze %dma_wait3A_105 : memref<1x10240xi32, #tpu.memory_space<vmem_shared>> -> memref<10240xi32, #tpu.memory_space<vmem_shared>>
      %dma_wait3A_107 = tpu.memref_slice %dma_wait3A_106[%mul3A_27] : memref<10240xi32, #tpu.memory_space<vmem_shared>> -> memref<640xi32, #tpu.memory_space<vmem_shared>>
      tpu.wait_dma2 semaphore(%run_scoped3A_81 : memref<!tpu.dma_semaphore, #tpu.memory_space<semaphore_mem>>) src(%dma_wait3A_107 : memref<640xi32, #tpu.memory_space<vmem_shared>>) dst(%dma_wait3A_103 : memref<640xi32, #tpu.memory_space<vmem>>)
      tpu.yield
    }) : () -> ()
    %mul3A_30 = arith.constant 640 : i32
    %mul3A_31 = arith.muli %arg1, %mul3A_30 : i32
    %run_scoped3A_32 = arith.constant 5 : i32
    %run_scoped3A_33 = arith.constant 5 : i32
    "tpu.region"() ({
      %run_scoped3A_81 = tpu.sem_alloc : memref<!tpu.dma_semaphore, #tpu.memory_space<semaphore_mem>>
      %dma_start3A = arith.constant 0 : i32
      %dma_start3A_82 = tpu.memref_slice %arg7[%run_scoped3A_33, %dma_start3A] : memref<16x640xi32, #tpu.memory_space<vmem>> -> memref<1x640xi32, #tpu.memory_space<vmem>>
      %dma_start3A_83 = tpu.memref_squeeze %dma_start3A_82 : memref<1x640xi32, #tpu.memory_space<vmem>> -> memref<640xi32, #tpu.memory_space<vmem>>
      %dma_start3A_84 = arith.constant 0 : i32
      %dma_start3A_85 = tpu.memref_slice %arg9[%run_scoped3A_32, %dma_start3A_84] : memref<16x10240xi32, #tpu.memory_space<vmem_shared>> -> memref<1x10240xi32, #tpu.memory_space<vmem_shared>>
      %dma_start3A_86 = tpu.memref_squeeze %dma_start3A_85 : memref<1x10240xi32, #tpu.memory_space<vmem_shared>> -> memref<10240xi32, #tpu.memory_space<vmem_shared>>
      %dma_start3A_87 = tpu.memref_slice %dma_start3A_86[%mul3A_31] : memref<10240xi32, #tpu.memory_space<vmem_shared>> -> memref<640xi32, #tpu.memory_space<vmem_shared>>
      %dma_start3A_88 = arith.constant 0 : i32
      %dma_start3A_89 = tpu.memref_slice %arg7[%run_scoped3A_33, %dma_start3A_88] : memref<16x640xi32, #tpu.memory_space<vmem>> -> memref<1x640xi32, #tpu.memory_space<vmem>>
      %dma_start3A_90 = tpu.memref_squeeze %dma_start3A_89 : memref<1x640xi32, #tpu.memory_space<vmem>> -> memref<640xi32, #tpu.memory_space<vmem>>
      %dma_start3A_91 = arith.constant 0 : i32
      %dma_start3A_92 = tpu.memref_slice %arg9[%run_scoped3A_32, %dma_start3A_91] : memref<16x10240xi32, #tpu.memory_space<vmem_shared>> -> memref<1x10240xi32, #tpu.memory_space<vmem_shared>>
      %dma_start3A_93 = tpu.memref_squeeze %dma_start3A_92 : memref<1x10240xi32, #tpu.memory_space<vmem_shared>> -> memref<10240xi32, #tpu.memory_space<vmem_shared>>
      %dma_start3A_94 = tpu.memref_slice %dma_start3A_93[%mul3A_31] : memref<10240xi32, #tpu.memory_space<vmem_shared>> -> memref<640xi32, #tpu.memory_space<vmem_shared>>
      tpu.enqueue_dma source(%dma_start3A_94 : memref<640xi32, #tpu.memory_space<vmem_shared>>) target(%dma_start3A_90 : memref<640xi32, #tpu.memory_space<vmem>>) target_semaphore(%run_scoped3A_81 : memref<!tpu.dma_semaphore, #tpu.memory_space<semaphore_mem>>)
      %dma_wait3A = arith.constant 0 : i32
      %dma_wait3A_95 = tpu.memref_slice %arg7[%run_scoped3A_33, %dma_wait3A] : memref<16x640xi32, #tpu.memory_space<vmem>> -> memref<1x640xi32, #tpu.memory_space<vmem>>
      %dma_wait3A_96 = tpu.memref_squeeze %dma_wait3A_95 : memref<1x640xi32, #tpu.memory_space<vmem>> -> memref<640xi32, #tpu.memory_space<vmem>>
      %dma_wait3A_97 = arith.constant 0 : i32
      %dma_wait3A_98 = tpu.memref_slice %arg9[%run_scoped3A_32, %dma_wait3A_97] : memref<16x10240xi32, #tpu.memory_space<vmem_shared>> -> memref<1x10240xi32, #tpu.memory_space<vmem_shared>>
      %dma_wait3A_99 = tpu.memref_squeeze %dma_wait3A_98 : memref<1x10240xi32, #tpu.memory_space<vmem_shared>> -> memref<10240xi32, #tpu.memory_space<vmem_shared>>
      %dma_wait3A_100 = tpu.memref_slice %dma_wait3A_99[%mul3A_31] : memref<10240xi32, #tpu.memory_space<vmem_shared>> -> memref<640xi32, #tpu.memory_space<vmem_shared>>
      %dma_wait3A_101 = arith.constant 0 : i32
      %dma_wait3A_102 = tpu.memref_slice %arg7[%run_scoped3A_33, %dma_wait3A_101] : memref<16x640xi32, #tpu.memory_space<vmem>> -> memref<1x640xi32, #tpu.memory_space<vmem>>
      %dma_wait3A_103 = tpu.memref_squeeze %dma_wait3A_102 : memref<1x640xi32, #tpu.memory_space<vmem>> -> memref<640xi32, #tpu.memory_space<vmem>>
      %dma_wait3A_104 = arith.constant 0 : i32
      %dma_wait3A_105 = tpu.memref_slice %arg9[%run_scoped3A_32, %dma_wait3A_104] : memref<16x10240xi32, #tpu.memory_space<vmem_shared>> -> memref<1x10240xi32, #tpu.memory_space<vmem_shared>>
      %dma_wait3A_106 = tpu.memref_squeeze %dma_wait3A_105 : memref<1x10240xi32, #tpu.memory_space<vmem_shared>> -> memref<10240xi32, #tpu.memory_space<vmem_shared>>
      %dma_wait3A_107 = tpu.memref_slice %dma_wait3A_106[%mul3A_31] : memref<10240xi32, #tpu.memory_space<vmem_shared>> -> memref<640xi32, #tpu.memory_space<vmem_shared>>
      tpu.wait_dma2 semaphore(%run_scoped3A_81 : memref<!tpu.dma_semaphore, #tpu.memory_space<semaphore_mem>>) src(%dma_wait3A_107 : memref<640xi32, #tpu.memory_space<vmem_shared>>) dst(%dma_wait3A_103 : memref<640xi32, #tpu.memory_space<vmem>>)
      tpu.yield
    }) : () -> ()
    %mul3A_34 = arith.constant 640 : i32
    %mul3A_35 = arith.muli %arg1, %mul3A_34 : i32
    %run_scoped3A_36 = arith.constant 6 : i32
    %run_scoped3A_37 = arith.constant 6 : i32
    "tpu.region"() ({
      %run_scoped3A_81 = tpu.sem_alloc : memref<!tpu.dma_semaphore, #tpu.memory_space<semaphore_mem>>
      %dma_start3A = arith.constant 0 : i32
      %dma_start3A_82 = tpu.memref_slice %arg7[%run_scoped3A_37, %dma_start3A] : memref<16x640xi32, #tpu.memory_space<vmem>> -> memref<1x640xi32, #tpu.memory_space<vmem>>
      %dma_start3A_83 = tpu.memref_squeeze %dma_start3A_82 : memref<1x640xi32, #tpu.memory_space<vmem>> -> memref<640xi32, #tpu.memory_space<vmem>>
      %dma_start3A_84 = arith.constant 0 : i32
      %dma_start3A_85 = tpu.memref_slice %arg9[%run_scoped3A_36, %dma_start3A_84] : memref<16x10240xi32, #tpu.memory_space<vmem_shared>> -> memref<1x10240xi32, #tpu.memory_space<vmem_shared>>
      %dma_start3A_86 = tpu.memref_squeeze %dma_start3A_85 : memref<1x10240xi32, #tpu.memory_space<vmem_shared>> -> memref<10240xi32, #tpu.memory_space<vmem_shared>>
      %dma_start3A_87 = tpu.memref_slice %dma_start3A_86[%mul3A_35] : memref<10240xi32, #tpu.memory_space<vmem_shared>> -> memref<640xi32, #tpu.memory_space<vmem_shared>>
      %dma_start3A_88 = arith.constant 0 : i32
      %dma_start3A_89 = tpu.memref_slice %arg7[%run_scoped3A_37, %dma_start3A_88] : memref<16x640xi32, #tpu.memory_space<vmem>> -> memref<1x640xi32, #tpu.memory_space<vmem>>
      %dma_start3A_90 = tpu.memref_squeeze %dma_start3A_89 : memref<1x640xi32, #tpu.memory_space<vmem>> -> memref<640xi32, #tpu.memory_space<vmem>>
      %dma_start3A_91 = arith.constant 0 : i32
      %dma_start3A_92 = tpu.memref_slice %arg9[%run_scoped3A_36, %dma_start3A_91] : memref<16x10240xi32, #tpu.memory_space<vmem_shared>> -> memref<1x10240xi32, #tpu.memory_space<vmem_shared>>
      %dma_start3A_93 = tpu.memref_squeeze %dma_start3A_92 : memref<1x10240xi32, #tpu.memory_space<vmem_shared>> -> memref<10240xi32, #tpu.memory_space<vmem_shared>>
      %dma_start3A_94 = tpu.memref_slice %dma_start3A_93[%mul3A_35] : memref<10240xi32, #tpu.memory_space<vmem_shared>> -> memref<640xi32, #tpu.memory_space<vmem_shared>>
      tpu.enqueue_dma source(%dma_start3A_94 : memref<640xi32, #tpu.memory_space<vmem_shared>>) target(%dma_start3A_90 : memref<640xi32, #tpu.memory_space<vmem>>) target_semaphore(%run_scoped3A_81 : memref<!tpu.dma_semaphore, #tpu.memory_space<semaphore_mem>>)
      %dma_wait3A = arith.constant 0 : i32
      %dma_wait3A_95 = tpu.memref_slice %arg7[%run_scoped3A_37, %dma_wait3A] : memref<16x640xi32, #tpu.memory_space<vmem>> -> memref<1x640xi32, #tpu.memory_space<vmem>>
      %dma_wait3A_96 = tpu.memref_squeeze %dma_wait3A_95 : memref<1x640xi32, #tpu.memory_space<vmem>> -> memref<640xi32, #tpu.memory_space<vmem>>
      %dma_wait3A_97 = arith.constant 0 : i32
      %dma_wait3A_98 = tpu.memref_slice %arg9[%run_scoped3A_36, %dma_wait3A_97] : memref<16x10240xi32, #tpu.memory_space<vmem_shared>> -> memref<1x10240xi32, #tpu.memory_space<vmem_shared>>
      %dma_wait3A_99 = tpu.memref_squeeze %dma_wait3A_98 : memref<1x10240xi32, #tpu.memory_space<vmem_shared>> -> memref<10240xi32, #tpu.memory_space<vmem_shared>>
      %dma_wait3A_100 = tpu.memref_slice %dma_wait3A_99[%mul3A_35] : memref<10240xi32, #tpu.memory_space<vmem_shared>> -> memref<640xi32, #tpu.memory_space<vmem_shared>>
      %dma_wait3A_101 = arith.constant 0 : i32
      %dma_wait3A_102 = tpu.memref_slice %arg7[%run_scoped3A_37, %dma_wait3A_101] : memref<16x640xi32, #tpu.memory_space<vmem>> -> memref<1x640xi32, #tpu.memory_space<vmem>>
      %dma_wait3A_103 = tpu.memref_squeeze %dma_wait3A_102 : memref<1x640xi32, #tpu.memory_space<vmem>> -> memref<640xi32, #tpu.memory_space<vmem>>
      %dma_wait3A_104 = arith.constant 0 : i32
      %dma_wait3A_105 = tpu.memref_slice %arg9[%run_scoped3A_36, %dma_wait3A_104] : memref<16x10240xi32, #tpu.memory_space<vmem_shared>> -> memref<1x10240xi32, #tpu.memory_space<vmem_shared>>
      %dma_wait3A_106 = tpu.memref_squeeze %dma_wait3A_105 : memref<1x10240xi32, #tpu.memory_space<vmem_shared>> -> memref<10240xi32, #tpu.memory_space<vmem_shared>>
      %dma_wait3A_107 = tpu.memref_slice %dma_wait3A_106[%mul3A_35] : memref<10240xi32, #tpu.memory_space<vmem_shared>> -> memref<640xi32, #tpu.memory_space<vmem_shared>>
      tpu.wait_dma2 semaphore(%run_scoped3A_81 : memref<!tpu.dma_semaphore, #tpu.memory_space<semaphore_mem>>) src(%dma_wait3A_107 : memref<640xi32, #tpu.memory_space<vmem_shared>>) dst(%dma_wait3A_103 : memref<640xi32, #tpu.memory_space<vmem>>)
      tpu.yield
    }) : () -> ()
    %mul3A_38 = arith.constant 640 : i32
    %mul3A_39 = arith.muli %arg1, %mul3A_38 : i32
    %run_scoped3A_40 = arith.constant 7 : i32
    %run_scoped3A_41 = arith.constant 7 : i32
    "tpu.region"() ({
      %run_scoped3A_81 = tpu.sem_alloc : memref<!tpu.dma_semaphore, #tpu.memory_space<semaphore_mem>>
      %dma_start3A = arith.constant 0 : i32
      %dma_start3A_82 = tpu.memref_slice %arg7[%run_scoped3A_41, %dma_start3A] : memref<16x640xi32, #tpu.memory_space<vmem>> -> memref<1x640xi32, #tpu.memory_space<vmem>>
      %dma_start3A_83 = tpu.memref_squeeze %dma_start3A_82 : memref<1x640xi32, #tpu.memory_space<vmem>> -> memref<640xi32, #tpu.memory_space<vmem>>
      %dma_start3A_84 = arith.constant 0 : i32
      %dma_start3A_85 = tpu.memref_slice %arg9[%run_scoped3A_40, %dma_start3A_84] : memref<16x10240xi32, #tpu.memory_space<vmem_shared>> -> memref<1x10240xi32, #tpu.memory_space<vmem_shared>>
      %dma_start3A_86 = tpu.memref_squeeze %dma_start3A_85 : memref<1x10240xi32, #tpu.memory_space<vmem_shared>> -> memref<10240xi32, #tpu.memory_space<vmem_shared>>
      %dma_start3A_87 = tpu.memref_slice %dma_start3A_86[%mul3A_39] : memref<10240xi32, #tpu.memory_space<vmem_shared>> -> memref<640xi32, #tpu.memory_space<vmem_shared>>
      %dma_start3A_88 = arith.constant 0 : i32
      %dma_start3A_89 = tpu.memref_slice %arg7[%run_scoped3A_41, %dma_start3A_88] : memref<16x640xi32, #tpu.memory_space<vmem>> -> memref<1x640xi32, #tpu.memory_space<vmem>>
      %dma_start3A_90 = tpu.memref_squeeze %dma_start3A_89 : memref<1x640xi32, #tpu.memory_space<vmem>> -> memref<640xi32, #tpu.memory_space<vmem>>
      %dma_start3A_91 = arith.constant 0 : i32
      %dma_start3A_92 = tpu.memref_slice %arg9[%run_scoped3A_40, %dma_start3A_91] : memref<16x10240xi32, #tpu.memory_space<vmem_shared>> -> memref<1x10240xi32, #tpu.memory_space<vmem_shared>>
      %dma_start3A_93 = tpu.memref_squeeze %dma_start3A_92 : memref<1x10240xi32, #tpu.memory_space<vmem_shared>> -> memref<10240xi32, #tpu.memory_space<vmem_shared>>
      %dma_start3A_94 = tpu.memref_slice %dma_start3A_93[%mul3A_39] : memref<10240xi32, #tpu.memory_space<vmem_shared>> -> memref<640xi32, #tpu.memory_space<vmem_shared>>
      tpu.enqueue_dma source(%dma_start3A_94 : memref<640xi32, #tpu.memory_space<vmem_shared>>) target(%dma_start3A_90 : memref<640xi32, #tpu.memory_space<vmem>>) target_semaphore(%run_scoped3A_81 : memref<!tpu.dma_semaphore, #tpu.memory_space<semaphore_mem>>)
      %dma_wait3A = arith.constant 0 : i32
      %dma_wait3A_95 = tpu.memref_slice %arg7[%run_scoped3A_41, %dma_wait3A] : memref<16x640xi32, #tpu.memory_space<vmem>> -> memref<1x640xi32, #tpu.memory_space<vmem>>
      %dma_wait3A_96 = tpu.memref_squeeze %dma_wait3A_95 : memref<1x640xi32, #tpu.memory_space<vmem>> -> memref<640xi32, #tpu.memory_space<vmem>>
      %dma_wait3A_97 = arith.constant 0 : i32
      %dma_wait3A_98 = tpu.memref_slice %arg9[%run_scoped3A_40, %dma_wait3A_97] : memref<16x10240xi32, #tpu.memory_space<vmem_shared>> -> memref<1x10240xi32, #tpu.memory_space<vmem_shared>>
      %dma_wait3A_99 = tpu.memref_squeeze %dma_wait3A_98 : memref<1x10240xi32, #tpu.memory_space<vmem_shared>> -> memref<10240xi32, #tpu.memory_space<vmem_shared>>
      %dma_wait3A_100 = tpu.memref_slice %dma_wait3A_99[%mul3A_39] : memref<10240xi32, #tpu.memory_space<vmem_shared>> -> memref<640xi32, #tpu.memory_space<vmem_shared>>
      %dma_wait3A_101 = arith.constant 0 : i32
      %dma_wait3A_102 = tpu.memref_slice %arg7[%run_scoped3A_41, %dma_wait3A_101] : memref<16x640xi32, #tpu.memory_space<vmem>> -> memref<1x640xi32, #tpu.memory_space<vmem>>
      %dma_wait3A_103 = tpu.memref_squeeze %dma_wait3A_102 : memref<1x640xi32, #tpu.memory_space<vmem>> -> memref<640xi32, #tpu.memory_space<vmem>>
      %dma_wait3A_104 = arith.constant 0 : i32
      %dma_wait3A_105 = tpu.memref_slice %arg9[%run_scoped3A_40, %dma_wait3A_104] : memref<16x10240xi32, #tpu.memory_space<vmem_shared>> -> memref<1x10240xi32, #tpu.memory_space<vmem_shared>>
      %dma_wait3A_106 = tpu.memref_squeeze %dma_wait3A_105 : memref<1x10240xi32, #tpu.memory_space<vmem_shared>> -> memref<10240xi32, #tpu.memory_space<vmem_shared>>
      %dma_wait3A_107 = tpu.memref_slice %dma_wait3A_106[%mul3A_39] : memref<10240xi32, #tpu.memory_space<vmem_shared>> -> memref<640xi32, #tpu.memory_space<vmem_shared>>
      tpu.wait_dma2 semaphore(%run_scoped3A_81 : memref<!tpu.dma_semaphore, #tpu.memory_space<semaphore_mem>>) src(%dma_wait3A_107 : memref<640xi32, #tpu.memory_space<vmem_shared>>) dst(%dma_wait3A_103 : memref<640xi32, #tpu.memory_space<vmem>>)
      tpu.yield
    }) : () -> ()
    %mul3A_42 = arith.constant 640 : i32
    %mul3A_43 = arith.muli %arg1, %mul3A_42 : i32
    %run_scoped3A_44 = arith.constant 8 : i32
    %run_scoped3A_45 = arith.constant 8 : i32
    "tpu.region"() ({
      %run_scoped3A_81 = tpu.sem_alloc : memref<!tpu.dma_semaphore, #tpu.memory_space<semaphore_mem>>
      %dma_start3A = arith.constant 0 : i32
      %dma_start3A_82 = tpu.memref_slice %arg7[%run_scoped3A_45, %dma_start3A] : memref<16x640xi32, #tpu.memory_space<vmem>> -> memref<1x640xi32, #tpu.memory_space<vmem>>
      %dma_start3A_83 = tpu.memref_squeeze %dma_start3A_82 : memref<1x640xi32, #tpu.memory_space<vmem>> -> memref<640xi32, #tpu.memory_space<vmem>>
      %dma_start3A_84 = arith.constant 0 : i32
      %dma_start3A_85 = tpu.memref_slice %arg9[%run_scoped3A_44, %dma_start3A_84] : memref<16x10240xi32, #tpu.memory_space<vmem_shared>> -> memref<1x10240xi32, #tpu.memory_space<vmem_shared>>
      %dma_start3A_86 = tpu.memref_squeeze %dma_start3A_85 : memref<1x10240xi32, #tpu.memory_space<vmem_shared>> -> memref<10240xi32, #tpu.memory_space<vmem_shared>>
      %dma_start3A_87 = tpu.memref_slice %dma_start3A_86[%mul3A_43] : memref<10240xi32, #tpu.memory_space<vmem_shared>> -> memref<640xi32, #tpu.memory_space<vmem_shared>>
      %dma_start3A_88 = arith.constant 0 : i32
      %dma_start3A_89 = tpu.memref_slice %arg7[%run_scoped3A_45, %dma_start3A_88] : memref<16x640xi32, #tpu.memory_space<vmem>> -> memref<1x640xi32, #tpu.memory_space<vmem>>
      %dma_start3A_90 = tpu.memref_squeeze %dma_start3A_89 : memref<1x640xi32, #tpu.memory_space<vmem>> -> memref<640xi32, #tpu.memory_space<vmem>>
      %dma_start3A_91 = arith.constant 0 : i32
      %dma_start3A_92 = tpu.memref_slice %arg9[%run_scoped3A_44, %dma_start3A_91] : memref<16x10240xi32, #tpu.memory_space<vmem_shared>> -> memref<1x10240xi32, #tpu.memory_space<vmem_shared>>
      %dma_start3A_93 = tpu.memref_squeeze %dma_start3A_92 : memref<1x10240xi32, #tpu.memory_space<vmem_shared>> -> memref<10240xi32, #tpu.memory_space<vmem_shared>>
      %dma_start3A_94 = tpu.memref_slice %dma_start3A_93[%mul3A_43] : memref<10240xi32, #tpu.memory_space<vmem_shared>> -> memref<640xi32, #tpu.memory_space<vmem_shared>>
      tpu.enqueue_dma source(%dma_start3A_94 : memref<640xi32, #tpu.memory_space<vmem_shared>>) target(%dma_start3A_90 : memref<640xi32, #tpu.memory_space<vmem>>) target_semaphore(%run_scoped3A_81 : memref<!tpu.dma_semaphore, #tpu.memory_space<semaphore_mem>>)
      %dma_wait3A = arith.constant 0 : i32
      %dma_wait3A_95 = tpu.memref_slice %arg7[%run_scoped3A_45, %dma_wait3A] : memref<16x640xi32, #tpu.memory_space<vmem>> -> memref<1x640xi32, #tpu.memory_space<vmem>>
      %dma_wait3A_96 = tpu.memref_squeeze %dma_wait3A_95 : memref<1x640xi32, #tpu.memory_space<vmem>> -> memref<640xi32, #tpu.memory_space<vmem>>
      %dma_wait3A_97 = arith.constant 0 : i32
      %dma_wait3A_98 = tpu.memref_slice %arg9[%run_scoped3A_44, %dma_wait3A_97] : memref<16x10240xi32, #tpu.memory_space<vmem_shared>> -> memref<1x10240xi32, #tpu.memory_space<vmem_shared>>
      %dma_wait3A_99 = tpu.memref_squeeze %dma_wait3A_98 : memref<1x10240xi32, #tpu.memory_space<vmem_shared>> -> memref<10240xi32, #tpu.memory_space<vmem_shared>>
      %dma_wait3A_100 = tpu.memref_slice %dma_wait3A_99[%mul3A_43] : memref<10240xi32, #tpu.memory_space<vmem_shared>> -> memref<640xi32, #tpu.memory_space<vmem_shared>>
      %dma_wait3A_101 = arith.constant 0 : i32
      %dma_wait3A_102 = tpu.memref_slice %arg7[%run_scoped3A_45, %dma_wait3A_101] : memref<16x640xi32, #tpu.memory_space<vmem>> -> memref<1x640xi32, #tpu.memory_space<vmem>>
      %dma_wait3A_103 = tpu.memref_squeeze %dma_wait3A_102 : memref<1x640xi32, #tpu.memory_space<vmem>> -> memref<640xi32, #tpu.memory_space<vmem>>
      %dma_wait3A_104 = arith.constant 0 : i32
      %dma_wait3A_105 = tpu.memref_slice %arg9[%run_scoped3A_44, %dma_wait3A_104] : memref<16x10240xi32, #tpu.memory_space<vmem_shared>> -> memref<1x10240xi32, #tpu.memory_space<vmem_shared>>
      %dma_wait3A_106 = tpu.memref_squeeze %dma_wait3A_105 : memref<1x10240xi32, #tpu.memory_space<vmem_shared>> -> memref<10240xi32, #tpu.memory_space<vmem_shared>>
      %dma_wait3A_107 = tpu.memref_slice %dma_wait3A_106[%mul3A_43] : memref<10240xi32, #tpu.memory_space<vmem_shared>> -> memref<640xi32, #tpu.memory_space<vmem_shared>>
      tpu.wait_dma2 semaphore(%run_scoped3A_81 : memref<!tpu.dma_semaphore, #tpu.memory_space<semaphore_mem>>) src(%dma_wait3A_107 : memref<640xi32, #tpu.memory_space<vmem_shared>>) dst(%dma_wait3A_103 : memref<640xi32, #tpu.memory_space<vmem>>)
      tpu.yield
    }) : () -> ()
    %mul3A_46 = arith.constant 640 : i32
    %mul3A_47 = arith.muli %arg1, %mul3A_46 : i32
    %run_scoped3A_48 = arith.constant 9 : i32
    %run_scoped3A_49 = arith.constant 9 : i32
    "tpu.region"() ({
      %run_scoped3A_81 = tpu.sem_alloc : memref<!tpu.dma_semaphore, #tpu.memory_space<semaphore_mem>>
      %dma_start3A = arith.constant 0 : i32
      %dma_start3A_82 = tpu.memref_slice %arg7[%run_scoped3A_49, %dma_start3A] : memref<16x640xi32, #tpu.memory_space<vmem>> -> memref<1x640xi32, #tpu.memory_space<vmem>>
      %dma_start3A_83 = tpu.memref_squeeze %dma_start3A_82 : memref<1x640xi32, #tpu.memory_space<vmem>> -> memref<640xi32, #tpu.memory_space<vmem>>
      %dma_start3A_84 = arith.constant 0 : i32
      %dma_start3A_85 = tpu.memref_slice %arg9[%run_scoped3A_48, %dma_start3A_84] : memref<16x10240xi32, #tpu.memory_space<vmem_shared>> -> memref<1x10240xi32, #tpu.memory_space<vmem_shared>>
      %dma_start3A_86 = tpu.memref_squeeze %dma_start3A_85 : memref<1x10240xi32, #tpu.memory_space<vmem_shared>> -> memref<10240xi32, #tpu.memory_space<vmem_shared>>
      %dma_start3A_87 = tpu.memref_slice %dma_start3A_86[%mul3A_47] : memref<10240xi32, #tpu.memory_space<vmem_shared>> -> memref<640xi32, #tpu.memory_space<vmem_shared>>
      %dma_start3A_88 = arith.constant 0 : i32
      %dma_start3A_89 = tpu.memref_slice %arg7[%run_scoped3A_49, %dma_start3A_88] : memref<16x640xi32, #tpu.memory_space<vmem>> -> memref<1x640xi32, #tpu.memory_space<vmem>>
      %dma_start3A_90 = tpu.memref_squeeze %dma_start3A_89 : memref<1x640xi32, #tpu.memory_space<vmem>> -> memref<640xi32, #tpu.memory_space<vmem>>
      %dma_start3A_91 = arith.constant 0 : i32
      %dma_start3A_92 = tpu.memref_slice %arg9[%run_scoped3A_48, %dma_start3A_91] : memref<16x10240xi32, #tpu.memory_space<vmem_shared>> -> memref<1x10240xi32, #tpu.memory_space<vmem_shared>>
      %dma_start3A_93 = tpu.memref_squeeze %dma_start3A_92 : memref<1x10240xi32, #tpu.memory_space<vmem_shared>> -> memref<10240xi32, #tpu.memory_space<vmem_shared>>
      %dma_start3A_94 = tpu.memref_slice %dma_start3A_93[%mul3A_47] : memref<10240xi32, #tpu.memory_space<vmem_shared>> -> memref<640xi32, #tpu.memory_space<vmem_shared>>
      tpu.enqueue_dma source(%dma_start3A_94 : memref<640xi32, #tpu.memory_space<vmem_shared>>) target(%dma_start3A_90 : memref<640xi32, #tpu.memory_space<vmem>>) target_semaphore(%run_scoped3A_81 : memref<!tpu.dma_semaphore, #tpu.memory_space<semaphore_mem>>)
      %dma_wait3A = arith.constant 0 : i32
      %dma_wait3A_95 = tpu.memref_slice %arg7[%run_scoped3A_49, %dma_wait3A] : memref<16x640xi32, #tpu.memory_space<vmem>> -> memref<1x640xi32, #tpu.memory_space<vmem>>
      %dma_wait3A_96 = tpu.memref_squeeze %dma_wait3A_95 : memref<1x640xi32, #tpu.memory_space<vmem>> -> memref<640xi32, #tpu.memory_space<vmem>>
      %dma_wait3A_97 = arith.constant 0 : i32
      %dma_wait3A_98 = tpu.memref_slice %arg9[%run_scoped3A_48, %dma_wait3A_97] : memref<16x10240xi32, #tpu.memory_space<vmem_shared>> -> memref<1x10240xi32, #tpu.memory_space<vmem_shared>>
      %dma_wait3A_99 = tpu.memref_squeeze %dma_wait3A_98 : memref<1x10240xi32, #tpu.memory_space<vmem_shared>> -> memref<10240xi32, #tpu.memory_space<vmem_shared>>
      %dma_wait3A_100 = tpu.memref_slice %dma_wait3A_99[%mul3A_47] : memref<10240xi32, #tpu.memory_space<vmem_shared>> -> memref<640xi32, #tpu.memory_space<vmem_shared>>
      %dma_wait3A_101 = arith.constant 0 : i32
      %dma_wait3A_102 = tpu.memref_slice %arg7[%run_scoped3A_49, %dma_wait3A_101] : memref<16x640xi32, #tpu.memory_space<vmem>> -> memref<1x640xi32, #tpu.memory_space<vmem>>
      %dma_wait3A_103 = tpu.memref_squeeze %dma_wait3A_102 : memref<1x640xi32, #tpu.memory_space<vmem>> -> memref<640xi32, #tpu.memory_space<vmem>>
      %dma_wait3A_104 = arith.constant 0 : i32
      %dma_wait3A_105 = tpu.memref_slice %arg9[%run_scoped3A_48, %dma_wait3A_104] : memref<16x10240xi32, #tpu.memory_space<vmem_shared>> -> memref<1x10240xi32, #tpu.memory_space<vmem_shared>>
      %dma_wait3A_106 = tpu.memref_squeeze %dma_wait3A_105 : memref<1x10240xi32, #tpu.memory_space<vmem_shared>> -> memref<10240xi32, #tpu.memory_space<vmem_shared>>
      %dma_wait3A_107 = tpu.memref_slice %dma_wait3A_106[%mul3A_47] : memref<10240xi32, #tpu.memory_space<vmem_shared>> -> memref<640xi32, #tpu.memory_space<vmem_shared>>
      tpu.wait_dma2 semaphore(%run_scoped3A_81 : memref<!tpu.dma_semaphore, #tpu.memory_space<semaphore_mem>>) src(%dma_wait3A_107 : memref<640xi32, #tpu.memory_space<vmem_shared>>) dst(%dma_wait3A_103 : memref<640xi32, #tpu.memory_space<vmem>>)
      tpu.yield
    }) : () -> ()
    %mul3A_50 = arith.constant 640 : i32
    %mul3A_51 = arith.muli %arg1, %mul3A_50 : i32
    %run_scoped3A_52 = arith.constant 10 : i32
    %run_scoped3A_53 = arith.constant 10 : i32
    "tpu.region"() ({
      %run_scoped3A_81 = tpu.sem_alloc : memref<!tpu.dma_semaphore, #tpu.memory_space<semaphore_mem>>
      %dma_start3A = arith.constant 0 : i32
      %dma_start3A_82 = tpu.memref_slice %arg7[%run_scoped3A_53, %dma_start3A] : memref<16x640xi32, #tpu.memory_space<vmem>> -> memref<1x640xi32, #tpu.memory_space<vmem>>
      %dma_start3A_83 = tpu.memref_squeeze %dma_start3A_82 : memref<1x640xi32, #tpu.memory_space<vmem>> -> memref<640xi32, #tpu.memory_space<vmem>>
      %dma_start3A_84 = arith.constant 0 : i32
      %dma_start3A_85 = tpu.memref_slice %arg9[%run_scoped3A_52, %dma_start3A_84] : memref<16x10240xi32, #tpu.memory_space<vmem_shared>> -> memref<1x10240xi32, #tpu.memory_space<vmem_shared>>
      %dma_start3A_86 = tpu.memref_squeeze %dma_start3A_85 : memref<1x10240xi32, #tpu.memory_space<vmem_shared>> -> memref<10240xi32, #tpu.memory_space<vmem_shared>>
      %dma_start3A_87 = tpu.memref_slice %dma_start3A_86[%mul3A_51] : memref<10240xi32, #tpu.memory_space<vmem_shared>> -> memref<640xi32, #tpu.memory_space<vmem_shared>>
      %dma_start3A_88 = arith.constant 0 : i32
      %dma_start3A_89 = tpu.memref_slice %arg7[%run_scoped3A_53, %dma_start3A_88] : memref<16x640xi32, #tpu.memory_space<vmem>> -> memref<1x640xi32, #tpu.memory_space<vmem>>
      %dma_start3A_90 = tpu.memref_squeeze %dma_start3A_89 : memref<1x640xi32, #tpu.memory_space<vmem>> -> memref<640xi32, #tpu.memory_space<vmem>>
      %dma_start3A_91 = arith.constant 0 : i32
      %dma_start3A_92 = tpu.memref_slice %arg9[%run_scoped3A_52, %dma_start3A_91] : memref<16x10240xi32, #tpu.memory_space<vmem_shared>> -> memref<1x10240xi32, #tpu.memory_space<vmem_shared>>
      %dma_start3A_93 = tpu.memref_squeeze %dma_start3A_92 : memref<1x10240xi32, #tpu.memory_space<vmem_shared>> -> memref<10240xi32, #tpu.memory_space<vmem_shared>>
      %dma_start3A_94 = tpu.memref_slice %dma_start3A_93[%mul3A_51] : memref<10240xi32, #tpu.memory_space<vmem_shared>> -> memref<640xi32, #tpu.memory_space<vmem_shared>>
      tpu.enqueue_dma source(%dma_start3A_94 : memref<640xi32, #tpu.memory_space<vmem_shared>>) target(%dma_start3A_90 : memref<640xi32, #tpu.memory_space<vmem>>) target_semaphore(%run_scoped3A_81 : memref<!tpu.dma_semaphore, #tpu.memory_space<semaphore_mem>>)
      %dma_wait3A = arith.constant 0 : i32
      %dma_wait3A_95 = tpu.memref_slice %arg7[%run_scoped3A_53, %dma_wait3A] : memref<16x640xi32, #tpu.memory_space<vmem>> -> memref<1x640xi32, #tpu.memory_space<vmem>>
      %dma_wait3A_96 = tpu.memref_squeeze %dma_wait3A_95 : memref<1x640xi32, #tpu.memory_space<vmem>> -> memref<640xi32, #tpu.memory_space<vmem>>
      %dma_wait3A_97 = arith.constant 0 : i32
      %dma_wait3A_98 = tpu.memref_slice %arg9[%run_scoped3A_52, %dma_wait3A_97] : memref<16x10240xi32, #tpu.memory_space<vmem_shared>> -> memref<1x10240xi32, #tpu.memory_space<vmem_shared>>
      %dma_wait3A_99 = tpu.memref_squeeze %dma_wait3A_98 : memref<1x10240xi32, #tpu.memory_space<vmem_shared>> -> memref<10240xi32, #tpu.memory_space<vmem_shared>>
      %dma_wait3A_100 = tpu.memref_slice %dma_wait3A_99[%mul3A_51] : memref<10240xi32, #tpu.memory_space<vmem_shared>> -> memref<640xi32, #tpu.memory_space<vmem_shared>>
      %dma_wait3A_101 = arith.constant 0 : i32
      %dma_wait3A_102 = tpu.memref_slice %arg7[%run_scoped3A_53, %dma_wait3A_101] : memref<16x640xi32, #tpu.memory_space<vmem>> -> memref<1x640xi32, #tpu.memory_space<vmem>>
      %dma_wait3A_103 = tpu.memref_squeeze %dma_wait3A_102 : memref<1x640xi32, #tpu.memory_space<vmem>> -> memref<640xi32, #tpu.memory_space<vmem>>
      %dma_wait3A_104 = arith.constant 0 : i32
      %dma_wait3A_105 = tpu.memref_slice %arg9[%run_scoped3A_52, %dma_wait3A_104] : memref<16x10240xi32, #tpu.memory_space<vmem_shared>> -> memref<1x10240xi32, #tpu.memory_space<vmem_shared>>
      %dma_wait3A_106 = tpu.memref_squeeze %dma_wait3A_105 : memref<1x10240xi32, #tpu.memory_space<vmem_shared>> -> memref<10240xi32, #tpu.memory_space<vmem_shared>>
      %dma_wait3A_107 = tpu.memref_slice %dma_wait3A_106[%mul3A_51] : memref<10240xi32, #tpu.memory_space<vmem_shared>> -> memref<640xi32, #tpu.memory_space<vmem_shared>>
      tpu.wait_dma2 semaphore(%run_scoped3A_81 : memref<!tpu.dma_semaphore, #tpu.memory_space<semaphore_mem>>) src(%dma_wait3A_107 : memref<640xi32, #tpu.memory_space<vmem_shared>>) dst(%dma_wait3A_103 : memref<640xi32, #tpu.memory_space<vmem>>)
      tpu.yield
    }) : () -> ()
    %mul3A_54 = arith.constant 640 : i32
    %mul3A_55 = arith.muli %arg1, %mul3A_54 : i32
    %run_scoped3A_56 = arith.constant 11 : i32
    %run_scoped3A_57 = arith.constant 11 : i32
    "tpu.region"() ({
      %run_scoped3A_81 = tpu.sem_alloc : memref<!tpu.dma_semaphore, #tpu.memory_space<semaphore_mem>>
      %dma_start3A = arith.constant 0 : i32
      %dma_start3A_82 = tpu.memref_slice %arg7[%run_scoped3A_57, %dma_start3A] : memref<16x640xi32, #tpu.memory_space<vmem>> -> memref<1x640xi32, #tpu.memory_space<vmem>>
      %dma_start3A_83 = tpu.memref_squeeze %dma_start3A_82 : memref<1x640xi32, #tpu.memory_space<vmem>> -> memref<640xi32, #tpu.memory_space<vmem>>
      %dma_start3A_84 = arith.constant 0 : i32
      %dma_start3A_85 = tpu.memref_slice %arg9[%run_scoped3A_56, %dma_start3A_84] : memref<16x10240xi32, #tpu.memory_space<vmem_shared>> -> memref<1x10240xi32, #tpu.memory_space<vmem_shared>>
      %dma_start3A_86 = tpu.memref_squeeze %dma_start3A_85 : memref<1x10240xi32, #tpu.memory_space<vmem_shared>> -> memref<10240xi32, #tpu.memory_space<vmem_shared>>
      %dma_start3A_87 = tpu.memref_slice %dma_start3A_86[%mul3A_55] : memref<10240xi32, #tpu.memory_space<vmem_shared>> -> memref<640xi32, #tpu.memory_space<vmem_shared>>
      %dma_start3A_88 = arith.constant 0 : i32
      %dma_start3A_89 = tpu.memref_slice %arg7[%run_scoped3A_57, %dma_start3A_88] : memref<16x640xi32, #tpu.memory_space<vmem>> -> memref<1x640xi32, #tpu.memory_space<vmem>>
      %dma_start3A_90 = tpu.memref_squeeze %dma_start3A_89 : memref<1x640xi32, #tpu.memory_space<vmem>> -> memref<640xi32, #tpu.memory_space<vmem>>
      %dma_start3A_91 = arith.constant 0 : i32
      %dma_start3A_92 = tpu.memref_slice %arg9[%run_scoped3A_56, %dma_start3A_91] : memref<16x10240xi32, #tpu.memory_space<vmem_shared>> -> memref<1x10240xi32, #tpu.memory_space<vmem_shared>>
      %dma_start3A_93 = tpu.memref_squeeze %dma_start3A_92 : memref<1x10240xi32, #tpu.memory_space<vmem_shared>> -> memref<10240xi32, #tpu.memory_space<vmem_shared>>
      %dma_start3A_94 = tpu.memref_slice %dma_start3A_93[%mul3A_55] : memref<10240xi32, #tpu.memory_space<vmem_shared>> -> memref<640xi32, #tpu.memory_space<vmem_shared>>
      tpu.enqueue_dma source(%dma_start3A_94 : memref<640xi32, #tpu.memory_space<vmem_shared>>) target(%dma_start3A_90 : memref<640xi32, #tpu.memory_space<vmem>>) target_semaphore(%run_scoped3A_81 : memref<!tpu.dma_semaphore, #tpu.memory_space<semaphore_mem>>)
      %dma_wait3A = arith.constant 0 : i32
      %dma_wait3A_95 = tpu.memref_slice %arg7[%run_scoped3A_57, %dma_wait3A] : memref<16x640xi32, #tpu.memory_space<vmem>> -> memref<1x640xi32, #tpu.memory_space<vmem>>
      %dma_wait3A_96 = tpu.memref_squeeze %dma_wait3A_95 : memref<1x640xi32, #tpu.memory_space<vmem>> -> memref<640xi32, #tpu.memory_space<vmem>>
      %dma_wait3A_97 = arith.constant 0 : i32
      %dma_wait3A_98 = tpu.memref_slice %arg9[%run_scoped3A_56, %dma_wait3A_97] : memref<16x10240xi32, #tpu.memory_space<vmem_shared>> -> memref<1x10240xi32, #tpu.memory_space<vmem_shared>>
      %dma_wait3A_99 = tpu.memref_squeeze %dma_wait3A_98 : memref<1x10240xi32, #tpu.memory_space<vmem_shared>> -> memref<10240xi32, #tpu.memory_space<vmem_shared>>
      %dma_wait3A_100 = tpu.memref_slice %dma_wait3A_99[%mul3A_55] : memref<10240xi32, #tpu.memory_space<vmem_shared>> -> memref<640xi32, #tpu.memory_space<vmem_shared>>
      %dma_wait3A_101 = arith.constant 0 : i32
      %dma_wait3A_102 = tpu.memref_slice %arg7[%run_scoped3A_57, %dma_wait3A_101] : memref<16x640xi32, #tpu.memory_space<vmem>> -> memref<1x640xi32, #tpu.memory_space<vmem>>
      %dma_wait3A_103 = tpu.memref_squeeze %dma_wait3A_102 : memref<1x640xi32, #tpu.memory_space<vmem>> -> memref<640xi32, #tpu.memory_space<vmem>>
      %dma_wait3A_104 = arith.constant 0 : i32
      %dma_wait3A_105 = tpu.memref_slice %arg9[%run_scoped3A_56, %dma_wait3A_104] : memref<16x10240xi32, #tpu.memory_space<vmem_shared>> -> memref<1x10240xi32, #tpu.memory_space<vmem_shared>>
      %dma_wait3A_106 = tpu.memref_squeeze %dma_wait3A_105 : memref<1x10240xi32, #tpu.memory_space<vmem_shared>> -> memref<10240xi32, #tpu.memory_space<vmem_shared>>
      %dma_wait3A_107 = tpu.memref_slice %dma_wait3A_106[%mul3A_55] : memref<10240xi32, #tpu.memory_space<vmem_shared>> -> memref<640xi32, #tpu.memory_space<vmem_shared>>
      tpu.wait_dma2 semaphore(%run_scoped3A_81 : memref<!tpu.dma_semaphore, #tpu.memory_space<semaphore_mem>>) src(%dma_wait3A_107 : memref<640xi32, #tpu.memory_space<vmem_shared>>) dst(%dma_wait3A_103 : memref<640xi32, #tpu.memory_space<vmem>>)
      tpu.yield
    }) : () -> ()
    %mul3A_58 = arith.constant 640 : i32
    %mul3A_59 = arith.muli %arg1, %mul3A_58 : i32
    %run_scoped3A_60 = arith.constant 12 : i32
    %run_scoped3A_61 = arith.constant 12 : i32
    "tpu.region"() ({
      %run_scoped3A_81 = tpu.sem_alloc : memref<!tpu.dma_semaphore, #tpu.memory_space<semaphore_mem>>
      %dma_start3A = arith.constant 0 : i32
      %dma_start3A_82 = tpu.memref_slice %arg7[%run_scoped3A_61, %dma_start3A] : memref<16x640xi32, #tpu.memory_space<vmem>> -> memref<1x640xi32, #tpu.memory_space<vmem>>
      %dma_start3A_83 = tpu.memref_squeeze %dma_start3A_82 : memref<1x640xi32, #tpu.memory_space<vmem>> -> memref<640xi32, #tpu.memory_space<vmem>>
      %dma_start3A_84 = arith.constant 0 : i32
      %dma_start3A_85 = tpu.memref_slice %arg9[%run_scoped3A_60, %dma_start3A_84] : memref<16x10240xi32, #tpu.memory_space<vmem_shared>> -> memref<1x10240xi32, #tpu.memory_space<vmem_shared>>
      %dma_start3A_86 = tpu.memref_squeeze %dma_start3A_85 : memref<1x10240xi32, #tpu.memory_space<vmem_shared>> -> memref<10240xi32, #tpu.memory_space<vmem_shared>>
      %dma_start3A_87 = tpu.memref_slice %dma_start3A_86[%mul3A_59] : memref<10240xi32, #tpu.memory_space<vmem_shared>> -> memref<640xi32, #tpu.memory_space<vmem_shared>>
      %dma_start3A_88 = arith.constant 0 : i32
      %dma_start3A_89 = tpu.memref_slice %arg7[%run_scoped3A_61, %dma_start3A_88] : memref<16x640xi32, #tpu.memory_space<vmem>> -> memref<1x640xi32, #tpu.memory_space<vmem>>
      %dma_start3A_90 = tpu.memref_squeeze %dma_start3A_89 : memref<1x640xi32, #tpu.memory_space<vmem>> -> memref<640xi32, #tpu.memory_space<vmem>>
      %dma_start3A_91 = arith.constant 0 : i32
      %dma_start3A_92 = tpu.memref_slice %arg9[%run_scoped3A_60, %dma_start3A_91] : memref<16x10240xi32, #tpu.memory_space<vmem_shared>> -> memref<1x10240xi32, #tpu.memory_space<vmem_shared>>
      %dma_start3A_93 = tpu.memref_squeeze %dma_start3A_92 : memref<1x10240xi32, #tpu.memory_space<vmem_shared>> -> memref<10240xi32, #tpu.memory_space<vmem_shared>>
      %dma_start3A_94 = tpu.memref_slice %dma_start3A_93[%mul3A_59] : memref<10240xi32, #tpu.memory_space<vmem_shared>> -> memref<640xi32, #tpu.memory_space<vmem_shared>>
      tpu.enqueue_dma source(%dma_start3A_94 : memref<640xi32, #tpu.memory_space<vmem_shared>>) target(%dma_start3A_90 : memref<640xi32, #tpu.memory_space<vmem>>) target_semaphore(%run_scoped3A_81 : memref<!tpu.dma_semaphore, #tpu.memory_space<semaphore_mem>>)
      %dma_wait3A = arith.constant 0 : i32
      %dma_wait3A_95 = tpu.memref_slice %arg7[%run_scoped3A_61, %dma_wait3A] : memref<16x640xi32, #tpu.memory_space<vmem>> -> memref<1x640xi32, #tpu.memory_space<vmem>>
      %dma_wait3A_96 = tpu.memref_squeeze %dma_wait3A_95 : memref<1x640xi32, #tpu.memory_space<vmem>> -> memref<640xi32, #tpu.memory_space<vmem>>
      %dma_wait3A_97 = arith.constant 0 : i32
      %dma_wait3A_98 = tpu.memref_slice %arg9[%run_scoped3A_60, %dma_wait3A_97] : memref<16x10240xi32, #tpu.memory_space<vmem_shared>> -> memref<1x10240xi32, #tpu.memory_space<vmem_shared>>
      %dma_wait3A_99 = tpu.memref_squeeze %dma_wait3A_98 : memref<1x10240xi32, #tpu.memory_space<vmem_shared>> -> memref<10240xi32, #tpu.memory_space<vmem_shared>>
      %dma_wait3A_100 = tpu.memref_slice %dma_wait3A_99[%mul3A_59] : memref<10240xi32, #tpu.memory_space<vmem_shared>> -> memref<640xi32, #tpu.memory_space<vmem_shared>>
      %dma_wait3A_101 = arith.constant 0 : i32
      %dma_wait3A_102 = tpu.memref_slice %arg7[%run_scoped3A_61, %dma_wait3A_101] : memref<16x640xi32, #tpu.memory_space<vmem>> -> memref<1x640xi32, #tpu.memory_space<vmem>>
      %dma_wait3A_103 = tpu.memref_squeeze %dma_wait3A_102 : memref<1x640xi32, #tpu.memory_space<vmem>> -> memref<640xi32, #tpu.memory_space<vmem>>
      %dma_wait3A_104 = arith.constant 0 : i32
      %dma_wait3A_105 = tpu.memref_slice %arg9[%run_scoped3A_60, %dma_wait3A_104] : memref<16x10240xi32, #tpu.memory_space<vmem_shared>> -> memref<1x10240xi32, #tpu.memory_space<vmem_shared>>
      %dma_wait3A_106 = tpu.memref_squeeze %dma_wait3A_105 : memref<1x10240xi32, #tpu.memory_space<vmem_shared>> -> memref<10240xi32, #tpu.memory_space<vmem_shared>>
      %dma_wait3A_107 = tpu.memref_slice %dma_wait3A_106[%mul3A_59] : memref<10240xi32, #tpu.memory_space<vmem_shared>> -> memref<640xi32, #tpu.memory_space<vmem_shared>>
      tpu.wait_dma2 semaphore(%run_scoped3A_81 : memref<!tpu.dma_semaphore, #tpu.memory_space<semaphore_mem>>) src(%dma_wait3A_107 : memref<640xi32, #tpu.memory_space<vmem_shared>>) dst(%dma_wait3A_103 : memref<640xi32, #tpu.memory_space<vmem>>)
      tpu.yield
    }) : () -> ()
    %mul3A_62 = arith.constant 640 : i32
    %mul3A_63 = arith.muli %arg1, %mul3A_62 : i32
    %run_scoped3A_64 = arith.constant 13 : i32
    %run_scoped3A_65 = arith.constant 13 : i32
    "tpu.region"() ({
      %run_scoped3A_81 = tpu.sem_alloc : memref<!tpu.dma_semaphore, #tpu.memory_space<semaphore_mem>>
      %dma_start3A = arith.constant 0 : i32
      %dma_start3A_82 = tpu.memref_slice %arg7[%run_scoped3A_65, %dma_start3A] : memref<16x640xi32, #tpu.memory_space<vmem>> -> memref<1x640xi32, #tpu.memory_space<vmem>>
      %dma_start3A_83 = tpu.memref_squeeze %dma_start3A_82 : memref<1x640xi32, #tpu.memory_space<vmem>> -> memref<640xi32, #tpu.memory_space<vmem>>
      %dma_start3A_84 = arith.constant 0 : i32
      %dma_start3A_85 = tpu.memref_slice %arg9[%run_scoped3A_64, %dma_start3A_84] : memref<16x10240xi32, #tpu.memory_space<vmem_shared>> -> memref<1x10240xi32, #tpu.memory_space<vmem_shared>>
      %dma_start3A_86 = tpu.memref_squeeze %dma_start3A_85 : memref<1x10240xi32, #tpu.memory_space<vmem_shared>> -> memref<10240xi32, #tpu.memory_space<vmem_shared>>
      %dma_start3A_87 = tpu.memref_slice %dma_start3A_86[%mul3A_63] : memref<10240xi32, #tpu.memory_space<vmem_shared>> -> memref<640xi32, #tpu.memory_space<vmem_shared>>
      %dma_start3A_88 = arith.constant 0 : i32
      %dma_start3A_89 = tpu.memref_slice %arg7[%run_scoped3A_65, %dma_start3A_88] : memref<16x640xi32, #tpu.memory_space<vmem>> -> memref<1x640xi32, #tpu.memory_space<vmem>>
      %dma_start3A_90 = tpu.memref_squeeze %dma_start3A_89 : memref<1x640xi32, #tpu.memory_space<vmem>> -> memref<640xi32, #tpu.memory_space<vmem>>
      %dma_start3A_91 = arith.constant 0 : i32
      %dma_start3A_92 = tpu.memref_slice %arg9[%run_scoped3A_64, %dma_start3A_91] : memref<16x10240xi32, #tpu.memory_space<vmem_shared>> -> memref<1x10240xi32, #tpu.memory_space<vmem_shared>>
      %dma_start3A_93 = tpu.memref_squeeze %dma_start3A_92 : memref<1x10240xi32, #tpu.memory_space<vmem_shared>> -> memref<10240xi32, #tpu.memory_space<vmem_shared>>
      %dma_start3A_94 = tpu.memref_slice %dma_start3A_93[%mul3A_63] : memref<10240xi32, #tpu.memory_space<vmem_shared>> -> memref<640xi32, #tpu.memory_space<vmem_shared>>
      tpu.enqueue_dma source(%dma_start3A_94 : memref<640xi32, #tpu.memory_space<vmem_shared>>) target(%dma_start3A_90 : memref<640xi32, #tpu.memory_space<vmem>>) target_semaphore(%run_scoped3A_81 : memref<!tpu.dma_semaphore, #tpu.memory_space<semaphore_mem>>)
      %dma_wait3A = arith.constant 0 : i32
      %dma_wait3A_95 = tpu.memref_slice %arg7[%run_scoped3A_65, %dma_wait3A] : memref<16x640xi32, #tpu.memory_space<vmem>> -> memref<1x640xi32, #tpu.memory_space<vmem>>
      %dma_wait3A_96 = tpu.memref_squeeze %dma_wait3A_95 : memref<1x640xi32, #tpu.memory_space<vmem>> -> memref<640xi32, #tpu.memory_space<vmem>>
      %dma_wait3A_97 = arith.constant 0 : i32
      %dma_wait3A_98 = tpu.memref_slice %arg9[%run_scoped3A_64, %dma_wait3A_97] : memref<16x10240xi32, #tpu.memory_space<vmem_shared>> -> memref<1x10240xi32, #tpu.memory_space<vmem_shared>>
      %dma_wait3A_99 = tpu.memref_squeeze %dma_wait3A_98 : memref<1x10240xi32, #tpu.memory_space<vmem_shared>> -> memref<10240xi32, #tpu.memory_space<vmem_shared>>
      %dma_wait3A_100 = tpu.memref_slice %dma_wait3A_99[%mul3A_63] : memref<10240xi32, #tpu.memory_space<vmem_shared>> -> memref<640xi32, #tpu.memory_space<vmem_shared>>
      %dma_wait3A_101 = arith.constant 0 : i32
      %dma_wait3A_102 = tpu.memref_slice %arg7[%run_scoped3A_65, %dma_wait3A_101] : memref<16x640xi32, #tpu.memory_space<vmem>> -> memref<1x640xi32, #tpu.memory_space<vmem>>
      %dma_wait3A_103 = tpu.memref_squeeze %dma_wait3A_102 : memref<1x640xi32, #tpu.memory_space<vmem>> -> memref<640xi32, #tpu.memory_space<vmem>>
      %dma_wait3A_104 = arith.constant 0 : i32
      %dma_wait3A_105 = tpu.memref_slice %arg9[%run_scoped3A_64, %dma_wait3A_104] : memref<16x10240xi32, #tpu.memory_space<vmem_shared>> -> memref<1x10240xi32, #tpu.memory_space<vmem_shared>>
      %dma_wait3A_106 = tpu.memref_squeeze %dma_wait3A_105 : memref<1x10240xi32, #tpu.memory_space<vmem_shared>> -> memref<10240xi32, #tpu.memory_space<vmem_shared>>
      %dma_wait3A_107 = tpu.memref_slice %dma_wait3A_106[%mul3A_63] : memref<10240xi32, #tpu.memory_space<vmem_shared>> -> memref<640xi32, #tpu.memory_space<vmem_shared>>
      tpu.wait_dma2 semaphore(%run_scoped3A_81 : memref<!tpu.dma_semaphore, #tpu.memory_space<semaphore_mem>>) src(%dma_wait3A_107 : memref<640xi32, #tpu.memory_space<vmem_shared>>) dst(%dma_wait3A_103 : memref<640xi32, #tpu.memory_space<vmem>>)
      tpu.yield
    }) : () -> ()
    %mul3A_66 = arith.constant 640 : i32
    %mul3A_67 = arith.muli %arg1, %mul3A_66 : i32
    %run_scoped3A_68 = arith.constant 14 : i32
    %run_scoped3A_69 = arith.constant 14 : i32
    "tpu.region"() ({
      %run_scoped3A_81 = tpu.sem_alloc : memref<!tpu.dma_semaphore, #tpu.memory_space<semaphore_mem>>
      %dma_start3A = arith.constant 0 : i32
      %dma_start3A_82 = tpu.memref_slice %arg7[%run_scoped3A_69, %dma_start3A] : memref<16x640xi32, #tpu.memory_space<vmem>> -> memref<1x640xi32, #tpu.memory_space<vmem>>
      %dma_start3A_83 = tpu.memref_squeeze %dma_start3A_82 : memref<1x640xi32, #tpu.memory_space<vmem>> -> memref<640xi32, #tpu.memory_space<vmem>>
      %dma_start3A_84 = arith.constant 0 : i32
      %dma_start3A_85 = tpu.memref_slice %arg9[%run_scoped3A_68, %dma_start3A_84] : memref<16x10240xi32, #tpu.memory_space<vmem_shared>> -> memref<1x10240xi32, #tpu.memory_space<vmem_shared>>
      %dma_start3A_86 = tpu.memref_squeeze %dma_start3A_85 : memref<1x10240xi32, #tpu.memory_space<vmem_shared>> -> memref<10240xi32, #tpu.memory_space<vmem_shared>>
      %dma_start3A_87 = tpu.memref_slice %dma_start3A_86[%mul3A_67] : memref<10240xi32, #tpu.memory_space<vmem_shared>> -> memref<640xi32, #tpu.memory_space<vmem_shared>>
      %dma_start3A_88 = arith.constant 0 : i32
      %dma_start3A_89 = tpu.memref_slice %arg7[%run_scoped3A_69, %dma_start3A_88] : memref<16x640xi32, #tpu.memory_space<vmem>> -> memref<1x640xi32, #tpu.memory_space<vmem>>
      %dma_start3A_90 = tpu.memref_squeeze %dma_start3A_89 : memref<1x640xi32, #tpu.memory_space<vmem>> -> memref<640xi32, #tpu.memory_space<vmem>>
      %dma_start3A_91 = arith.constant 0 : i32
      %dma_start3A_92 = tpu.memref_slice %arg9[%run_scoped3A_68, %dma_start3A_91] : memref<16x10240xi32, #tpu.memory_space<vmem_shared>> -> memref<1x10240xi32, #tpu.memory_space<vmem_shared>>
      %dma_start3A_93 = tpu.memref_squeeze %dma_start3A_92 : memref<1x10240xi32, #tpu.memory_space<vmem_shared>> -> memref<10240xi32, #tpu.memory_space<vmem_shared>>
      %dma_start3A_94 = tpu.memref_slice %dma_start3A_93[%mul3A_67] : memref<10240xi32, #tpu.memory_space<vmem_shared>> -> memref<640xi32, #tpu.memory_space<vmem_shared>>
      tpu.enqueue_dma source(%dma_start3A_94 : memref<640xi32, #tpu.memory_space<vmem_shared>>) target(%dma_start3A_90 : memref<640xi32, #tpu.memory_space<vmem>>) target_semaphore(%run_scoped3A_81 : memref<!tpu.dma_semaphore, #tpu.memory_space<semaphore_mem>>)
      %dma_wait3A = arith.constant 0 : i32
      %dma_wait3A_95 = tpu.memref_slice %arg7[%run_scoped3A_69, %dma_wait3A] : memref<16x640xi32, #tpu.memory_space<vmem>> -> memref<1x640xi32, #tpu.memory_space<vmem>>
      %dma_wait3A_96 = tpu.memref_squeeze %dma_wait3A_95 : memref<1x640xi32, #tpu.memory_space<vmem>> -> memref<640xi32, #tpu.memory_space<vmem>>
      %dma_wait3A_97 = arith.constant 0 : i32
      %dma_wait3A_98 = tpu.memref_slice %arg9[%run_scoped3A_68, %dma_wait3A_97] : memref<16x10240xi32, #tpu.memory_space<vmem_shared>> -> memref<1x10240xi32, #tpu.memory_space<vmem_shared>>
      %dma_wait3A_99 = tpu.memref_squeeze %dma_wait3A_98 : memref<1x10240xi32, #tpu.memory_space<vmem_shared>> -> memref<10240xi32, #tpu.memory_space<vmem_shared>>
      %dma_wait3A_100 = tpu.memref_slice %dma_wait3A_99[%mul3A_67] : memref<10240xi32, #tpu.memory_space<vmem_shared>> -> memref<640xi32, #tpu.memory_space<vmem_shared>>
      %dma_wait3A_101 = arith.constant 0 : i32
      %dma_wait3A_102 = tpu.memref_slice %arg7[%run_scoped3A_69, %dma_wait3A_101] : memref<16x640xi32, #tpu.memory_space<vmem>> -> memref<1x640xi32, #tpu.memory_space<vmem>>
      %dma_wait3A_103 = tpu.memref_squeeze %dma_wait3A_102 : memref<1x640xi32, #tpu.memory_space<vmem>> -> memref<640xi32, #tpu.memory_space<vmem>>
      %dma_wait3A_104 = arith.constant 0 : i32
      %dma_wait3A_105 = tpu.memref_slice %arg9[%run_scoped3A_68, %dma_wait3A_104] : memref<16x10240xi32, #tpu.memory_space<vmem_shared>> -> memref<1x10240xi32, #tpu.memory_space<vmem_shared>>
      %dma_wait3A_106 = tpu.memref_squeeze %dma_wait3A_105 : memref<1x10240xi32, #tpu.memory_space<vmem_shared>> -> memref<10240xi32, #tpu.memory_space<vmem_shared>>
      %dma_wait3A_107 = tpu.memref_slice %dma_wait3A_106[%mul3A_67] : memref<10240xi32, #tpu.memory_space<vmem_shared>> -> memref<640xi32, #tpu.memory_space<vmem_shared>>
      tpu.wait_dma2 semaphore(%run_scoped3A_81 : memref<!tpu.dma_semaphore, #tpu.memory_space<semaphore_mem>>) src(%dma_wait3A_107 : memref<640xi32, #tpu.memory_space<vmem_shared>>) dst(%dma_wait3A_103 : memref<640xi32, #tpu.memory_space<vmem>>)
      tpu.yield
    }) : () -> ()
    %mul3A_70 = arith.constant 640 : i32
    %mul3A_71 = arith.muli %arg1, %mul3A_70 : i32
    %run_scoped3A_72 = arith.constant 15 : i32
    %run_scoped3A_73 = arith.constant 15 : i32
    "tpu.region"() ({
      %run_scoped3A_81 = tpu.sem_alloc : memref<!tpu.dma_semaphore, #tpu.memory_space<semaphore_mem>>
      %dma_start3A = arith.constant 0 : i32
      %dma_start3A_82 = tpu.memref_slice %arg7[%run_scoped3A_73, %dma_start3A] : memref<16x640xi32, #tpu.memory_space<vmem>> -> memref<1x640xi32, #tpu.memory_space<vmem>>
      %dma_start3A_83 = tpu.memref_squeeze %dma_start3A_82 : memref<1x640xi32, #tpu.memory_space<vmem>> -> memref<640xi32, #tpu.memory_space<vmem>>
      %dma_start3A_84 = arith.constant 0 : i32
      %dma_start3A_85 = tpu.memref_slice %arg9[%run_scoped3A_72, %dma_start3A_84] : memref<16x10240xi32, #tpu.memory_space<vmem_shared>> -> memref<1x10240xi32, #tpu.memory_space<vmem_shared>>
      %dma_start3A_86 = tpu.memref_squeeze %dma_start3A_85 : memref<1x10240xi32, #tpu.memory_space<vmem_shared>> -> memref<10240xi32, #tpu.memory_space<vmem_shared>>
      %dma_start3A_87 = tpu.memref_slice %dma_start3A_86[%mul3A_71] : memref<10240xi32, #tpu.memory_space<vmem_shared>> -> memref<640xi32, #tpu.memory_space<vmem_shared>>
      %dma_start3A_88 = arith.constant 0 : i32
      %dma_start3A_89 = tpu.memref_slice %arg7[%run_scoped3A_73, %dma_start3A_88] : memref<16x640xi32, #tpu.memory_space<vmem>> -> memref<1x640xi32, #tpu.memory_space<vmem>>
      %dma_start3A_90 = tpu.memref_squeeze %dma_start3A_89 : memref<1x640xi32, #tpu.memory_space<vmem>> -> memref<640xi32, #tpu.memory_space<vmem>>
      %dma_start3A_91 = arith.constant 0 : i32
      %dma_start3A_92 = tpu.memref_slice %arg9[%run_scoped3A_72, %dma_start3A_91] : memref<16x10240xi32, #tpu.memory_space<vmem_shared>> -> memref<1x10240xi32, #tpu.memory_space<vmem_shared>>
      %dma_start3A_93 = tpu.memref_squeeze %dma_start3A_92 : memref<1x10240xi32, #tpu.memory_space<vmem_shared>> -> memref<10240xi32, #tpu.memory_space<vmem_shared>>
      %dma_start3A_94 = tpu.memref_slice %dma_start3A_93[%mul3A_71] : memref<10240xi32, #tpu.memory_space<vmem_shared>> -> memref<640xi32, #tpu.memory_space<vmem_shared>>
      tpu.enqueue_dma source(%dma_start3A_94 : memref<640xi32, #tpu.memory_space<vmem_shared>>) target(%dma_start3A_90 : memref<640xi32, #tpu.memory_space<vmem>>) target_semaphore(%run_scoped3A_81 : memref<!tpu.dma_semaphore, #tpu.memory_space<semaphore_mem>>)
      %dma_wait3A = arith.constant 0 : i32
      %dma_wait3A_95 = tpu.memref_slice %arg7[%run_scoped3A_73, %dma_wait3A] : memref<16x640xi32, #tpu.memory_space<vmem>> -> memref<1x640xi32, #tpu.memory_space<vmem>>
      %dma_wait3A_96 = tpu.memref_squeeze %dma_wait3A_95 : memref<1x640xi32, #tpu.memory_space<vmem>> -> memref<640xi32, #tpu.memory_space<vmem>>
      %dma_wait3A_97 = arith.constant 0 : i32
      %dma_wait3A_98 = tpu.memref_slice %arg9[%run_scoped3A_72, %dma_wait3A_97] : memref<16x10240xi32, #tpu.memory_space<vmem_shared>> -> memref<1x10240xi32, #tpu.memory_space<vmem_shared>>
      %dma_wait3A_99 = tpu.memref_squeeze %dma_wait3A_98 : memref<1x10240xi32, #tpu.memory_space<vmem_shared>> -> memref<10240xi32, #tpu.memory_space<vmem_shared>>
      %dma_wait3A_100 = tpu.memref_slice %dma_wait3A_99[%mul3A_71] : memref<10240xi32, #tpu.memory_space<vmem_shared>> -> memref<640xi32, #tpu.memory_space<vmem_shared>>
      %dma_wait3A_101 = arith.constant 0 : i32
      %dma_wait3A_102 = tpu.memref_slice %arg7[%run_scoped3A_73, %dma_wait3A_101] : memref<16x640xi32, #tpu.memory_space<vmem>> -> memref<1x640xi32, #tpu.memory_space<vmem>>
      %dma_wait3A_103 = tpu.memref_squeeze %dma_wait3A_102 : memref<1x640xi32, #tpu.memory_space<vmem>> -> memref<640xi32, #tpu.memory_space<vmem>>
      %dma_wait3A_104 = arith.constant 0 : i32
      %dma_wait3A_105 = tpu.memref_slice %arg9[%run_scoped3A_72, %dma_wait3A_104] : memref<16x10240xi32, #tpu.memory_space<vmem_shared>> -> memref<1x10240xi32, #tpu.memory_space<vmem_shared>>
      %dma_wait3A_106 = tpu.memref_squeeze %dma_wait3A_105 : memref<1x10240xi32, #tpu.memory_space<vmem_shared>> -> memref<10240xi32, #tpu.memory_space<vmem_shared>>
      %dma_wait3A_107 = tpu.memref_slice %dma_wait3A_106[%mul3A_71] : memref<10240xi32, #tpu.memory_space<vmem_shared>> -> memref<640xi32, #tpu.memory_space<vmem_shared>>
      tpu.wait_dma2 semaphore(%run_scoped3A_81 : memref<!tpu.dma_semaphore, #tpu.memory_space<semaphore_mem>>) src(%dma_wait3A_107 : memref<640xi32, #tpu.memory_space<vmem_shared>>) dst(%dma_wait3A_103 : memref<640xi32, #tpu.memory_space<vmem>>)
      tpu.yield
    }) : () -> ()
    %scan3A_74 = arith.constant 0 : i32
    %scan3A_75 = arith.constant 40 : i32
    %scan3A_76 = arith.addi %scan3A_74, %scan3A_75 : i32
    %scan3A_77 = arith.constant 1 : i32
    scf.for %scan3A_81 = %scan3A_74 to %scan3A_76 step %scan3A_77  : i32 {
      %mul3A_82 = arith.constant 16 : i32
      %mul3A_83 = arith.muli %scan3A_81, %mul3A_82 : i32
      %add3A_84 = arith.constant 0 : i32
      %add3A_85 = arith.addi %add3A_84, %mul3A_83 : i32
      %broadcast_in_dim3A = arith.constant 0 : i32
      %broadcast_in_dim3A_86 = vector.broadcast %broadcast_in_dim3A : i32 to vector<16xi32>
      %get3A = arith.constant 0 : i32
      %get3A_87 = arith.index_cast %get3A : i32 to index
      %get3A_88 = arith.index_cast %add3A_85 : i32 to index
      %get3A_89 = tpu.vector_load %arg7[%get3A_87, %get3A_88] {strides = array<i32>} : memref<16x640xi32, #tpu.memory_space<vmem>>, vector<16xi32>,
      %add3A_90 = arith.addi %broadcast_in_dim3A_86, %get3A_89 : vector<16xi32>
      %get3A_91 = arith.constant 1 : i32
      %get3A_92 = arith.index_cast %get3A_91 : i32 to index
      %get3A_93 = arith.index_cast %add3A_85 : i32 to index
      %get3A_94 = tpu.vector_load %arg7[%get3A_92, %get3A_93] {strides = array<i32>} : memref<16x640xi32, #tpu.memory_space<vmem>>, vector<16xi32>,
      %add3A_95 = arith.addi %add3A_90, %get3A_94 : vector<16xi32>
      %get3A_96 = arith.constant 2 : i32
      %get3A_97 = arith.index_cast %get3A_96 : i32 to index
      %get3A_98 = arith.index_cast %add3A_85 : i32 to index
      %get3A_99 = tpu.vector_load %arg7[%get3A_97, %get3A_98] {strides = array<i32>} : memref<16x640xi32, #tpu.memory_space<vmem>>, vector<16xi32>,
      %add3A_100 = arith.addi %add3A_95, %get3A_99 : vector<16xi32>
      %get3A_101 = arith.constant 3 : i32
      %get3A_102 = arith.index_cast %get3A_101 : i32 to index
      %get3A_103 = arith.index_cast %add3A_85 : i32 to index
      %get3A_104 = tpu.vector_load %arg7[%get3A_102, %get3A_103] {strides = array<i32>} : memref<16x640xi32, #tpu.memory_space<vmem>>, vector<16xi32>,
      %add3A_105 = arith.addi %add3A_100, %get3A_104 : vector<16xi32>
      %get3A_106 = arith.constant 4 : i32
      %get3A_107 = arith.index_cast %get3A_106 : i32 to index
      %get3A_108 = arith.index_cast %add3A_85 : i32 to index
      %get3A_109 = tpu.vector_load %arg7[%get3A_107, %get3A_108] {strides = array<i32>} : memref<16x640xi32, #tpu.memory_space<vmem>>, vector<16xi32>,
      %add3A_110 = arith.addi %add3A_105, %get3A_109 : vector<16xi32>
      %get3A_111 = arith.constant 5 : i32
      %get3A_112 = arith.index_cast %get3A_111 : i32 to index
      %get3A_113 = arith.index_cast %add3A_85 : i32 to index
      %get3A_114 = tpu.vector_load %arg7[%get3A_112, %get3A_113] {strides = array<i32>} : memref<16x640xi32, #tpu.memory_space<vmem>>, vector<16xi32>,
      %add3A_115 = arith.addi %add3A_110, %get3A_114 : vector<16xi32>
      %get3A_116 = arith.constant 6 : i32
      %get3A_117 = arith.index_cast %get3A_116 : i32 to index
      %get3A_118 = arith.index_cast %add3A_85 : i32 to index
      %get3A_119 = tpu.vector_load %arg7[%get3A_117, %get3A_118] {strides = array<i32>} : memref<16x640xi32, #tpu.memory_space<vmem>>, vector<16xi32>,
      %add3A_120 = arith.addi %add3A_115, %get3A_119 : vector<16xi32>
      %get3A_121 = arith.constant 7 : i32
      %get3A_122 = arith.index_cast %get3A_121 : i32 to index
      %get3A_123 = arith.index_cast %add3A_85 : i32 to index
      %get3A_124 = tpu.vector_load %arg7[%get3A_122, %get3A_123] {strides = array<i32>} : memref<16x640xi32, #tpu.memory_space<vmem>>, vector<16xi32>,
      %add3A_125 = arith.addi %add3A_120, %get3A_124 : vector<16xi32>
      %get3A_126 = arith.constant 8 : i32
      %get3A_127 = arith.index_cast %get3A_126 : i32 to index
      %get3A_128 = arith.index_cast %add3A_85 : i32 to index
      %get3A_129 = tpu.vector_load %arg7[%get3A_127, %get3A_128] {strides = array<i32>} : memref<16x640xi32, #tpu.memory_space<vmem>>, vector<16xi32>,
      %add3A_130 = arith.addi %add3A_125, %get3A_129 : vector<16xi32>
      %get3A_131 = arith.constant 9 : i32
      %get3A_132 = arith.index_cast %get3A_131 : i32 to index
      %get3A_133 = arith.index_cast %add3A_85 : i32 to index
      %get3A_134 = tpu.vector_load %arg7[%get3A_132, %get3A_133] {strides = array<i32>} : memref<16x640xi32, #tpu.memory_space<vmem>>, vector<16xi32>,
      %add3A_135 = arith.addi %add3A_130, %get3A_134 : vector<16xi32>
      %get3A_136 = arith.constant 10 : i32
      %get3A_137 = arith.index_cast %get3A_136 : i32 to index
      %get3A_138 = arith.index_cast %add3A_85 : i32 to index
      %get3A_139 = tpu.vector_load %arg7[%get3A_137, %get3A_138] {strides = array<i32>} : memref<16x640xi32, #tpu.memory_space<vmem>>, vector<16xi32>,
      %add3A_140 = arith.addi %add3A_135, %get3A_139 : vector<16xi32>
      %get3A_141 = arith.constant 11 : i32
      %get3A_142 = arith.index_cast %get3A_141 : i32 to index
      %get3A_143 = arith.index_cast %add3A_85 : i32 to index
      %get3A_144 = tpu.vector_load %arg7[%get3A_142, %get3A_143] {strides = array<i32>} : memref<16x640xi32, #tpu.memory_space<vmem>>, vector<16xi32>,
      %add3A_145 = arith.addi %add3A_140, %get3A_144 : vector<16xi32>
      %get3A_146 = arith.constant 12 : i32
      %get3A_147 = arith.index_cast %get3A_146 : i32 to index
      %get3A_148 = arith.index_cast %add3A_85 : i32 to index
      %get3A_149 = tpu.vector_load %arg7[%get3A_147, %get3A_148] {strides = array<i32>} : memref<16x640xi32, #tpu.memory_space<vmem>>, vector<16xi32>,
      %add3A_150 = arith.addi %add3A_145, %get3A_149 : vector<16xi32>
      %get3A_151 = arith.constant 13 : i32
      %get3A_152 = arith.index_cast %get3A_151 : i32 to index
      %get3A_153 = arith.index_cast %add3A_85 : i32 to index
      %get3A_154 = tpu.vector_load %arg7[%get3A_152, %get3A_153] {strides = array<i32>} : memref<16x640xi32, #tpu.memory_space<vmem>>, vector<16xi32>,
      %add3A_155 = arith.addi %add3A_150, %get3A_154 : vector<16xi32>
      %get3A_156 = arith.constant 14 : i32
      %get3A_157 = arith.index_cast %get3A_156 : i32 to index
      %get3A_158 = arith.index_cast %add3A_85 : i32 to index
      %get3A_159 = tpu.vector_load %arg7[%get3A_157, %get3A_158] {strides = array<i32>} : memref<16x640xi32, #tpu.memory_space<vmem>>, vector<16xi32>,
      %add3A_160 = arith.addi %add3A_155, %get3A_159 : vector<16xi32>
      %get3A_161 = arith.constant 15 : i32
      %get3A_162 = arith.index_cast %get3A_161 : i32 to index
      %get3A_163 = arith.index_cast %add3A_85 : i32 to index
      %get3A_164 = tpu.vector_load %arg7[%get3A_162, %get3A_163] {strides = array<i32>} : memref<16x640xi32, #tpu.memory_space<vmem>>, vector<16xi32>,
      %add3A_165 = arith.addi %add3A_160, %get3A_164 : vector<16xi32>
      %convert_element_type3A_166 = arith.sitofp %add3A_165 : vector<16xi32> to vector<16xf32>
      %slice3A = vector.extract_strided_slice %convert_element_type3A_166 {offsets = [0], sizes = [1], strides = [1]} : vector<16xf32> to vector<1xf32>
      %squeeze3A = vector.extract %slice3A[0] : f32 from vector<1xf32>
      %broadcast_in_dim3A_167 = vector.broadcast %squeeze3A : f32 to vector<16xf32>
      %add3A_168 = arith.constant 0 : i32
      %add3A_169 = arith.addi %add3A_85, %add3A_168 : i32
      %swap3A = arith.index_cast %add3A_169 : i32 to index
      %swap3A_170 = arith.constant 0 : index
      %swap3A_171 = tpu.vector_load %arg8[%swap3A, %swap3A_170] {strides = array<i32>} : memref<640x16xf32, #tpu.memory_space<vmem>>, vector<16xf32>,
      tpu.vector_store %arg8[%swap3A, %swap3A_170], %broadcast_in_dim3A_167 {strides = array<i32>} : memref<640x16xf32, #tpu.memory_space<vmem>>, vector<16xf32>,
      %slice3A_172 = vector.extract_strided_slice %convert_element_type3A_166 {offsets = [1], sizes = [1], strides = [1]} : vector<16xf32> to vector<1xf32>
      %squeeze3A_173 = vector.extract %slice3A_172[0] : f32 from vector<1xf32>
      %broadcast_in_dim3A_174 = vector.broadcast %squeeze3A_173 : f32 to vector<16xf32>
      %add3A_175 = arith.constant 1 : i32
      %add3A_176 = arith.addi %add3A_85, %add3A_175 : i32
      %swap3A_177 = arith.index_cast %add3A_176 : i32 to index
      %swap3A_178 = arith.constant 0 : index
      %swap3A_179 = tpu.vector_load %arg8[%swap3A_177, %swap3A_178] {strides = array<i32>} : memref<640x16xf32, #tpu.memory_space<vmem>>, vector<16xf32>,
      tpu.vector_store %arg8[%swap3A_177, %swap3A_178], %broadcast_in_dim3A_174 {strides = array<i32>} : memref<640x16xf32, #tpu.memory_space<vmem>>, vector<16xf32>,
      %slice3A_180 = vector.extract_strided_slice %convert_element_type3A_166 {offsets = [2], sizes = [1], strides = [1]} : vector<16xf32> to vector<1xf32>
      %squeeze3A_181 = vector.extract %slice3A_180[0] : f32 from vector<1xf32>
      %broadcast_in_dim3A_182 = vector.broadcast %squeeze3A_181 : f32 to vector<16xf32>
      %add3A_183 = arith.constant 2 : i32
      %add3A_184 = arith.addi %add3A_85, %add3A_183 : i32
      %swap3A_185 = arith.index_cast %add3A_184 : i32 to index
      %swap3A_186 = arith.constant 0 : index
      %swap3A_187 = tpu.vector_load %arg8[%swap3A_185, %swap3A_186] {strides = array<i32>} : memref<640x16xf32, #tpu.memory_space<vmem>>, vector<16xf32>,
      tpu.vector_store %arg8[%swap3A_185, %swap3A_186], %broadcast_in_dim3A_182 {strides = array<i32>} : memref<640x16xf32, #tpu.memory_space<vmem>>, vector<16xf32>,
      %slice3A_188 = vector.extract_strided_slice %convert_element_type3A_166 {offsets = [3], sizes = [1], strides = [1]} : vector<16xf32> to vector<1xf32>
      %squeeze3A_189 = vector.extract %slice3A_188[0] : f32 from vector<1xf32>
      %broadcast_in_dim3A_190 = vector.broadcast %squeeze3A_189 : f32 to vector<16xf32>
      %add3A_191 = arith.constant 3 : i32
      %add3A_192 = arith.addi %add3A_85, %add3A_191 : i32
      %swap3A_193 = arith.index_cast %add3A_192 : i32 to index
      %swap3A_194 = arith.constant 0 : index
      %swap3A_195 = tpu.vector_load %arg8[%swap3A_193, %swap3A_194] {strides = array<i32>} : memref<640x16xf32, #tpu.memory_space<vmem>>, vector<16xf32>,
      tpu.vector_store %arg8[%swap3A_193, %swap3A_194], %broadcast_in_dim3A_190 {strides = array<i32>} : memref<640x16xf32, #tpu.memory_space<vmem>>, vector<16xf32>,
      %slice3A_196 = vector.extract_strided_slice %convert_element_type3A_166 {offsets = [4], sizes = [1], strides = [1]} : vector<16xf32> to vector<1xf32>
      %squeeze3A_197 = vector.extract %slice3A_196[0] : f32 from vector<1xf32>
      %broadcast_in_dim3A_198 = vector.broadcast %squeeze3A_197 : f32 to vector<16xf32>
      %add3A_199 = arith.constant 4 : i32
      %add3A_200 = arith.addi %add3A_85, %add3A_199 : i32
      %swap3A_201 = arith.index_cast %add3A_200 : i32 to index
      %swap3A_202 = arith.constant 0 : index
      %swap3A_203 = tpu.vector_load %arg8[%swap3A_201, %swap3A_202] {strides = array<i32>} : memref<640x16xf32, #tpu.memory_space<vmem>>, vector<16xf32>,
      tpu.vector_store %arg8[%swap3A_201, %swap3A_202], %broadcast_in_dim3A_198 {strides = array<i32>} : memref<640x16xf32, #tpu.memory_space<vmem>>, vector<16xf32>,
      %slice3A_204 = vector.extract_strided_slice %convert_element_type3A_166 {offsets = [5], sizes = [1], strides = [1]} : vector<16xf32> to vector<1xf32>
      %squeeze3A_205 = vector.extract %slice3A_204[0] : f32 from vector<1xf32>
      %broadcast_in_dim3A_206 = vector.broadcast %squeeze3A_205 : f32 to vector<16xf32>
      %add3A_207 = arith.constant 5 : i32
      %add3A_208 = arith.addi %add3A_85, %add3A_207 : i32
      %swap3A_209 = arith.index_cast %add3A_208 : i32 to index
      %swap3A_210 = arith.constant 0 : index
      %swap3A_211 = tpu.vector_load %arg8[%swap3A_209, %swap3A_210] {strides = array<i32>} : memref<640x16xf32, #tpu.memory_space<vmem>>, vector<16xf32>,
      tpu.vector_store %arg8[%swap3A_209, %swap3A_210], %broadcast_in_dim3A_206 {strides = array<i32>} : memref<640x16xf32, #tpu.memory_space<vmem>>, vector<16xf32>,
      %slice3A_212 = vector.extract_strided_slice %convert_element_type3A_166 {offsets = [6], sizes = [1], strides = [1]} : vector<16xf32> to vector<1xf32>
      %squeeze3A_213 = vector.extract %slice3A_212[0] : f32 from vector<1xf32>
      %broadcast_in_dim3A_214 = vector.broadcast %squeeze3A_213 : f32 to vector<16xf32>
      %add3A_215 = arith.constant 6 : i32
      %add3A_216 = arith.addi %add3A_85, %add3A_215 : i32
      %swap3A_217 = arith.index_cast %add3A_216 : i32 to index
      %swap3A_218 = arith.constant 0 : index
      %swap3A_219 = tpu.vector_load %arg8[%swap3A_217, %swap3A_218] {strides = array<i32>} : memref<640x16xf32, #tpu.memory_space<vmem>>, vector<16xf32>,
      tpu.vector_store %arg8[%swap3A_217, %swap3A_218], %broadcast_in_dim3A_214 {strides = array<i32>} : memref<640x16xf32, #tpu.memory_space<vmem>>, vector<16xf32>,
      %slice3A_220 = vector.extract_strided_slice %convert_element_type3A_166 {offsets = [7], sizes = [1], strides = [1]} : vector<16xf32> to vector<1xf32>
      %squeeze3A_221 = vector.extract %slice3A_220[0] : f32 from vector<1xf32>
      %broadcast_in_dim3A_222 = vector.broadcast %squeeze3A_221 : f32 to vector<16xf32>
      %add3A_223 = arith.constant 7 : i32
      %add3A_224 = arith.addi %add3A_85, %add3A_223 : i32
      %swap3A_225 = arith.index_cast %add3A_224 : i32 to index
      %swap3A_226 = arith.constant 0 : index
      %swap3A_227 = tpu.vector_load %arg8[%swap3A_225, %swap3A_226] {strides = array<i32>} : memref<640x16xf32, #tpu.memory_space<vmem>>, vector<16xf32>,
      tpu.vector_store %arg8[%swap3A_225, %swap3A_226], %broadcast_in_dim3A_222 {strides = array<i32>} : memref<640x16xf32, #tpu.memory_space<vmem>>, vector<16xf32>,
      %slice3A_228 = vector.extract_strided_slice %convert_element_type3A_166 {offsets = [8], sizes = [1], strides = [1]} : vector<16xf32> to vector<1xf32>
      %squeeze3A_229 = vector.extract %slice3A_228[0] : f32 from vector<1xf32>
      %broadcast_in_dim3A_230 = vector.broadcast %squeeze3A_229 : f32 to vector<16xf32>
      %add3A_231 = arith.constant 8 : i32
      %add3A_232 = arith.addi %add3A_85, %add3A_231 : i32
      %swap3A_233 = arith.index_cast %add3A_232 : i32 to index
      %swap3A_234 = arith.constant 0 : index
      %swap3A_235 = tpu.vector_load %arg8[%swap3A_233, %swap3A_234] {strides = array<i32>} : memref<640x16xf32, #tpu.memory_space<vmem>>, vector<16xf32>,
      tpu.vector_store %arg8[%swap3A_233, %swap3A_234], %broadcast_in_dim3A_230 {strides = array<i32>} : memref<640x16xf32, #tpu.memory_space<vmem>>, vector<16xf32>,
      %slice3A_236 = vector.extract_strided_slice %convert_element_type3A_166 {offsets = [9], sizes = [1], strides = [1]} : vector<16xf32> to vector<1xf32>
      %squeeze3A_237 = vector.extract %slice3A_236[0] : f32 from vector<1xf32>
      %broadcast_in_dim3A_238 = vector.broadcast %squeeze3A_237 : f32 to vector<16xf32>
      %add3A_239 = arith.constant 9 : i32
      %add3A_240 = arith.addi %add3A_85, %add3A_239 : i32
      %swap3A_241 = arith.index_cast %add3A_240 : i32 to index
      %swap3A_242 = arith.constant 0 : index
      %swap3A_243 = tpu.vector_load %arg8[%swap3A_241, %swap3A_242] {strides = array<i32>} : memref<640x16xf32, #tpu.memory_space<vmem>>, vector<16xf32>,
      tpu.vector_store %arg8[%swap3A_241, %swap3A_242], %broadcast_in_dim3A_238 {strides = array<i32>} : memref<640x16xf32, #tpu.memory_space<vmem>>, vector<16xf32>,
      %slice3A_244 = vector.extract_strided_slice %convert_element_type3A_166 {offsets = [10], sizes = [1], strides = [1]} : vector<16xf32> to vector<1xf32>
      %squeeze3A_245 = vector.extract %slice3A_244[0] : f32 from vector<1xf32>
      %broadcast_in_dim3A_246 = vector.broadcast %squeeze3A_245 : f32 to vector<16xf32>
      %add3A_247 = arith.constant 10 : i32
      %add3A_248 = arith.addi %add3A_85, %add3A_247 : i32
      %swap3A_249 = arith.index_cast %add3A_248 : i32 to index
      %swap3A_250 = arith.constant 0 : index
      %swap3A_251 = tpu.vector_load %arg8[%swap3A_249, %swap3A_250] {strides = array<i32>} : memref<640x16xf32, #tpu.memory_space<vmem>>, vector<16xf32>,
      tpu.vector_store %arg8[%swap3A_249, %swap3A_250], %broadcast_in_dim3A_246 {strides = array<i32>} : memref<640x16xf32, #tpu.memory_space<vmem>>, vector<16xf32>,
      %slice3A_252 = vector.extract_strided_slice %convert_element_type3A_166 {offsets = [11], sizes = [1], strides = [1]} : vector<16xf32> to vector<1xf32>
      %squeeze3A_253 = vector.extract %slice3A_252[0] : f32 from vector<1xf32>
      %broadcast_in_dim3A_254 = vector.broadcast %squeeze3A_253 : f32 to vector<16xf32>
      %add3A_255 = arith.constant 11 : i32
      %add3A_256 = arith.addi %add3A_85, %add3A_255 : i32
      %swap3A_257 = arith.index_cast %add3A_256 : i32 to index
      %swap3A_258 = arith.constant 0 : index
      %swap3A_259 = tpu.vector_load %arg8[%swap3A_257, %swap3A_258] {strides = array<i32>} : memref<640x16xf32, #tpu.memory_space<vmem>>, vector<16xf32>,
      tpu.vector_store %arg8[%swap3A_257, %swap3A_258], %broadcast_in_dim3A_254 {strides = array<i32>} : memref<640x16xf32, #tpu.memory_space<vmem>>, vector<16xf32>,
      %slice3A_260 = vector.extract_strided_slice %convert_element_type3A_166 {offsets = [12], sizes = [1], strides = [1]} : vector<16xf32> to vector<1xf32>
      %squeeze3A_261 = vector.extract %slice3A_260[0] : f32 from vector<1xf32>
      %broadcast_in_dim3A_262 = vector.broadcast %squeeze3A_261 : f32 to vector<16xf32>
      %add3A_263 = arith.constant 12 : i32
      %add3A_264 = arith.addi %add3A_85, %add3A_263 : i32
      %swap3A_265 = arith.index_cast %add3A_264 : i32 to index
      %swap3A_266 = arith.constant 0 : index
      %swap3A_267 = tpu.vector_load %arg8[%swap3A_265, %swap3A_266] {strides = array<i32>} : memref<640x16xf32, #tpu.memory_space<vmem>>, vector<16xf32>,
      tpu.vector_store %arg8[%swap3A_265, %swap3A_266], %broadcast_in_dim3A_262 {strides = array<i32>} : memref<640x16xf32, #tpu.memory_space<vmem>>, vector<16xf32>,
      %slice3A_268 = vector.extract_strided_slice %convert_element_type3A_166 {offsets = [13], sizes = [1], strides = [1]} : vector<16xf32> to vector<1xf32>
      %squeeze3A_269 = vector.extract %slice3A_268[0] : f32 from vector<1xf32>
      %broadcast_in_dim3A_270 = vector.broadcast %squeeze3A_269 : f32 to vector<16xf32>
      %add3A_271 = arith.constant 13 : i32
      %add3A_272 = arith.addi %add3A_85, %add3A_271 : i32
      %swap3A_273 = arith.index_cast %add3A_272 : i32 to index
      %swap3A_274 = arith.constant 0 : index
      %swap3A_275 = tpu.vector_load %arg8[%swap3A_273, %swap3A_274] {strides = array<i32>} : memref<640x16xf32, #tpu.memory_space<vmem>>, vector<16xf32>,
      tpu.vector_store %arg8[%swap3A_273, %swap3A_274], %broadcast_in_dim3A_270 {strides = array<i32>} : memref<640x16xf32, #tpu.memory_space<vmem>>, vector<16xf32>,
      %slice3A_276 = vector.extract_strided_slice %convert_element_type3A_166 {offsets = [14], sizes = [1], strides = [1]} : vector<16xf32> to vector<1xf32>
      %squeeze3A_277 = vector.extract %slice3A_276[0] : f32 from vector<1xf32>
      %broadcast_in_dim3A_278 = vector.broadcast %squeeze3A_277 : f32 to vector<16xf32>
      %add3A_279 = arith.constant 14 : i32
      %add3A_280 = arith.addi %add3A_85, %add3A_279 : i32
      %swap3A_281 = arith.index_cast %add3A_280 : i32 to index
      %swap3A_282 = arith.constant 0 : index
      %swap3A_283 = tpu.vector_load %arg8[%swap3A_281, %swap3A_282] {strides = array<i32>} : memref<640x16xf32, #tpu.memory_space<vmem>>, vector<16xf32>,
      tpu.vector_store %arg8[%swap3A_281, %swap3A_282], %broadcast_in_dim3A_278 {strides = array<i32>} : memref<640x16xf32, #tpu.memory_space<vmem>>, vector<16xf32>,
      %slice3A_284 = vector.extract_strided_slice %convert_element_type3A_166 {offsets = [15], sizes = [1], strides = [1]} : vector<16xf32> to vector<1xf32>
      %squeeze3A_285 = vector.extract %slice3A_284[0] : f32 from vector<1xf32>
      %broadcast_in_dim3A_286 = vector.broadcast %squeeze3A_285 : f32 to vector<16xf32>
      %add3A_287 = arith.constant 15 : i32
      %add3A_288 = arith.addi %add3A_85, %add3A_287 : i32
      %swap3A_289 = arith.index_cast %add3A_288 : i32 to index
      %swap3A_290 = arith.constant 0 : index
      %swap3A_291 = tpu.vector_load %arg8[%swap3A_289, %swap3A_290] {strides = array<i32>} : memref<640x16xf32, #tpu.memory_space<vmem>>, vector<16xf32>,
      tpu.vector_store %arg8[%swap3A_289, %swap3A_290], %broadcast_in_dim3A_286 {strides = array<i32>} : memref<640x16xf32, #tpu.memory_space<vmem>>, vector<16xf32>,
    }
    %scan3A_78 = arith.constant 40 : i32
    %mul3A_79 = arith.constant 640 : i32
    %mul3A_80 = arith.muli %arg1, %mul3A_79 : i32
    "tpu.region"() ({
      %run_scoped3A_81 = tpu.sem_alloc : memref<!tpu.dma_semaphore, #tpu.memory_space<semaphore_mem>>
      %dma_start3A = arith.constant 0 : i32
      %dma_start3A_82 = arith.constant 0 : i32
      %dma_start3A_83 = tpu.memref_slice %arg4[%arg0, %dma_start3A, %dma_start3A_82] : memref<2x10240x16xf32, #tpu.memory_space<hbm>> -> memref<1x10240x16xf32, #tpu.memory_space<hbm>>
      %dma_start3A_84 = tpu.memref_squeeze %dma_start3A_83 : memref<1x10240x16xf32, #tpu.memory_space<hbm>> -> memref<10240x16xf32, #tpu.memory_space<hbm>>
      %dma_start3A_85 = arith.constant 0 : i32
      %dma_start3A_86 = tpu.memref_slice %dma_start3A_84[%mul3A_80, %dma_start3A_85] : memref<10240x16xf32, #tpu.memory_space<hbm>> -> memref<640x16xf32, #tpu.memory_space<hbm>>
      %dma_start3A_87 = arith.constant 0 : i32
      %dma_start3A_88 = arith.constant 0 : i32
      %dma_start3A_89 = tpu.memref_slice %arg4[%arg0, %dma_start3A_87, %dma_start3A_88] : memref<2x10240x16xf32, #tpu.memory_space<hbm>> -> memref<1x10240x16xf32, #tpu.memory_space<hbm>>
      %dma_start3A_90 = tpu.memref_squeeze %dma_start3A_89 : memref<1x10240x16xf32, #tpu.memory_space<hbm>> -> memref<10240x16xf32, #tpu.memory_space<hbm>>
      %dma_start3A_91 = arith.constant 0 : i32
      %dma_start3A_92 = tpu.memref_slice %dma_start3A_90[%mul3A_80, %dma_start3A_91] : memref<10240x16xf32, #tpu.memory_space<hbm>> -> memref<640x16xf32, #tpu.memory_space<hbm>>
      tpu.enqueue_dma source(%arg8 : memref<640x16xf32, #tpu.memory_space<vmem>>) target(%dma_start3A_92 : memref<640x16xf32, #tpu.memory_space<hbm>>) target_semaphore(%run_scoped3A_81 : memref<!tpu.dma_semaphore, #tpu.memory_space<semaphore_mem>>)
      %dma_wait3A = arith.constant 0 : i32
      %dma_wait3A_93 = arith.constant 0 : i32
      %dma_wait3A_94 = tpu.memref_slice %arg4[%arg0, %dma_wait3A, %dma_wait3A_93] : memref<2x10240x16xf32, #tpu.memory_space<hbm>> -> memref<1x10240x16xf32, #tpu.memory_space<hbm>>
      %dma_wait3A_95 = tpu.memref_squeeze %dma_wait3A_94 : memref<1x10240x16xf32, #tpu.memory_space<hbm>> -> memref<10240x16xf32, #tpu.memory_space<hbm>>
      %dma_wait3A_96 = arith.constant 0 : i32
      %dma_wait3A_97 = tpu.memref_slice %dma_wait3A_95[%mul3A_80, %dma_wait3A_96] : memref<10240x16xf32, #tpu.memory_space<hbm>> -> memref<640x16xf32, #tpu.memory_space<hbm>>
      %dma_wait3A_98 = arith.constant 0 : i32
      %dma_wait3A_99 = arith.constant 0 : i32
      %dma_wait3A_100 = tpu.memref_slice %arg4[%arg0, %dma_wait3A_98, %dma_wait3A_99] : memref<2x10240x16xf32, #tpu.memory_space<hbm>> -> memref<1x10240x16xf32, #tpu.memory_space<hbm>>
      %dma_wait3A_101 = tpu.memref_squeeze %dma_wait3A_100 : memref<1x10240x16xf32, #tpu.memory_space<hbm>> -> memref<10240x16xf32, #tpu.memory_space<hbm>>
      %dma_wait3A_102 = arith.constant 0 : i32
      %dma_wait3A_103 = tpu.memref_slice %dma_wait3A_101[%mul3A_80, %dma_wait3A_102] : memref<10240x16xf32, #tpu.memory_space<hbm>> -> memref<640x16xf32, #tpu.memory_space<hbm>>
      tpu.wait_dma2 semaphore(%run_scoped3A_81 : memref<!tpu.dma_semaphore, #tpu.memory_space<semaphore_mem>>) src(%arg8 : memref<640x16xf32, #tpu.memory_space<vmem>>) dst(%dma_wait3A_103 : memref<640x16xf32, #tpu.memory_space<hbm>>)
      tpu.yield
    }) : () -> ()
    return
  }
}

#map = affine_map<(d0, d1) -> (0, 0)>
#map1 = affine_map<(d0, d1) -> (0, 0, 0)>
module attributes {stable_mosaic.version = 14 : i64} {
  func.func @_agg_body(%arg0: i32, %arg1: i32, %arg2: memref<10000x128xf32, #tpu.memory_space<hbm>>, %arg3: memref<2500x2x128xi32, #tpu.memory_space<hbm>>, %arg4: memref<80x2x128xi32, #tpu.memory_space<hbm>>, %arg5: memref<2x10240x128xf32, #tpu.memory_space<hbm>>, %arg6: memref<40x2x128xi32, #tpu.memory_space<vmem>>, %arg7: memref<128x128xf32, #tpu.memory_space<vmem>>, %arg8: memref<128x128xf32, #tpu.memory_space<vmem>>, %arg9: memref<!tpu.dma_semaphore, #tpu.memory_space<semaphore_mem>>, %arg10: memref<!tpu.dma_semaphore, #tpu.memory_space<semaphore_mem>>, %arg11: memref<10240x128xf32, #tpu.memory_space<vmem_shared>>) attributes {dimension_semantics = [#tpu.dimension_semantics<core_parallel>, #tpu.dimension_semantics<subcore_parallel>], iteration_bounds = array<i64: 2, 16>, scalar_prefetch = 0 : i64, scratch_operands = 6 : i64, tpu.core_type = #tpu.core_type<sc_vector_subcore>, window_params = [{transform_indices = #map}, {transform_indices = #map1}, {transform_indices = #map1}, {transform_indices = #map1}]} {
    %mul3A = arith.constant 2 : i32
    %mul3A_0 = arith.muli %arg1, %mul3A : i32
    %add3A = arith.addi %mul3A_0, %arg0 : i32
    %scan3A = arith.constant 0 : i32
    %scan3A_1 = arith.constant 128 : i32
    %scan3A_2 = arith.addi %scan3A, %scan3A_1 : i32
    %scan3A_3 = arith.constant 1 : i32
    scf.for %scan3A_21 = %scan3A to %scan3A_2 step %scan3A_3  : i32 {
      %mul3A_22 = arith.constant 1 : i32
      %mul3A_23 = arith.muli %scan3A_21, %mul3A_22 : i32
      %add3A_24 = arith.constant 0 : i32
      %add3A_25 = arith.addi %add3A_24, %mul3A_23 : i32
      %broadcast_in_dim3A = arith.constant 0.000000e+00 : f32
      %broadcast_in_dim3A_26 = vector.broadcast %broadcast_in_dim3A : f32 to vector<16xf32>
      %swap3A = arith.index_cast %add3A_25 : i32 to index
      %swap3A_27 = arith.constant 0 : index
      %swap3A_28 = tpu.vector_load %arg7[%swap3A, %swap3A_27] {strides = array<i32>} : memref<128x128xf32, #tpu.memory_space<vmem>>, vector<1x16xf32>,
      %swap3A_29 = vector.shape_cast %swap3A_28 : vector<1x16xf32> to vector<16xf32>
      %swap3A_30 = vector.shape_cast %broadcast_in_dim3A_26 : vector<16xf32> to vector<1x16xf32>
      tpu.vector_store %arg7[%swap3A, %swap3A_27], %swap3A_30 {strides = array<i32>} : memref<128x128xf32, #tpu.memory_space<vmem>>, vector<1x16xf32>,
      %broadcast_in_dim3A_31 = arith.constant 0.000000e+00 : f32
      %broadcast_in_dim3A_32 = vector.broadcast %broadcast_in_dim3A_31 : f32 to vector<16xf32>
      %swap3A_33 = arith.index_cast %add3A_25 : i32 to index
      %swap3A_34 = arith.constant 16 : index
      %swap3A_35 = tpu.vector_load %arg7[%swap3A_33, %swap3A_34] {strides = array<i32>} : memref<128x128xf32, #tpu.memory_space<vmem>>, vector<1x16xf32>,
      %swap3A_36 = vector.shape_cast %swap3A_35 : vector<1x16xf32> to vector<16xf32>
      %swap3A_37 = vector.shape_cast %broadcast_in_dim3A_32 : vector<16xf32> to vector<1x16xf32>
      tpu.vector_store %arg7[%swap3A_33, %swap3A_34], %swap3A_37 {strides = array<i32>} : memref<128x128xf32, #tpu.memory_space<vmem>>, vector<1x16xf32>,
      %broadcast_in_dim3A_38 = arith.constant 0.000000e+00 : f32
      %broadcast_in_dim3A_39 = vector.broadcast %broadcast_in_dim3A_38 : f32 to vector<16xf32>
      %swap3A_40 = arith.index_cast %add3A_25 : i32 to index
      %swap3A_41 = arith.constant 32 : index
      %swap3A_42 = tpu.vector_load %arg7[%swap3A_40, %swap3A_41] {strides = array<i32>} : memref<128x128xf32, #tpu.memory_space<vmem>>, vector<1x16xf32>,
      %swap3A_43 = vector.shape_cast %swap3A_42 : vector<1x16xf32> to vector<16xf32>
      %swap3A_44 = vector.shape_cast %broadcast_in_dim3A_39 : vector<16xf32> to vector<1x16xf32>
      tpu.vector_store %arg7[%swap3A_40, %swap3A_41], %swap3A_44 {strides = array<i32>} : memref<128x128xf32, #tpu.memory_space<vmem>>, vector<1x16xf32>,
      %broadcast_in_dim3A_45 = arith.constant 0.000000e+00 : f32
      %broadcast_in_dim3A_46 = vector.broadcast %broadcast_in_dim3A_45 : f32 to vector<16xf32>
      %swap3A_47 = arith.index_cast %add3A_25 : i32 to index
      %swap3A_48 = arith.constant 48 : index
      %swap3A_49 = tpu.vector_load %arg7[%swap3A_47, %swap3A_48] {strides = array<i32>} : memref<128x128xf32, #tpu.memory_space<vmem>>, vector<1x16xf32>,
      %swap3A_50 = vector.shape_cast %swap3A_49 : vector<1x16xf32> to vector<16xf32>
      %swap3A_51 = vector.shape_cast %broadcast_in_dim3A_46 : vector<16xf32> to vector<1x16xf32>
      tpu.vector_store %arg7[%swap3A_47, %swap3A_48], %swap3A_51 {strides = array<i32>} : memref<128x128xf32, #tpu.memory_space<vmem>>, vector<1x16xf32>,
      %broadcast_in_dim3A_52 = arith.constant 0.000000e+00 : f32
      %broadcast_in_dim3A_53 = vector.broadcast %broadcast_in_dim3A_52 : f32 to vector<16xf32>
      %swap3A_54 = arith.index_cast %add3A_25 : i32 to index
      %swap3A_55 = arith.constant 64 : index
      %swap3A_56 = tpu.vector_load %arg7[%swap3A_54, %swap3A_55] {strides = array<i32>} : memref<128x128xf32, #tpu.memory_space<vmem>>, vector<1x16xf32>,
      %swap3A_57 = vector.shape_cast %swap3A_56 : vector<1x16xf32> to vector<16xf32>
      %swap3A_58 = vector.shape_cast %broadcast_in_dim3A_53 : vector<16xf32> to vector<1x16xf32>
      tpu.vector_store %arg7[%swap3A_54, %swap3A_55], %swap3A_58 {strides = array<i32>} : memref<128x128xf32, #tpu.memory_space<vmem>>, vector<1x16xf32>,
      %broadcast_in_dim3A_59 = arith.constant 0.000000e+00 : f32
      %broadcast_in_dim3A_60 = vector.broadcast %broadcast_in_dim3A_59 : f32 to vector<16xf32>
      %swap3A_61 = arith.index_cast %add3A_25 : i32 to index
      %swap3A_62 = arith.constant 80 : index
      %swap3A_63 = tpu.vector_load %arg7[%swap3A_61, %swap3A_62] {strides = array<i32>} : memref<128x128xf32, #tpu.memory_space<vmem>>, vector<1x16xf32>,
      %swap3A_64 = vector.shape_cast %swap3A_63 : vector<1x16xf32> to vector<16xf32>
      %swap3A_65 = vector.shape_cast %broadcast_in_dim3A_60 : vector<16xf32> to vector<1x16xf32>
      tpu.vector_store %arg7[%swap3A_61, %swap3A_62], %swap3A_65 {strides = array<i32>} : memref<128x128xf32, #tpu.memory_space<vmem>>, vector<1x16xf32>,
      %broadcast_in_dim3A_66 = arith.constant 0.000000e+00 : f32
      %broadcast_in_dim3A_67 = vector.broadcast %broadcast_in_dim3A_66 : f32 to vector<16xf32>
      %swap3A_68 = arith.index_cast %add3A_25 : i32 to index
      %swap3A_69 = arith.constant 96 : index
      %swap3A_70 = tpu.vector_load %arg7[%swap3A_68, %swap3A_69] {strides = array<i32>} : memref<128x128xf32, #tpu.memory_space<vmem>>, vector<1x16xf32>,
      %swap3A_71 = vector.shape_cast %swap3A_70 : vector<1x16xf32> to vector<16xf32>
      %swap3A_72 = vector.shape_cast %broadcast_in_dim3A_67 : vector<16xf32> to vector<1x16xf32>
      tpu.vector_store %arg7[%swap3A_68, %swap3A_69], %swap3A_72 {strides = array<i32>} : memref<128x128xf32, #tpu.memory_space<vmem>>, vector<1x16xf32>,
      %broadcast_in_dim3A_73 = arith.constant 0.000000e+00 : f32
      %broadcast_in_dim3A_74 = vector.broadcast %broadcast_in_dim3A_73 : f32 to vector<16xf32>
      %swap3A_75 = arith.index_cast %add3A_25 : i32 to index
      %swap3A_76 = arith.constant 112 : index
      %swap3A_77 = tpu.vector_load %arg7[%swap3A_75, %swap3A_76] {strides = array<i32>} : memref<128x128xf32, #tpu.memory_space<vmem>>, vector<1x16xf32>,
      %swap3A_78 = vector.shape_cast %swap3A_77 : vector<1x16xf32> to vector<16xf32>
      %swap3A_79 = vector.shape_cast %broadcast_in_dim3A_74 : vector<16xf32> to vector<1x16xf32>
      tpu.vector_store %arg7[%swap3A_75, %swap3A_76], %swap3A_79 {strides = array<i32>} : memref<128x128xf32, #tpu.memory_space<vmem>>, vector<1x16xf32>,
    }
    %scan3A_4 = arith.constant 128 : i32
    %scan3A_5 = arith.constant 0 : i32
    %scan3A_6 = arith.constant 5 : i32
    %scan3A_7 = arith.addi %scan3A_5, %scan3A_6 : i32
    %scan3A_8 = arith.constant 1 : i32
    scf.for %scan3A_21 = %scan3A_5 to %scan3A_7 step %scan3A_8  : i32 {
      %mul3A_22 = arith.constant 1 : i32
      %mul3A_23 = arith.muli %scan3A_21, %mul3A_22 : i32
      %add3A_24 = arith.constant 0 : i32
      %add3A_25 = arith.addi %add3A_24, %mul3A_23 : i32
      %mul3A_26 = arith.constant 640 : i32
      %mul3A_27 = arith.muli %arg1, %mul3A_26 : i32
      %mul3A_28 = arith.constant 128 : i32
      %mul3A_29 = arith.muli %add3A_25, %mul3A_28 : i32
      %add3A_30 = arith.addi %mul3A_27, %mul3A_29 : i32
      "tpu.region"() ({
        %run_scoped3A = tpu.sem_alloc : memref<!tpu.dma_semaphore, #tpu.memory_space<semaphore_mem>>
        %dma_start3A = arith.constant 0 : i32
        %dma_start3A_31 = tpu.memref_slice %arg11[%add3A_30, %dma_start3A] : memref<10240x128xf32, #tpu.memory_space<vmem_shared>> -> memref<128x128xf32, #tpu.memory_space<vmem_shared>>
        %dma_start3A_32 = arith.constant 0 : i32
        %dma_start3A_33 = tpu.memref_slice %arg11[%add3A_30, %dma_start3A_32] : memref<10240x128xf32, #tpu.memory_space<vmem_shared>> -> memref<128x128xf32, #tpu.memory_space<vmem_shared>>
        tpu.enqueue_dma source(%arg7 : memref<128x128xf32, #tpu.memory_space<vmem>>) target(%dma_start3A_33 : memref<128x128xf32, #tpu.memory_space<vmem_shared>>) target_semaphore(%run_scoped3A : memref<!tpu.dma_semaphore, #tpu.memory_space<semaphore_mem>>)
        %dma_wait3A = arith.constant 0 : i32
        %dma_wait3A_34 = tpu.memref_slice %arg11[%add3A_30, %dma_wait3A] : memref<10240x128xf32, #tpu.memory_space<vmem_shared>> -> memref<128x128xf32, #tpu.memory_space<vmem_shared>>
        %dma_wait3A_35 = arith.constant 0 : i32
        %dma_wait3A_36 = tpu.memref_slice %arg11[%add3A_30, %dma_wait3A_35] : memref<10240x128xf32, #tpu.memory_space<vmem_shared>> -> memref<128x128xf32, #tpu.memory_space<vmem_shared>>
        tpu.wait_dma2 semaphore(%run_scoped3A : memref<!tpu.dma_semaphore, #tpu.memory_space<semaphore_mem>>) src(%arg7 : memref<128x128xf32, #tpu.memory_space<vmem>>) dst(%dma_wait3A_36 : memref<128x128xf32, #tpu.memory_space<vmem_shared>>)
        tpu.yield
      }) : () -> ()
    }
    %scan3A_9 = arith.constant 5 : i32
    %barrier3A = arith.constant 0 : index
    tpu.barrier barrier_id(%barrier3A)
    %lt3A = arith.constant 31 : i32
    %lt3A_10 = arith.cmpi slt, %add3A, %lt3A : i32
    %convert_element_type3A = arith.extui %lt3A_10 : i1 to i32
    %cond3A = arith.constant 0 : i32
    %cond3A_11 = arith.cmpi ne, %convert_element_type3A, %cond3A : i32
    scf.if %cond3A_11 {
      %mul3A_21 = arith.constant 80 : i32
      %mul3A_22 = arith.muli %add3A, %mul3A_21 : i32
      %scan3A_23 = arith.constant 0 : i32
      %scan3A_24 = arith.constant 2 : i32
      %scan3A_25 = arith.addi %scan3A_23, %scan3A_24 : i32
      %scan3A_26 = arith.constant 1 : i32
      scf.for %scan3A_28 = %scan3A_23 to %scan3A_25 step %scan3A_26  : i32 {
        %mul3A_29 = arith.constant 1 : i32
        %mul3A_30 = arith.muli %scan3A_28, %mul3A_29 : i32
        %add3A_31 = arith.constant 0 : i32
        %add3A_32 = arith.addi %add3A_31, %mul3A_30 : i32
        %mul3A_33 = arith.constant 40 : i32
        %mul3A_34 = arith.muli %add3A_32, %mul3A_33 : i32
        %add3A_35 = arith.addi %mul3A_22, %mul3A_34 : i32
        "tpu.region"() ({
          %run_scoped3A = tpu.sem_alloc : memref<!tpu.dma_semaphore, #tpu.memory_space<semaphore_mem>>
          %dma_start3A_56 = arith.constant 0 : i32
          %dma_start3A_57 = arith.constant 0 : i32
          %dma_start3A_58 = tpu.memref_slice %arg3[%add3A_35, %dma_start3A_56, %dma_start3A_57] : memref<2500x2x128xi32, #tpu.memory_space<hbm>> -> memref<40x2x128xi32, #tpu.memory_space<hbm>>
          %dma_start3A_59 = arith.constant 0 : i32
          %dma_start3A_60 = arith.constant 0 : i32
          %dma_start3A_61 = tpu.memref_slice %arg3[%add3A_35, %dma_start3A_59, %dma_start3A_60] : memref<2500x2x128xi32, #tpu.memory_space<hbm>> -> memref<40x2x128xi32, #tpu.memory_space<hbm>>
          tpu.enqueue_dma source(%dma_start3A_61 : memref<40x2x128xi32, #tpu.memory_space<hbm>>) target(%arg6 : memref<40x2x128xi32, #tpu.memory_space<vmem>>) target_semaphore(%run_scoped3A : memref<!tpu.dma_semaphore, #tpu.memory_space<semaphore_mem>>)
          %dma_wait3A = arith.constant 0 : i32
          %dma_wait3A_62 = arith.constant 0 : i32
          %dma_wait3A_63 = tpu.memref_slice %arg3[%add3A_35, %dma_wait3A, %dma_wait3A_62] : memref<2500x2x128xi32, #tpu.memory_space<hbm>> -> memref<40x2x128xi32, #tpu.memory_space<hbm>>
          %dma_wait3A_64 = arith.constant 0 : i32
          %dma_wait3A_65 = arith.constant 0 : i32
          %dma_wait3A_66 = tpu.memref_slice %arg3[%add3A_35, %dma_wait3A_64, %dma_wait3A_65] : memref<2500x2x128xi32, #tpu.memory_space<hbm>> -> memref<40x2x128xi32, #tpu.memory_space<hbm>>
          tpu.wait_dma2 semaphore(%run_scoped3A : memref<!tpu.dma_semaphore, #tpu.memory_space<semaphore_mem>>) src(%dma_wait3A_66 : memref<40x2x128xi32, #tpu.memory_space<hbm>>) dst(%arg6 : memref<40x2x128xi32, #tpu.memory_space<vmem>>)
          tpu.yield
        }) : () -> ()
        %dma_start3A = arith.constant 0 : i32
        %dma_start3A_36 = arith.constant 0 : i32
        %dma_start3A_37 = arith.constant 0 : i32
        %dma_start3A_38 = tpu.memref_slice %arg6[%dma_start3A, %dma_start3A_36, %dma_start3A_37] : memref<40x2x128xi32, #tpu.memory_space<vmem>> -> memref<1x1x128xi32, #tpu.memory_space<vmem>>
        %dma_start3A_39 = tpu.memref_squeeze %dma_start3A_38 : memref<1x1x128xi32, #tpu.memory_space<vmem>> -> memref<128xi32, #tpu.memory_space<vmem>>
        %dma_start3A_40 = arith.constant 0 : i32
        %dma_start3A_41 = arith.constant 0 : i32
        %dma_start3A_42 = tpu.memref_slice %arg2[%dma_start3A_40, %dma_start3A_41] : memref<10000x128xf32, #tpu.memory_space<hbm>> -> memref<10000x128xf32, #tpu.memory_space<hbm>>
        tpu.enqueue_indirect_dma source(%dma_start3A_42 : memref<10000x128xf32, #tpu.memory_space<hbm>>) target(%arg7 : memref<128x128xf32, #tpu.memory_space<vmem>>) offsets(%dma_start3A_39 : memref<128xi32, #tpu.memory_space<vmem>>) semaphore(%arg9 : memref<!tpu.dma_semaphore, #tpu.memory_space<semaphore_mem>>)
        %dma_start3A_43 = arith.constant 1 : i32
        %dma_start3A_44 = arith.constant 0 : i32
        %dma_start3A_45 = arith.constant 0 : i32
        %dma_start3A_46 = tpu.memref_slice %arg6[%dma_start3A_43, %dma_start3A_44, %dma_start3A_45] : memref<40x2x128xi32, #tpu.memory_space<vmem>> -> memref<1x1x128xi32, #tpu.memory_space<vmem>>
        %dma_start3A_47 = tpu.memref_squeeze %dma_start3A_46 : memref<1x1x128xi32, #tpu.memory_space<vmem>> -> memref<128xi32, #tpu.memory_space<vmem>>
        %dma_start3A_48 = arith.constant 0 : i32
        %dma_start3A_49 = arith.constant 0 : i32
        %dma_start3A_50 = tpu.memref_slice %arg2[%dma_start3A_48, %dma_start3A_49] : memref<10000x128xf32, #tpu.memory_space<hbm>> -> memref<10000x128xf32, #tpu.memory_space<hbm>>
        tpu.enqueue_indirect_dma source(%dma_start3A_50 : memref<10000x128xf32, #tpu.memory_space<hbm>>) target(%arg8 : memref<128x128xf32, #tpu.memory_space<vmem>>) offsets(%dma_start3A_47 : memref<128xi32, #tpu.memory_space<vmem>>) semaphore(%arg10 : memref<!tpu.dma_semaphore, #tpu.memory_space<semaphore_mem>>)
        %scan3A_51 = arith.constant 0 : i32
        %scan3A_52 = arith.constant 20 : i32
        %scan3A_53 = arith.addi %scan3A_51, %scan3A_52 : i32
        %scan3A_54 = arith.constant 1 : i32
        scf.for %scan3A_56 = %scan3A_51 to %scan3A_53 step %scan3A_54  : i32 {
          %mul3A_57 = arith.constant 2 : i32
          %mul3A_58 = arith.muli %scan3A_56, %mul3A_57 : i32
          %add3A_59 = arith.constant 0 : i32
          %add3A_60 = arith.addi %add3A_59, %mul3A_58 : i32
          %add3A_61 = arith.constant 0 : i32
          %add3A_62 = arith.addi %add3A_60, %add3A_61 : i32
          %dma_wait3A = arith.constant 0 : i32
          %dma_wait3A_63 = arith.constant 0 : i32
          %dma_wait3A_64 = tpu.memref_slice %arg6[%add3A_62, %dma_wait3A, %dma_wait3A_63] : memref<40x2x128xi32, #tpu.memory_space<vmem>> -> memref<1x1x128xi32, #tpu.memory_space<vmem>>
          %dma_wait3A_65 = tpu.memref_squeeze %dma_wait3A_64 : memref<1x1x128xi32, #tpu.memory_space<vmem>> -> memref<128xi32, #tpu.memory_space<vmem>>
          %dma_wait3A_66 = arith.constant 0 : i32
          %dma_wait3A_67 = arith.constant 0 : i32
          %dma_wait3A_68 = tpu.memref_slice %arg2[%dma_wait3A_66, %dma_wait3A_67] : memref<10000x128xf32, #tpu.memory_space<hbm>> -> memref<10000x128xf32, #tpu.memory_space<hbm>>
          tpu.wait_indirect_dma semaphore(%arg9 : memref<!tpu.dma_semaphore, #tpu.memory_space<semaphore_mem>>) src(%dma_wait3A_68 : memref<10000x128xf32, #tpu.memory_space<hbm>>) dst(%arg7 : memref<128x128xf32, #tpu.memory_space<vmem>>)
          %run_scoped3A = arith.constant 1 : i32
          "tpu.region"() ({
            %run_scoped3A_93 = tpu.sem_alloc : memref<!tpu.dma_semaphore, #tpu.memory_space<semaphore_mem>>
            %dma_start3A_94 = arith.constant 0 : i32
            %dma_start3A_95 = tpu.memref_slice %arg6[%add3A_62, %run_scoped3A, %dma_start3A_94] : memref<40x2x128xi32, #tpu.memory_space<vmem>> -> memref<1x1x128xi32, #tpu.memory_space<vmem>>
            %dma_start3A_96 = tpu.memref_squeeze %dma_start3A_95 : memref<1x1x128xi32, #tpu.memory_space<vmem>> -> memref<128xi32, #tpu.memory_space<vmem>>
            %dma_start3A_97 = arith.constant 0 : i32
            %dma_start3A_98 = arith.constant 0 : i32
            %dma_start3A_99 = tpu.memref_slice %arg11[%dma_start3A_97, %dma_start3A_98] : memref<10240x128xf32, #tpu.memory_space<vmem_shared>> -> memref<10240x128xf32, #tpu.memory_space<vmem_shared>>
            tpu.enqueue_indirect_dma source(%arg7 : memref<128x128xf32, #tpu.memory_space<vmem>>) target(%dma_start3A_99 : memref<10240x128xf32, #tpu.memory_space<vmem_shared>>) offsets(%dma_start3A_96 : memref<128xi32, #tpu.memory_space<vmem>>) semaphore(%run_scoped3A_93 : memref<!tpu.dma_semaphore, #tpu.memory_space<semaphore_mem>>) {add = true}
            %dma_wait3A_100 = arith.constant 0 : i32
            %dma_wait3A_101 = tpu.memref_slice %arg6[%add3A_62, %run_scoped3A, %dma_wait3A_100] : memref<40x2x128xi32, #tpu.memory_space<vmem>> -> memref<1x1x128xi32, #tpu.memory_space<vmem>>
            %dma_wait3A_102 = tpu.memref_squeeze %dma_wait3A_101 : memref<1x1x128xi32, #tpu.memory_space<vmem>> -> memref<128xi32, #tpu.memory_space<vmem>>
            %dma_wait3A_103 = arith.constant 0 : i32
            %dma_wait3A_104 = arith.constant 0 : i32
            %dma_wait3A_105 = tpu.memref_slice %arg11[%dma_wait3A_103, %dma_wait3A_104] : memref<10240x128xf32, #tpu.memory_space<vmem_shared>> -> memref<10240x128xf32, #tpu.memory_space<vmem_shared>>
            tpu.wait_indirect_dma semaphore(%run_scoped3A_93 : memref<!tpu.dma_semaphore, #tpu.memory_space<semaphore_mem>>) src(%arg7 : memref<128x128xf32, #tpu.memory_space<vmem>>) dst(%dma_wait3A_105 : memref<10240x128xf32, #tpu.memory_space<vmem_shared>>)
            tpu.yield
          }) : () -> ()
          %add3A_69 = arith.constant 2 : i32
          %add3A_70 = arith.addi %add3A_62, %add3A_69 : i32
          %lt3A_71 = arith.constant 40 : i32
          %lt3A_72 = arith.cmpi slt, %add3A_70, %lt3A_71 : i32
          %convert_element_type3A_73 = arith.extui %lt3A_72 : i1 to i32
          %cond3A_74 = arith.constant 0 : i32
          %cond3A_75 = arith.cmpi ne, %convert_element_type3A_73, %cond3A_74 : i32
          scf.if %cond3A_75 {
            %add3A_93 = arith.constant 2 : i32
            %add3A_94 = arith.addi %add3A_62, %add3A_93 : i32
            %dma_start3A_95 = arith.constant 0 : i32
            %dma_start3A_96 = arith.constant 0 : i32
            %dma_start3A_97 = tpu.memref_slice %arg6[%add3A_94, %dma_start3A_95, %dma_start3A_96] : memref<40x2x128xi32, #tpu.memory_space<vmem>> -> memref<1x1x128xi32, #tpu.memory_space<vmem>>
            %dma_start3A_98 = tpu.memref_squeeze %dma_start3A_97 : memref<1x1x128xi32, #tpu.memory_space<vmem>> -> memref<128xi32, #tpu.memory_space<vmem>>
            %dma_start3A_99 = arith.constant 0 : i32
            %dma_start3A_100 = arith.constant 0 : i32
            %dma_start3A_101 = tpu.memref_slice %arg2[%dma_start3A_99, %dma_start3A_100] : memref<10000x128xf32, #tpu.memory_space<hbm>> -> memref<10000x128xf32, #tpu.memory_space<hbm>>
            tpu.enqueue_indirect_dma source(%dma_start3A_101 : memref<10000x128xf32, #tpu.memory_space<hbm>>) target(%arg7 : memref<128x128xf32, #tpu.memory_space<vmem>>) offsets(%dma_start3A_98 : memref<128xi32, #tpu.memory_space<vmem>>) semaphore(%arg9 : memref<!tpu.dma_semaphore, #tpu.memory_space<semaphore_mem>>)
          } else {
          }
          %add3A_76 = arith.constant 1 : i32
          %add3A_77 = arith.addi %add3A_60, %add3A_76 : i32
          %dma_wait3A_78 = arith.constant 0 : i32
          %dma_wait3A_79 = arith.constant 0 : i32
          %dma_wait3A_80 = tpu.memref_slice %arg6[%add3A_77, %dma_wait3A_78, %dma_wait3A_79] : memref<40x2x128xi32, #tpu.memory_space<vmem>> -> memref<1x1x128xi32, #tpu.memory_space<vmem>>
          %dma_wait3A_81 = tpu.memref_squeeze %dma_wait3A_80 : memref<1x1x128xi32, #tpu.memory_space<vmem>> -> memref<128xi32, #tpu.memory_space<vmem>>
          %dma_wait3A_82 = arith.constant 0 : i32
          %dma_wait3A_83 = arith.constant 0 : i32
          %dma_wait3A_84 = tpu.memref_slice %arg2[%dma_wait3A_82, %dma_wait3A_83] : memref<10000x128xf32, #tpu.memory_space<hbm>> -> memref<10000x128xf32, #tpu.memory_space<hbm>>
          tpu.wait_indirect_dma semaphore(%arg10 : memref<!tpu.dma_semaphore, #tpu.memory_space<semaphore_mem>>) src(%dma_wait3A_84 : memref<10000x128xf32, #tpu.memory_space<hbm>>) dst(%arg8 : memref<128x128xf32, #tpu.memory_space<vmem>>)
          %run_scoped3A_85 = arith.constant 1 : i32
          "tpu.region"() ({
            %run_scoped3A_93 = tpu.sem_alloc : memref<!tpu.dma_semaphore, #tpu.memory_space<semaphore_mem>>
            %dma_start3A_94 = arith.constant 0 : i32
            %dma_start3A_95 = tpu.memref_slice %arg6[%add3A_77, %run_scoped3A_85, %dma_start3A_94] : memref<40x2x128xi32, #tpu.memory_space<vmem>> -> memref<1x1x128xi32, #tpu.memory_space<vmem>>
            %dma_start3A_96 = tpu.memref_squeeze %dma_start3A_95 : memref<1x1x128xi32, #tpu.memory_space<vmem>> -> memref<128xi32, #tpu.memory_space<vmem>>
            %dma_start3A_97 = arith.constant 0 : i32
            %dma_start3A_98 = arith.constant 0 : i32
            %dma_start3A_99 = tpu.memref_slice %arg11[%dma_start3A_97, %dma_start3A_98] : memref<10240x128xf32, #tpu.memory_space<vmem_shared>> -> memref<10240x128xf32, #tpu.memory_space<vmem_shared>>
            tpu.enqueue_indirect_dma source(%arg8 : memref<128x128xf32, #tpu.memory_space<vmem>>) target(%dma_start3A_99 : memref<10240x128xf32, #tpu.memory_space<vmem_shared>>) offsets(%dma_start3A_96 : memref<128xi32, #tpu.memory_space<vmem>>) semaphore(%run_scoped3A_93 : memref<!tpu.dma_semaphore, #tpu.memory_space<semaphore_mem>>) {add = true}
            %dma_wait3A_100 = arith.constant 0 : i32
            %dma_wait3A_101 = tpu.memref_slice %arg6[%add3A_77, %run_scoped3A_85, %dma_wait3A_100] : memref<40x2x128xi32, #tpu.memory_space<vmem>> -> memref<1x1x128xi32, #tpu.memory_space<vmem>>
            %dma_wait3A_102 = tpu.memref_squeeze %dma_wait3A_101 : memref<1x1x128xi32, #tpu.memory_space<vmem>> -> memref<128xi32, #tpu.memory_space<vmem>>
            %dma_wait3A_103 = arith.constant 0 : i32
            %dma_wait3A_104 = arith.constant 0 : i32
            %dma_wait3A_105 = tpu.memref_slice %arg11[%dma_wait3A_103, %dma_wait3A_104] : memref<10240x128xf32, #tpu.memory_space<vmem_shared>> -> memref<10240x128xf32, #tpu.memory_space<vmem_shared>>
            tpu.wait_indirect_dma semaphore(%run_scoped3A_93 : memref<!tpu.dma_semaphore, #tpu.memory_space<semaphore_mem>>) src(%arg8 : memref<128x128xf32, #tpu.memory_space<vmem>>) dst(%dma_wait3A_105 : memref<10240x128xf32, #tpu.memory_space<vmem_shared>>)
            tpu.yield
          }) : () -> ()
          %add3A_86 = arith.constant 2 : i32
          %add3A_87 = arith.addi %add3A_77, %add3A_86 : i32
          %lt3A_88 = arith.constant 40 : i32
          %lt3A_89 = arith.cmpi slt, %add3A_87, %lt3A_88 : i32
          %convert_element_type3A_90 = arith.extui %lt3A_89 : i1 to i32
          %cond3A_91 = arith.constant 0 : i32
          %cond3A_92 = arith.cmpi ne, %convert_element_type3A_90, %cond3A_91 : i32
          scf.if %cond3A_92 {
            %add3A_93 = arith.constant 2 : i32
            %add3A_94 = arith.addi %add3A_77, %add3A_93 : i32
            %dma_start3A_95 = arith.constant 0 : i32
            %dma_start3A_96 = arith.constant 0 : i32
            %dma_start3A_97 = tpu.memref_slice %arg6[%add3A_94, %dma_start3A_95, %dma_start3A_96] : memref<40x2x128xi32, #tpu.memory_space<vmem>> -> memref<1x1x128xi32, #tpu.memory_space<vmem>>
            %dma_start3A_98 = tpu.memref_squeeze %dma_start3A_97 : memref<1x1x128xi32, #tpu.memory_space<vmem>> -> memref<128xi32, #tpu.memory_space<vmem>>
            %dma_start3A_99 = arith.constant 0 : i32
            %dma_start3A_100 = arith.constant 0 : i32
            %dma_start3A_101 = tpu.memref_slice %arg2[%dma_start3A_99, %dma_start3A_100] : memref<10000x128xf32, #tpu.memory_space<hbm>> -> memref<10000x128xf32, #tpu.memory_space<hbm>>
            tpu.enqueue_indirect_dma source(%dma_start3A_101 : memref<10000x128xf32, #tpu.memory_space<hbm>>) target(%arg8 : memref<128x128xf32, #tpu.memory_space<vmem>>) offsets(%dma_start3A_98 : memref<128xi32, #tpu.memory_space<vmem>>) semaphore(%arg10 : memref<!tpu.dma_semaphore, #tpu.memory_space<semaphore_mem>>)
          } else {
          }
        }
        %scan3A_55 = arith.constant 20 : i32
      }
      %scan3A_27 = arith.constant 2 : i32
    } else {
    }
    %eq3A = arith.constant 31 : i32
    %eq3A_12 = arith.cmpi eq, %add3A, %eq3A : i32
    %convert_element_type3A_13 = arith.extui %eq3A_12 : i1 to i32
    %cond3A_14 = arith.constant 0 : i32
    %cond3A_15 = arith.cmpi ne, %convert_element_type3A_13, %cond3A_14 : i32
    scf.if %cond3A_15 {
      %scan3A_21 = arith.constant 0 : i32
      %scan3A_22 = arith.constant 2 : i32
      %scan3A_23 = arith.addi %scan3A_21, %scan3A_22 : i32
      %scan3A_24 = arith.constant 1 : i32
      scf.for %scan3A_26 = %scan3A_21 to %scan3A_23 step %scan3A_24  : i32 {
        %mul3A_27 = arith.constant 1 : i32
        %mul3A_28 = arith.muli %scan3A_26, %mul3A_27 : i32
        %add3A_29 = arith.constant 0 : i32
        %add3A_30 = arith.addi %add3A_29, %mul3A_28 : i32
        %mul3A_31 = arith.constant 40 : i32
        %mul3A_32 = arith.muli %add3A_30, %mul3A_31 : i32
        %add3A_33 = arith.constant 0 : i32
        %add3A_34 = arith.addi %add3A_33, %mul3A_32 : i32
        "tpu.region"() ({
          %run_scoped3A = tpu.sem_alloc : memref<!tpu.dma_semaphore, #tpu.memory_space<semaphore_mem>>
          %dma_start3A_55 = arith.constant 0 : i32
          %dma_start3A_56 = arith.constant 0 : i32
          %dma_start3A_57 = tpu.memref_slice %arg4[%add3A_34, %dma_start3A_55, %dma_start3A_56] : memref<80x2x128xi32, #tpu.memory_space<hbm>> -> memref<40x2x128xi32, #tpu.memory_space<hbm>>
          %dma_start3A_58 = arith.constant 0 : i32
          %dma_start3A_59 = arith.constant 0 : i32
          %dma_start3A_60 = tpu.memref_slice %arg4[%add3A_34, %dma_start3A_58, %dma_start3A_59] : memref<80x2x128xi32, #tpu.memory_space<hbm>> -> memref<40x2x128xi32, #tpu.memory_space<hbm>>
          tpu.enqueue_dma source(%dma_start3A_60 : memref<40x2x128xi32, #tpu.memory_space<hbm>>) target(%arg6 : memref<40x2x128xi32, #tpu.memory_space<vmem>>) target_semaphore(%run_scoped3A : memref<!tpu.dma_semaphore, #tpu.memory_space<semaphore_mem>>)
          %dma_wait3A = arith.constant 0 : i32
          %dma_wait3A_61 = arith.constant 0 : i32
          %dma_wait3A_62 = tpu.memref_slice %arg4[%add3A_34, %dma_wait3A, %dma_wait3A_61] : memref<80x2x128xi32, #tpu.memory_space<hbm>> -> memref<40x2x128xi32, #tpu.memory_space<hbm>>
          %dma_wait3A_63 = arith.constant 0 : i32
          %dma_wait3A_64 = arith.constant 0 : i32
          %dma_wait3A_65 = tpu.memref_slice %arg4[%add3A_34, %dma_wait3A_63, %dma_wait3A_64] : memref<80x2x128xi32, #tpu.memory_space<hbm>> -> memref<40x2x128xi32, #tpu.memory_space<hbm>>
          tpu.wait_dma2 semaphore(%run_scoped3A : memref<!tpu.dma_semaphore, #tpu.memory_space<semaphore_mem>>) src(%dma_wait3A_65 : memref<40x2x128xi32, #tpu.memory_space<hbm>>) dst(%arg6 : memref<40x2x128xi32, #tpu.memory_space<vmem>>)
          tpu.yield
        }) : () -> ()
        %dma_start3A = arith.constant 0 : i32
        %dma_start3A_35 = arith.constant 0 : i32
        %dma_start3A_36 = arith.constant 0 : i32
        %dma_start3A_37 = tpu.memref_slice %arg6[%dma_start3A, %dma_start3A_35, %dma_start3A_36] : memref<40x2x128xi32, #tpu.memory_space<vmem>> -> memref<1x1x128xi32, #tpu.memory_space<vmem>>
        %dma_start3A_38 = tpu.memref_squeeze %dma_start3A_37 : memref<1x1x128xi32, #tpu.memory_space<vmem>> -> memref<128xi32, #tpu.memory_space<vmem>>
        %dma_start3A_39 = arith.constant 0 : i32
        %dma_start3A_40 = arith.constant 0 : i32
        %dma_start3A_41 = tpu.memref_slice %arg2[%dma_start3A_39, %dma_start3A_40] : memref<10000x128xf32, #tpu.memory_space<hbm>> -> memref<10000x128xf32, #tpu.memory_space<hbm>>
        tpu.enqueue_indirect_dma source(%dma_start3A_41 : memref<10000x128xf32, #tpu.memory_space<hbm>>) target(%arg7 : memref<128x128xf32, #tpu.memory_space<vmem>>) offsets(%dma_start3A_38 : memref<128xi32, #tpu.memory_space<vmem>>) semaphore(%arg9 : memref<!tpu.dma_semaphore, #tpu.memory_space<semaphore_mem>>)
        %dma_start3A_42 = arith.constant 1 : i32
        %dma_start3A_43 = arith.constant 0 : i32
        %dma_start3A_44 = arith.constant 0 : i32
        %dma_start3A_45 = tpu.memref_slice %arg6[%dma_start3A_42, %dma_start3A_43, %dma_start3A_44] : memref<40x2x128xi32, #tpu.memory_space<vmem>> -> memref<1x1x128xi32, #tpu.memory_space<vmem>>
        %dma_start3A_46 = tpu.memref_squeeze %dma_start3A_45 : memref<1x1x128xi32, #tpu.memory_space<vmem>> -> memref<128xi32, #tpu.memory_space<vmem>>
        %dma_start3A_47 = arith.constant 0 : i32
        %dma_start3A_48 = arith.constant 0 : i32
        %dma_start3A_49 = tpu.memref_slice %arg2[%dma_start3A_47, %dma_start3A_48] : memref<10000x128xf32, #tpu.memory_space<hbm>> -> memref<10000x128xf32, #tpu.memory_space<hbm>>
        tpu.enqueue_indirect_dma source(%dma_start3A_49 : memref<10000x128xf32, #tpu.memory_space<hbm>>) target(%arg8 : memref<128x128xf32, #tpu.memory_space<vmem>>) offsets(%dma_start3A_46 : memref<128xi32, #tpu.memory_space<vmem>>) semaphore(%arg10 : memref<!tpu.dma_semaphore, #tpu.memory_space<semaphore_mem>>)
        %scan3A_50 = arith.constant 0 : i32
        %scan3A_51 = arith.constant 20 : i32
        %scan3A_52 = arith.addi %scan3A_50, %scan3A_51 : i32
        %scan3A_53 = arith.constant 1 : i32
        scf.for %scan3A_55 = %scan3A_50 to %scan3A_52 step %scan3A_53  : i32 {
          %mul3A_56 = arith.constant 2 : i32
          %mul3A_57 = arith.muli %scan3A_55, %mul3A_56 : i32
          %add3A_58 = arith.constant 0 : i32
          %add3A_59 = arith.addi %add3A_58, %mul3A_57 : i32
          %add3A_60 = arith.constant 0 : i32
          %add3A_61 = arith.addi %add3A_59, %add3A_60 : i32
          %dma_wait3A = arith.constant 0 : i32
          %dma_wait3A_62 = arith.constant 0 : i32
          %dma_wait3A_63 = tpu.memref_slice %arg6[%add3A_61, %dma_wait3A, %dma_wait3A_62] : memref<40x2x128xi32, #tpu.memory_space<vmem>> -> memref<1x1x128xi32, #tpu.memory_space<vmem>>
          %dma_wait3A_64 = tpu.memref_squeeze %dma_wait3A_63 : memref<1x1x128xi32, #tpu.memory_space<vmem>> -> memref<128xi32, #tpu.memory_space<vmem>>
          %dma_wait3A_65 = arith.constant 0 : i32
          %dma_wait3A_66 = arith.constant 0 : i32
          %dma_wait3A_67 = tpu.memref_slice %arg2[%dma_wait3A_65, %dma_wait3A_66] : memref<10000x128xf32, #tpu.memory_space<hbm>> -> memref<10000x128xf32, #tpu.memory_space<hbm>>
          tpu.wait_indirect_dma semaphore(%arg9 : memref<!tpu.dma_semaphore, #tpu.memory_space<semaphore_mem>>) src(%dma_wait3A_67 : memref<10000x128xf32, #tpu.memory_space<hbm>>) dst(%arg7 : memref<128x128xf32, #tpu.memory_space<vmem>>)
          %run_scoped3A = arith.constant 1 : i32
          "tpu.region"() ({
            %run_scoped3A_92 = tpu.sem_alloc : memref<!tpu.dma_semaphore, #tpu.memory_space<semaphore_mem>>
            %dma_start3A_93 = arith.constant 0 : i32
            %dma_start3A_94 = tpu.memref_slice %arg6[%add3A_61, %run_scoped3A, %dma_start3A_93] : memref<40x2x128xi32, #tpu.memory_space<vmem>> -> memref<1x1x128xi32, #tpu.memory_space<vmem>>
            %dma_start3A_95 = tpu.memref_squeeze %dma_start3A_94 : memref<1x1x128xi32, #tpu.memory_space<vmem>> -> memref<128xi32, #tpu.memory_space<vmem>>
            %dma_start3A_96 = arith.constant 0 : i32
            %dma_start3A_97 = arith.constant 0 : i32
            %dma_start3A_98 = tpu.memref_slice %arg11[%dma_start3A_96, %dma_start3A_97] : memref<10240x128xf32, #tpu.memory_space<vmem_shared>> -> memref<10240x128xf32, #tpu.memory_space<vmem_shared>>
            tpu.enqueue_indirect_dma source(%arg7 : memref<128x128xf32, #tpu.memory_space<vmem>>) target(%dma_start3A_98 : memref<10240x128xf32, #tpu.memory_space<vmem_shared>>) offsets(%dma_start3A_95 : memref<128xi32, #tpu.memory_space<vmem>>) semaphore(%run_scoped3A_92 : memref<!tpu.dma_semaphore, #tpu.memory_space<semaphore_mem>>) {add = true}
            %dma_wait3A_99 = arith.constant 0 : i32
            %dma_wait3A_100 = tpu.memref_slice %arg6[%add3A_61, %run_scoped3A, %dma_wait3A_99] : memref<40x2x128xi32, #tpu.memory_space<vmem>> -> memref<1x1x128xi32, #tpu.memory_space<vmem>>
            %dma_wait3A_101 = tpu.memref_squeeze %dma_wait3A_100 : memref<1x1x128xi32, #tpu.memory_space<vmem>> -> memref<128xi32, #tpu.memory_space<vmem>>
            %dma_wait3A_102 = arith.constant 0 : i32
            %dma_wait3A_103 = arith.constant 0 : i32
            %dma_wait3A_104 = tpu.memref_slice %arg11[%dma_wait3A_102, %dma_wait3A_103] : memref<10240x128xf32, #tpu.memory_space<vmem_shared>> -> memref<10240x128xf32, #tpu.memory_space<vmem_shared>>
            tpu.wait_indirect_dma semaphore(%run_scoped3A_92 : memref<!tpu.dma_semaphore, #tpu.memory_space<semaphore_mem>>) src(%arg7 : memref<128x128xf32, #tpu.memory_space<vmem>>) dst(%dma_wait3A_104 : memref<10240x128xf32, #tpu.memory_space<vmem_shared>>)
            tpu.yield
          }) : () -> ()
          %add3A_68 = arith.constant 2 : i32
          %add3A_69 = arith.addi %add3A_61, %add3A_68 : i32
          %lt3A_70 = arith.constant 40 : i32
          %lt3A_71 = arith.cmpi slt, %add3A_69, %lt3A_70 : i32
          %convert_element_type3A_72 = arith.extui %lt3A_71 : i1 to i32
          %cond3A_73 = arith.constant 0 : i32
          %cond3A_74 = arith.cmpi ne, %convert_element_type3A_72, %cond3A_73 : i32
          scf.if %cond3A_74 {
            %add3A_92 = arith.constant 2 : i32
            %add3A_93 = arith.addi %add3A_61, %add3A_92 : i32
            %dma_start3A_94 = arith.constant 0 : i32
            %dma_start3A_95 = arith.constant 0 : i32
            %dma_start3A_96 = tpu.memref_slice %arg6[%add3A_93, %dma_start3A_94, %dma_start3A_95] : memref<40x2x128xi32, #tpu.memory_space<vmem>> -> memref<1x1x128xi32, #tpu.memory_space<vmem>>
            %dma_start3A_97 = tpu.memref_squeeze %dma_start3A_96 : memref<1x1x128xi32, #tpu.memory_space<vmem>> -> memref<128xi32, #tpu.memory_space<vmem>>
            %dma_start3A_98 = arith.constant 0 : i32
            %dma_start3A_99 = arith.constant 0 : i32
            %dma_start3A_100 = tpu.memref_slice %arg2[%dma_start3A_98, %dma_start3A_99] : memref<10000x128xf32, #tpu.memory_space<hbm>> -> memref<10000x128xf32, #tpu.memory_space<hbm>>
            tpu.enqueue_indirect_dma source(%dma_start3A_100 : memref<10000x128xf32, #tpu.memory_space<hbm>>) target(%arg7 : memref<128x128xf32, #tpu.memory_space<vmem>>) offsets(%dma_start3A_97 : memref<128xi32, #tpu.memory_space<vmem>>) semaphore(%arg9 : memref<!tpu.dma_semaphore, #tpu.memory_space<semaphore_mem>>)
          } else {
          }
          %add3A_75 = arith.constant 1 : i32
          %add3A_76 = arith.addi %add3A_59, %add3A_75 : i32
          %dma_wait3A_77 = arith.constant 0 : i32
          %dma_wait3A_78 = arith.constant 0 : i32
          %dma_wait3A_79 = tpu.memref_slice %arg6[%add3A_76, %dma_wait3A_77, %dma_wait3A_78] : memref<40x2x128xi32, #tpu.memory_space<vmem>> -> memref<1x1x128xi32, #tpu.memory_space<vmem>>
          %dma_wait3A_80 = tpu.memref_squeeze %dma_wait3A_79 : memref<1x1x128xi32, #tpu.memory_space<vmem>> -> memref<128xi32, #tpu.memory_space<vmem>>
          %dma_wait3A_81 = arith.constant 0 : i32
          %dma_wait3A_82 = arith.constant 0 : i32
          %dma_wait3A_83 = tpu.memref_slice %arg2[%dma_wait3A_81, %dma_wait3A_82] : memref<10000x128xf32, #tpu.memory_space<hbm>> -> memref<10000x128xf32, #tpu.memory_space<hbm>>
          tpu.wait_indirect_dma semaphore(%arg10 : memref<!tpu.dma_semaphore, #tpu.memory_space<semaphore_mem>>) src(%dma_wait3A_83 : memref<10000x128xf32, #tpu.memory_space<hbm>>) dst(%arg8 : memref<128x128xf32, #tpu.memory_space<vmem>>)
          %run_scoped3A_84 = arith.constant 1 : i32
          "tpu.region"() ({
            %run_scoped3A_92 = tpu.sem_alloc : memref<!tpu.dma_semaphore, #tpu.memory_space<semaphore_mem>>
            %dma_start3A_93 = arith.constant 0 : i32
            %dma_start3A_94 = tpu.memref_slice %arg6[%add3A_76, %run_scoped3A_84, %dma_start3A_93] : memref<40x2x128xi32, #tpu.memory_space<vmem>> -> memref<1x1x128xi32, #tpu.memory_space<vmem>>
            %dma_start3A_95 = tpu.memref_squeeze %dma_start3A_94 : memref<1x1x128xi32, #tpu.memory_space<vmem>> -> memref<128xi32, #tpu.memory_space<vmem>>
            %dma_start3A_96 = arith.constant 0 : i32
            %dma_start3A_97 = arith.constant 0 : i32
            %dma_start3A_98 = tpu.memref_slice %arg11[%dma_start3A_96, %dma_start3A_97] : memref<10240x128xf32, #tpu.memory_space<vmem_shared>> -> memref<10240x128xf32, #tpu.memory_space<vmem_shared>>
            tpu.enqueue_indirect_dma source(%arg8 : memref<128x128xf32, #tpu.memory_space<vmem>>) target(%dma_start3A_98 : memref<10240x128xf32, #tpu.memory_space<vmem_shared>>) offsets(%dma_start3A_95 : memref<128xi32, #tpu.memory_space<vmem>>) semaphore(%run_scoped3A_92 : memref<!tpu.dma_semaphore, #tpu.memory_space<semaphore_mem>>) {add = true}
            %dma_wait3A_99 = arith.constant 0 : i32
            %dma_wait3A_100 = tpu.memref_slice %arg6[%add3A_76, %run_scoped3A_84, %dma_wait3A_99] : memref<40x2x128xi32, #tpu.memory_space<vmem>> -> memref<1x1x128xi32, #tpu.memory_space<vmem>>
            %dma_wait3A_101 = tpu.memref_squeeze %dma_wait3A_100 : memref<1x1x128xi32, #tpu.memory_space<vmem>> -> memref<128xi32, #tpu.memory_space<vmem>>
            %dma_wait3A_102 = arith.constant 0 : i32
            %dma_wait3A_103 = arith.constant 0 : i32
            %dma_wait3A_104 = tpu.memref_slice %arg11[%dma_wait3A_102, %dma_wait3A_103] : memref<10240x128xf32, #tpu.memory_space<vmem_shared>> -> memref<10240x128xf32, #tpu.memory_space<vmem_shared>>
            tpu.wait_indirect_dma semaphore(%run_scoped3A_92 : memref<!tpu.dma_semaphore, #tpu.memory_space<semaphore_mem>>) src(%arg8 : memref<128x128xf32, #tpu.memory_space<vmem>>) dst(%dma_wait3A_104 : memref<10240x128xf32, #tpu.memory_space<vmem_shared>>)
            tpu.yield
          }) : () -> ()
          %add3A_85 = arith.constant 2 : i32
          %add3A_86 = arith.addi %add3A_76, %add3A_85 : i32
          %lt3A_87 = arith.constant 40 : i32
          %lt3A_88 = arith.cmpi slt, %add3A_86, %lt3A_87 : i32
          %convert_element_type3A_89 = arith.extui %lt3A_88 : i1 to i32
          %cond3A_90 = arith.constant 0 : i32
          %cond3A_91 = arith.cmpi ne, %convert_element_type3A_89, %cond3A_90 : i32
          scf.if %cond3A_91 {
            %add3A_92 = arith.constant 2 : i32
            %add3A_93 = arith.addi %add3A_76, %add3A_92 : i32
            %dma_start3A_94 = arith.constant 0 : i32
            %dma_start3A_95 = arith.constant 0 : i32
            %dma_start3A_96 = tpu.memref_slice %arg6[%add3A_93, %dma_start3A_94, %dma_start3A_95] : memref<40x2x128xi32, #tpu.memory_space<vmem>> -> memref<1x1x128xi32, #tpu.memory_space<vmem>>
            %dma_start3A_97 = tpu.memref_squeeze %dma_start3A_96 : memref<1x1x128xi32, #tpu.memory_space<vmem>> -> memref<128xi32, #tpu.memory_space<vmem>>
            %dma_start3A_98 = arith.constant 0 : i32
            %dma_start3A_99 = arith.constant 0 : i32
            %dma_start3A_100 = tpu.memref_slice %arg2[%dma_start3A_98, %dma_start3A_99] : memref<10000x128xf32, #tpu.memory_space<hbm>> -> memref<10000x128xf32, #tpu.memory_space<hbm>>
            tpu.enqueue_indirect_dma source(%dma_start3A_100 : memref<10000x128xf32, #tpu.memory_space<hbm>>) target(%arg8 : memref<128x128xf32, #tpu.memory_space<vmem>>) offsets(%dma_start3A_97 : memref<128xi32, #tpu.memory_space<vmem>>) semaphore(%arg10 : memref<!tpu.dma_semaphore, #tpu.memory_space<semaphore_mem>>)
          } else {
          }
        }
        %scan3A_54 = arith.constant 20 : i32
      }
      %scan3A_25 = arith.constant 2 : i32
    } else {
    }
    %barrier3A_16 = arith.constant 0 : index
    tpu.barrier barrier_id(%barrier3A_16)
    %mul3A_17 = arith.constant 640 : i32
    %mul3A_18 = arith.muli %arg1, %mul3A_17 : i32
    %mul3A_19 = arith.constant 640 : i32
    %mul3A_20 = arith.muli %arg1, %mul3A_19 : i32
    "tpu.region"() ({
      %run_scoped3A = tpu.sem_alloc : memref<!tpu.dma_semaphore, #tpu.memory_space<semaphore_mem>>
      %dma_start3A = arith.constant 0 : i32
      %dma_start3A_21 = arith.constant 0 : i32
      %dma_start3A_22 = tpu.memref_slice %arg5[%arg0, %dma_start3A, %dma_start3A_21] : memref<2x10240x128xf32, #tpu.memory_space<hbm>> -> memref<1x10240x128xf32, #tpu.memory_space<hbm>>
      %dma_start3A_23 = tpu.memref_squeeze %dma_start3A_22 : memref<1x10240x128xf32, #tpu.memory_space<hbm>> -> memref<10240x128xf32, #tpu.memory_space<hbm>>
      %dma_start3A_24 = arith.constant 0 : i32
      %dma_start3A_25 = tpu.memref_slice %dma_start3A_23[%mul3A_20, %dma_start3A_24] : memref<10240x128xf32, #tpu.memory_space<hbm>> -> memref<640x128xf32, #tpu.memory_space<hbm>>
      %dma_start3A_26 = arith.constant 0 : i32
      %dma_start3A_27 = tpu.memref_slice %arg11[%mul3A_18, %dma_start3A_26] : memref<10240x128xf32, #tpu.memory_space<vmem_shared>> -> memref<640x128xf32, #tpu.memory_space<vmem_shared>>
      tpu.enqueue_dma source(%dma_start3A_27 : memref<640x128xf32, #tpu.memory_space<vmem_shared>>) target(%dma_start3A_25 : memref<640x128xf32, #tpu.memory_space<hbm>>) target_semaphore(%run_scoped3A : memref<!tpu.dma_semaphore, #tpu.memory_space<semaphore_mem>>)
      %dma_wait3A = arith.constant 0 : i32
      %dma_wait3A_28 = arith.constant 0 : i32
      %dma_wait3A_29 = tpu.memref_slice %arg5[%arg0, %dma_wait3A, %dma_wait3A_28] : memref<2x10240x128xf32, #tpu.memory_space<hbm>> -> memref<1x10240x128xf32, #tpu.memory_space<hbm>>
      %dma_wait3A_30 = tpu.memref_squeeze %dma_wait3A_29 : memref<1x10240x128xf32, #tpu.memory_space<hbm>> -> memref<10240x128xf32, #tpu.memory_space<hbm>>
      %dma_wait3A_31 = arith.constant 0 : i32
      %dma_wait3A_32 = tpu.memref_slice %dma_wait3A_30[%mul3A_20, %dma_wait3A_31] : memref<10240x128xf32, #tpu.memory_space<hbm>> -> memref<640x128xf32, #tpu.memory_space<hbm>>
      %dma_wait3A_33 = arith.constant 0 : i32
      %dma_wait3A_34 = tpu.memref_slice %arg11[%mul3A_18, %dma_wait3A_33] : memref<10240x128xf32, #tpu.memory_space<vmem_shared>> -> memref<640x128xf32, #tpu.memory_space<vmem_shared>>
      tpu.wait_dma2 semaphore(%run_scoped3A : memref<!tpu.dma_semaphore, #tpu.memory_space<semaphore_mem>>) src(%dma_wait3A_34 : memref<640x128xf32, #tpu.memory_space<vmem_shared>>) dst(%dma_wait3A_32 : memref<640x128xf32, #tpu.memory_space<hbm>>)
      tpu.yield
    }) : () -> ()
    return
  }
}

#map = affine_map<(d0, d1) -> (0, 0)>
#map1 = affine_map<(d0, d1) -> (0, 0, 0)>
module attributes {stable_mosaic.version = 14 : i64} {
  func.func @_agg_body(%arg0: i32, %arg1: i32, %arg2: memref<10000x128xf32, #tpu.memory_space<hbm>>, %arg3: memref<2500x2x128xi32, #tpu.memory_space<hbm>>, %arg4: memref<80x2x128xi32, #tpu.memory_space<hbm>>, %arg5: memref<2x10240x128xf32, #tpu.memory_space<hbm>>, %arg6: memref<40x2x128xi32, #tpu.memory_space<vmem>>, %arg7: memref<128x128xf32, #tpu.memory_space<vmem>>, %arg8: memref<128x128xf32, #tpu.memory_space<vmem>>, %arg9: memref<!tpu.dma_semaphore, #tpu.memory_space<semaphore_mem>>, %arg10: memref<!tpu.dma_semaphore, #tpu.memory_space<semaphore_mem>>, %arg11: memref<10240x128xf32, #tpu.memory_space<vmem_shared>>) attributes {dimension_semantics = [#tpu.dimension_semantics<core_parallel>, #tpu.dimension_semantics<subcore_parallel>], iteration_bounds = array<i64: 2, 16>, scalar_prefetch = 0 : i64, scratch_operands = 6 : i64, tpu.core_type = #tpu.core_type<sc_vector_subcore>, window_params = [{transform_indices = #map}, {transform_indices = #map1}, {transform_indices = #map1}, {transform_indices = #map1}]} {
    %mul3A = arith.constant 2 : i32
    %mul3A_0 = arith.muli %arg1, %mul3A : i32
    %add3A = arith.addi %mul3A_0, %arg0 : i32
    %scan3A = arith.constant 0 : i32
    %scan3A_1 = arith.constant 128 : i32
    %scan3A_2 = arith.addi %scan3A, %scan3A_1 : i32
    %scan3A_3 = arith.constant 1 : i32
    scf.for %scan3A_21 = %scan3A to %scan3A_2 step %scan3A_3  : i32 {
      %mul3A_22 = arith.constant 1 : i32
      %mul3A_23 = arith.muli %scan3A_21, %mul3A_22 : i32
      %add3A_24 = arith.constant 0 : i32
      %add3A_25 = arith.addi %add3A_24, %mul3A_23 : i32
      %broadcast_in_dim3A = arith.constant 0.000000e+00 : f32
      %broadcast_in_dim3A_26 = vector.broadcast %broadcast_in_dim3A : f32 to vector<16xf32>
      %swap3A = arith.index_cast %add3A_25 : i32 to index
      %swap3A_27 = arith.constant 0 : index
      %swap3A_28 = tpu.vector_load %arg7[%swap3A, %swap3A_27] {strides = array<i32>} : memref<128x128xf32, #tpu.memory_space<vmem>>, vector<1x16xf32>,
      %swap3A_29 = vector.shape_cast %swap3A_28 : vector<1x16xf32> to vector<16xf32>
      %swap3A_30 = vector.shape_cast %broadcast_in_dim3A_26 : vector<16xf32> to vector<1x16xf32>
      tpu.vector_store %arg7[%swap3A, %swap3A_27], %swap3A_30 {strides = array<i32>} : memref<128x128xf32, #tpu.memory_space<vmem>>, vector<1x16xf32>,
      %broadcast_in_dim3A_31 = arith.constant 0.000000e+00 : f32
      %broadcast_in_dim3A_32 = vector.broadcast %broadcast_in_dim3A_31 : f32 to vector<16xf32>
      %swap3A_33 = arith.index_cast %add3A_25 : i32 to index
      %swap3A_34 = arith.constant 16 : index
      %swap3A_35 = tpu.vector_load %arg7[%swap3A_33, %swap3A_34] {strides = array<i32>} : memref<128x128xf32, #tpu.memory_space<vmem>>, vector<1x16xf32>,
      %swap3A_36 = vector.shape_cast %swap3A_35 : vector<1x16xf32> to vector<16xf32>
      %swap3A_37 = vector.shape_cast %broadcast_in_dim3A_32 : vector<16xf32> to vector<1x16xf32>
      tpu.vector_store %arg7[%swap3A_33, %swap3A_34], %swap3A_37 {strides = array<i32>} : memref<128x128xf32, #tpu.memory_space<vmem>>, vector<1x16xf32>,
      %broadcast_in_dim3A_38 = arith.constant 0.000000e+00 : f32
      %broadcast_in_dim3A_39 = vector.broadcast %broadcast_in_dim3A_38 : f32 to vector<16xf32>
      %swap3A_40 = arith.index_cast %add3A_25 : i32 to index
      %swap3A_41 = arith.constant 32 : index
      %swap3A_42 = tpu.vector_load %arg7[%swap3A_40, %swap3A_41] {strides = array<i32>} : memref<128x128xf32, #tpu.memory_space<vmem>>, vector<1x16xf32>,
      %swap3A_43 = vector.shape_cast %swap3A_42 : vector<1x16xf32> to vector<16xf32>
      %swap3A_44 = vector.shape_cast %broadcast_in_dim3A_39 : vector<16xf32> to vector<1x16xf32>
      tpu.vector_store %arg7[%swap3A_40, %swap3A_41], %swap3A_44 {strides = array<i32>} : memref<128x128xf32, #tpu.memory_space<vmem>>, vector<1x16xf32>,
      %broadcast_in_dim3A_45 = arith.constant 0.000000e+00 : f32
      %broadcast_in_dim3A_46 = vector.broadcast %broadcast_in_dim3A_45 : f32 to vector<16xf32>
      %swap3A_47 = arith.index_cast %add3A_25 : i32 to index
      %swap3A_48 = arith.constant 48 : index
      %swap3A_49 = tpu.vector_load %arg7[%swap3A_47, %swap3A_48] {strides = array<i32>} : memref<128x128xf32, #tpu.memory_space<vmem>>, vector<1x16xf32>,
      %swap3A_50 = vector.shape_cast %swap3A_49 : vector<1x16xf32> to vector<16xf32>
      %swap3A_51 = vector.shape_cast %broadcast_in_dim3A_46 : vector<16xf32> to vector<1x16xf32>
      tpu.vector_store %arg7[%swap3A_47, %swap3A_48], %swap3A_51 {strides = array<i32>} : memref<128x128xf32, #tpu.memory_space<vmem>>, vector<1x16xf32>,
      %broadcast_in_dim3A_52 = arith.constant 0.000000e+00 : f32
      %broadcast_in_dim3A_53 = vector.broadcast %broadcast_in_dim3A_52 : f32 to vector<16xf32>
      %swap3A_54 = arith.index_cast %add3A_25 : i32 to index
      %swap3A_55 = arith.constant 64 : index
      %swap3A_56 = tpu.vector_load %arg7[%swap3A_54, %swap3A_55] {strides = array<i32>} : memref<128x128xf32, #tpu.memory_space<vmem>>, vector<1x16xf32>,
      %swap3A_57 = vector.shape_cast %swap3A_56 : vector<1x16xf32> to vector<16xf32>
      %swap3A_58 = vector.shape_cast %broadcast_in_dim3A_53 : vector<16xf32> to vector<1x16xf32>
      tpu.vector_store %arg7[%swap3A_54, %swap3A_55], %swap3A_58 {strides = array<i32>} : memref<128x128xf32, #tpu.memory_space<vmem>>, vector<1x16xf32>,
      %broadcast_in_dim3A_59 = arith.constant 0.000000e+00 : f32
      %broadcast_in_dim3A_60 = vector.broadcast %broadcast_in_dim3A_59 : f32 to vector<16xf32>
      %swap3A_61 = arith.index_cast %add3A_25 : i32 to index
      %swap3A_62 = arith.constant 80 : index
      %swap3A_63 = tpu.vector_load %arg7[%swap3A_61, %swap3A_62] {strides = array<i32>} : memref<128x128xf32, #tpu.memory_space<vmem>>, vector<1x16xf32>,
      %swap3A_64 = vector.shape_cast %swap3A_63 : vector<1x16xf32> to vector<16xf32>
      %swap3A_65 = vector.shape_cast %broadcast_in_dim3A_60 : vector<16xf32> to vector<1x16xf32>
      tpu.vector_store %arg7[%swap3A_61, %swap3A_62], %swap3A_65 {strides = array<i32>} : memref<128x128xf32, #tpu.memory_space<vmem>>, vector<1x16xf32>,
      %broadcast_in_dim3A_66 = arith.constant 0.000000e+00 : f32
      %broadcast_in_dim3A_67 = vector.broadcast %broadcast_in_dim3A_66 : f32 to vector<16xf32>
      %swap3A_68 = arith.index_cast %add3A_25 : i32 to index
      %swap3A_69 = arith.constant 96 : index
      %swap3A_70 = tpu.vector_load %arg7[%swap3A_68, %swap3A_69] {strides = array<i32>} : memref<128x128xf32, #tpu.memory_space<vmem>>, vector<1x16xf32>,
      %swap3A_71 = vector.shape_cast %swap3A_70 : vector<1x16xf32> to vector<16xf32>
      %swap3A_72 = vector.shape_cast %broadcast_in_dim3A_67 : vector<16xf32> to vector<1x16xf32>
      tpu.vector_store %arg7[%swap3A_68, %swap3A_69], %swap3A_72 {strides = array<i32>} : memref<128x128xf32, #tpu.memory_space<vmem>>, vector<1x16xf32>,
      %broadcast_in_dim3A_73 = arith.constant 0.000000e+00 : f32
      %broadcast_in_dim3A_74 = vector.broadcast %broadcast_in_dim3A_73 : f32 to vector<16xf32>
      %swap3A_75 = arith.index_cast %add3A_25 : i32 to index
      %swap3A_76 = arith.constant 112 : index
      %swap3A_77 = tpu.vector_load %arg7[%swap3A_75, %swap3A_76] {strides = array<i32>} : memref<128x128xf32, #tpu.memory_space<vmem>>, vector<1x16xf32>,
      %swap3A_78 = vector.shape_cast %swap3A_77 : vector<1x16xf32> to vector<16xf32>
      %swap3A_79 = vector.shape_cast %broadcast_in_dim3A_74 : vector<16xf32> to vector<1x16xf32>
      tpu.vector_store %arg7[%swap3A_75, %swap3A_76], %swap3A_79 {strides = array<i32>} : memref<128x128xf32, #tpu.memory_space<vmem>>, vector<1x16xf32>,
    }
    %scan3A_4 = arith.constant 128 : i32
    %scan3A_5 = arith.constant 0 : i32
    %scan3A_6 = arith.constant 5 : i32
    %scan3A_7 = arith.addi %scan3A_5, %scan3A_6 : i32
    %scan3A_8 = arith.constant 1 : i32
    scf.for %scan3A_21 = %scan3A_5 to %scan3A_7 step %scan3A_8  : i32 {
      %mul3A_22 = arith.constant 1 : i32
      %mul3A_23 = arith.muli %scan3A_21, %mul3A_22 : i32
      %add3A_24 = arith.constant 0 : i32
      %add3A_25 = arith.addi %add3A_24, %mul3A_23 : i32
      %mul3A_26 = arith.constant 640 : i32
      %mul3A_27 = arith.muli %arg1, %mul3A_26 : i32
      %mul3A_28 = arith.constant 128 : i32
      %mul3A_29 = arith.muli %add3A_25, %mul3A_28 : i32
      %add3A_30 = arith.addi %mul3A_27, %mul3A_29 : i32
      "tpu.region"() ({
        %run_scoped3A = tpu.sem_alloc : memref<!tpu.dma_semaphore, #tpu.memory_space<semaphore_mem>>
        %dma_start3A = arith.constant 0 : i32
        %dma_start3A_31 = tpu.memref_slice %arg11[%add3A_30, %dma_start3A] : memref<10240x128xf32, #tpu.memory_space<vmem_shared>> -> memref<128x128xf32, #tpu.memory_space<vmem_shared>>
        %dma_start3A_32 = arith.constant 0 : i32
        %dma_start3A_33 = tpu.memref_slice %arg11[%add3A_30, %dma_start3A_32] : memref<10240x128xf32, #tpu.memory_space<vmem_shared>> -> memref<128x128xf32, #tpu.memory_space<vmem_shared>>
        tpu.enqueue_dma source(%arg7 : memref<128x128xf32, #tpu.memory_space<vmem>>) target(%dma_start3A_33 : memref<128x128xf32, #tpu.memory_space<vmem_shared>>) target_semaphore(%run_scoped3A : memref<!tpu.dma_semaphore, #tpu.memory_space<semaphore_mem>>)
        %dma_wait3A = arith.constant 0 : i32
        %dma_wait3A_34 = tpu.memref_slice %arg11[%add3A_30, %dma_wait3A] : memref<10240x128xf32, #tpu.memory_space<vmem_shared>> -> memref<128x128xf32, #tpu.memory_space<vmem_shared>>
        %dma_wait3A_35 = arith.constant 0 : i32
        %dma_wait3A_36 = tpu.memref_slice %arg11[%add3A_30, %dma_wait3A_35] : memref<10240x128xf32, #tpu.memory_space<vmem_shared>> -> memref<128x128xf32, #tpu.memory_space<vmem_shared>>
        tpu.wait_dma2 semaphore(%run_scoped3A : memref<!tpu.dma_semaphore, #tpu.memory_space<semaphore_mem>>) src(%arg7 : memref<128x128xf32, #tpu.memory_space<vmem>>) dst(%dma_wait3A_36 : memref<128x128xf32, #tpu.memory_space<vmem_shared>>)
        tpu.yield
      }) : () -> ()
    }
    %scan3A_9 = arith.constant 5 : i32
    %barrier3A = arith.constant 0 : index
    tpu.barrier barrier_id(%barrier3A)
    %lt3A = arith.constant 31 : i32
    %lt3A_10 = arith.cmpi slt, %add3A, %lt3A : i32
    %convert_element_type3A = arith.extui %lt3A_10 : i1 to i32
    %cond3A = arith.constant 0 : i32
    %cond3A_11 = arith.cmpi ne, %convert_element_type3A, %cond3A : i32
    scf.if %cond3A_11 {
      %mul3A_21 = arith.constant 80 : i32
      %mul3A_22 = arith.muli %add3A, %mul3A_21 : i32
      %scan3A_23 = arith.constant 0 : i32
      %scan3A_24 = arith.constant 2 : i32
      %scan3A_25 = arith.addi %scan3A_23, %scan3A_24 : i32
      %scan3A_26 = arith.constant 1 : i32
      scf.for %scan3A_28 = %scan3A_23 to %scan3A_25 step %scan3A_26  : i32 {
        %mul3A_29 = arith.constant 1 : i32
        %mul3A_30 = arith.muli %scan3A_28, %mul3A_29 : i32
        %add3A_31 = arith.constant 0 : i32
        %add3A_32 = arith.addi %add3A_31, %mul3A_30 : i32
        %mul3A_33 = arith.constant 40 : i32
        %mul3A_34 = arith.muli %add3A_32, %mul3A_33 : i32
        %add3A_35 = arith.addi %mul3A_22, %mul3A_34 : i32
        "tpu.region"() ({
          %run_scoped3A = tpu.sem_alloc : memref<!tpu.dma_semaphore, #tpu.memory_space<semaphore_mem>>
          %dma_start3A_56 = arith.constant 0 : i32
          %dma_start3A_57 = arith.constant 0 : i32
          %dma_start3A_58 = tpu.memref_slice %arg3[%add3A_35, %dma_start3A_56, %dma_start3A_57] : memref<2500x2x128xi32, #tpu.memory_space<hbm>> -> memref<40x2x128xi32, #tpu.memory_space<hbm>>
          %dma_start3A_59 = arith.constant 0 : i32
          %dma_start3A_60 = arith.constant 0 : i32
          %dma_start3A_61 = tpu.memref_slice %arg3[%add3A_35, %dma_start3A_59, %dma_start3A_60] : memref<2500x2x128xi32, #tpu.memory_space<hbm>> -> memref<40x2x128xi32, #tpu.memory_space<hbm>>
          tpu.enqueue_dma source(%dma_start3A_61 : memref<40x2x128xi32, #tpu.memory_space<hbm>>) target(%arg6 : memref<40x2x128xi32, #tpu.memory_space<vmem>>) target_semaphore(%run_scoped3A : memref<!tpu.dma_semaphore, #tpu.memory_space<semaphore_mem>>)
          %dma_wait3A = arith.constant 0 : i32
          %dma_wait3A_62 = arith.constant 0 : i32
          %dma_wait3A_63 = tpu.memref_slice %arg3[%add3A_35, %dma_wait3A, %dma_wait3A_62] : memref<2500x2x128xi32, #tpu.memory_space<hbm>> -> memref<40x2x128xi32, #tpu.memory_space<hbm>>
          %dma_wait3A_64 = arith.constant 0 : i32
          %dma_wait3A_65 = arith.constant 0 : i32
          %dma_wait3A_66 = tpu.memref_slice %arg3[%add3A_35, %dma_wait3A_64, %dma_wait3A_65] : memref<2500x2x128xi32, #tpu.memory_space<hbm>> -> memref<40x2x128xi32, #tpu.memory_space<hbm>>
          tpu.wait_dma2 semaphore(%run_scoped3A : memref<!tpu.dma_semaphore, #tpu.memory_space<semaphore_mem>>) src(%dma_wait3A_66 : memref<40x2x128xi32, #tpu.memory_space<hbm>>) dst(%arg6 : memref<40x2x128xi32, #tpu.memory_space<vmem>>)
          tpu.yield
        }) : () -> ()
        %dma_start3A = arith.constant 0 : i32
        %dma_start3A_36 = arith.constant 0 : i32
        %dma_start3A_37 = arith.constant 0 : i32
        %dma_start3A_38 = tpu.memref_slice %arg6[%dma_start3A, %dma_start3A_36, %dma_start3A_37] : memref<40x2x128xi32, #tpu.memory_space<vmem>> -> memref<1x1x128xi32, #tpu.memory_space<vmem>>
        %dma_start3A_39 = tpu.memref_squeeze %dma_start3A_38 : memref<1x1x128xi32, #tpu.memory_space<vmem>> -> memref<128xi32, #tpu.memory_space<vmem>>
        %dma_start3A_40 = arith.constant 0 : i32
        %dma_start3A_41 = arith.constant 0 : i32
        %dma_start3A_42 = tpu.memref_slice %arg2[%dma_start3A_40, %dma_start3A_41] : memref<10000x128xf32, #tpu.memory_space<hbm>> -> memref<10000x128xf32, #tpu.memory_space<hbm>>
        tpu.enqueue_indirect_dma source(%dma_start3A_42 : memref<10000x128xf32, #tpu.memory_space<hbm>>) target(%arg7 : memref<128x128xf32, #tpu.memory_space<vmem>>) offsets(%dma_start3A_39 : memref<128xi32, #tpu.memory_space<vmem>>) semaphore(%arg9 : memref<!tpu.dma_semaphore, #tpu.memory_space<semaphore_mem>>)
        %dma_start3A_43 = arith.constant 1 : i32
        %dma_start3A_44 = arith.constant 0 : i32
        %dma_start3A_45 = arith.constant 0 : i32
        %dma_start3A_46 = tpu.memref_slice %arg6[%dma_start3A_43, %dma_start3A_44, %dma_start3A_45] : memref<40x2x128xi32, #tpu.memory_space<vmem>> -> memref<1x1x128xi32, #tpu.memory_space<vmem>>
        %dma_start3A_47 = tpu.memref_squeeze %dma_start3A_46 : memref<1x1x128xi32, #tpu.memory_space<vmem>> -> memref<128xi32, #tpu.memory_space<vmem>>
        %dma_start3A_48 = arith.constant 0 : i32
        %dma_start3A_49 = arith.constant 0 : i32
        %dma_start3A_50 = tpu.memref_slice %arg2[%dma_start3A_48, %dma_start3A_49] : memref<10000x128xf32, #tpu.memory_space<hbm>> -> memref<10000x128xf32, #tpu.memory_space<hbm>>
        tpu.enqueue_indirect_dma source(%dma_start3A_50 : memref<10000x128xf32, #tpu.memory_space<hbm>>) target(%arg8 : memref<128x128xf32, #tpu.memory_space<vmem>>) offsets(%dma_start3A_47 : memref<128xi32, #tpu.memory_space<vmem>>) semaphore(%arg10 : memref<!tpu.dma_semaphore, #tpu.memory_space<semaphore_mem>>)
        %scan3A_51 = arith.constant 0 : i32
        %scan3A_52 = arith.constant 20 : i32
        %scan3A_53 = arith.addi %scan3A_51, %scan3A_52 : i32
        %scan3A_54 = arith.constant 1 : i32
        scf.for %scan3A_56 = %scan3A_51 to %scan3A_53 step %scan3A_54  : i32 {
          %mul3A_57 = arith.constant 2 : i32
          %mul3A_58 = arith.muli %scan3A_56, %mul3A_57 : i32
          %add3A_59 = arith.constant 0 : i32
          %add3A_60 = arith.addi %add3A_59, %mul3A_58 : i32
          %add3A_61 = arith.constant 0 : i32
          %add3A_62 = arith.addi %add3A_60, %add3A_61 : i32
          %dma_wait3A = arith.constant 0 : i32
          %dma_wait3A_63 = arith.constant 0 : i32
          %dma_wait3A_64 = tpu.memref_slice %arg6[%add3A_62, %dma_wait3A, %dma_wait3A_63] : memref<40x2x128xi32, #tpu.memory_space<vmem>> -> memref<1x1x128xi32, #tpu.memory_space<vmem>>
          %dma_wait3A_65 = tpu.memref_squeeze %dma_wait3A_64 : memref<1x1x128xi32, #tpu.memory_space<vmem>> -> memref<128xi32, #tpu.memory_space<vmem>>
          %dma_wait3A_66 = arith.constant 0 : i32
          %dma_wait3A_67 = arith.constant 0 : i32
          %dma_wait3A_68 = tpu.memref_slice %arg2[%dma_wait3A_66, %dma_wait3A_67] : memref<10000x128xf32, #tpu.memory_space<hbm>> -> memref<10000x128xf32, #tpu.memory_space<hbm>>
          tpu.wait_indirect_dma semaphore(%arg9 : memref<!tpu.dma_semaphore, #tpu.memory_space<semaphore_mem>>) src(%dma_wait3A_68 : memref<10000x128xf32, #tpu.memory_space<hbm>>) dst(%arg7 : memref<128x128xf32, #tpu.memory_space<vmem>>)
          %run_scoped3A = arith.constant 1 : i32
          "tpu.region"() ({
            %run_scoped3A_93 = tpu.sem_alloc : memref<!tpu.dma_semaphore, #tpu.memory_space<semaphore_mem>>
            %dma_start3A_94 = arith.constant 0 : i32
            %dma_start3A_95 = tpu.memref_slice %arg6[%add3A_62, %run_scoped3A, %dma_start3A_94] : memref<40x2x128xi32, #tpu.memory_space<vmem>> -> memref<1x1x128xi32, #tpu.memory_space<vmem>>
            %dma_start3A_96 = tpu.memref_squeeze %dma_start3A_95 : memref<1x1x128xi32, #tpu.memory_space<vmem>> -> memref<128xi32, #tpu.memory_space<vmem>>
            %dma_start3A_97 = arith.constant 0 : i32
            %dma_start3A_98 = arith.constant 0 : i32
            %dma_start3A_99 = tpu.memref_slice %arg11[%dma_start3A_97, %dma_start3A_98] : memref<10240x128xf32, #tpu.memory_space<vmem_shared>> -> memref<10240x128xf32, #tpu.memory_space<vmem_shared>>
            tpu.enqueue_indirect_dma source(%arg7 : memref<128x128xf32, #tpu.memory_space<vmem>>) target(%dma_start3A_99 : memref<10240x128xf32, #tpu.memory_space<vmem_shared>>) offsets(%dma_start3A_96 : memref<128xi32, #tpu.memory_space<vmem>>) semaphore(%run_scoped3A_93 : memref<!tpu.dma_semaphore, #tpu.memory_space<semaphore_mem>>) {add = true}
            %dma_wait3A_100 = arith.constant 0 : i32
            %dma_wait3A_101 = tpu.memref_slice %arg6[%add3A_62, %run_scoped3A, %dma_wait3A_100] : memref<40x2x128xi32, #tpu.memory_space<vmem>> -> memref<1x1x128xi32, #tpu.memory_space<vmem>>
            %dma_wait3A_102 = tpu.memref_squeeze %dma_wait3A_101 : memref<1x1x128xi32, #tpu.memory_space<vmem>> -> memref<128xi32, #tpu.memory_space<vmem>>
            %dma_wait3A_103 = arith.constant 0 : i32
            %dma_wait3A_104 = arith.constant 0 : i32
            %dma_wait3A_105 = tpu.memref_slice %arg11[%dma_wait3A_103, %dma_wait3A_104] : memref<10240x128xf32, #tpu.memory_space<vmem_shared>> -> memref<10240x128xf32, #tpu.memory_space<vmem_shared>>
            tpu.wait_indirect_dma semaphore(%run_scoped3A_93 : memref<!tpu.dma_semaphore, #tpu.memory_space<semaphore_mem>>) src(%arg7 : memref<128x128xf32, #tpu.memory_space<vmem>>) dst(%dma_wait3A_105 : memref<10240x128xf32, #tpu.memory_space<vmem_shared>>)
            tpu.yield
          }) : () -> ()
          %add3A_69 = arith.constant 2 : i32
          %add3A_70 = arith.addi %add3A_62, %add3A_69 : i32
          %lt3A_71 = arith.constant 40 : i32
          %lt3A_72 = arith.cmpi slt, %add3A_70, %lt3A_71 : i32
          %convert_element_type3A_73 = arith.extui %lt3A_72 : i1 to i32
          %cond3A_74 = arith.constant 0 : i32
          %cond3A_75 = arith.cmpi ne, %convert_element_type3A_73, %cond3A_74 : i32
          scf.if %cond3A_75 {
            %add3A_93 = arith.constant 2 : i32
            %add3A_94 = arith.addi %add3A_62, %add3A_93 : i32
            %dma_start3A_95 = arith.constant 0 : i32
            %dma_start3A_96 = arith.constant 0 : i32
            %dma_start3A_97 = tpu.memref_slice %arg6[%add3A_94, %dma_start3A_95, %dma_start3A_96] : memref<40x2x128xi32, #tpu.memory_space<vmem>> -> memref<1x1x128xi32, #tpu.memory_space<vmem>>
            %dma_start3A_98 = tpu.memref_squeeze %dma_start3A_97 : memref<1x1x128xi32, #tpu.memory_space<vmem>> -> memref<128xi32, #tpu.memory_space<vmem>>
            %dma_start3A_99 = arith.constant 0 : i32
            %dma_start3A_100 = arith.constant 0 : i32
            %dma_start3A_101 = tpu.memref_slice %arg2[%dma_start3A_99, %dma_start3A_100] : memref<10000x128xf32, #tpu.memory_space<hbm>> -> memref<10000x128xf32, #tpu.memory_space<hbm>>
            tpu.enqueue_indirect_dma source(%dma_start3A_101 : memref<10000x128xf32, #tpu.memory_space<hbm>>) target(%arg7 : memref<128x128xf32, #tpu.memory_space<vmem>>) offsets(%dma_start3A_98 : memref<128xi32, #tpu.memory_space<vmem>>) semaphore(%arg9 : memref<!tpu.dma_semaphore, #tpu.memory_space<semaphore_mem>>)
          } else {
          }
          %add3A_76 = arith.constant 1 : i32
          %add3A_77 = arith.addi %add3A_60, %add3A_76 : i32
          %dma_wait3A_78 = arith.constant 0 : i32
          %dma_wait3A_79 = arith.constant 0 : i32
          %dma_wait3A_80 = tpu.memref_slice %arg6[%add3A_77, %dma_wait3A_78, %dma_wait3A_79] : memref<40x2x128xi32, #tpu.memory_space<vmem>> -> memref<1x1x128xi32, #tpu.memory_space<vmem>>
          %dma_wait3A_81 = tpu.memref_squeeze %dma_wait3A_80 : memref<1x1x128xi32, #tpu.memory_space<vmem>> -> memref<128xi32, #tpu.memory_space<vmem>>
          %dma_wait3A_82 = arith.constant 0 : i32
          %dma_wait3A_83 = arith.constant 0 : i32
          %dma_wait3A_84 = tpu.memref_slice %arg2[%dma_wait3A_82, %dma_wait3A_83] : memref<10000x128xf32, #tpu.memory_space<hbm>> -> memref<10000x128xf32, #tpu.memory_space<hbm>>
          tpu.wait_indirect_dma semaphore(%arg10 : memref<!tpu.dma_semaphore, #tpu.memory_space<semaphore_mem>>) src(%dma_wait3A_84 : memref<10000x128xf32, #tpu.memory_space<hbm>>) dst(%arg8 : memref<128x128xf32, #tpu.memory_space<vmem>>)
          %run_scoped3A_85 = arith.constant 1 : i32
          "tpu.region"() ({
            %run_scoped3A_93 = tpu.sem_alloc : memref<!tpu.dma_semaphore, #tpu.memory_space<semaphore_mem>>
            %dma_start3A_94 = arith.constant 0 : i32
            %dma_start3A_95 = tpu.memref_slice %arg6[%add3A_77, %run_scoped3A_85, %dma_start3A_94] : memref<40x2x128xi32, #tpu.memory_space<vmem>> -> memref<1x1x128xi32, #tpu.memory_space<vmem>>
            %dma_start3A_96 = tpu.memref_squeeze %dma_start3A_95 : memref<1x1x128xi32, #tpu.memory_space<vmem>> -> memref<128xi32, #tpu.memory_space<vmem>>
            %dma_start3A_97 = arith.constant 0 : i32
            %dma_start3A_98 = arith.constant 0 : i32
            %dma_start3A_99 = tpu.memref_slice %arg11[%dma_start3A_97, %dma_start3A_98] : memref<10240x128xf32, #tpu.memory_space<vmem_shared>> -> memref<10240x128xf32, #tpu.memory_space<vmem_shared>>
            tpu.enqueue_indirect_dma source(%arg8 : memref<128x128xf32, #tpu.memory_space<vmem>>) target(%dma_start3A_99 : memref<10240x128xf32, #tpu.memory_space<vmem_shared>>) offsets(%dma_start3A_96 : memref<128xi32, #tpu.memory_space<vmem>>) semaphore(%run_scoped3A_93 : memref<!tpu.dma_semaphore, #tpu.memory_space<semaphore_mem>>) {add = true}
            %dma_wait3A_100 = arith.constant 0 : i32
            %dma_wait3A_101 = tpu.memref_slice %arg6[%add3A_77, %run_scoped3A_85, %dma_wait3A_100] : memref<40x2x128xi32, #tpu.memory_space<vmem>> -> memref<1x1x128xi32, #tpu.memory_space<vmem>>
            %dma_wait3A_102 = tpu.memref_squeeze %dma_wait3A_101 : memref<1x1x128xi32, #tpu.memory_space<vmem>> -> memref<128xi32, #tpu.memory_space<vmem>>
            %dma_wait3A_103 = arith.constant 0 : i32
            %dma_wait3A_104 = arith.constant 0 : i32
            %dma_wait3A_105 = tpu.memref_slice %arg11[%dma_wait3A_103, %dma_wait3A_104] : memref<10240x128xf32, #tpu.memory_space<vmem_shared>> -> memref<10240x128xf32, #tpu.memory_space<vmem_shared>>
            tpu.wait_indirect_dma semaphore(%run_scoped3A_93 : memref<!tpu.dma_semaphore, #tpu.memory_space<semaphore_mem>>) src(%arg8 : memref<128x128xf32, #tpu.memory_space<vmem>>) dst(%dma_wait3A_105 : memref<10240x128xf32, #tpu.memory_space<vmem_shared>>)
            tpu.yield
          }) : () -> ()
          %add3A_86 = arith.constant 2 : i32
          %add3A_87 = arith.addi %add3A_77, %add3A_86 : i32
          %lt3A_88 = arith.constant 40 : i32
          %lt3A_89 = arith.cmpi slt, %add3A_87, %lt3A_88 : i32
          %convert_element_type3A_90 = arith.extui %lt3A_89 : i1 to i32
          %cond3A_91 = arith.constant 0 : i32
          %cond3A_92 = arith.cmpi ne, %convert_element_type3A_90, %cond3A_91 : i32
          scf.if %cond3A_92 {
            %add3A_93 = arith.constant 2 : i32
            %add3A_94 = arith.addi %add3A_77, %add3A_93 : i32
            %dma_start3A_95 = arith.constant 0 : i32
            %dma_start3A_96 = arith.constant 0 : i32
            %dma_start3A_97 = tpu.memref_slice %arg6[%add3A_94, %dma_start3A_95, %dma_start3A_96] : memref<40x2x128xi32, #tpu.memory_space<vmem>> -> memref<1x1x128xi32, #tpu.memory_space<vmem>>
            %dma_start3A_98 = tpu.memref_squeeze %dma_start3A_97 : memref<1x1x128xi32, #tpu.memory_space<vmem>> -> memref<128xi32, #tpu.memory_space<vmem>>
            %dma_start3A_99 = arith.constant 0 : i32
            %dma_start3A_100 = arith.constant 0 : i32
            %dma_start3A_101 = tpu.memref_slice %arg2[%dma_start3A_99, %dma_start3A_100] : memref<10000x128xf32, #tpu.memory_space<hbm>> -> memref<10000x128xf32, #tpu.memory_space<hbm>>
            tpu.enqueue_indirect_dma source(%dma_start3A_101 : memref<10000x128xf32, #tpu.memory_space<hbm>>) target(%arg8 : memref<128x128xf32, #tpu.memory_space<vmem>>) offsets(%dma_start3A_98 : memref<128xi32, #tpu.memory_space<vmem>>) semaphore(%arg10 : memref<!tpu.dma_semaphore, #tpu.memory_space<semaphore_mem>>)
          } else {
          }
        }
        %scan3A_55 = arith.constant 20 : i32
      }
      %scan3A_27 = arith.constant 2 : i32
    } else {
    }
    %eq3A = arith.constant 31 : i32
    %eq3A_12 = arith.cmpi eq, %add3A, %eq3A : i32
    %convert_element_type3A_13 = arith.extui %eq3A_12 : i1 to i32
    %cond3A_14 = arith.constant 0 : i32
    %cond3A_15 = arith.cmpi ne, %convert_element_type3A_13, %cond3A_14 : i32
    scf.if %cond3A_15 {
      %scan3A_21 = arith.constant 0 : i32
      %scan3A_22 = arith.constant 2 : i32
      %scan3A_23 = arith.addi %scan3A_21, %scan3A_22 : i32
      %scan3A_24 = arith.constant 1 : i32
      scf.for %scan3A_26 = %scan3A_21 to %scan3A_23 step %scan3A_24  : i32 {
        %mul3A_27 = arith.constant 1 : i32
        %mul3A_28 = arith.muli %scan3A_26, %mul3A_27 : i32
        %add3A_29 = arith.constant 0 : i32
        %add3A_30 = arith.addi %add3A_29, %mul3A_28 : i32
        %mul3A_31 = arith.constant 40 : i32
        %mul3A_32 = arith.muli %add3A_30, %mul3A_31 : i32
        %add3A_33 = arith.constant 0 : i32
        %add3A_34 = arith.addi %add3A_33, %mul3A_32 : i32
        "tpu.region"() ({
          %run_scoped3A = tpu.sem_alloc : memref<!tpu.dma_semaphore, #tpu.memory_space<semaphore_mem>>
          %dma_start3A_55 = arith.constant 0 : i32
          %dma_start3A_56 = arith.constant 0 : i32
          %dma_start3A_57 = tpu.memref_slice %arg4[%add3A_34, %dma_start3A_55, %dma_start3A_56] : memref<80x2x128xi32, #tpu.memory_space<hbm>> -> memref<40x2x128xi32, #tpu.memory_space<hbm>>
          %dma_start3A_58 = arith.constant 0 : i32
          %dma_start3A_59 = arith.constant 0 : i32
          %dma_start3A_60 = tpu.memref_slice %arg4[%add3A_34, %dma_start3A_58, %dma_start3A_59] : memref<80x2x128xi32, #tpu.memory_space<hbm>> -> memref<40x2x128xi32, #tpu.memory_space<hbm>>
          tpu.enqueue_dma source(%dma_start3A_60 : memref<40x2x128xi32, #tpu.memory_space<hbm>>) target(%arg6 : memref<40x2x128xi32, #tpu.memory_space<vmem>>) target_semaphore(%run_scoped3A : memref<!tpu.dma_semaphore, #tpu.memory_space<semaphore_mem>>)
          %dma_wait3A = arith.constant 0 : i32
          %dma_wait3A_61 = arith.constant 0 : i32
          %dma_wait3A_62 = tpu.memref_slice %arg4[%add3A_34, %dma_wait3A, %dma_wait3A_61] : memref<80x2x128xi32, #tpu.memory_space<hbm>> -> memref<40x2x128xi32, #tpu.memory_space<hbm>>
          %dma_wait3A_63 = arith.constant 0 : i32
          %dma_wait3A_64 = arith.constant 0 : i32
          %dma_wait3A_65 = tpu.memref_slice %arg4[%add3A_34, %dma_wait3A_63, %dma_wait3A_64] : memref<80x2x128xi32, #tpu.memory_space<hbm>> -> memref<40x2x128xi32, #tpu.memory_space<hbm>>
          tpu.wait_dma2 semaphore(%run_scoped3A : memref<!tpu.dma_semaphore, #tpu.memory_space<semaphore_mem>>) src(%dma_wait3A_65 : memref<40x2x128xi32, #tpu.memory_space<hbm>>) dst(%arg6 : memref<40x2x128xi32, #tpu.memory_space<vmem>>)
          tpu.yield
        }) : () -> ()
        %dma_start3A = arith.constant 0 : i32
        %dma_start3A_35 = arith.constant 0 : i32
        %dma_start3A_36 = arith.constant 0 : i32
        %dma_start3A_37 = tpu.memref_slice %arg6[%dma_start3A, %dma_start3A_35, %dma_start3A_36] : memref<40x2x128xi32, #tpu.memory_space<vmem>> -> memref<1x1x128xi32, #tpu.memory_space<vmem>>
        %dma_start3A_38 = tpu.memref_squeeze %dma_start3A_37 : memref<1x1x128xi32, #tpu.memory_space<vmem>> -> memref<128xi32, #tpu.memory_space<vmem>>
        %dma_start3A_39 = arith.constant 0 : i32
        %dma_start3A_40 = arith.constant 0 : i32
        %dma_start3A_41 = tpu.memref_slice %arg2[%dma_start3A_39, %dma_start3A_40] : memref<10000x128xf32, #tpu.memory_space<hbm>> -> memref<10000x128xf32, #tpu.memory_space<hbm>>
        tpu.enqueue_indirect_dma source(%dma_start3A_41 : memref<10000x128xf32, #tpu.memory_space<hbm>>) target(%arg7 : memref<128x128xf32, #tpu.memory_space<vmem>>) offsets(%dma_start3A_38 : memref<128xi32, #tpu.memory_space<vmem>>) semaphore(%arg9 : memref<!tpu.dma_semaphore, #tpu.memory_space<semaphore_mem>>)
        %dma_start3A_42 = arith.constant 1 : i32
        %dma_start3A_43 = arith.constant 0 : i32
        %dma_start3A_44 = arith.constant 0 : i32
        %dma_start3A_45 = tpu.memref_slice %arg6[%dma_start3A_42, %dma_start3A_43, %dma_start3A_44] : memref<40x2x128xi32, #tpu.memory_space<vmem>> -> memref<1x1x128xi32, #tpu.memory_space<vmem>>
        %dma_start3A_46 = tpu.memref_squeeze %dma_start3A_45 : memref<1x1x128xi32, #tpu.memory_space<vmem>> -> memref<128xi32, #tpu.memory_space<vmem>>
        %dma_start3A_47 = arith.constant 0 : i32
        %dma_start3A_48 = arith.constant 0 : i32
        %dma_start3A_49 = tpu.memref_slice %arg2[%dma_start3A_47, %dma_start3A_48] : memref<10000x128xf32, #tpu.memory_space<hbm>> -> memref<10000x128xf32, #tpu.memory_space<hbm>>
        tpu.enqueue_indirect_dma source(%dma_start3A_49 : memref<10000x128xf32, #tpu.memory_space<hbm>>) target(%arg8 : memref<128x128xf32, #tpu.memory_space<vmem>>) offsets(%dma_start3A_46 : memref<128xi32, #tpu.memory_space<vmem>>) semaphore(%arg10 : memref<!tpu.dma_semaphore, #tpu.memory_space<semaphore_mem>>)
        %scan3A_50 = arith.constant 0 : i32
        %scan3A_51 = arith.constant 20 : i32
        %scan3A_52 = arith.addi %scan3A_50, %scan3A_51 : i32
        %scan3A_53 = arith.constant 1 : i32
        scf.for %scan3A_55 = %scan3A_50 to %scan3A_52 step %scan3A_53  : i32 {
          %mul3A_56 = arith.constant 2 : i32
          %mul3A_57 = arith.muli %scan3A_55, %mul3A_56 : i32
          %add3A_58 = arith.constant 0 : i32
          %add3A_59 = arith.addi %add3A_58, %mul3A_57 : i32
          %add3A_60 = arith.constant 0 : i32
          %add3A_61 = arith.addi %add3A_59, %add3A_60 : i32
          %dma_wait3A = arith.constant 0 : i32
          %dma_wait3A_62 = arith.constant 0 : i32
          %dma_wait3A_63 = tpu.memref_slice %arg6[%add3A_61, %dma_wait3A, %dma_wait3A_62] : memref<40x2x128xi32, #tpu.memory_space<vmem>> -> memref<1x1x128xi32, #tpu.memory_space<vmem>>
          %dma_wait3A_64 = tpu.memref_squeeze %dma_wait3A_63 : memref<1x1x128xi32, #tpu.memory_space<vmem>> -> memref<128xi32, #tpu.memory_space<vmem>>
          %dma_wait3A_65 = arith.constant 0 : i32
          %dma_wait3A_66 = arith.constant 0 : i32
          %dma_wait3A_67 = tpu.memref_slice %arg2[%dma_wait3A_65, %dma_wait3A_66] : memref<10000x128xf32, #tpu.memory_space<hbm>> -> memref<10000x128xf32, #tpu.memory_space<hbm>>
          tpu.wait_indirect_dma semaphore(%arg9 : memref<!tpu.dma_semaphore, #tpu.memory_space<semaphore_mem>>) src(%dma_wait3A_67 : memref<10000x128xf32, #tpu.memory_space<hbm>>) dst(%arg7 : memref<128x128xf32, #tpu.memory_space<vmem>>)
          %run_scoped3A = arith.constant 1 : i32
          "tpu.region"() ({
            %run_scoped3A_92 = tpu.sem_alloc : memref<!tpu.dma_semaphore, #tpu.memory_space<semaphore_mem>>
            %dma_start3A_93 = arith.constant 0 : i32
            %dma_start3A_94 = tpu.memref_slice %arg6[%add3A_61, %run_scoped3A, %dma_start3A_93] : memref<40x2x128xi32, #tpu.memory_space<vmem>> -> memref<1x1x128xi32, #tpu.memory_space<vmem>>
            %dma_start3A_95 = tpu.memref_squeeze %dma_start3A_94 : memref<1x1x128xi32, #tpu.memory_space<vmem>> -> memref<128xi32, #tpu.memory_space<vmem>>
            %dma_start3A_96 = arith.constant 0 : i32
            %dma_start3A_97 = arith.constant 0 : i32
            %dma_start3A_98 = tpu.memref_slice %arg11[%dma_start3A_96, %dma_start3A_97] : memref<10240x128xf32, #tpu.memory_space<vmem_shared>> -> memref<10240x128xf32, #tpu.memory_space<vmem_shared>>
            tpu.enqueue_indirect_dma source(%arg7 : memref<128x128xf32, #tpu.memory_space<vmem>>) target(%dma_start3A_98 : memref<10240x128xf32, #tpu.memory_space<vmem_shared>>) offsets(%dma_start3A_95 : memref<128xi32, #tpu.memory_space<vmem>>) semaphore(%run_scoped3A_92 : memref<!tpu.dma_semaphore, #tpu.memory_space<semaphore_mem>>) {add = true}
            %dma_wait3A_99 = arith.constant 0 : i32
            %dma_wait3A_100 = tpu.memref_slice %arg6[%add3A_61, %run_scoped3A, %dma_wait3A_99] : memref<40x2x128xi32, #tpu.memory_space<vmem>> -> memref<1x1x128xi32, #tpu.memory_space<vmem>>
            %dma_wait3A_101 = tpu.memref_squeeze %dma_wait3A_100 : memref<1x1x128xi32, #tpu.memory_space<vmem>> -> memref<128xi32, #tpu.memory_space<vmem>>
            %dma_wait3A_102 = arith.constant 0 : i32
            %dma_wait3A_103 = arith.constant 0 : i32
            %dma_wait3A_104 = tpu.memref_slice %arg11[%dma_wait3A_102, %dma_wait3A_103] : memref<10240x128xf32, #tpu.memory_space<vmem_shared>> -> memref<10240x128xf32, #tpu.memory_space<vmem_shared>>
            tpu.wait_indirect_dma semaphore(%run_scoped3A_92 : memref<!tpu.dma_semaphore, #tpu.memory_space<semaphore_mem>>) src(%arg7 : memref<128x128xf32, #tpu.memory_space<vmem>>) dst(%dma_wait3A_104 : memref<10240x128xf32, #tpu.memory_space<vmem_shared>>)
            tpu.yield
          }) : () -> ()
          %add3A_68 = arith.constant 2 : i32
          %add3A_69 = arith.addi %add3A_61, %add3A_68 : i32
          %lt3A_70 = arith.constant 40 : i32
          %lt3A_71 = arith.cmpi slt, %add3A_69, %lt3A_70 : i32
          %convert_element_type3A_72 = arith.extui %lt3A_71 : i1 to i32
          %cond3A_73 = arith.constant 0 : i32
          %cond3A_74 = arith.cmpi ne, %convert_element_type3A_72, %cond3A_73 : i32
          scf.if %cond3A_74 {
            %add3A_92 = arith.constant 2 : i32
            %add3A_93 = arith.addi %add3A_61, %add3A_92 : i32
            %dma_start3A_94 = arith.constant 0 : i32
            %dma_start3A_95 = arith.constant 0 : i32
            %dma_start3A_96 = tpu.memref_slice %arg6[%add3A_93, %dma_start3A_94, %dma_start3A_95] : memref<40x2x128xi32, #tpu.memory_space<vmem>> -> memref<1x1x128xi32, #tpu.memory_space<vmem>>
            %dma_start3A_97 = tpu.memref_squeeze %dma_start3A_96 : memref<1x1x128xi32, #tpu.memory_space<vmem>> -> memref<128xi32, #tpu.memory_space<vmem>>
            %dma_start3A_98 = arith.constant 0 : i32
            %dma_start3A_99 = arith.constant 0 : i32
            %dma_start3A_100 = tpu.memref_slice %arg2[%dma_start3A_98, %dma_start3A_99] : memref<10000x128xf32, #tpu.memory_space<hbm>> -> memref<10000x128xf32, #tpu.memory_space<hbm>>
            tpu.enqueue_indirect_dma source(%dma_start3A_100 : memref<10000x128xf32, #tpu.memory_space<hbm>>) target(%arg7 : memref<128x128xf32, #tpu.memory_space<vmem>>) offsets(%dma_start3A_97 : memref<128xi32, #tpu.memory_space<vmem>>) semaphore(%arg9 : memref<!tpu.dma_semaphore, #tpu.memory_space<semaphore_mem>>)
          } else {
          }
          %add3A_75 = arith.constant 1 : i32
          %add3A_76 = arith.addi %add3A_59, %add3A_75 : i32
          %dma_wait3A_77 = arith.constant 0 : i32
          %dma_wait3A_78 = arith.constant 0 : i32
          %dma_wait3A_79 = tpu.memref_slice %arg6[%add3A_76, %dma_wait3A_77, %dma_wait3A_78] : memref<40x2x128xi32, #tpu.memory_space<vmem>> -> memref<1x1x128xi32, #tpu.memory_space<vmem>>
          %dma_wait3A_80 = tpu.memref_squeeze %dma_wait3A_79 : memref<1x1x128xi32, #tpu.memory_space<vmem>> -> memref<128xi32, #tpu.memory_space<vmem>>
          %dma_wait3A_81 = arith.constant 0 : i32
          %dma_wait3A_82 = arith.constant 0 : i32
          %dma_wait3A_83 = tpu.memref_slice %arg2[%dma_wait3A_81, %dma_wait3A_82] : memref<10000x128xf32, #tpu.memory_space<hbm>> -> memref<10000x128xf32, #tpu.memory_space<hbm>>
          tpu.wait_indirect_dma semaphore(%arg10 : memref<!tpu.dma_semaphore, #tpu.memory_space<semaphore_mem>>) src(%dma_wait3A_83 : memref<10000x128xf32, #tpu.memory_space<hbm>>) dst(%arg8 : memref<128x128xf32, #tpu.memory_space<vmem>>)
          %run_scoped3A_84 = arith.constant 1 : i32
          "tpu.region"() ({
            %run_scoped3A_92 = tpu.sem_alloc : memref<!tpu.dma_semaphore, #tpu.memory_space<semaphore_mem>>
            %dma_start3A_93 = arith.constant 0 : i32
            %dma_start3A_94 = tpu.memref_slice %arg6[%add3A_76, %run_scoped3A_84, %dma_start3A_93] : memref<40x2x128xi32, #tpu.memory_space<vmem>> -> memref<1x1x128xi32, #tpu.memory_space<vmem>>
            %dma_start3A_95 = tpu.memref_squeeze %dma_start3A_94 : memref<1x1x128xi32, #tpu.memory_space<vmem>> -> memref<128xi32, #tpu.memory_space<vmem>>
            %dma_start3A_96 = arith.constant 0 : i32
            %dma_start3A_97 = arith.constant 0 : i32
            %dma_start3A_98 = tpu.memref_slice %arg11[%dma_start3A_96, %dma_start3A_97] : memref<10240x128xf32, #tpu.memory_space<vmem_shared>> -> memref<10240x128xf32, #tpu.memory_space<vmem_shared>>
            tpu.enqueue_indirect_dma source(%arg8 : memref<128x128xf32, #tpu.memory_space<vmem>>) target(%dma_start3A_98 : memref<10240x128xf32, #tpu.memory_space<vmem_shared>>) offsets(%dma_start3A_95 : memref<128xi32, #tpu.memory_space<vmem>>) semaphore(%run_scoped3A_92 : memref<!tpu.dma_semaphore, #tpu.memory_space<semaphore_mem>>) {add = true}
            %dma_wait3A_99 = arith.constant 0 : i32
            %dma_wait3A_100 = tpu.memref_slice %arg6[%add3A_76, %run_scoped3A_84, %dma_wait3A_99] : memref<40x2x128xi32, #tpu.memory_space<vmem>> -> memref<1x1x128xi32, #tpu.memory_space<vmem>>
            %dma_wait3A_101 = tpu.memref_squeeze %dma_wait3A_100 : memref<1x1x128xi32, #tpu.memory_space<vmem>> -> memref<128xi32, #tpu.memory_space<vmem>>
            %dma_wait3A_102 = arith.constant 0 : i32
            %dma_wait3A_103 = arith.constant 0 : i32
            %dma_wait3A_104 = tpu.memref_slice %arg11[%dma_wait3A_102, %dma_wait3A_103] : memref<10240x128xf32, #tpu.memory_space<vmem_shared>> -> memref<10240x128xf32, #tpu.memory_space<vmem_shared>>
            tpu.wait_indirect_dma semaphore(%run_scoped3A_92 : memref<!tpu.dma_semaphore, #tpu.memory_space<semaphore_mem>>) src(%arg8 : memref<128x128xf32, #tpu.memory_space<vmem>>) dst(%dma_wait3A_104 : memref<10240x128xf32, #tpu.memory_space<vmem_shared>>)
            tpu.yield
          }) : () -> ()
          %add3A_85 = arith.constant 2 : i32
          %add3A_86 = arith.addi %add3A_76, %add3A_85 : i32
          %lt3A_87 = arith.constant 40 : i32
          %lt3A_88 = arith.cmpi slt, %add3A_86, %lt3A_87 : i32
          %convert_element_type3A_89 = arith.extui %lt3A_88 : i1 to i32
          %cond3A_90 = arith.constant 0 : i32
          %cond3A_91 = arith.cmpi ne, %convert_element_type3A_89, %cond3A_90 : i32
          scf.if %cond3A_91 {
            %add3A_92 = arith.constant 2 : i32
            %add3A_93 = arith.addi %add3A_76, %add3A_92 : i32
            %dma_start3A_94 = arith.constant 0 : i32
            %dma_start3A_95 = arith.constant 0 : i32
            %dma_start3A_96 = tpu.memref_slice %arg6[%add3A_93, %dma_start3A_94, %dma_start3A_95] : memref<40x2x128xi32, #tpu.memory_space<vmem>> -> memref<1x1x128xi32, #tpu.memory_space<vmem>>
            %dma_start3A_97 = tpu.memref_squeeze %dma_start3A_96 : memref<1x1x128xi32, #tpu.memory_space<vmem>> -> memref<128xi32, #tpu.memory_space<vmem>>
            %dma_start3A_98 = arith.constant 0 : i32
            %dma_start3A_99 = arith.constant 0 : i32
            %dma_start3A_100 = tpu.memref_slice %arg2[%dma_start3A_98, %dma_start3A_99] : memref<10000x128xf32, #tpu.memory_space<hbm>> -> memref<10000x128xf32, #tpu.memory_space<hbm>>
            tpu.enqueue_indirect_dma source(%dma_start3A_100 : memref<10000x128xf32, #tpu.memory_space<hbm>>) target(%arg8 : memref<128x128xf32, #tpu.memory_space<vmem>>) offsets(%dma_start3A_97 : memref<128xi32, #tpu.memory_space<vmem>>) semaphore(%arg10 : memref<!tpu.dma_semaphore, #tpu.memory_space<semaphore_mem>>)
          } else {
          }
        }
        %scan3A_54 = arith.constant 20 : i32
      }
      %scan3A_25 = arith.constant 2 : i32
    } else {
    }
    %barrier3A_16 = arith.constant 0 : index
    tpu.barrier barrier_id(%barrier3A_16)
    %mul3A_17 = arith.constant 640 : i32
    %mul3A_18 = arith.muli %arg1, %mul3A_17 : i32
    %mul3A_19 = arith.constant 640 : i32
    %mul3A_20 = arith.muli %arg1, %mul3A_19 : i32
    "tpu.region"() ({
      %run_scoped3A = tpu.sem_alloc : memref<!tpu.dma_semaphore, #tpu.memory_space<semaphore_mem>>
      %dma_start3A = arith.constant 0 : i32
      %dma_start3A_21 = arith.constant 0 : i32
      %dma_start3A_22 = tpu.memref_slice %arg5[%arg0, %dma_start3A, %dma_start3A_21] : memref<2x10240x128xf32, #tpu.memory_space<hbm>> -> memref<1x10240x128xf32, #tpu.memory_space<hbm>>
      %dma_start3A_23 = tpu.memref_squeeze %dma_start3A_22 : memref<1x10240x128xf32, #tpu.memory_space<hbm>> -> memref<10240x128xf32, #tpu.memory_space<hbm>>
      %dma_start3A_24 = arith.constant 0 : i32
      %dma_start3A_25 = tpu.memref_slice %dma_start3A_23[%mul3A_20, %dma_start3A_24] : memref<10240x128xf32, #tpu.memory_space<hbm>> -> memref<640x128xf32, #tpu.memory_space<hbm>>
      %dma_start3A_26 = arith.constant 0 : i32
      %dma_start3A_27 = tpu.memref_slice %arg11[%mul3A_18, %dma_start3A_26] : memref<10240x128xf32, #tpu.memory_space<vmem_shared>> -> memref<640x128xf32, #tpu.memory_space<vmem_shared>>
      tpu.enqueue_dma source(%dma_start3A_27 : memref<640x128xf32, #tpu.memory_space<vmem_shared>>) target(%dma_start3A_25 : memref<640x128xf32, #tpu.memory_space<hbm>>) target_semaphore(%run_scoped3A : memref<!tpu.dma_semaphore, #tpu.memory_space<semaphore_mem>>)
      %dma_wait3A = arith.constant 0 : i32
      %dma_wait3A_28 = arith.constant 0 : i32
      %dma_wait3A_29 = tpu.memref_slice %arg5[%arg0, %dma_wait3A, %dma_wait3A_28] : memref<2x10240x128xf32, #tpu.memory_space<hbm>> -> memref<1x10240x128xf32, #tpu.memory_space<hbm>>
      %dma_wait3A_30 = tpu.memref_squeeze %dma_wait3A_29 : memref<1x10240x128xf32, #tpu.memory_space<hbm>> -> memref<10240x128xf32, #tpu.memory_space<hbm>>
      %dma_wait3A_31 = arith.constant 0 : i32
      %dma_wait3A_32 = tpu.memref_slice %dma_wait3A_30[%mul3A_20, %dma_wait3A_31] : memref<10240x128xf32, #tpu.memory_space<hbm>> -> memref<640x128xf32, #tpu.memory_space<hbm>>
      %dma_wait3A_33 = arith.constant 0 : i32
      %dma_wait3A_34 = tpu.memref_slice %arg11[%mul3A_18, %dma_wait3A_33] : memref<10240x128xf32, #tpu.memory_space<vmem_shared>> -> memref<640x128xf32, #tpu.memory_space<vmem_shared>>
      tpu.wait_dma2 semaphore(%run_scoped3A : memref<!tpu.dma_semaphore, #tpu.memory_space<semaphore_mem>>) src(%dma_wait3A_34 : memref<640x128xf32, #tpu.memory_space<vmem_shared>>) dst(%dma_wait3A_32 : memref<640x128xf32, #tpu.memory_space<hbm>>)
      tpu.yield
    }) : () -> ()
    return
  }
}

module attributes {stable_mosaic.version = 14 : i64} {
  func.func @_scale_body(%arg0: i32, %arg1: memref<2000x128xf32, #tpu.memory_space<vmem>>, %arg2: memref<2x2000x16xf32, #tpu.memory_space<vmem>>, %arg3: memref<2000x128xf32, #tpu.memory_space<vmem>>) attributes {dimension_semantics = [#tpu.dimension_semantics<arbitrary>], iteration_bounds = array<i64: 5>, scalar_prefetch = 0 : i64, scratch_operands = 0 : i64, tpu.core_type = #tpu.core_type<tc>, window_params = [{transform_indices = @transform_0, window_bounds = array<i64: 2000, 128>}, {transform_indices = @transform_1, window_bounds = array<i64: 2, 2000, 16>}, {transform_indices = @transform_2, window_bounds = array<i64: 2000, 128>}]} {
    %get3A = arith.constant 0 : index
    %get3A_0 = arith.constant 0 : index
    %get3A_1 = vector.load %arg1[%get3A, %get3A_0] : memref<2000x128xf32, #tpu.memory_space<vmem>>, vector<2000x128xf32>
    %get3A_2 = arith.constant 0 : index
    %get3A_3 = arith.constant 0 : index
    %get3A_4 = arith.constant 0 : index
    %get3A_5 = vector.load %arg2[%get3A_2, %get3A_3, %get3A_4] : memref<2x2000x16xf32, #tpu.memory_space<vmem>>, vector<1x2000x1xf32>
    %get3A_6 = vector.shape_cast %get3A_5 : vector<1x2000x1xf32> to vector<2000x1xf32>
    %get3A_7 = arith.constant 1 : index
    %get3A_8 = arith.constant 0 : index
    %get3A_9 = arith.constant 0 : index
    %get3A_10 = vector.load %arg2[%get3A_7, %get3A_8, %get3A_9] : memref<2x2000x16xf32, #tpu.memory_space<vmem>>, vector<1x2000x1xf32>
    %get3A_11 = vector.shape_cast %get3A_10 : vector<1x2000x1xf32> to vector<2000x1xf32>
    %add3A = arith.addf %get3A_6, %get3A_11 : vector<2000x1xf32>
    %add3A_12 = arith.constant 1.000000e+00 : f32
    %add3A_13 = vector.broadcast %add3A_12 : f32 to vector<2000x1xf32>
    %add3A_14 = arith.addf %add3A, %add3A_13 : vector<2000x1xf32>
    %rsqrt3A = math.rsqrt %add3A_14 : vector<2000x1xf32>
    %mul3A = vector.broadcast %rsqrt3A : vector<2000x1xf32> to vector<2000x128xf32>
    %mul3A_15 = arith.mulf %get3A_1, %mul3A : vector<2000x128xf32>
    %swap3A = arith.constant 0 : index
    %swap3A_16 = arith.constant 0 : index
    %swap3A_17 = vector.load %arg3[%swap3A, %swap3A_16] : memref<2000x128xf32, #tpu.memory_space<vmem>>, vector<2000x128xf32>
    tpu.vector_store %arg3[%swap3A, %swap3A_16], %mul3A_15 {strides = array<i32>} : memref<2000x128xf32, #tpu.memory_space<vmem>>, vector<2000x128xf32>,
    return
  }
  func.func @transform_0(%arg0: i32) -> (i32, i32) {
    %c0_i32 = arith.constant 0 : i32
    %c0_i32_0 = arith.constant 0 : i32
    return %arg0, %c0_i32 : i32, i32
  }
  func.func @transform_1(%arg0: i32) -> (i32, i32, i32) {
    %c0_i32 = arith.constant 0 : i32
    %c0_i32_0 = arith.constant 0 : i32
    %c0_i32_1 = arith.constant 0 : i32
    return %c0_i32, %arg0, %c0_i32_0 : i32, i32, i32
  }
  func.func @transform_2(%arg0: i32) -> (i32, i32) {
    %c0_i32 = arith.constant 0 : i32
    %c0_i32_0 = arith.constant 0 : i32
    return %arg0, %c0_i32 : i32, i32
  }
}

module attributes {stable_mosaic.version = 14 : i64} {
  func.func @_mm_body(%arg0: i32, %arg1: memref<2000x128xf32, #tpu.memory_space<vmem>>, %arg2: memref<128x128xf32, #tpu.memory_space<vmem>>, %arg3: memref<2000x128xf32, #tpu.memory_space<vmem>>) attributes {dimension_semantics = [#tpu.dimension_semantics<arbitrary>], iteration_bounds = array<i64: 5>, scalar_prefetch = 0 : i64, scratch_operands = 0 : i64, tpu.core_type = #tpu.core_type<tc>, window_params = [{transform_indices = @transform_0, window_bounds = array<i64: 2000, 128>}, {pipeline_mode = #tpu.pipeline_mode<synchronous>, transform_indices = @transform_1, window_bounds = array<i64: 128, 128>}, {transform_indices = @transform_2, window_bounds = array<i64: 2000, 128>}]} {
    %get3A = arith.constant 0 : index
    %get3A_0 = arith.constant 0 : index
    %get3A_1 = vector.load %arg1[%get3A, %get3A_0] : memref<2000x128xf32, #tpu.memory_space<vmem>>, vector<2000x128xf32>
    %get3A_2 = arith.constant 0 : index
    %get3A_3 = arith.constant 0 : index
    %get3A_4 = vector.load %arg2[%get3A_2, %get3A_3] : memref<128x128xf32, #tpu.memory_space<vmem>>, vector<128x128xf32>
    %dot_general3A = arith.constant dense<0.000000e+00> : vector<2000x128xf32>
    %dot_general3A_5 = tpu.matmul %get3A_1, %get3A_4, %dot_general3A {dimension_numbers = #tpu.dot_dimension_numbers<[1], [0], [0], [1], [0, 0, 1, 1], [], []>, precision = #tpu.contract_precision<fp32>, transpose_lhs_hint = false} : vector<2000x128xf32>, vector<128x128xf32>, vector<2000x128xf32> -> vector<2000x128xf32>
    %swap3A = arith.constant 0 : index
    %swap3A_6 = arith.constant 0 : index
    %swap3A_7 = vector.load %arg3[%swap3A, %swap3A_6] : memref<2000x128xf32, #tpu.memory_space<vmem>>, vector<2000x128xf32>
    tpu.vector_store %arg3[%swap3A, %swap3A_6], %dot_general3A_5 {strides = array<i32>} : memref<2000x128xf32, #tpu.memory_space<vmem>>, vector<2000x128xf32>,
    return
  }
  func.func @transform_0(%arg0: i32) -> (i32, i32) {
    %c0_i32 = arith.constant 0 : i32
    %c0_i32_0 = arith.constant 0 : i32
    return %arg0, %c0_i32 : i32, i32
  }
  func.func @transform_1(%arg0: i32) -> (i32, i32) {
    %c0_i32 = arith.constant 0 : i32
    %c0_i32_0 = arith.constant 0 : i32
    %c0_i32_1 = arith.constant 0 : i32
    return %c0_i32, %c0_i32_0 : i32, i32
  }
  func.func @transform_2(%arg0: i32) -> (i32, i32) {
    %c0_i32 = arith.constant 0 : i32
    %c0_i32_0 = arith.constant 0 : i32
    return %arg0, %c0_i32 : i32, i32
  }
}

module attributes {stable_mosaic.version = 14 : i64} {
  func.func @_final_body(%arg0: i32, %arg1: memref<2x2000x128xf32, #tpu.memory_space<vmem>>, %arg2: memref<2000x128xf32, #tpu.memory_space<vmem>>, %arg3: memref<2x2000x16xf32, #tpu.memory_space<vmem>>, %arg4: memref<1x128xf32, #tpu.memory_space<vmem>>, %arg5: memref<2000x128xf32, #tpu.memory_space<vmem>>) attributes {dimension_semantics = [#tpu.dimension_semantics<arbitrary>], iteration_bounds = array<i64: 5>, scalar_prefetch = 0 : i64, scratch_operands = 0 : i64, tpu.core_type = #tpu.core_type<tc>, window_params = [{transform_indices = @transform_0, window_bounds = array<i64: 2, 2000, 128>}, {transform_indices = @transform_1, window_bounds = array<i64: 2000, 128>}, {transform_indices = @transform_2, window_bounds = array<i64: 2, 2000, 16>}, {pipeline_mode = #tpu.pipeline_mode<synchronous>, transform_indices = @transform_3, window_bounds = array<i64: 1, 128>}, {transform_indices = @transform_4, window_bounds = array<i64: 2000, 128>}]} {
    %get3A = arith.constant 0 : index
    %get3A_0 = arith.constant 0 : index
    %get3A_1 = arith.constant 0 : index
    %get3A_2 = vector.load %arg3[%get3A, %get3A_0, %get3A_1] : memref<2x2000x16xf32, #tpu.memory_space<vmem>>, vector<1x2000x1xf32>
    %get3A_3 = vector.shape_cast %get3A_2 : vector<1x2000x1xf32> to vector<2000x1xf32>
    %get3A_4 = arith.constant 1 : index
    %get3A_5 = arith.constant 0 : index
    %get3A_6 = arith.constant 0 : index
    %get3A_7 = vector.load %arg3[%get3A_4, %get3A_5, %get3A_6] : memref<2x2000x16xf32, #tpu.memory_space<vmem>>, vector<1x2000x1xf32>
    %get3A_8 = vector.shape_cast %get3A_7 : vector<1x2000x1xf32> to vector<2000x1xf32>
    %add3A = arith.addf %get3A_3, %get3A_8 : vector<2000x1xf32>
    %add3A_9 = arith.constant 1.000000e+00 : f32
    %add3A_10 = vector.broadcast %add3A_9 : f32 to vector<2000x1xf32>
    %add3A_11 = arith.addf %add3A, %add3A_10 : vector<2000x1xf32>
    %rsqrt3A = math.rsqrt %add3A_11 : vector<2000x1xf32>
    %get3A_12 = arith.constant 0 : index
    %get3A_13 = arith.constant 0 : index
    %get3A_14 = arith.constant 0 : index
    %get3A_15 = vector.load %arg1[%get3A_12, %get3A_13, %get3A_14] : memref<2x2000x128xf32, #tpu.memory_space<vmem>>, vector<1x2000x128xf32>
    %get3A_16 = vector.shape_cast %get3A_15 : vector<1x2000x128xf32> to vector<2000x128xf32>
    %get3A_17 = arith.constant 1 : index
    %get3A_18 = arith.constant 0 : index
    %get3A_19 = arith.constant 0 : index
    %get3A_20 = vector.load %arg1[%get3A_17, %get3A_18, %get3A_19] : memref<2x2000x128xf32, #tpu.memory_space<vmem>>, vector<1x2000x128xf32>
    %get3A_21 = vector.shape_cast %get3A_20 : vector<1x2000x128xf32> to vector<2000x128xf32>
    %add3A_22 = arith.addf %get3A_16, %get3A_21 : vector<2000x128xf32>
    %get3A_23 = arith.constant 0 : index
    %get3A_24 = arith.constant 0 : index
    %get3A_25 = vector.load %arg2[%get3A_23, %get3A_24] : memref<2000x128xf32, #tpu.memory_space<vmem>>, vector<2000x128xf32>
    %add3A_26 = arith.addf %add3A_22, %get3A_25 : vector<2000x128xf32>
    %mul3A = vector.broadcast %rsqrt3A : vector<2000x1xf32> to vector<2000x128xf32>
    %mul3A_27 = arith.mulf %mul3A, %add3A_26 : vector<2000x128xf32>
    %get3A_28 = arith.constant 0 : index
    %get3A_29 = arith.constant 0 : index
    %get3A_30 = vector.load %arg4[%get3A_28, %get3A_29] : memref<1x128xf32, #tpu.memory_space<vmem>>, vector<1x128xf32>
    %add3A_31 = vector.broadcast %get3A_30 : vector<1x128xf32> to vector<2000x128xf32>
    %add3A_32 = arith.addf %mul3A_27, %add3A_31 : vector<2000x128xf32>
    %swap3A = arith.constant 0 : index
    %swap3A_33 = arith.constant 0 : index
    %swap3A_34 = vector.load %arg5[%swap3A, %swap3A_33] : memref<2000x128xf32, #tpu.memory_space<vmem>>, vector<2000x128xf32>
    tpu.vector_store %arg5[%swap3A, %swap3A_33], %add3A_32 {strides = array<i32>} : memref<2000x128xf32, #tpu.memory_space<vmem>>, vector<2000x128xf32>,
    return
  }
  func.func @transform_0(%arg0: i32) -> (i32, i32, i32) {
    %c0_i32 = arith.constant 0 : i32
    %c0_i32_0 = arith.constant 0 : i32
    %c0_i32_1 = arith.constant 0 : i32
    return %c0_i32, %arg0, %c0_i32_0 : i32, i32, i32
  }
  func.func @transform_1(%arg0: i32) -> (i32, i32) {
    %c0_i32 = arith.constant 0 : i32
    %c0_i32_0 = arith.constant 0 : i32
    return %arg0, %c0_i32 : i32, i32
  }
  func.func @transform_2(%arg0: i32) -> (i32, i32, i32) {
    %c0_i32 = arith.constant 0 : i32
    %c0_i32_0 = arith.constant 0 : i32
    %c0_i32_1 = arith.constant 0 : i32
    return %c0_i32, %arg0, %c0_i32_0 : i32, i32, i32
  }
  func.func @transform_3(%arg0: i32) -> (i32, i32) {
    %c0_i32 = arith.constant 0 : i32
    %c0_i32_0 = arith.constant 0 : i32
    %c0_i32_1 = arith.constant 0 : i32
    return %c0_i32, %c0_i32_0 : i32, i32
  }
  func.func @transform_4(%arg0: i32) -> (i32, i32) {
    %c0_i32 = arith.constant 0 : i32
    %c0_i32_0 = arith.constant 0 : i32
    return %arg0, %c0_i32 : i32, i32
  }
}

module attributes {stable_mosaic.version = 14 : i64} {
  func.func @_combine_mm_body(%arg0: i32, %arg1: memref<2x2000x128xf32, #tpu.memory_space<vmem>>, %arg2: memref<2000x128xf32, #tpu.memory_space<vmem>>, %arg3: memref<2x2000x16xf32, #tpu.memory_space<vmem>>, %arg4: memref<1x128xf32, #tpu.memory_space<vmem>>, %arg5: memref<128x128xf32, #tpu.memory_space<vmem>>, %arg6: memref<2000x128xf32, #tpu.memory_space<vmem>>) attributes {dimension_semantics = [#tpu.dimension_semantics<arbitrary>], iteration_bounds = array<i64: 5>, scalar_prefetch = 0 : i64, scratch_operands = 0 : i64, tpu.core_type = #tpu.core_type<tc>, window_params = [{transform_indices = @transform_0, window_bounds = array<i64: 2, 2000, 128>}, {transform_indices = @transform_1, window_bounds = array<i64: 2000, 128>}, {transform_indices = @transform_2, window_bounds = array<i64: 2, 2000, 16>}, {pipeline_mode = #tpu.pipeline_mode<synchronous>, transform_indices = @transform_3, window_bounds = array<i64: 1, 128>}, {pipeline_mode = #tpu.pipeline_mode<synchronous>, transform_indices = @transform_4, window_bounds = array<i64: 128, 128>}, {transform_indices = @transform_5, window_bounds = array<i64: 2000, 128>}]} {
    %get3A = arith.constant 0 : index
    %get3A_0 = arith.constant 0 : index
    %get3A_1 = arith.constant 0 : index
    %get3A_2 = vector.load %arg3[%get3A, %get3A_0, %get3A_1] : memref<2x2000x16xf32, #tpu.memory_space<vmem>>, vector<1x2000x1xf32>
    %get3A_3 = vector.shape_cast %get3A_2 : vector<1x2000x1xf32> to vector<2000x1xf32>
    %get3A_4 = arith.constant 1 : index
    %get3A_5 = arith.constant 0 : index
    %get3A_6 = arith.constant 0 : index
    %get3A_7 = vector.load %arg3[%get3A_4, %get3A_5, %get3A_6] : memref<2x2000x16xf32, #tpu.memory_space<vmem>>, vector<1x2000x1xf32>
    %get3A_8 = vector.shape_cast %get3A_7 : vector<1x2000x1xf32> to vector<2000x1xf32>
    %add3A = arith.addf %get3A_3, %get3A_8 : vector<2000x1xf32>
    %add3A_9 = arith.constant 1.000000e+00 : f32
    %add3A_10 = vector.broadcast %add3A_9 : f32 to vector<2000x1xf32>
    %add3A_11 = arith.addf %add3A, %add3A_10 : vector<2000x1xf32>
    %rsqrt3A = math.rsqrt %add3A_11 : vector<2000x1xf32>
    %get3A_12 = arith.constant 0 : index
    %get3A_13 = arith.constant 0 : index
    %get3A_14 = arith.constant 0 : index
    %get3A_15 = vector.load %arg1[%get3A_12, %get3A_13, %get3A_14] : memref<2x2000x128xf32, #tpu.memory_space<vmem>>, vector<1x2000x128xf32>
    %get3A_16 = vector.shape_cast %get3A_15 : vector<1x2000x128xf32> to vector<2000x128xf32>
    %get3A_17 = arith.constant 1 : index
    %get3A_18 = arith.constant 0 : index
    %get3A_19 = arith.constant 0 : index
    %get3A_20 = vector.load %arg1[%get3A_17, %get3A_18, %get3A_19] : memref<2x2000x128xf32, #tpu.memory_space<vmem>>, vector<1x2000x128xf32>
    %get3A_21 = vector.shape_cast %get3A_20 : vector<1x2000x128xf32> to vector<2000x128xf32>
    %add3A_22 = arith.addf %get3A_16, %get3A_21 : vector<2000x128xf32>
    %get3A_23 = arith.constant 0 : index
    %get3A_24 = arith.constant 0 : index
    %get3A_25 = vector.load %arg2[%get3A_23, %get3A_24] : memref<2000x128xf32, #tpu.memory_space<vmem>>, vector<2000x128xf32>
    %add3A_26 = arith.addf %add3A_22, %get3A_25 : vector<2000x128xf32>
    %mul3A = vector.broadcast %rsqrt3A : vector<2000x1xf32> to vector<2000x128xf32>
    %mul3A_27 = arith.mulf %mul3A, %add3A_26 : vector<2000x128xf32>
    %get3A_28 = arith.constant 0 : index
    %get3A_29 = arith.constant 0 : index
    %get3A_30 = vector.load %arg4[%get3A_28, %get3A_29] : memref<1x128xf32, #tpu.memory_space<vmem>>, vector<1x128xf32>
    %add3A_31 = vector.broadcast %get3A_30 : vector<1x128xf32> to vector<2000x128xf32>
    %add3A_32 = arith.addf %mul3A_27, %add3A_31 : vector<2000x128xf32>
    %max3A = arith.constant 0.000000e+00 : f32
    %max3A_33 = vector.broadcast %max3A : f32 to vector<2000x128xf32>
    %max3A_34 = arith.maximumf %add3A_32, %max3A_33 : vector<2000x128xf32>
    %get3A_35 = arith.constant 0 : index
    %get3A_36 = arith.constant 0 : index
    %get3A_37 = vector.load %arg5[%get3A_35, %get3A_36] : memref<128x128xf32, #tpu.memory_space<vmem>>, vector<128x128xf32>
    %dot_general3A = arith.constant dense<0.000000e+00> : vector<2000x128xf32>
    %dot_general3A_38 = tpu.matmul %max3A_34, %get3A_37, %dot_general3A {dimension_numbers = #tpu.dot_dimension_numbers<[1], [0], [0], [1], [0, 0, 1, 1], [], []>, precision = #tpu.contract_precision<fp32>, transpose_lhs_hint = false} : vector<2000x128xf32>, vector<128x128xf32>, vector<2000x128xf32> -> vector<2000x128xf32>
    %mul3A_39 = vector.broadcast %rsqrt3A : vector<2000x1xf32> to vector<2000x128xf32>
    %mul3A_40 = arith.mulf %dot_general3A_38, %mul3A_39 : vector<2000x128xf32>
    %swap3A = arith.constant 0 : index
    %swap3A_41 = arith.constant 0 : index
    %swap3A_42 = vector.load %arg6[%swap3A, %swap3A_41] : memref<2000x128xf32, #tpu.memory_space<vmem>>, vector<2000x128xf32>
    tpu.vector_store %arg6[%swap3A, %swap3A_41], %mul3A_40 {strides = array<i32>} : memref<2000x128xf32, #tpu.memory_space<vmem>>, vector<2000x128xf32>,
    return
  }
  func.func @transform_0(%arg0: i32) -> (i32, i32, i32) {
    %c0_i32 = arith.constant 0 : i32
    %c0_i32_0 = arith.constant 0 : i32
    %c0_i32_1 = arith.constant 0 : i32
    return %c0_i32, %arg0, %c0_i32_0 : i32, i32, i32
  }
  func.func @transform_1(%arg0: i32) -> (i32, i32) {
    %c0_i32 = arith.constant 0 : i32
    %c0_i32_0 = arith.constant 0 : i32
    return %arg0, %c0_i32 : i32, i32
  }
  func.func @transform_2(%arg0: i32) -> (i32, i32, i32) {
    %c0_i32 = arith.constant 0 : i32
    %c0_i32_0 = arith.constant 0 : i32
    %c0_i32_1 = arith.constant 0 : i32
    return %c0_i32, %arg0, %c0_i32_0 : i32, i32, i32
  }
  func.func @transform_3(%arg0: i32) -> (i32, i32) {
    %c0_i32 = arith.constant 0 : i32
    %c0_i32_0 = arith.constant 0 : i32
    %c0_i32_1 = arith.constant 0 : i32
    return %c0_i32, %c0_i32_0 : i32, i32
  }
  func.func @transform_4(%arg0: i32) -> (i32, i32) {
    %c0_i32 = arith.constant 0 : i32
    %c0_i32_0 = arith.constant 0 : i32
    %c0_i32_1 = arith.constant 0 : i32
    return %c0_i32, %c0_i32_0 : i32, i32
  }
  func.func @transform_5(%arg0: i32) -> (i32, i32) {
    %c0_i32 = arith.constant 0 : i32
    %c0_i32_0 = arith.constant 0 : i32
    return %arg0, %c0_i32 : i32, i32
  }
}

</mosaic_0001>

<sc_bundles>
// kernel: kernel.12.cloned.1.call-start
scs
__scs_entry_jumppad:
0x0: {  	(pc) =	sbr.rel $0x88, $3  }
0x1: {  	(tag) =	ssettag $0x0;
	lr =	simm.s32 $0x1  }
0x2: {  	[smem:$0x3F9B] =	sst lr;
	_ =	strace $0xD0000000  }
0x3: {  	_ = 	snop  }
0x4: {  	_ = 	snop  }
0x5: {  	_ = 	snop  }
0x6: {  	_ = 	snop  }
0x7: {  	_ = 	snop  }
__scs_overlays_trampoline_lowered:
0x8: {  	[smem:$0x3FAA] =	sst s0  }
0x9: {  	[smem:$0x3FAB] =	sst s1  }
0xa: {  	[smem:$0x3FAC] =	sst s2  }
0xb: {  	[smem:$0x3FAD] =	sst s3  }
0xc: {  	[smem:$0x3FAE] =	sst s4  }
0xd: {  	[smem:$0x3FAF] =	sst s5  }
0xe: {  	[smem:$0x3FB0] =	sst s6  }
0xf: {  	[smem:$0x3FB1] =	sst s7  }
0x10: {  	[smem:$0x3FB2] =	sst s8  }
0x11: {  	[smem:$0x3FB3] =	sst s9;
	s0 =	simm.s32 @!p0 $0x0  }
0x12: {  	s1 =	sld [smem:$0x3F99];
	s0 =	simm.s32 @p0 $0x1  }
0x13: {  	[smem:$0x3FB4] =	sst s0;
	s0 =	simm.s32 @!p1 $0x0  }
0x14: {  	s2 =	sld [smem:$0x3F98];
	s0 =	simm.s32 @p1 $0x1  }
0x15: {  	[smem:$0x3FB5] =	sst s0;
	s0 =	simm.s32 @!p2 $0x0  }
0x16: {  	s3 =	sld [smem:$0x3FDB];
	s0 =	simm.s32 @p2 $0x1  }
0x17: {  	s4 =	simm.s32 $0x1BF5;
	[smem:$0x3FB7] =	sst s0  }
0x18: {  	s0 =	sld [smem:$0x3F9A];
	_ =	swait.ge [sflag:s4], $0x0  }
0x19: {  	s7 =	sld [smem:$0x3F9B]  }
0x1a: {  	s8 =	sadd.s32 $0xFFFFE003, lr  }
0x1b: {  	s9 =	sadd.s32 $0xFFFFFEF7, lr;
	s5 =	simm.s32 $0xFFFFFFFF;
	p2 =	slt.u32 s8, $0xFFFFF086  }
0x1c: {  	p1 =	slt.u32 s9, $0xF7A;
	s5 =	simm.s32 @!p2 $0x0  }
0x1d: {  	s5 =	simm.s32 @p1 $0x1;
	p0 =	seq.s32 s7, s2  }
0x1e: {  	s7 =	smul.u32 @!p0 $0xF7A, s2;
	p2 =	seq.s32 @!p0 s5, $0x0  }
0x1f: {  	s9 =	smul.u32 $0xF7A, s1;
	s8 =	simm.s32 @!p0 $0x1BF5;
	p2 =	por !p2, p0  }
0x20: {  	[sflag:s8] =	ssyncset.s32 @!p0 $0xFFFFF086;
	s6 =	sadd.s32 @!p0 s3, s7;
	s7 =	simm.s32 @!p0 $0x108  }
0x21: {  	s3 =	sadd.s32 s3, s9;
	s6 =	sadd.s32 @!p0 $0x88, s6;
	s7 =	simm.s32 @p2 $0x1082  }
0x22: {  	[simem:s7], [sflag:s8] =	dma.local @!p0 [hbm:s6], $0xF7A  }
0x23: {  	s9 =	sor.u32 $0xD0000000, s2;
	s6 =	simm.s32 $0x108;
	_ =	swait.ge @!p0 [sflag:s8], $0x0  }
0x24: {  	s3 =	sadd.s32 $0x88, s3;
	s6 =	simm.s32 @!p1 $0x1082;
	[sflag:s4] =	ssyncset.s32 $0xFFFFF086  }
0x25: {  	[simem:s6], [sflag:s4] =	dma.local [hbm:s3], $0xF7A  }
0x26: {  	[smem:$0x3F9B] =	sst s1;
	(tag) =	ssettag s2;
	_ =	strace s9  }
0x27: {  	s1 =	sld [smem:$0x3FAB]  }
0x28: {  	s2 =	sld [smem:$0x3FAC]  }
0x29: {  	s4 =	sld [smem:$0x3FAE]  }
0x2a: {  	p0 =	seq.s32 s5, $0x0;
	s5 =	sld [smem:$0x3FAF]  }
0x2b: {  	s6 =	sld [smem:$0x3FB0]  }
0x2c: {  	s7 =	sld [smem:$0x3FB1]  }
0x2d: {  	s3 =	simm.s32 $0x108;
	s8 =	sld [smem:$0x3FB2]  }
0x2e: {  	s3 =	simm.s32 @!p0 $0x1082;
	s9 =	sld [smem:$0x3FB3]  }
0x2f: {  	lr =	sadd.s32 s0, s3;
	s0 =	sld [smem:$0x3FAA]  }
0x30: {  	s3 =	sld [smem:$0x3FAD]  }
0x31: {  	[smem:$0x3FB6] =	sst s10  }
0x32: {  	s10 =	sld [smem:$0x3FB4];
	_ =	sdelay $0x3  }
0x33: {  	p0 =	seq.s32 s10, $0x1;
	s10 =	sld [smem:$0x3FB6];
	_ =	sdelay $0x3  }
0x34: {  	[smem:$0x3FB6] =	sst s10  }
0x35: {  	s10 =	sld [smem:$0x3FB5];
	_ =	sdelay $0x3  }
0x36: {  	p1 =	seq.s32 s10, $0x1;
	s10 =	sld [smem:$0x3FB6];
	_ =	sdelay $0x3  }
0x37: {  	[smem:$0x3FB6] =	sst s10  }
0x38: {  	s10 =	sld [smem:$0x3FB7]  }
0x39: {  	_ = 	snop;
	(pc) =	sbr.ind lr, $3  }
0x3a: {  	_ = 	snop  }
0x3b: {  	_ = 	snop  }
0x3c: {  	p2 =	seq.s32 s10, $0x1;
	s10 =	sld [smem:$0x3FB6]  }
0x3d: {  	_ =	shalt  }
0x3e: {  	_ =	shalt  }
0x3f: {  	_ =	shalt  }
0x40: {  	_ =	shalt  }
0x41: {  	_ =	shalt  }
0x42: {  	_ =	shalt  }
0x43: {  	_ =	shalt  }
0x44: {  	_ =	shalt  }
0x45: {  	_ =	shalt  }
0x46: {  	_ =	shalt  }
0x47: {  	_ =	shalt  }
0x48: {  	_ =	shalt  }
0x49: {  	_ =	shalt  }
0x4a: {  	_ =	shalt  }
0x4b: {  	_ =	shalt  }
0x4c: {  	_ =	shalt  }
0x4d: {  	_ =	shalt  }
0x4e: {  	_ =	shalt  }
0x4f: {  	_ =	shalt  }
0x50: {  	_ =	shalt  }
0x51: {  	_ =	shalt  }
0x52: {  	_ =	shalt  }
0x53: {  	_ =	shalt  }
0x54: {  	_ =	shalt  }
0x55: {  	_ =	shalt  }
0x56: {  	_ =	shalt  }
0x57: {  	_ =	shalt  }
0x58: {  	_ =	shalt  }
0x59: {  	_ =	shalt  }
0x5a: {  	_ =	shalt  }
0x5b: {  	_ =	shalt  }
0x5c: {  	_ =	shalt  }
0x5d: {  	_ =	shalt  }
0x5e: {  	_ =	shalt  }
0x5f: {  	_ =	shalt  }
0x60: {  	_ =	shalt  }
0x61: {  	_ =	shalt  }
0x62: {  	_ =	shalt  }
0x63: {  	_ =	shalt  }
0x64: {  	_ =	shalt  }
0x65: {  	_ =	shalt  }
0x66: {  	_ =	shalt  }
0x67: {  	_ =	shalt  }
0x68: {  	_ =	shalt  }
0x69: {  	_ =	shalt  }
0x6a: {  	_ =	shalt  }
0x6b: {  	_ =	shalt  }
0x6c: {  	_ =	shalt  }
0x6d: {  	_ =	shalt  }
0x6e: {  	_ =	shalt  }
0x6f: {  	_ =	shalt  }
0x70: {  	_ =	shalt  }
0x71: {  	_ =	shalt  }
0x72: {  	_ =	shalt  }
0x73: {  	_ =	shalt  }
0x74: {  	_ =	shalt  }
0x75: {  	_ =	shalt  }
0x76: {  	_ =	shalt  }
0x77: {  	_ =	shalt  }
0x78: {  	_ =	shalt  }
0x79: {  	_ =	shalt  }
0x7a: {  	_ =	shalt  }
0x7b: {  	_ =	shalt  }
0x7c: {  	_ =	shalt  }
0x7d: {  	_ =	shalt  }
0x7e: {  	_ =	shalt  }
0x7f: {  	_ =	shalt  }
0x80: {  	_ =	shalt  }
0x81: {  	_ =	shalt  }
0x82: {  	_ =	shalt  }
0x83: {  	_ =	shalt  }
0x84: {  	_ =	shalt  }
0x85: {  	_ =	shalt  }
0x86: {  	_ =	shalt  }
0x87: {  	_ =	shalt  }
.Lfunc_end0:
.L_simem_size_0:
called_computation.1_lowered:
.L_overlay_start_0:
0x88: {  	s2 =	sld [smem:$0x3FD9]  }
0x89: {  	s3 =	sld [smem:$0x3FFE];
	_ =	sdelay $0x1  }
0x8a: {  	s1 =	srdreg.scid  }
0x8b: {  	s0 =	sand.u32 $0x1, s1  }
0x8c: {  	s17 =	sshll.u32 s0, $0xA;
	s2 =	sadd.s32 s3, s2  }
0x8d: {  	s2 =	sadd.s32 s2, s17  }
0x8e: {  	[smem:$0x3FC2] =	sst s2  }
0x8f: {  	_ = 	snop  }
0x90: {  	s2 =	sld [smem:$0x3FC8]  }
0x91: {  	s18 =	sld [smem:$0x3FD0];
	(tm) =	ssettm $0x1  }
0x92: {  	s4 =	sld [smem:$0x3FFB];
	_ =	sdelay $0x3  }
0x93: {  	_ =	strace s4  }
0x94: {  	s4 =	sld [smem:$0x3FFC];
	_ =	sdelay $0x3  }
0x95: {  	_ =	strace s4  }
0x96: {  	s4 =	sld [smem:$0x3FFD];
	_ =	sdelay $0x3  }
0x97: {  	_ =	strace s4  }
0x98: {  	_ =	strace $0x8FFFFFFF  }
0x99: {  	s19 =	sld [smem:$0x3FDB];
	_ =	sdelay $0x1  }
0x9a: {  	s5 =	simm.s32 $_scs_section_size  }
0x9b: {  	s6 =	simm.s32 $_size__tile_overlayer_lowered;
	s7 =	simm.s32 $_tile_overlayer_lowered  }
0x9c: {  	s22 =	simm.s32 $0x1BFF;
	s21 =	sshll.u32 s7, $0x1;
	s4 =	sadd.s32 s5, s19  }
0x9d: {  	s8 =	simm.s32 $0x0;
	s20 =	sshll.u32 s6, $0x1;
	s6 =	sadd.s32 s21, s4  }
0x9e: {  	[timem:s8], [sflag:s22] =	dma.local [hbm:s6], s20  }
0x9f: {  	_ =	swait.ge [sflag:s22], s20  }
0xa0: {  	s5 =	ssub.s32 $0x0, s20;
	[sflag:s22] =	ssyncset.done $0x0  }
0xa1: {  	[sflag:s22] =	ssyncadd.s32 s5;
	_ =	sdelay $0x1  }
0xa2: {  	s23 =	simm.s32 $0x1B8B  }
0xa3: {  	_ =	swait.ge [sflag:s23], $0x1  }
0xa4: {  	[sflag:s23] =	ssyncset.done $0x0  }
0xa5: {  	s25 =	simm.s32 $0x1B8E;
	s24 =	sld [smem:$0x3FFE];
	[sflag:s23] =	ssyncadd.s32 $0xFFFFFFFF  }
0xa6: {  	s26 =	simm.s32 $execute0_lowered;
	[smem:$0x3FD2] =	sst s25  }
0xa7: {  	s6 =	sshll.u32 s26, $0x1;
	_ =	strace $0x80000049;
	[dreg:$0x1] =	wrdreg $0xFFFFFFFF  }
0xa8: {  	s28 =	simm.s32 $_size_execute0_lowered;
	s4 =	sadd.s32 s4, s6;
	[dreg:$0x0] =	wrdreg $0x0  }
0xa9: {  	s6 =	sshll.u32 s28, $0x1;
	[dreg:$0x2] =	wrdreg s4  }
0xaa: {  	[dreg:$0x3] =	wrdreg s6  }
0xab: {  	[dreg:$0x4] =	wrdreg $0xC0  }
0xac: {  	_ =	task [dreg:s8], $0x5FFFF  }
0xad: {  	[dreg:$0x1] =	wrdreg $0xFFFFFFFF  }
0xae: {  	[dreg:$0x0] =	wrdreg $0x60  }
0xaf: {  	[dreg:$0x2] =	wrdreg s18  }
0xb0: {  	[dreg:$0x3] =	wrdreg s2  }
0xb1: {  	[dreg:$0x4] =	wrdreg s24  }
0xb2: {  	[dreg:$0x5] =	wrdreg $0xA8000  }
0xb3: {  	[dreg:$0x6] =	wrdreg $0x9  }
0xb4: {  	_ =	task.clear_ibuf [dreg:s8], $0x7FFFF;
	_ =	strace $0x90000049  }
0xb5: {  	s29 =	simm.s32 $0x9;
	_ =	strace $0x8000004B  }
0xb6: {  	_ =	swait.ge [sflag:s29], $0x1  }
0xb7: {  	[sflag:s29] =	ssyncadd.s32 $0xFFFFFFFF  }
0xb8: {  	_ =	strace $0x9000004B  }
0xb9: {  	_ =	sfence  }
0xba: {  	s30 =	sld [smem:$0x0];
	_ =	sdelay $0x2  }
0xbb: {  	s31 =	sshll.u32 s1, $0xD;
	s1 =	sshrl.u32 s1, $0x2  }
0xbc: {  	s3 =	sand.u32 $0x4000, s31;
	s1 =	sadd.s32 s1, s30  }
0xbd: {  	s0 =	sor.u32 s3, s0;
	s1 =	sshll.u32 s1, $0x11  }
0xbe: {  	s0 =	sor.u32 s1, s0  }
0xbf: {  	s0 =	sadd.s32 $0x8F2B, s0  }
0xc0: {  	[sflag:s0] =	ssyncadd.remote.s32 $0x1  }
0xc1: {  	_ =	sfence.sel $0xFFFF  }
0xc2: {  	[dreg:$0x0] =	wrdreg $0xFFFFFFFF;
	(pc) =	sbr.abs _section_cstart, $3  }
0xc3: {  	[dreg:$0x1] =	wrdreg $0xFFFFFFFF  }
0xc4: {  	_ =	task.clear_ibuf [dreg:s8], $0x2FFFF;
	_ =	strace $0x9FFFFFFF  }
0xc5: {  	(tm) =	ssettm $0x7FFFFFFF  }
tec
execute0_lowered:
.L_overlay_start_1:
0x0: {  	(tag) =	ssettag $0x1  }
0x1: {  	s1 =	rddreg [dreg:$0x0]  }
0x2: {  	s11 =	rddreg [dreg:$0x1]  }
0x3: {  	s14 =	rddreg [dreg:$0x2]  }
0x4: {  	s2 =	rddreg [dreg:$0x3]  }
0x5: {  	s0 =	rddreg [dreg:$0x4];
	s3 =	simm.s32 $0x0;
	s4 =	srdreg.scid  }
0x6: {  	s16 =	simm.s32 $0x3;
	s17 =	simm.s32 $0x80;
	s18 =	simm.s32 $0x100  }
0x7: {  	s19 =	simm.s32 $0x6800;
	s20 =	simm.s32 $0x1;
	s21 =	simm.s32 $0x2  }
0x8: {  	s22 =	simm.s32 $0x2680;
	[smem:$0x7FF] =	sst s3;
	s6 =	sand.u32 $0x1, s4  }
0x9: {  	s23 =	simm.s32 $0x2780;
	s4 =	stileid.u32;
	s7 =	smul.u32 $0x28000, s6  }
0xa: {  	s5 =	sadd.s32 $0x2400, s14;
	_ =	strace $0x8000004A;
	s9 =	smul.u32 $0x50000, s4  }
0xb: {  	s8 =	ssub.s32 $0x2, s6;
	s12 =	sshll.u32 s4, $0x1;
	s25 =	smul.u32 $0x2800, s4  }
0xc: {  	s10 =	sshrl.u32 s8, $0x1;
	s15 =	sor.u32 s6, s12;
	s7 =	sadd.s32 s7, s14  }
0xd: {  	s8 =	ssub.s32 s8, s10;
	s31 =	sshrl.u32 s9, $0x2;
	s12 =	smul.u32 $0xA00, s15  }
.Ltmp0:
0xe: {  	s14 =	sadd.s32 $0x2900, s14;
	p0 =	seq.s32 s15, $0x1F;
	(pc) =	sbr.rel .LBB2_1-.Ltmp0, $4  }
0xf: {  	s15 =	simm.s32 $0x2800;
	s6 =	sadd.s32 s31, s2;
	s24 =	sadd.s32 $0x52E00, s7  }
0x10: {  	s7 =	smax.u32 s8, $0x1;
	s8 =	sadd.s32 $0x4000, s6;
	s9 =	sadd.s32 $0x8000, s6  }
0x11: {  	s10 =	sadd.s32 $0xC000, s6;
	s11 =	sadd.s32 s11, s12;
	s12 =	sadd.s32 $0x10000, s6  }
0x12: {  	v0 =	vimm.f32 $0.0e+00;
	s24 =	sadd.s32 s25, s24;
	s25 =	simm.s32 $0x0;
	s13 =	sadd.s32 $0x500, s11  }
.LBB2_8:
0x13: {  	[tilespmem:s19], [sflag:$0x2] =	stream.indirect.gather [hbm4b:s1+s17], $0x80, s28, s17, $0xb8;
	[tilespmem:$0x1E800] =	vst v63  }
0x14: {  	_ =	swait.ge [sflag:s20], $0x4000  }
0x15: {  	[sflag:s20] =	ssyncset.done $0x0  }
0x16: {  	[sflag:s20] =	ssyncadd.s32 $0xFFFFC000  }
0x17: {  	[spmem:s2] =	stream.indirect.scatter.add.f32 [tilespmem:s15], [sflag:$0x3], $0x80, s22, s17, $0xb8;
	[tilespmem:$0x1E800] =	vst v63  }
0x18: {  	_ =	swait.ge [sflag:s16], $0x4000  }
0x19: {  	[sflag:s16] =	ssyncset.done $0x0  }
0x1a: {  	[sflag:s16] =	ssyncadd.s32 $0xFFFFC000  }
0x1b: {  	_ =	swait.ge [sflag:s21], $0x4000  }
0x1c: {  	[sflag:s21] =	ssyncset.done $0x0  }
0x1d: {  	[sflag:s21] =	ssyncadd.s32 $0xFFFFC000  }
0x1e: {  	[spmem:s2] =	stream.indirect.scatter.add.f32 [tilespmem:s19], [sflag:$0x3], $0x80, s23, s17, $0xb8;
	[tilespmem:$0x1E800] =	vst v63  }
0x1f: {  	_ =	swait.ge [sflag:s16], $0x4000  }
0x20: {  	[sflag:s16] =	ssyncset.done $0x0  }
0x21: {  	[sflag:s16] =	ssyncadd.s32 $0xFFFFC000  }
.LBB2_14:
0x22: {  	s25 =	sadd.s32 $0x1, s25  }
0x23: {  	s26 =	sshll.u32 s4, $0x6;
	[bflag:$0x0] =	sbarrier.arrive $0xFFFF;
	p1 =	sne.s32 s25, s7  }
.Ltmp1:
0x24: {  	s28 =	sshrl.u32 s6, $0x3;
	s26 =	sor.u32 $0x1C03, s26;
	(pc) =	sbr.rel @!p1 .LBB2_15-.Ltmp1, $4  }
0x25: {  	[hbm:s24], [sflag:s26] =	dma.local [spmem:s28], $0x2800  }
0x26: {  	_ =	swait.ge [sflag:s16], $0x2800  }
0x27: {  	[sflag:s16] =	ssyncset.done $0x0  }
0x28: {  	[sflag:s16] =	ssyncadd.s32 $0xFFFFD800  }
.LBB2_1:
0x29: {  	s26 =	simm.s32 $0x0;
	s28 =	simm.s32 $0x200  }
.LBB2_2:
0x2a: {  	p1 =	sne.s32 s28, $0xFE00;
	[tilespmem:s26+$0x2870] =	vst v0  }
0x2b: {  	[tilespmem:s26+$0x2800] =	vst v0  }
0x2c: {  	[tilespmem:s26+$0x2810] =	vst v0  }
.Ltmp2:
0x2d: {  	[tilespmem:s26+$0x2820] =	vst v0;
	(pc) =	sbr.rel @p1 .LBB2_2-.Ltmp2, $4  }
0x2e: {  	[tilespmem:s26+$0x2830] =	vst v0  }
0x2f: {  	[tilespmem:s26+$0x2840] =	vst v0  }
0x30: {  	[tilespmem:s26+$0x2850] =	vst v0  }
0x31: {  	[tilespmem:s26+$0x2860] =	vst v0;
	s26 =	sshra.s32 s28, $0x2;
	s28 =	sadd.s32 $0x200, s28  }
0x32: {  	[tilespmem:s26+$0x2870] =	vst v0  }
0x33: {  	[tilespmem:s26+$0x2800] =	vst v0  }
0x34: {  	[tilespmem:s26+$0x2810] =	vst v0  }
0x35: {  	[tilespmem:s26+$0x2820] =	vst v0  }
0x36: {  	[tilespmem:s26+$0x2830] =	vst v0  }
0x37: {  	[tilespmem:s26+$0x2840] =	vst v0  }
0x38: {  	[tilespmem:s26+$0x2850] =	vst v0  }
0x39: {  	[tilespmem:s26+$0x2860] =	vst v0  }
0x3a: {  	[spmem:s6] =	stream.linear.scatter [tilespmem:s15], [sflag:$0x3], $0x4000, $0x38;
	[tilespmem:$0x1E800] =	vst v63  }
0x3b: {  	_ =	swait.ge [sflag:s16], $0x4000  }
0x3c: {  	[sflag:s16] =	ssyncset.done $0x0  }
0x3d: {  	[sflag:s16] =	ssyncadd.s32 $0xFFFFC000  }
0x3e: {  	[spmem:s8] =	stream.linear.scatter [tilespmem:s15], [sflag:$0x3], $0x4000, $0x38;
	[tilespmem:$0x1E800] =	vst v63  }
0x3f: {  	_ =	swait.ge [sflag:s16], $0x4000  }
0x40: {  	[sflag:s16] =	ssyncset.done $0x0  }
0x41: {  	[sflag:s16] =	ssyncadd.s32 $0xFFFFC000  }
0x42: {  	[spmem:s9] =	stream.linear.scatter [tilespmem:s15], [sflag:$0x3], $0x4000, $0x38;
	[tilespmem:$0x1E800] =	vst v63  }
0x43: {  	_ =	swait.ge [sflag:s16], $0x4000  }
0x44: {  	[sflag:s16] =	ssyncset.done $0x0  }
0x45: {  	[sflag:s16] =	ssyncadd.s32 $0xFFFFC000  }
0x46: {  	[spmem:s10] =	stream.linear.scatter [tilespmem:s15], [sflag:$0x3], $0x4000, $0x38;
	[tilespmem:$0x1E800] =	vst v63  }
0x47: {  	_ =	swait.ge [sflag:s16], $0x4000  }
0x48: {  	[sflag:s16] =	ssyncset.done $0x0  }
0x49: {  	[sflag:s16] =	ssyncadd.s32 $0xFFFFC000  }
0x4a: {  	[spmem:s12] =	stream.linear.scatter [tilespmem:s15], [sflag:$0x3], $0x4000, $0x38;
	[tilespmem:$0x1E800] =	vst v63  }
.Ltmp3:
0x4b: {  	_ =	swait.ge [sflag:s16], $0x4000;
	(pc) =	sbr.rel @!p0 .LBB2_4-.Ltmp3, $3  }
0x4c: {  	[sflag:s16] =	ssyncset.done $0x0  }
0x4d: {  	[sflag:s16] =	ssyncadd.s32 $0xFFFFC000  }
0x4e: {  	[bflag:$0x0] =	sbarrier.arrive $0xFFFF;
	_ =	sdelay $0x1  }
0x4f: {  	[tilespmem:s3], [sflag:$0x3] =	stream.linear.gather [hbm4b:s5+s3], $0x2800, $0x38;
	[tilespmem:$0x1E800] =	vst v63  }
0x50: {  	_ =	swait.ge [sflag:s16], $0x2800  }
0x51: {  	[sflag:s16] =	ssyncset.done $0x0  }
0x52: {  	[sflag:s16] =	ssyncadd.s32 $0xFFFFD800  }
0x53: {  	[tilespmem:s15], [sflag:$0x1] =	stream.indirect.gather [hbm4b:s1+s17], $0x80, s3, s17, $0xb8;
	[tilespmem:$0x1E800] =	vst v63  }
0x54: {  	_ = 	snop  }
0x55: {  	[tilespmem:s19], [sflag:$0x2] =	stream.indirect.gather [hbm4b:s1+s17], $0x80, s18, s17, $0xb8;
	[tilespmem:$0x1E800] =	vst v63  }
0x56: {  	_ =	swait.ge [sflag:s20], $0x4000  }
0x57: {  	[sflag:s20] =	ssyncset.done $0x0  }
0x58: {  	s26 =	simm.s32 $0x80;
	[sflag:s20] =	ssyncadd.s32 $0xFFFFC000  }
0x59: {  	[spmem:s2] =	stream.indirect.scatter.add.f32 [tilespmem:s15], [sflag:$0x3], $0x80, s26, s17, $0xb8;
	[tilespmem:$0x1E800] =	vst v63  }
0x5a: {  	_ =	swait.ge [sflag:s16], $0x4000  }
0x5b: {  	[sflag:s16] =	ssyncset.done $0x0  }
0x5c: {  	s30 =	simm.s32 $0x200;
	[sflag:s16] =	ssyncadd.s32 $0xFFFFC000  }
0x5d: {  	[tilespmem:s15], [sflag:$0x1] =	stream.indirect.gather [hbm4b:s1+s17], $0x80, s30, s17, $0xb8;
	[tilespmem:$0x1E800] =	vst v63  }
0x5e: {  	_ =	swait.ge [sflag:s21], $0x4000  }
0x5f: {  	[sflag:s21] =	ssyncset.done $0x0  }
0x60: {  	s31 =	simm.s32 $0x180;
	[sflag:s21] =	ssyncadd.s32 $0xFFFFC000  }
0x61: {  	[spmem:s2] =	stream.indirect.scatter.add.f32 [tilespmem:s19], [sflag:$0x3], $0x80, s31, s17, $0xb8;
	[tilespmem:$0x1E800] =	vst v63  }
0x62: {  	_ =	swait.ge [sflag:s16], $0x4000  }
0x63: {  	[sflag:s16] =	ssyncset.done $0x0  }
0x64: {  	s28 =	simm.s32 $0x300;
	s26 =	simm.s32 $0xFFFF7000;
	[sflag:s16] =	ssyncadd.s32 $0xFFFFC000  }
.LBB2_10:
0x65: {  	[tilespmem:s19], [sflag:$0x2] =	stream.indirect.gather [hbm4b:s1+s17], $0x80, s28, s17, $0xb8;
	[tilespmem:$0x1E800] =	vst v63  }
0x66: {  	s28 =	smov.u32 s26  }
0x67: {  	p1 =	sne.s32 s26, $0xFFFFF800;
	s26 =	sadd.s32 $0x800, s26;
	_ =	swait.ge [sflag:s20], $0x4000  }
0x68: {  	s28 =	sshra.s32 s28, $0x2;
	[sflag:s20] =	ssyncset.done $0x0  }
0x69: {  	s29 =	sadd.s32 $0x2680, s28;
	[sflag:s20] =	ssyncadd.s32 $0xFFFFC000  }
0x6a: {  	[spmem:s2] =	stream.indirect.scatter.add.f32 [tilespmem:s15], [sflag:$0x3], $0x80, s29, s17, $0xb8;
	[tilespmem:$0x1E800] =	vst v63  }
0x6b: {  	_ =	swait.ge [sflag:s16], $0x4000  }
0x6c: {  	[sflag:s16] =	ssyncset.done $0x0  }
0x6d: {  	s29 =	sadd.s32 $0x2800, s28;
	[sflag:s16] =	ssyncadd.s32 $0xFFFFC000  }
0x6e: {  	[tilespmem:s15], [sflag:$0x1] =	stream.indirect.gather [hbm4b:s1+s17], $0x80, s29, s17, $0xb8;
	[tilespmem:$0x1E800] =	vst v63  }
0x6f: {  	_ =	swait.ge [sflag:s21], $0x4000  }
0x70: {  	[sflag:s21] =	ssyncset.done $0x0  }
.Ltmp4:
0x71: {  	s29 =	sadd.s32 $0x2780, s28;
	[sflag:s21] =	ssyncadd.s32 $0xFFFFC000;
	(pc) =	sbr.rel @p1 .LBB2_10-.Ltmp4, $4  }
0x72: {  	[spmem:s2] =	stream.indirect.scatter.add.f32 [tilespmem:s19], [sflag:$0x3], $0x80, s29, s17, $0xb8;
	[tilespmem:$0x1E800] =	vst v63  }
0x73: {  	_ =	swait.ge [sflag:s16], $0x4000  }
0x74: {  	[sflag:s16] =	ssyncset.done $0x0  }
0x75: {  	s28 =	sadd.s32 $0x2900, s28;
	[sflag:s16] =	ssyncadd.s32 $0xFFFFC000  }
0x76: {  	[tilespmem:s19], [sflag:$0x2] =	stream.indirect.gather [hbm4b:s1+s17], $0x80, s28, s17, $0xb8;
	[tilespmem:$0x1E800] =	vst v63  }
0x77: {  	_ =	swait.ge [sflag:s20], $0x4000  }
0x78: {  	[sflag:s20] =	ssyncset.done $0x0  }
0x79: {  	[sflag:s20] =	ssyncadd.s32 $0xFFFFC000  }
0x7a: {  	[spmem:s2] =	stream.indirect.scatter.add.f32 [tilespmem:s15], [sflag:$0x3], $0x80, s22, s17, $0xb8;
	[tilespmem:$0x1E800] =	vst v63  }
0x7b: {  	_ =	swait.ge [sflag:s16], $0x4000  }
0x7c: {  	[sflag:s16] =	ssyncset.done $0x0  }
0x7d: {  	[sflag:s16] =	ssyncadd.s32 $0xFFFFC000  }
0x7e: {  	_ =	swait.ge [sflag:s21], $0x4000  }
0x7f: {  	[sflag:s21] =	ssyncset.done $0x0  }
0x80: {  	[sflag:s21] =	ssyncadd.s32 $0xFFFFC000  }
0x81: {  	[spmem:s2] =	stream.indirect.scatter.add.f32 [tilespmem:s19], [sflag:$0x3], $0x80, s23, s17, $0xb8;
	[tilespmem:$0x1E800] =	vst v63  }
0x82: {  	_ =	swait.ge [sflag:s16], $0x4000  }
0x83: {  	[sflag:s16] =	ssyncset.done $0x0  }
0x84: {  	[sflag:s16] =	ssyncadd.s32 $0xFFFFC000  }
0x85: {  	[tilespmem:s3], [sflag:$0x3] =	stream.linear.gather [hbm4b:s14+s3], $0x2800, $0x38;
	[tilespmem:$0x1E800] =	vst v63  }
0x86: {  	_ =	swait.ge [sflag:s16], $0x2800  }
0x87: {  	[sflag:s16] =	ssyncset.done $0x0  }
0x88: {  	[sflag:s16] =	ssyncadd.s32 $0xFFFFD800  }
0x89: {  	[tilespmem:s15], [sflag:$0x1] =	stream.indirect.gather [hbm4b:s1+s17], $0x80, s3, s17, $0xb8;
	[tilespmem:$0x1E800] =	vst v63  }
0x8a: {  	_ = 	snop  }
0x8b: {  	[tilespmem:s19], [sflag:$0x2] =	stream.indirect.gather [hbm4b:s1+s17], $0x80, s18, s17, $0xb8;
	[tilespmem:$0x1E800] =	vst v63  }
0x8c: {  	_ =	swait.ge [sflag:s20], $0x4000  }
0x8d: {  	[sflag:s20] =	ssyncset.done $0x0  }
0x8e: {  	s26 =	simm.s32 $0x80;
	[sflag:s20] =	ssyncadd.s32 $0xFFFFC000  }
0x8f: {  	[spmem:s2] =	stream.indirect.scatter.add.f32 [tilespmem:s15], [sflag:$0x3], $0x80, s26, s17, $0xb8;
	[tilespmem:$0x1E800] =	vst v63  }
0x90: {  	_ =	swait.ge [sflag:s16], $0x4000  }
0x91: {  	[sflag:s16] =	ssyncset.done $0x0  }
0x92: {  	s30 =	simm.s32 $0x200;
	[sflag:s16] =	ssyncadd.s32 $0xFFFFC000  }
0x93: {  	[tilespmem:s15], [sflag:$0x1] =	stream.indirect.gather [hbm4b:s1+s17], $0x80, s30, s17, $0xb8;
	[tilespmem:$0x1E800] =	vst v63  }
0x94: {  	_ =	swait.ge [sflag:s21], $0x4000  }
0x95: {  	[sflag:s21] =	ssyncset.done $0x0  }
0x96: {  	s31 =	simm.s32 $0x180;
	[sflag:s21] =	ssyncadd.s32 $0xFFFFC000  }
0x97: {  	[spmem:s2] =	stream.indirect.scatter.add.f32 [tilespmem:s19], [sflag:$0x3], $0x80, s31, s17, $0xb8;
	[tilespmem:$0x1E800] =	vst v63  }
0x98: {  	_ =	swait.ge [sflag:s16], $0x4000  }
0x99: {  	[sflag:s16] =	ssyncset.done $0x0  }
0x9a: {  	s28 =	simm.s32 $0x300;
	s26 =	simm.s32 $0xFFFF7000;
	[sflag:s16] =	ssyncadd.s32 $0xFFFFC000  }
.LBB2_12:
0x9b: {  	[tilespmem:s19], [sflag:$0x2] =	stream.indirect.gather [hbm4b:s1+s17], $0x80, s28, s17, $0xb8;
	[tilespmem:$0x1E800] =	vst v63  }
0x9c: {  	s28 =	smov.u32 s26  }
0x9d: {  	p1 =	sne.s32 s26, $0xFFFFF800;
	s26 =	sadd.s32 $0x800, s26;
	_ =	swait.ge [sflag:s20], $0x4000  }
0x9e: {  	s28 =	sshra.s32 s28, $0x2;
	[sflag:s20] =	ssyncset.done $0x0  }
0x9f: {  	s29 =	sadd.s32 $0x2680, s28;
	[sflag:s20] =	ssyncadd.s32 $0xFFFFC000  }
0xa0: {  	[spmem:s2] =	stream.indirect.scatter.add.f32 [tilespmem:s15], [sflag:$0x3], $0x80, s29, s17, $0xb8;
	[tilespmem:$0x1E800] =	vst v63  }
0xa1: {  	_ =	swait.ge [sflag:s16], $0x4000  }
0xa2: {  	[sflag:s16] =	ssyncset.done $0x0  }
0xa3: {  	s29 =	sadd.s32 $0x2800, s28;
	[sflag:s16] =	ssyncadd.s32 $0xFFFFC000  }
0xa4: {  	[tilespmem:s15], [sflag:$0x1] =	stream.indirect.gather [hbm4b:s1+s17], $0x80, s29, s17, $0xb8;
	[tilespmem:$0x1E800] =	vst v63  }
0xa5: {  	_ =	swait.ge [sflag:s21], $0x4000  }
0xa6: {  	[sflag:s21] =	ssyncset.done $0x0  }
.Ltmp5:
0xa7: {  	s29 =	sadd.s32 $0x2780, s28;
	[sflag:s21] =	ssyncadd.s32 $0xFFFFC000;
	(pc) =	sbr.rel @p1 .LBB2_12-.Ltmp5, $4  }
0xa8: {  	[spmem:s2] =	stream.indirect.scatter.add.f32 [tilespmem:s19], [sflag:$0x3], $0x80, s29, s17, $0xb8;
	[tilespmem:$0x1E800] =	vst v63  }
0xa9: {  	_ =	swait.ge [sflag:s16], $0x4000  }
0xaa: {  	[sflag:s16] =	ssyncset.done $0x0  }
0xab: {  	s28 =	sadd.s32 $0x2900, s28;
	[sflag:s16] =	ssyncadd.s32 $0xFFFFC000  }
0xac: {  	[tilespmem:s19], [sflag:$0x2] =	stream.indirect.gather [hbm4b:s1+s17], $0x80, s28, s17, $0xb8;
	[tilespmem:$0x1E800] =	vst v63  }
0xad: {  	_ =	swait.ge [sflag:s20], $0x4000  }
0xae: {  	[sflag:s20] =	ssyncset.done $0x0  }
0xaf: {  	[sflag:s20] =	ssyncadd.s32 $0xFFFFC000  }
0xb0: {  	[spmem:s2] =	stream.indirect.scatter.add.f32 [tilespmem:s15], [sflag:$0x3], $0x80, s22, s17, $0xb8;
	[tilespmem:$0x1E800] =	vst v63  }
0xb1: {  	_ =	swait.ge [sflag:s16], $0x4000  }
0xb2: {  	[sflag:s16] =	ssyncset.done $0x0  }
0xb3: {  	[sflag:s16] =	ssyncadd.s32 $0xFFFFC000  }
0xb4: {  	_ =	swait.ge [sflag:s21], $0x4000  }
0xb5: {  	[sflag:s21] =	ssyncset.done $0x0  }
.Ltmp6:
0xb6: {  	[sflag:s21] =	ssyncadd.s32 $0xFFFFC000;
	(pc) =	sbr.rel .LBB2_14-.Ltmp6, $4  }
0xb7: {  	[spmem:s2] =	stream.indirect.scatter.add.f32 [tilespmem:s19], [sflag:$0x3], $0x80, s23, s17, $0xb8;
	[tilespmem:$0x1E800] =	vst v63  }
0xb8: {  	_ =	swait.ge [sflag:s16], $0x4000  }
0xb9: {  	[sflag:s16] =	ssyncset.done $0x0  }
0xba: {  	[sflag:s16] =	ssyncadd.s32 $0xFFFFC000  }
.LBB2_4:
0xbb: {  	[tilespmem:s3], [sflag:$0x3] =	stream.linear.gather [hbm4b:s11+s3], $0x2800, $0x38;
	[tilespmem:$0x1E800] =	vst v63  }
0xbc: {  	_ =	swait.ge [sflag:s16], $0x2800  }
0xbd: {  	[sflag:s16] =	ssyncset.done $0x0  }
0xbe: {  	[sflag:s16] =	ssyncadd.s32 $0xFFFFD800  }
0xbf: {  	[tilespmem:s15], [sflag:$0x1] =	stream.indirect.gather [hbm4b:s1+s17], $0x80, s3, s17, $0xb8;
	[tilespmem:$0x1E800] =	vst v63  }
0xc0: {  	_ = 	snop  }
0xc1: {  	[tilespmem:s19], [sflag:$0x2] =	stream.indirect.gather [hbm4b:s1+s17], $0x80, s18, s17, $0xb8;
	[tilespmem:$0x1E800] =	vst v63  }
0xc2: {  	_ =	swait.ge [sflag:s20], $0x4000  }
0xc3: {  	[sflag:s20] =	ssyncset.done $0x0  }
0xc4: {  	s26 =	simm.s32 $0x80;
	[sflag:s20] =	ssyncadd.s32 $0xFFFFC000  }
0xc5: {  	[spmem:s2] =	stream.indirect.scatter.add.f32 [tilespmem:s15], [sflag:$0x3], $0x80, s26, s17, $0xb8;
	[tilespmem:$0x1E800] =	vst v63  }
0xc6: {  	_ =	swait.ge [sflag:s16], $0x4000  }
0xc7: {  	[sflag:s16] =	ssyncset.done $0x0  }
0xc8: {  	s30 =	simm.s32 $0x200;
	[sflag:s16] =	ssyncadd.s32 $0xFFFFC000  }
0xc9: {  	[tilespmem:s15], [sflag:$0x1] =	stream.indirect.gather [hbm4b:s1+s17], $0x80, s30, s17, $0xb8;
	[tilespmem:$0x1E800] =	vst v63  }
0xca: {  	_ =	swait.ge [sflag:s21], $0x4000  }
0xcb: {  	[sflag:s21] =	ssyncset.done $0x0  }
0xcc: {  	s31 =	simm.s32 $0x180;
	[sflag:s21] =	ssyncadd.s32 $0xFFFFC000  }
0xcd: {  	[spmem:s2] =	stream.indirect.scatter.add.f32 [tilespmem:s19], [sflag:$0x3], $0x80, s31, s17, $0xb8;
	[tilespmem:$0x1E800] =	vst v63  }
0xce: {  	_ =	swait.ge [sflag:s16], $0x4000  }
0xcf: {  	[sflag:s16] =	ssyncset.done $0x0  }
0xd0: {  	s28 =	simm.s32 $0x300;
	s26 =	simm.s32 $0xFFFF7000;
	[sflag:s16] =	ssyncadd.s32 $0xFFFFC000  }
.LBB2_5:
0xd1: {  	[tilespmem:s19], [sflag:$0x2] =	stream.indirect.gather [hbm4b:s1+s17], $0x80, s28, s17, $0xb8;
	[tilespmem:$0x1E800] =	vst v63  }
0xd2: {  	s28 =	smov.u32 s26  }
0xd3: {  	p1 =	sne.s32 s26, $0xFFFFF800;
	s26 =	sadd.s32 $0x800, s26;
	_ =	swait.ge [sflag:s20], $0x4000  }
0xd4: {  	s28 =	sshra.s32 s28, $0x2;
	[sflag:s20] =	ssyncset.done $0x0  }
0xd5: {  	s29 =	sadd.s32 $0x2680, s28;
	[sflag:s20] =	ssyncadd.s32 $0xFFFFC000  }
0xd6: {  	[spmem:s2] =	stream.indirect.scatter.add.f32 [tilespmem:s15], [sflag:$0x3], $0x80, s29, s17, $0xb8;
	[tilespmem:$0x1E800] =	vst v63  }
0xd7: {  	_ =	swait.ge [sflag:s16], $0x4000  }
0xd8: {  	[sflag:s16] =	ssyncset.done $0x0  }
0xd9: {  	s29 =	sadd.s32 $0x2800, s28;
	[sflag:s16] =	ssyncadd.s32 $0xFFFFC000  }
0xda: {  	[tilespmem:s15], [sflag:$0x1] =	stream.indirect.gather [hbm4b:s1+s17], $0x80, s29, s17, $0xb8;
	[tilespmem:$0x1E800] =	vst v63  }
0xdb: {  	_ =	swait.ge [sflag:s21], $0x4000  }
0xdc: {  	[sflag:s21] =	ssyncset.done $0x0  }
.Ltmp7:
0xdd: {  	s29 =	sadd.s32 $0x2780, s28;
	[sflag:s21] =	ssyncadd.s32 $0xFFFFC000;
	(pc) =	sbr.rel @p1 .LBB2_5-.Ltmp7, $4  }
0xde: {  	[spmem:s2] =	stream.indirect.scatter.add.f32 [tilespmem:s19], [sflag:$0x3], $0x80, s29, s17, $0xb8;
	[tilespmem:$0x1E800] =	vst v63  }
0xdf: {  	_ =	swait.ge [sflag:s16], $0x4000  }
0xe0: {  	[sflag:s16] =	ssyncset.done $0x0  }
0xe1: {  	s28 =	sadd.s32 $0x2900, s28;
	[sflag:s16] =	ssyncadd.s32 $0xFFFFC000  }
0xe2: {  	[tilespmem:s19], [sflag:$0x2] =	stream.indirect.gather [hbm4b:s1+s17], $0x80, s28, s17, $0xb8;
	[tilespmem:$0x1E800] =	vst v63  }
0xe3: {  	_ =	swait.ge [sflag:s20], $0x4000  }
0xe4: {  	[sflag:s20] =	ssyncset.done $0x0  }
0xe5: {  	[sflag:s20] =	ssyncadd.s32 $0xFFFFC000  }
0xe6: {  	[spmem:s2] =	stream.indirect.scatter.add.f32 [tilespmem:s15], [sflag:$0x3], $0x80, s22, s17, $0xb8;
	[tilespmem:$0x1E800] =	vst v63  }
0xe7: {  	_ =	swait.ge [sflag:s16], $0x4000  }
0xe8: {  	[sflag:s16] =	ssyncset.done $0x0  }
0xe9: {  	[sflag:s16] =	ssyncadd.s32 $0xFFFFC000  }
0xea: {  	_ =	swait.ge [sflag:s21], $0x4000  }
0xeb: {  	[sflag:s21] =	ssyncset.done $0x0  }
0xec: {  	[sflag:s21] =	ssyncadd.s32 $0xFFFFC000  }
0xed: {  	[spmem:s2] =	stream.indirect.scatter.add.f32 [tilespmem:s19], [sflag:$0x3], $0x80, s23, s17, $0xb8;
	[tilespmem:$0x1E800] =	vst v63  }
0xee: {  	_ =	swait.ge [sflag:s16], $0x4000  }
0xef: {  	[sflag:s16] =	ssyncset.done $0x0  }
0xf0: {  	[sflag:s16] =	ssyncadd.s32 $0xFFFFC000  }
0xf1: {  	[tilespmem:s3], [sflag:$0x3] =	stream.linear.gather [hbm4b:s13+s3], $0x2800, $0x38;
	[tilespmem:$0x1E800] =	vst v63  }
0xf2: {  	_ =	swait.ge [sflag:s16], $0x2800  }
0xf3: {  	[sflag:s16] =	ssyncset.done $0x0  }
0xf4: {  	[sflag:s16] =	ssyncadd.s32 $0xFFFFD800  }
0xf5: {  	[tilespmem:s15], [sflag:$0x1] =	stream.indirect.gather [hbm4b:s1+s17], $0x80, s3, s17, $0xb8;
	[tilespmem:$0x1E800] =	vst v63  }
0xf6: {  	_ = 	snop  }
0xf7: {  	[tilespmem:s19], [sflag:$0x2] =	stream.indirect.gather [hbm4b:s1+s17], $0x80, s18, s17, $0xb8;
	[tilespmem:$0x1E800] =	vst v63  }
0xf8: {  	_ =	swait.ge [sflag:s20], $0x4000  }
0xf9: {  	[sflag:s20] =	ssyncset.done $0x0  }
0xfa: {  	s26 =	simm.s32 $0x80;
	[sflag:s20] =	ssyncadd.s32 $0xFFFFC000  }
0xfb: {  	[spmem:s2] =	stream.indirect.scatter.add.f32 [tilespmem:s15], [sflag:$0x3], $0x80, s26, s17, $0xb8;
	[tilespmem:$0x1E800] =	vst v63  }
0xfc: {  	_ =	swait.ge [sflag:s16], $0x4000  }
0xfd: {  	[sflag:s16] =	ssyncset.done $0x0  }
0xfe: {  	s30 =	simm.s32 $0x200;
	[sflag:s16] =	ssyncadd.s32 $0xFFFFC000  }
0xff: {  	[tilespmem:s15], [sflag:$0x1] =	stream.indirect.gather [hbm4b:s1+s17], $0x80, s30, s17, $0xb8;
	[tilespmem:$0x1E800] =	vst v63  }
0x100: {  	_ =	swait.ge [sflag:s21], $0x4000  }
0x101: {  	[sflag:s21] =	ssyncset.done $0x0  }
0x102: {  	s31 =	simm.s32 $0x180;
	[sflag:s21] =	ssyncadd.s32 $0xFFFFC000  }
0x103: {  	[spmem:s2] =	stream.indirect.scatter.add.f32 [tilespmem:s19], [sflag:$0x3], $0x80, s31, s17, $0xb8;
	[tilespmem:$0x1E800] =	vst v63  }
0x104: {  	_ =	swait.ge [sflag:s16], $0x4000  }
0x105: {  	[sflag:s16] =	ssyncset.done $0x0  }
0x106: {  	s28 =	simm.s32 $0x300;
	s26 =	simm.s32 $0xFFFF7000;
	[sflag:s16] =	ssyncadd.s32 $0xFFFFC000  }
.LBB2_7:
0x107: {  	[tilespmem:s19], [sflag:$0x2] =	stream.indirect.gather [hbm4b:s1+s17], $0x80, s28, s17, $0xb8;
	[tilespmem:$0x1E800] =	vst v63  }
0x108: {  	s28 =	smov.u32 s26  }
0x109: {  	p1 =	sne.s32 s26, $0xFFFFF800;
	s26 =	sadd.s32 $0x800, s26;
	_ =	swait.ge [sflag:s20], $0x4000  }
0x10a: {  	s28 =	sshra.s32 s28, $0x2;
	[sflag:s20] =	ssyncset.done $0x0  }
0x10b: {  	s29 =	sadd.s32 $0x2680, s28;
	[sflag:s20] =	ssyncadd.s32 $0xFFFFC000  }
0x10c: {  	[spmem:s2] =	stream.indirect.scatter.add.f32 [tilespmem:s15], [sflag:$0x3], $0x80, s29, s17, $0xb8;
	[tilespmem:$0x1E800] =	vst v63  }
0x10d: {  	_ =	swait.ge [sflag:s16], $0x4000  }
0x10e: {  	[sflag:s16] =	ssyncset.done $0x0  }
0x10f: {  	s29 =	sadd.s32 $0x2800, s28;
	[sflag:s16] =	ssyncadd.s32 $0xFFFFC000  }
0x110: {  	[tilespmem:s15], [sflag:$0x1] =	stream.indirect.gather [hbm4b:s1+s17], $0x80, s29, s17, $0xb8;
	[tilespmem:$0x1E800] =	vst v63  }
0x111: {  	_ =	swait.ge [sflag:s21], $0x4000  }
0x112: {  	[sflag:s21] =	ssyncset.done $0x0  }
.Ltmp8:
0x113: {  	s29 =	sadd.s32 $0x2780, s28;
	[sflag:s21] =	ssyncadd.s32 $0xFFFFC000;
	(pc) =	sbr.rel @p1 .LBB2_7-.Ltmp8, $4  }
0x114: {  	[spmem:s2] =	stream.indirect.scatter.add.f32 [tilespmem:s19], [sflag:$0x3], $0x80, s29, s17, $0xb8;
	[tilespmem:$0x1E800] =	vst v63  }
0x115: {  	_ =	swait.ge [sflag:s16], $0x4000  }
0x116: {  	[sflag:s16] =	ssyncset.done $0x0  }
0x117: {  	s28 =	sadd.s32 $0x2900, s28;
	[sflag:s16] =	ssyncadd.s32 $0xFFFFC000  }
.Ltmp9:
0x118: {  	_ = 	snop;
	(pc) =	sbr.rel .LBB2_8-.Ltmp9, $1  }
0x119: {  	_ =	sdelay $0x3  }
.LBB2_15:
0x11a: {  	_ =	sfence.sel $0x180000  }
0x11b: {  	[bflag:$0x0] =	sbarrier.arrive $0xFFFF  }
0x11c: {  	p0 =	sne.s32 s4, $0x0;
	_ =	strace $0x9000004A  }
0x11d: {  	s0 =	sadd.s32 @!p0 $0x100000, s0;
	[bflag:$0x2] =	sbarrier.arrive $0xFFFF  }
0x11e: {  	[sflag:s0] =	ssyncadd.tile.s32 @!p0 $0x1;
	_ =	shalt  }
.Lfunc_end2:
_tile_overlayer_lowered:
.L_overlay_start_2:
0x11f: {  	(tag) =	ssettag $0x2  }
0x120: {  	s0 =	rddreg [dreg:$0x0];
	s2 =	stileid.u32  }
0x121: {  	s1 =	rddreg [dreg:$0x1];
	p0 =	sne.s32 s2, $0x0  }
0x122: {  	s3 =	rddreg [dreg:$0x2];
	[bflag:$0x3] =	sbarrier.arrive $0xFFFF;
	s2 =	simm.s32 @!p0 $0x1C03  }
0x123: {  	[timem:s3], [sflag:s2] =	dma.local @!p0 [hbm:s0], s1  }
0x124: {  	s0 =	simm.s32 @!p0 $0x3  }
0x125: {  	_ =	swait.ge @!p0 [sflag:s0], s1  }
0x126: {  	s1 =	ssub.s32 @!p0 $0x0, s1;
	[sflag:s0] =	ssyncset.done @!p0 $0x0  }
0x127: {  	[sflag:s0] =	ssyncadd.s32 @!p0 s1  }
0x128: {  	[bflag:$0x3] =	sbarrier.arrive $0xFFFF  }
0x129: {  	_ =	shalt  }

// kernel: kernel.15.cloned.1.call-start
scs
__scs_entry_jumppad:
0x0: {  	(pc) =	sbr.rel $0x88, $3  }
0x1: {  	(tag) =	ssettag $0x0;
	lr =	simm.s32 $0x1  }
0x2: {  	[smem:$0x3F9B] =	sst lr;
	_ =	strace $0xD0000000  }
0x3: {  	_ = 	snop  }
0x4: {  	_ = 	snop  }
0x5: {  	_ = 	snop  }
0x6: {  	_ = 	snop  }
0x7: {  	_ = 	snop  }
__scs_overlays_trampoline_lowered:
0x8: {  	[smem:$0x3FAA] =	sst s0  }
0x9: {  	[smem:$0x3FAB] =	sst s1  }
0xa: {  	[smem:$0x3FAC] =	sst s2  }
0xb: {  	[smem:$0x3FAD] =	sst s3  }
0xc: {  	[smem:$0x3FAE] =	sst s4  }
0xd: {  	[smem:$0x3FAF] =	sst s5  }
0xe: {  	[smem:$0x3FB0] =	sst s6  }
0xf: {  	[smem:$0x3FB1] =	sst s7  }
0x10: {  	[smem:$0x3FB2] =	sst s8  }
0x11: {  	[smem:$0x3FB3] =	sst s9;
	s0 =	simm.s32 @!p0 $0x0  }
0x12: {  	s1 =	sld [smem:$0x3F99];
	s0 =	simm.s32 @p0 $0x1  }
0x13: {  	[smem:$0x3FB4] =	sst s0;
	s0 =	simm.s32 @!p1 $0x0  }
0x14: {  	s2 =	sld [smem:$0x3F98];
	s0 =	simm.s32 @p1 $0x1  }
0x15: {  	[smem:$0x3FB5] =	sst s0;
	s0 =	simm.s32 @!p2 $0x0  }
0x16: {  	s3 =	sld [smem:$0x3FDB];
	s0 =	simm.s32 @p2 $0x1  }
0x17: {  	s4 =	simm.s32 $0x1BF5;
	[smem:$0x3FB7] =	sst s0  }
0x18: {  	s0 =	sld [smem:$0x3F9A];
	_ =	swait.ge [sflag:s4], $0x0  }
0x19: {  	s7 =	sld [smem:$0x3F9B]  }
0x1a: {  	s8 =	sadd.s32 $0xFFFFE003, lr  }
0x1b: {  	s9 =	sadd.s32 $0xFFFFFEF7, lr;
	s5 =	simm.s32 $0xFFFFFFFF;
	p2 =	slt.u32 s8, $0xFFFFF086  }
0x1c: {  	p1 =	slt.u32 s9, $0xF7A;
	s5 =	simm.s32 @!p2 $0x0  }
0x1d: {  	s5 =	simm.s32 @p1 $0x1;
	p0 =	seq.s32 s7, s2  }
0x1e: {  	s7 =	smul.u32 @!p0 $0xF7A, s2;
	p2 =	seq.s32 @!p0 s5, $0x0  }
0x1f: {  	s9 =	smul.u32 $0xF7A, s1;
	s8 =	simm.s32 @!p0 $0x1BF5;
	p2 =	por !p2, p0  }
0x20: {  	[sflag:s8] =	ssyncset.s32 @!p0 $0xFFFFF086;
	s6 =	sadd.s32 @!p0 s3, s7;
	s7 =	simm.s32 @!p0 $0x108  }
0x21: {  	s3 =	sadd.s32 s3, s9;
	s6 =	sadd.s32 @!p0 $0x88, s6;
	s7 =	simm.s32 @p2 $0x1082  }
0x22: {  	[simem:s7], [sflag:s8] =	dma.local @!p0 [hbm:s6], $0xF7A  }
0x23: {  	s9 =	sor.u32 $0xD0000000, s2;
	s6 =	simm.s32 $0x108;
	_ =	swait.ge @!p0 [sflag:s8], $0x0  }
0x24: {  	s3 =	sadd.s32 $0x88, s3;
	s6 =	simm.s32 @!p1 $0x1082;
	[sflag:s4] =	ssyncset.s32 $0xFFFFF086  }
0x25: {  	[simem:s6], [sflag:s4] =	dma.local [hbm:s3], $0xF7A  }
0x26: {  	[smem:$0x3F9B] =	sst s1;
	(tag) =	ssettag s2;
	_ =	strace s9  }
0x27: {  	s1 =	sld [smem:$0x3FAB]  }
0x28: {  	s2 =	sld [smem:$0x3FAC]  }
0x29: {  	s4 =	sld [smem:$0x3FAE]  }
0x2a: {  	p0 =	seq.s32 s5, $0x0;
	s5 =	sld [smem:$0x3FAF]  }
0x2b: {  	s6 =	sld [smem:$0x3FB0]  }
0x2c: {  	s7 =	sld [smem:$0x3FB1]  }
0x2d: {  	s3 =	simm.s32 $0x108;
	s8 =	sld [smem:$0x3FB2]  }
0x2e: {  	s3 =	simm.s32 @!p0 $0x1082;
	s9 =	sld [smem:$0x3FB3]  }
0x2f: {  	lr =	sadd.s32 s0, s3;
	s0 =	sld [smem:$0x3FAA]  }
0x30: {  	s3 =	sld [smem:$0x3FAD]  }
0x31: {  	[smem:$0x3FB6] =	sst s10  }
0x32: {  	s10 =	sld [smem:$0x3FB4];
	_ =	sdelay $0x3  }
0x33: {  	p0 =	seq.s32 s10, $0x1;
	s10 =	sld [smem:$0x3FB6];
	_ =	sdelay $0x3  }
0x34: {  	[smem:$0x3FB6] =	sst s10  }
0x35: {  	s10 =	sld [smem:$0x3FB5];
	_ =	sdelay $0x3  }
0x36: {  	p1 =	seq.s32 s10, $0x1;
	s10 =	sld [smem:$0x3FB6];
	_ =	sdelay $0x3  }
0x37: {  	[smem:$0x3FB6] =	sst s10  }
0x38: {  	s10 =	sld [smem:$0x3FB7]  }
0x39: {  	_ = 	snop;
	(pc) =	sbr.ind lr, $3  }
0x3a: {  	_ = 	snop  }
0x3b: {  	_ = 	snop  }
0x3c: {  	p2 =	seq.s32 s10, $0x1;
	s10 =	sld [smem:$0x3FB6]  }
0x3d: {  	_ =	shalt  }
0x3e: {  	_ =	shalt  }
0x3f: {  	_ =	shalt  }
0x40: {  	_ =	shalt  }
0x41: {  	_ =	shalt  }
0x42: {  	_ =	shalt  }
0x43: {  	_ =	shalt  }
0x44: {  	_ =	shalt  }
0x45: {  	_ =	shalt  }
0x46: {  	_ =	shalt  }
0x47: {  	_ =	shalt  }
0x48: {  	_ =	shalt  }
0x49: {  	_ =	shalt  }
0x4a: {  	_ =	shalt  }
0x4b: {  	_ =	shalt  }
0x4c: {  	_ =	shalt  }
0x4d: {  	_ =	shalt  }
0x4e: {  	_ =	shalt  }
0x4f: {  	_ =	shalt  }
0x50: {  	_ =	shalt  }
0x51: {  	_ =	shalt  }
0x52: {  	_ =	shalt  }
0x53: {  	_ =	shalt  }
0x54: {  	_ =	shalt  }
0x55: {  	_ =	shalt  }
0x56: {  	_ =	shalt  }
0x57: {  	_ =	shalt  }
0x58: {  	_ =	shalt  }
0x59: {  	_ =	shalt  }
0x5a: {  	_ =	shalt  }
0x5b: {  	_ =	shalt  }
0x5c: {  	_ =	shalt  }
0x5d: {  	_ =	shalt  }
0x5e: {  	_ =	shalt  }
0x5f: {  	_ =	shalt  }
0x60: {  	_ =	shalt  }
0x61: {  	_ =	shalt  }
0x62: {  	_ =	shalt  }
0x63: {  	_ =	shalt  }
0x64: {  	_ =	shalt  }
0x65: {  	_ =	shalt  }
0x66: {  	_ =	shalt  }
0x67: {  	_ =	shalt  }
0x68: {  	_ =	shalt  }
0x69: {  	_ =	shalt  }
0x6a: {  	_ =	shalt  }
0x6b: {  	_ =	shalt  }
0x6c: {  	_ =	shalt  }
0x6d: {  	_ =	shalt  }
0x6e: {  	_ =	shalt  }
0x6f: {  	_ =	shalt  }
0x70: {  	_ =	shalt  }
0x71: {  	_ =	shalt  }
0x72: {  	_ =	shalt  }
0x73: {  	_ =	shalt  }
0x74: {  	_ =	shalt  }
0x75: {  	_ =	shalt  }
0x76: {  	_ =	shalt  }
0x77: {  	_ =	shalt  }
0x78: {  	_ =	shalt  }
0x79: {  	_ =	shalt  }
0x7a: {  	_ =	shalt  }
0x7b: {  	_ =	shalt  }
0x7c: {  	_ =	shalt  }
0x7d: {  	_ =	shalt  }
0x7e: {  	_ =	shalt  }
0x7f: {  	_ =	shalt  }
0x80: {  	_ =	shalt  }
0x81: {  	_ =	shalt  }
0x82: {  	_ =	shalt  }
0x83: {  	_ =	shalt  }
0x84: {  	_ =	shalt  }
0x85: {  	_ =	shalt  }
0x86: {  	_ =	shalt  }
0x87: {  	_ =	shalt  }
.Lfunc_end0:
.L_simem_size_0:
called_computation.2_lowered:
.L_overlay_start_0:
0x88: {  	s2 =	sld [smem:$0x3FD9]  }
0x89: {  	s3 =	sld [smem:$0x3FFE];
	_ =	sdelay $0x1  }
0x8a: {  	s1 =	srdreg.scid  }
0x8b: {  	s0 =	sand.u32 $0x1, s1  }
0x8c: {  	s17 =	sshll.u32 s0, $0xA;
	s2 =	sadd.s32 s3, s2  }
0x8d: {  	s2 =	sadd.s32 s2, s17  }
0x8e: {  	[smem:$0x3FC2] =	sst s2  }
0x8f: {  	_ = 	snop  }
0x90: {  	s2 =	sld [smem:$0x3FC8]  }
0x91: {  	s18 =	sld [smem:$0x3FD0];
	(tm) =	ssettm $0x1  }
0x92: {  	s4 =	sld [smem:$0x3FFB];
	_ =	sdelay $0x3  }
0x93: {  	_ =	strace s4  }
0x94: {  	s4 =	sld [smem:$0x3FFC];
	_ =	sdelay $0x3  }
0x95: {  	_ =	strace s4  }
0x96: {  	s4 =	sld [smem:$0x3FFD];
	_ =	sdelay $0x3  }
0x97: {  	_ =	strace s4  }
0x98: {  	_ =	strace $0x8FFFFFFF  }
0x99: {  	s19 =	sld [smem:$0x3FDB];
	_ =	sdelay $0x1  }
0x9a: {  	s5 =	simm.s32 $_scs_section_size  }
0x9b: {  	s6 =	simm.s32 $_size__tile_overlayer_lowered;
	s7 =	simm.s32 $_tile_overlayer_lowered  }
0x9c: {  	s22 =	simm.s32 $0x1BFF;
	s21 =	sshll.u32 s7, $0x1;
	s4 =	sadd.s32 s5, s19  }
0x9d: {  	s8 =	simm.s32 $0x0;
	s20 =	sshll.u32 s6, $0x1;
	s6 =	sadd.s32 s21, s4  }
0x9e: {  	[timem:s8], [sflag:s22] =	dma.local [hbm:s6], s20  }
0x9f: {  	_ =	swait.ge [sflag:s22], s20  }
0xa0: {  	s5 =	ssub.s32 $0x0, s20;
	[sflag:s22] =	ssyncset.done $0x0  }
0xa1: {  	[sflag:s22] =	ssyncadd.s32 s5;
	_ =	sdelay $0x1  }
0xa2: {  	s23 =	simm.s32 $0x1B8B  }
0xa3: {  	_ =	swait.ge [sflag:s23], $0x1  }
0xa4: {  	[sflag:s23] =	ssyncset.done $0x0  }
0xa5: {  	s25 =	simm.s32 $0x1B8E;
	s24 =	sld [smem:$0x3FFE];
	[sflag:s23] =	ssyncadd.s32 $0xFFFFFFFF  }
0xa6: {  	s26 =	simm.s32 $execute0_lowered;
	[smem:$0x3FD2] =	sst s25  }
0xa7: {  	s6 =	sshll.u32 s26, $0x1;
	_ =	strace $0x8000004C;
	[dreg:$0x1] =	wrdreg $0xFFFFFFFF  }
0xa8: {  	s28 =	simm.s32 $_size_execute0_lowered;
	s4 =	sadd.s32 s4, s6;
	[dreg:$0x0] =	wrdreg $0x0  }
0xa9: {  	s6 =	sshll.u32 s28, $0x1;
	[dreg:$0x2] =	wrdreg s4  }
0xaa: {  	[dreg:$0x3] =	wrdreg s6  }
0xab: {  	[dreg:$0x4] =	wrdreg $0xC0  }
0xac: {  	_ =	task [dreg:s8], $0x5FFFF  }
0xad: {  	[dreg:$0x1] =	wrdreg $0xFFFFFFFF  }
0xae: {  	[dreg:$0x0] =	wrdreg $0x60  }
0xaf: {  	[dreg:$0x2] =	wrdreg s18  }
0xb0: {  	[dreg:$0x3] =	wrdreg s2  }
0xb1: {  	[dreg:$0x4] =	wrdreg s24  }
0xb2: {  	[dreg:$0x5] =	wrdreg $0xA8000  }
0xb3: {  	[dreg:$0x6] =	wrdreg $0x9  }
0xb4: {  	_ =	task.clear_ibuf [dreg:s8], $0x7FFFF;
	_ =	strace $0x9000004C  }
0xb5: {  	s29 =	simm.s32 $0x9;
	_ =	strace $0x8000004E  }
0xb6: {  	_ =	swait.ge [sflag:s29], $0x1  }
0xb7: {  	[sflag:s29] =	ssyncadd.s32 $0xFFFFFFFF  }
0xb8: {  	_ =	strace $0x9000004E  }
0xb9: {  	_ =	sfence  }
0xba: {  	s30 =	sld [smem:$0x0];
	_ =	sdelay $0x2  }
0xbb: {  	s31 =	sshll.u32 s1, $0xD;
	s1 =	sshrl.u32 s1, $0x2  }
0xbc: {  	s3 =	sand.u32 $0x4000, s31;
	s1 =	sadd.s32 s1, s30  }
0xbd: {  	s0 =	sor.u32 s3, s0;
	s1 =	sshll.u32 s1, $0x11  }
0xbe: {  	s0 =	sor.u32 s1, s0  }
0xbf: {  	s0 =	sadd.s32 $0x8F2B, s0  }
0xc0: {  	[sflag:s0] =	ssyncadd.remote.s32 $0x1  }
0xc1: {  	_ =	sfence.sel $0xFFFF  }
0xc2: {  	[dreg:$0x0] =	wrdreg $0xFFFFFFFF;
	(pc) =	sbr.abs _section_cstart, $3  }
0xc3: {  	[dreg:$0x1] =	wrdreg $0xFFFFFFFF  }
0xc4: {  	_ =	task.clear_ibuf [dreg:s8], $0x2FFFF;
	_ =	strace $0x9FFFFFFF  }
0xc5: {  	(tm) =	ssettm $0x7FFFFFFF  }
tec
execute0_lowered:
.L_overlay_start_1:
0x0: {  	(tag) =	ssettag $0x1  }
0x1: {  	s1 =	rddreg [dreg:$0x0]  }
0x2: {  	s11 =	rddreg [dreg:$0x1]  }
0x3: {  	s14 =	rddreg [dreg:$0x2]  }
0x4: {  	s2 =	rddreg [dreg:$0x3]  }
0x5: {  	s0 =	rddreg [dreg:$0x4];
	s3 =	simm.s32 $0x0;
	s4 =	srdreg.scid  }
0x6: {  	s16 =	simm.s32 $0x3;
	s17 =	simm.s32 $0x80;
	s18 =	simm.s32 $0x100  }
0x7: {  	s19 =	simm.s32 $0x6800;
	s20 =	simm.s32 $0x1;
	s21 =	simm.s32 $0x2  }
0x8: {  	s22 =	simm.s32 $0x2680;
	[smem:$0x7FF] =	sst s3;
	s6 =	sand.u32 $0x1, s4  }
0x9: {  	s23 =	simm.s32 $0x2780;
	s4 =	stileid.u32;
	s7 =	smul.u32 $0x28000, s6  }
0xa: {  	s5 =	sadd.s32 $0x2400, s14;
	_ =	strace $0x8000004D;
	s9 =	smul.u32 $0x50000, s4  }
0xb: {  	s8 =	ssub.s32 $0x2, s6;
	s12 =	sshll.u32 s4, $0x1;
	s25 =	smul.u32 $0x2800, s4  }
0xc: {  	s10 =	sshrl.u32 s8, $0x1;
	s15 =	sor.u32 s6, s12;
	s7 =	sadd.s32 s7, s14  }
0xd: {  	s8 =	ssub.s32 s8, s10;
	s31 =	sshrl.u32 s9, $0x2;
	s12 =	smul.u32 $0xA00, s15  }
.Ltmp0:
0xe: {  	s14 =	sadd.s32 $0x2900, s14;
	p0 =	seq.s32 s15, $0x1F;
	(pc) =	sbr.rel .LBB2_1-.Ltmp0, $4  }
0xf: {  	s15 =	simm.s32 $0x2800;
	s6 =	sadd.s32 s31, s2;
	s24 =	sadd.s32 $0x52E00, s7  }
0x10: {  	s7 =	smax.u32 s8, $0x1;
	s8 =	sadd.s32 $0x4000, s6;
	s9 =	sadd.s32 $0x8000, s6  }
0x11: {  	s10 =	sadd.s32 $0xC000, s6;
	s11 =	sadd.s32 s11, s12;
	s12 =	sadd.s32 $0x10000, s6  }
0x12: {  	v0 =	vimm.f32 $0.0e+00;
	s24 =	sadd.s32 s25, s24;
	s25 =	simm.s32 $0x0;
	s13 =	sadd.s32 $0x500, s11  }
.LBB2_8:
0x13: {  	[tilespmem:s19], [sflag:$0x2] =	stream.indirect.gather [hbm4b:s1+s17], $0x80, s28, s17, $0xb8;
	[tilespmem:$0x1E800] =	vst v63  }
0x14: {  	_ =	swait.ge [sflag:s20], $0x4000  }
0x15: {  	[sflag:s20] =	ssyncset.done $0x0  }
0x16: {  	[sflag:s20] =	ssyncadd.s32 $0xFFFFC000  }
0x17: {  	[spmem:s2] =	stream.indirect.scatter.add.f32 [tilespmem:s15], [sflag:$0x3], $0x80, s22, s17, $0xb8;
	[tilespmem:$0x1E800] =	vst v63  }
0x18: {  	_ =	swait.ge [sflag:s16], $0x4000  }
0x19: {  	[sflag:s16] =	ssyncset.done $0x0  }
0x1a: {  	[sflag:s16] =	ssyncadd.s32 $0xFFFFC000  }
0x1b: {  	_ =	swait.ge [sflag:s21], $0x4000  }
0x1c: {  	[sflag:s21] =	ssyncset.done $0x0  }
0x1d: {  	[sflag:s21] =	ssyncadd.s32 $0xFFFFC000  }
0x1e: {  	[spmem:s2] =	stream.indirect.scatter.add.f32 [tilespmem:s19], [sflag:$0x3], $0x80, s23, s17, $0xb8;
	[tilespmem:$0x1E800] =	vst v63  }
0x1f: {  	_ =	swait.ge [sflag:s16], $0x4000  }
0x20: {  	[sflag:s16] =	ssyncset.done $0x0  }
0x21: {  	[sflag:s16] =	ssyncadd.s32 $0xFFFFC000  }
.LBB2_14:
0x22: {  	s25 =	sadd.s32 $0x1, s25  }
0x23: {  	s26 =	sshll.u32 s4, $0x6;
	[bflag:$0x0] =	sbarrier.arrive $0xFFFF;
	p1 =	sne.s32 s25, s7  }
.Ltmp1:
0x24: {  	s28 =	sshrl.u32 s6, $0x3;
	s26 =	sor.u32 $0x1C03, s26;
	(pc) =	sbr.rel @!p1 .LBB2_15-.Ltmp1, $4  }
0x25: {  	[hbm:s24], [sflag:s26] =	dma.local [spmem:s28], $0x2800  }
0x26: {  	_ =	swait.ge [sflag:s16], $0x2800  }
0x27: {  	[sflag:s16] =	ssyncset.done $0x0  }
0x28: {  	[sflag:s16] =	ssyncadd.s32 $0xFFFFD800  }
.LBB2_1:
0x29: {  	s26 =	simm.s32 $0x0;
	s28 =	simm.s32 $0x200  }
.LBB2_2:
0x2a: {  	p1 =	sne.s32 s28, $0xFE00;
	[tilespmem:s26+$0x2870] =	vst v0  }
0x2b: {  	[tilespmem:s26+$0x2800] =	vst v0  }
0x2c: {  	[tilespmem:s26+$0x2810] =	vst v0  }
.Ltmp2:
0x2d: {  	[tilespmem:s26+$0x2820] =	vst v0;
	(pc) =	sbr.rel @p1 .LBB2_2-.Ltmp2, $4  }
0x2e: {  	[tilespmem:s26+$0x2830] =	vst v0  }
0x2f: {  	[tilespmem:s26+$0x2840] =	vst v0  }
0x30: {  	[tilespmem:s26+$0x2850] =	vst v0  }
0x31: {  	[tilespmem:s26+$0x2860] =	vst v0;
	s26 =	sshra.s32 s28, $0x2;
	s28 =	sadd.s32 $0x200, s28  }
0x32: {  	[tilespmem:s26+$0x2870] =	vst v0  }
0x33: {  	[tilespmem:s26+$0x2800] =	vst v0  }
0x34: {  	[tilespmem:s26+$0x2810] =	vst v0  }
0x35: {  	[tilespmem:s26+$0x2820] =	vst v0  }
0x36: {  	[tilespmem:s26+$0x2830] =	vst v0  }
0x37: {  	[tilespmem:s26+$0x2840] =	vst v0  }
0x38: {  	[tilespmem:s26+$0x2850] =	vst v0  }
0x39: {  	[tilespmem:s26+$0x2860] =	vst v0  }
0x3a: {  	[spmem:s6] =	stream.linear.scatter [tilespmem:s15], [sflag:$0x3], $0x4000, $0x38;
	[tilespmem:$0x1E800] =	vst v63  }
0x3b: {  	_ =	swait.ge [sflag:s16], $0x4000  }
0x3c: {  	[sflag:s16] =	ssyncset.done $0x0  }
0x3d: {  	[sflag:s16] =	ssyncadd.s32 $0xFFFFC000  }
0x3e: {  	[spmem:s8] =	stream.linear.scatter [tilespmem:s15], [sflag:$0x3], $0x4000, $0x38;
	[tilespmem:$0x1E800] =	vst v63  }
0x3f: {  	_ =	swait.ge [sflag:s16], $0x4000  }
0x40: {  	[sflag:s16] =	ssyncset.done $0x0  }
0x41: {  	[sflag:s16] =	ssyncadd.s32 $0xFFFFC000  }
0x42: {  	[spmem:s9] =	stream.linear.scatter [tilespmem:s15], [sflag:$0x3], $0x4000, $0x38;
	[tilespmem:$0x1E800] =	vst v63  }
0x43: {  	_ =	swait.ge [sflag:s16], $0x4000  }
0x44: {  	[sflag:s16] =	ssyncset.done $0x0  }
0x45: {  	[sflag:s16] =	ssyncadd.s32 $0xFFFFC000  }
0x46: {  	[spmem:s10] =	stream.linear.scatter [tilespmem:s15], [sflag:$0x3], $0x4000, $0x38;
	[tilespmem:$0x1E800] =	vst v63  }
0x47: {  	_ =	swait.ge [sflag:s16], $0x4000  }
0x48: {  	[sflag:s16] =	ssyncset.done $0x0  }
0x49: {  	[sflag:s16] =	ssyncadd.s32 $0xFFFFC000  }
0x4a: {  	[spmem:s12] =	stream.linear.scatter [tilespmem:s15], [sflag:$0x3], $0x4000, $0x38;
	[tilespmem:$0x1E800] =	vst v63  }
.Ltmp3:
0x4b: {  	_ =	swait.ge [sflag:s16], $0x4000;
	(pc) =	sbr.rel @!p0 .LBB2_4-.Ltmp3, $3  }
0x4c: {  	[sflag:s16] =	ssyncset.done $0x0  }
0x4d: {  	[sflag:s16] =	ssyncadd.s32 $0xFFFFC000  }
0x4e: {  	[bflag:$0x0] =	sbarrier.arrive $0xFFFF;
	_ =	sdelay $0x1  }
0x4f: {  	[tilespmem:s3], [sflag:$0x3] =	stream.linear.gather [hbm4b:s5+s3], $0x2800, $0x38;
	[tilespmem:$0x1E800] =	vst v63  }
0x50: {  	_ =	swait.ge [sflag:s16], $0x2800  }
0x51: {  	[sflag:s16] =	ssyncset.done $0x0  }
0x52: {  	[sflag:s16] =	ssyncadd.s32 $0xFFFFD800  }
0x53: {  	[tilespmem:s15], [sflag:$0x1] =	stream.indirect.gather [hbm4b:s1+s17], $0x80, s3, s17, $0xb8;
	[tilespmem:$0x1E800] =	vst v63  }
0x54: {  	_ = 	snop  }
0x55: {  	[tilespmem:s19], [sflag:$0x2] =	stream.indirect.gather [hbm4b:s1+s17], $0x80, s18, s17, $0xb8;
	[tilespmem:$0x1E800] =	vst v63  }
0x56: {  	_ =	swait.ge [sflag:s20], $0x4000  }
0x57: {  	[sflag:s20] =	ssyncset.done $0x0  }
0x58: {  	s26 =	simm.s32 $0x80;
	[sflag:s20] =	ssyncadd.s32 $0xFFFFC000  }
0x59: {  	[spmem:s2] =	stream.indirect.scatter.add.f32 [tilespmem:s15], [sflag:$0x3], $0x80, s26, s17, $0xb8;
	[tilespmem:$0x1E800] =	vst v63  }
0x5a: {  	_ =	swait.ge [sflag:s16], $0x4000  }
0x5b: {  	[sflag:s16] =	ssyncset.done $0x0  }
0x5c: {  	s30 =	simm.s32 $0x200;
	[sflag:s16] =	ssyncadd.s32 $0xFFFFC000  }
0x5d: {  	[tilespmem:s15], [sflag:$0x1] =	stream.indirect.gather [hbm4b:s1+s17], $0x80, s30, s17, $0xb8;
	[tilespmem:$0x1E800] =	vst v63  }
0x5e: {  	_ =	swait.ge [sflag:s21], $0x4000  }
0x5f: {  	[sflag:s21] =	ssyncset.done $0x0  }
0x60: {  	s31 =	simm.s32 $0x180;
	[sflag:s21] =	ssyncadd.s32 $0xFFFFC000  }
0x61: {  	[spmem:s2] =	stream.indirect.scatter.add.f32 [tilespmem:s19], [sflag:$0x3], $0x80, s31, s17, $0xb8;
	[tilespmem:$0x1E800] =	vst v63  }
0x62: {  	_ =	swait.ge [sflag:s16], $0x4000  }
0x63: {  	[sflag:s16] =	ssyncset.done $0x0  }
0x64: {  	s28 =	simm.s32 $0x300;
	s26 =	simm.s32 $0xFFFF7000;
	[sflag:s16] =	ssyncadd.s32 $0xFFFFC000  }
.LBB2_10:
0x65: {  	[tilespmem:s19], [sflag:$0x2] =	stream.indirect.gather [hbm4b:s1+s17], $0x80, s28, s17, $0xb8;
	[tilespmem:$0x1E800] =	vst v63  }
0x66: {  	s28 =	smov.u32 s26  }
0x67: {  	p1 =	sne.s32 s26, $0xFFFFF800;
	s26 =	sadd.s32 $0x800, s26;
	_ =	swait.ge [sflag:s20], $0x4000  }
0x68: {  	s28 =	sshra.s32 s28, $0x2;
	[sflag:s20] =	ssyncset.done $0x0  }
0x69: {  	s29 =	sadd.s32 $0x2680, s28;
	[sflag:s20] =	ssyncadd.s32 $0xFFFFC000  }
0x6a: {  	[spmem:s2] =	stream.indirect.scatter.add.f32 [tilespmem:s15], [sflag:$0x3], $0x80, s29, s17, $0xb8;
	[tilespmem:$0x1E800] =	vst v63  }
0x6b: {  	_ =	swait.ge [sflag:s16], $0x4000  }
0x6c: {  	[sflag:s16] =	ssyncset.done $0x0  }
0x6d: {  	s29 =	sadd.s32 $0x2800, s28;
	[sflag:s16] =	ssyncadd.s32 $0xFFFFC000  }
0x6e: {  	[tilespmem:s15], [sflag:$0x1] =	stream.indirect.gather [hbm4b:s1+s17], $0x80, s29, s17, $0xb8;
	[tilespmem:$0x1E800] =	vst v63  }
0x6f: {  	_ =	swait.ge [sflag:s21], $0x4000  }
0x70: {  	[sflag:s21] =	ssyncset.done $0x0  }
.Ltmp4:
0x71: {  	s29 =	sadd.s32 $0x2780, s28;
	[sflag:s21] =	ssyncadd.s32 $0xFFFFC000;
	(pc) =	sbr.rel @p1 .LBB2_10-.Ltmp4, $4  }
0x72: {  	[spmem:s2] =	stream.indirect.scatter.add.f32 [tilespmem:s19], [sflag:$0x3], $0x80, s29, s17, $0xb8;
	[tilespmem:$0x1E800] =	vst v63  }
0x73: {  	_ =	swait.ge [sflag:s16], $0x4000  }
0x74: {  	[sflag:s16] =	ssyncset.done $0x0  }
0x75: {  	s28 =	sadd.s32 $0x2900, s28;
	[sflag:s16] =	ssyncadd.s32 $0xFFFFC000  }
0x76: {  	[tilespmem:s19], [sflag:$0x2] =	stream.indirect.gather [hbm4b:s1+s17], $0x80, s28, s17, $0xb8;
	[tilespmem:$0x1E800] =	vst v63  }
0x77: {  	_ =	swait.ge [sflag:s20], $0x4000  }
0x78: {  	[sflag:s20] =	ssyncset.done $0x0  }
0x79: {  	[sflag:s20] =	ssyncadd.s32 $0xFFFFC000  }
0x7a: {  	[spmem:s2] =	stream.indirect.scatter.add.f32 [tilespmem:s15], [sflag:$0x3], $0x80, s22, s17, $0xb8;
	[tilespmem:$0x1E800] =	vst v63  }
0x7b: {  	_ =	swait.ge [sflag:s16], $0x4000  }
0x7c: {  	[sflag:s16] =	ssyncset.done $0x0  }
0x7d: {  	[sflag:s16] =	ssyncadd.s32 $0xFFFFC000  }
0x7e: {  	_ =	swait.ge [sflag:s21], $0x4000  }
0x7f: {  	[sflag:s21] =	ssyncset.done $0x0  }
0x80: {  	[sflag:s21] =	ssyncadd.s32 $0xFFFFC000  }
0x81: {  	[spmem:s2] =	stream.indirect.scatter.add.f32 [tilespmem:s19], [sflag:$0x3], $0x80, s23, s17, $0xb8;
	[tilespmem:$0x1E800] =	vst v63  }
0x82: {  	_ =	swait.ge [sflag:s16], $0x4000  }
0x83: {  	[sflag:s16] =	ssyncset.done $0x0  }
0x84: {  	[sflag:s16] =	ssyncadd.s32 $0xFFFFC000  }
0x85: {  	[tilespmem:s3], [sflag:$0x3] =	stream.linear.gather [hbm4b:s14+s3], $0x2800, $0x38;
	[tilespmem:$0x1E800] =	vst v63  }
0x86: {  	_ =	swait.ge [sflag:s16], $0x2800  }
0x87: {  	[sflag:s16] =	ssyncset.done $0x0  }
0x88: {  	[sflag:s16] =	ssyncadd.s32 $0xFFFFD800  }
0x89: {  	[tilespmem:s15], [sflag:$0x1] =	stream.indirect.gather [hbm4b:s1+s17], $0x80, s3, s17, $0xb8;
	[tilespmem:$0x1E800] =	vst v63  }
0x8a: {  	_ = 	snop  }
0x8b: {  	[tilespmem:s19], [sflag:$0x2] =	stream.indirect.gather [hbm4b:s1+s17], $0x80, s18, s17, $0xb8;
	[tilespmem:$0x1E800] =	vst v63  }
0x8c: {  	_ =	swait.ge [sflag:s20], $0x4000  }
0x8d: {  	[sflag:s20] =	ssyncset.done $0x0  }
0x8e: {  	s26 =	simm.s32 $0x80;
	[sflag:s20] =	ssyncadd.s32 $0xFFFFC000  }
0x8f: {  	[spmem:s2] =	stream.indirect.scatter.add.f32 [tilespmem:s15], [sflag:$0x3], $0x80, s26, s17, $0xb8;
	[tilespmem:$0x1E800] =	vst v63  }
0x90: {  	_ =	swait.ge [sflag:s16], $0x4000  }
0x91: {  	[sflag:s16] =	ssyncset.done $0x0  }
0x92: {  	s30 =	simm.s32 $0x200;
	[sflag:s16] =	ssyncadd.s32 $0xFFFFC000  }
0x93: {  	[tilespmem:s15], [sflag:$0x1] =	stream.indirect.gather [hbm4b:s1+s17], $0x80, s30, s17, $0xb8;
	[tilespmem:$0x1E800] =	vst v63  }
0x94: {  	_ =	swait.ge [sflag:s21], $0x4000  }
0x95: {  	[sflag:s21] =	ssyncset.done $0x0  }
0x96: {  	s31 =	simm.s32 $0x180;
	[sflag:s21] =	ssyncadd.s32 $0xFFFFC000  }
0x97: {  	[spmem:s2] =	stream.indirect.scatter.add.f32 [tilespmem:s19], [sflag:$0x3], $0x80, s31, s17, $0xb8;
	[tilespmem:$0x1E800] =	vst v63  }
0x98: {  	_ =	swait.ge [sflag:s16], $0x4000  }
0x99: {  	[sflag:s16] =	ssyncset.done $0x0  }
0x9a: {  	s28 =	simm.s32 $0x300;
	s26 =	simm.s32 $0xFFFF7000;
	[sflag:s16] =	ssyncadd.s32 $0xFFFFC000  }
.LBB2_12:
0x9b: {  	[tilespmem:s19], [sflag:$0x2] =	stream.indirect.gather [hbm4b:s1+s17], $0x80, s28, s17, $0xb8;
	[tilespmem:$0x1E800] =	vst v63  }
0x9c: {  	s28 =	smov.u32 s26  }
0x9d: {  	p1 =	sne.s32 s26, $0xFFFFF800;
	s26 =	sadd.s32 $0x800, s26;
	_ =	swait.ge [sflag:s20], $0x4000  }
0x9e: {  	s28 =	sshra.s32 s28, $0x2;
	[sflag:s20] =	ssyncset.done $0x0  }
0x9f: {  	s29 =	sadd.s32 $0x2680, s28;
	[sflag:s20] =	ssyncadd.s32 $0xFFFFC000  }
0xa0: {  	[spmem:s2] =	stream.indirect.scatter.add.f32 [tilespmem:s15], [sflag:$0x3], $0x80, s29, s17, $0xb8;
	[tilespmem:$0x1E800] =	vst v63  }
0xa1: {  	_ =	swait.ge [sflag:s16], $0x4000  }
0xa2: {  	[sflag:s16] =	ssyncset.done $0x0  }
0xa3: {  	s29 =	sadd.s32 $0x2800, s28;
	[sflag:s16] =	ssyncadd.s32 $0xFFFFC000  }
0xa4: {  	[tilespmem:s15], [sflag:$0x1] =	stream.indirect.gather [hbm4b:s1+s17], $0x80, s29, s17, $0xb8;
	[tilespmem:$0x1E800] =	vst v63  }
0xa5: {  	_ =	swait.ge [sflag:s21], $0x4000  }
0xa6: {  	[sflag:s21] =	ssyncset.done $0x0  }
.Ltmp5:
0xa7: {  	s29 =	sadd.s32 $0x2780, s28;
	[sflag:s21] =	ssyncadd.s32 $0xFFFFC000;
	(pc) =	sbr.rel @p1 .LBB2_12-.Ltmp5, $4  }
0xa8: {  	[spmem:s2] =	stream.indirect.scatter.add.f32 [tilespmem:s19], [sflag:$0x3], $0x80, s29, s17, $0xb8;
	[tilespmem:$0x1E800] =	vst v63  }
0xa9: {  	_ =	swait.ge [sflag:s16], $0x4000  }
0xaa: {  	[sflag:s16] =	ssyncset.done $0x0  }
0xab: {  	s28 =	sadd.s32 $0x2900, s28;
	[sflag:s16] =	ssyncadd.s32 $0xFFFFC000  }
0xac: {  	[tilespmem:s19], [sflag:$0x2] =	stream.indirect.gather [hbm4b:s1+s17], $0x80, s28, s17, $0xb8;
	[tilespmem:$0x1E800] =	vst v63  }
0xad: {  	_ =	swait.ge [sflag:s20], $0x4000  }
0xae: {  	[sflag:s20] =	ssyncset.done $0x0  }
0xaf: {  	[sflag:s20] =	ssyncadd.s32 $0xFFFFC000  }
0xb0: {  	[spmem:s2] =	stream.indirect.scatter.add.f32 [tilespmem:s15], [sflag:$0x3], $0x80, s22, s17, $0xb8;
	[tilespmem:$0x1E800] =	vst v63  }
0xb1: {  	_ =	swait.ge [sflag:s16], $0x4000  }
0xb2: {  	[sflag:s16] =	ssyncset.done $0x0  }
0xb3: {  	[sflag:s16] =	ssyncadd.s32 $0xFFFFC000  }
0xb4: {  	_ =	swait.ge [sflag:s21], $0x4000  }
0xb5: {  	[sflag:s21] =	ssyncset.done $0x0  }
.Ltmp6:
0xb6: {  	[sflag:s21] =	ssyncadd.s32 $0xFFFFC000;
	(pc) =	sbr.rel .LBB2_14-.Ltmp6, $4  }
0xb7: {  	[spmem:s2] =	stream.indirect.scatter.add.f32 [tilespmem:s19], [sflag:$0x3], $0x80, s23, s17, $0xb8;
	[tilespmem:$0x1E800] =	vst v63  }
0xb8: {  	_ =	swait.ge [sflag:s16], $0x4000  }
0xb9: {  	[sflag:s16] =	ssyncset.done $0x0  }
0xba: {  	[sflag:s16] =	ssyncadd.s32 $0xFFFFC000  }
.LBB2_4:
0xbb: {  	[tilespmem:s3], [sflag:$0x3] =	stream.linear.gather [hbm4b:s11+s3], $0x2800, $0x38;
	[tilespmem:$0x1E800] =	vst v63  }
0xbc: {  	_ =	swait.ge [sflag:s16], $0x2800  }
0xbd: {  	[sflag:s16] =	ssyncset.done $0x0  }
0xbe: {  	[sflag:s16] =	ssyncadd.s32 $0xFFFFD800  }
0xbf: {  	[tilespmem:s15], [sflag:$0x1] =	stream.indirect.gather [hbm4b:s1+s17], $0x80, s3, s17, $0xb8;
	[tilespmem:$0x1E800] =	vst v63  }
0xc0: {  	_ = 	snop  }
0xc1: {  	[tilespmem:s19], [sflag:$0x2] =	stream.indirect.gather [hbm4b:s1+s17], $0x80, s18, s17, $0xb8;
	[tilespmem:$0x1E800] =	vst v63  }
0xc2: {  	_ =	swait.ge [sflag:s20], $0x4000  }
0xc3: {  	[sflag:s20] =	ssyncset.done $0x0  }
0xc4: {  	s26 =	simm.s32 $0x80;
	[sflag:s20] =	ssyncadd.s32 $0xFFFFC000  }
0xc5: {  	[spmem:s2] =	stream.indirect.scatter.add.f32 [tilespmem:s15], [sflag:$0x3], $0x80, s26, s17, $0xb8;
	[tilespmem:$0x1E800] =	vst v63  }
0xc6: {  	_ =	swait.ge [sflag:s16], $0x4000  }
0xc7: {  	[sflag:s16] =	ssyncset.done $0x0  }
0xc8: {  	s30 =	simm.s32 $0x200;
	[sflag:s16] =	ssyncadd.s32 $0xFFFFC000  }
0xc9: {  	[tilespmem:s15], [sflag:$0x1] =	stream.indirect.gather [hbm4b:s1+s17], $0x80, s30, s17, $0xb8;
	[tilespmem:$0x1E800] =	vst v63  }
0xca: {  	_ =	swait.ge [sflag:s21], $0x4000  }
0xcb: {  	[sflag:s21] =	ssyncset.done $0x0  }
0xcc: {  	s31 =	simm.s32 $0x180;
	[sflag:s21] =	ssyncadd.s32 $0xFFFFC000  }
0xcd: {  	[spmem:s2] =	stream.indirect.scatter.add.f32 [tilespmem:s19], [sflag:$0x3], $0x80, s31, s17, $0xb8;
	[tilespmem:$0x1E800] =	vst v63  }
0xce: {  	_ =	swait.ge [sflag:s16], $0x4000  }
0xcf: {  	[sflag:s16] =	ssyncset.done $0x0  }
0xd0: {  	s28 =	simm.s32 $0x300;
	s26 =	simm.s32 $0xFFFF7000;
	[sflag:s16] =	ssyncadd.s32 $0xFFFFC000  }
.LBB2_5:
0xd1: {  	[tilespmem:s19], [sflag:$0x2] =	stream.indirect.gather [hbm4b:s1+s17], $0x80, s28, s17, $0xb8;
	[tilespmem:$0x1E800] =	vst v63  }
0xd2: {  	s28 =	smov.u32 s26  }
0xd3: {  	p1 =	sne.s32 s26, $0xFFFFF800;
	s26 =	sadd.s32 $0x800, s26;
	_ =	swait.ge [sflag:s20], $0x4000  }
0xd4: {  	s28 =	sshra.s32 s28, $0x2;
	[sflag:s20] =	ssyncset.done $0x0  }
0xd5: {  	s29 =	sadd.s32 $0x2680, s28;
	[sflag:s20] =	ssyncadd.s32 $0xFFFFC000  }
0xd6: {  	[spmem:s2] =	stream.indirect.scatter.add.f32 [tilespmem:s15], [sflag:$0x3], $0x80, s29, s17, $0xb8;
	[tilespmem:$0x1E800] =	vst v63  }
0xd7: {  	_ =	swait.ge [sflag:s16], $0x4000  }
0xd8: {  	[sflag:s16] =	ssyncset.done $0x0  }
0xd9: {  	s29 =	sadd.s32 $0x2800, s28;
	[sflag:s16] =	ssyncadd.s32 $0xFFFFC000  }
0xda: {  	[tilespmem:s15], [sflag:$0x1] =	stream.indirect.gather [hbm4b:s1+s17], $0x80, s29, s17, $0xb8;
	[tilespmem:$0x1E800] =	vst v63  }
0xdb: {  	_ =	swait.ge [sflag:s21], $0x4000  }
0xdc: {  	[sflag:s21] =	ssyncset.done $0x0  }
.Ltmp7:
0xdd: {  	s29 =	sadd.s32 $0x2780, s28;
	[sflag:s21] =	ssyncadd.s32 $0xFFFFC000;
	(pc) =	sbr.rel @p1 .LBB2_5-.Ltmp7, $4  }
0xde: {  	[spmem:s2] =	stream.indirect.scatter.add.f32 [tilespmem:s19], [sflag:$0x3], $0x80, s29, s17, $0xb8;
	[tilespmem:$0x1E800] =	vst v63  }
0xdf: {  	_ =	swait.ge [sflag:s16], $0x4000  }
0xe0: {  	[sflag:s16] =	ssyncset.done $0x0  }
0xe1: {  	s28 =	sadd.s32 $0x2900, s28;
	[sflag:s16] =	ssyncadd.s32 $0xFFFFC000  }
0xe2: {  	[tilespmem:s19], [sflag:$0x2] =	stream.indirect.gather [hbm4b:s1+s17], $0x80, s28, s17, $0xb8;
	[tilespmem:$0x1E800] =	vst v63  }
0xe3: {  	_ =	swait.ge [sflag:s20], $0x4000  }
0xe4: {  	[sflag:s20] =	ssyncset.done $0x0  }
0xe5: {  	[sflag:s20] =	ssyncadd.s32 $0xFFFFC000  }
0xe6: {  	[spmem:s2] =	stream.indirect.scatter.add.f32 [tilespmem:s15], [sflag:$0x3], $0x80, s22, s17, $0xb8;
	[tilespmem:$0x1E800] =	vst v63  }
0xe7: {  	_ =	swait.ge [sflag:s16], $0x4000  }
0xe8: {  	[sflag:s16] =	ssyncset.done $0x0  }
0xe9: {  	[sflag:s16] =	ssyncadd.s32 $0xFFFFC000  }
0xea: {  	_ =	swait.ge [sflag:s21], $0x4000  }
0xeb: {  	[sflag:s21] =	ssyncset.done $0x0  }
0xec: {  	[sflag:s21] =	ssyncadd.s32 $0xFFFFC000  }
0xed: {  	[spmem:s2] =	stream.indirect.scatter.add.f32 [tilespmem:s19], [sflag:$0x3], $0x80, s23, s17, $0xb8;
	[tilespmem:$0x1E800] =	vst v63  }
0xee: {  	_ =	swait.ge [sflag:s16], $0x4000  }
0xef: {  	[sflag:s16] =	ssyncset.done $0x0  }
0xf0: {  	[sflag:s16] =	ssyncadd.s32 $0xFFFFC000  }
0xf1: {  	[tilespmem:s3], [sflag:$0x3] =	stream.linear.gather [hbm4b:s13+s3], $0x2800, $0x38;
	[tilespmem:$0x1E800] =	vst v63  }
0xf2: {  	_ =	swait.ge [sflag:s16], $0x2800  }
0xf3: {  	[sflag:s16] =	ssyncset.done $0x0  }
0xf4: {  	[sflag:s16] =	ssyncadd.s32 $0xFFFFD800  }
0xf5: {  	[tilespmem:s15], [sflag:$0x1] =	stream.indirect.gather [hbm4b:s1+s17], $0x80, s3, s17, $0xb8;
	[tilespmem:$0x1E800] =	vst v63  }
0xf6: {  	_ = 	snop  }
0xf7: {  	[tilespmem:s19], [sflag:$0x2] =	stream.indirect.gather [hbm4b:s1+s17], $0x80, s18, s17, $0xb8;
	[tilespmem:$0x1E800] =	vst v63  }
0xf8: {  	_ =	swait.ge [sflag:s20], $0x4000  }
0xf9: {  	[sflag:s20] =	ssyncset.done $0x0  }
0xfa: {  	s26 =	simm.s32 $0x80;
	[sflag:s20] =	ssyncadd.s32 $0xFFFFC000  }
0xfb: {  	[spmem:s2] =	stream.indirect.scatter.add.f32 [tilespmem:s15], [sflag:$0x3], $0x80, s26, s17, $0xb8;
	[tilespmem:$0x1E800] =	vst v63  }
0xfc: {  	_ =	swait.ge [sflag:s16], $0x4000  }
0xfd: {  	[sflag:s16] =	ssyncset.done $0x0  }
0xfe: {  	s30 =	simm.s32 $0x200;
	[sflag:s16] =	ssyncadd.s32 $0xFFFFC000  }
0xff: {  	[tilespmem:s15], [sflag:$0x1] =	stream.indirect.gather [hbm4b:s1+s17], $0x80, s30, s17, $0xb8;
	[tilespmem:$0x1E800] =	vst v63  }
0x100: {  	_ =	swait.ge [sflag:s21], $0x4000  }
0x101: {  	[sflag:s21] =	ssyncset.done $0x0  }
0x102: {  	s31 =	simm.s32 $0x180;
	[sflag:s21] =	ssyncadd.s32 $0xFFFFC000  }
0x103: {  	[spmem:s2] =	stream.indirect.scatter.add.f32 [tilespmem:s19], [sflag:$0x3], $0x80, s31, s17, $0xb8;
	[tilespmem:$0x1E800] =	vst v63  }
0x104: {  	_ =	swait.ge [sflag:s16], $0x4000  }
0x105: {  	[sflag:s16] =	ssyncset.done $0x0  }
0x106: {  	s28 =	simm.s32 $0x300;
	s26 =	simm.s32 $0xFFFF7000;
	[sflag:s16] =	ssyncadd.s32 $0xFFFFC000  }
.LBB2_7:
0x107: {  	[tilespmem:s19], [sflag:$0x2] =	stream.indirect.gather [hbm4b:s1+s17], $0x80, s28, s17, $0xb8;
	[tilespmem:$0x1E800] =	vst v63  }
0x108: {  	s28 =	smov.u32 s26  }
0x109: {  	p1 =	sne.s32 s26, $0xFFFFF800;
	s26 =	sadd.s32 $0x800, s26;
	_ =	swait.ge [sflag:s20], $0x4000  }
0x10a: {  	s28 =	sshra.s32 s28, $0x2;
	[sflag:s20] =	ssyncset.done $0x0  }
0x10b: {  	s29 =	sadd.s32 $0x2680, s28;
	[sflag:s20] =	ssyncadd.s32 $0xFFFFC000  }
0x10c: {  	[spmem:s2] =	stream.indirect.scatter.add.f32 [tilespmem:s15], [sflag:$0x3], $0x80, s29, s17, $0xb8;
	[tilespmem:$0x1E800] =	vst v63  }
0x10d: {  	_ =	swait.ge [sflag:s16], $0x4000  }
0x10e: {  	[sflag:s16] =	ssyncset.done $0x0  }
0x10f: {  	s29 =	sadd.s32 $0x2800, s28;
	[sflag:s16] =	ssyncadd.s32 $0xFFFFC000  }
0x110: {  	[tilespmem:s15], [sflag:$0x1] =	stream.indirect.gather [hbm4b:s1+s17], $0x80, s29, s17, $0xb8;
	[tilespmem:$0x1E800] =	vst v63  }
0x111: {  	_ =	swait.ge [sflag:s21], $0x4000  }
0x112: {  	[sflag:s21] =	ssyncset.done $0x0  }
.Ltmp8:
0x113: {  	s29 =	sadd.s32 $0x2780, s28;
	[sflag:s21] =	ssyncadd.s32 $0xFFFFC000;
	(pc) =	sbr.rel @p1 .LBB2_7-.Ltmp8, $4  }
0x114: {  	[spmem:s2] =	stream.indirect.scatter.add.f32 [tilespmem:s19], [sflag:$0x3], $0x80, s29, s17, $0xb8;
	[tilespmem:$0x1E800] =	vst v63  }
0x115: {  	_ =	swait.ge [sflag:s16], $0x4000  }
0x116: {  	[sflag:s16] =	ssyncset.done $0x0  }
0x117: {  	s28 =	sadd.s32 $0x2900, s28;
	[sflag:s16] =	ssyncadd.s32 $0xFFFFC000  }
.Ltmp9:
0x118: {  	_ = 	snop;
	(pc) =	sbr.rel .LBB2_8-.Ltmp9, $1  }
0x119: {  	_ =	sdelay $0x3  }
.LBB2_15:
0x11a: {  	_ =	sfence.sel $0x180000  }
0x11b: {  	[bflag:$0x0] =	sbarrier.arrive $0xFFFF  }
0x11c: {  	p0 =	sne.s32 s4, $0x0;
	_ =	strace $0x9000004D  }
0x11d: {  	s0 =	sadd.s32 @!p0 $0x100000, s0;
	[bflag:$0x2] =	sbarrier.arrive $0xFFFF  }
0x11e: {  	[sflag:s0] =	ssyncadd.tile.s32 @!p0 $0x1;
	_ =	shalt  }
.Lfunc_end2:
_tile_overlayer_lowered:
.L_overlay_start_2:
0x11f: {  	(tag) =	ssettag $0x2  }
0x120: {  	s0 =	rddreg [dreg:$0x0];
	s2 =	stileid.u32  }
0x121: {  	s1 =	rddreg [dreg:$0x1];
	p0 =	sne.s32 s2, $0x0  }
0x122: {  	s3 =	rddreg [dreg:$0x2];
	[bflag:$0x3] =	sbarrier.arrive $0xFFFF;
	s2 =	simm.s32 @!p0 $0x1C03  }
0x123: {  	[timem:s3], [sflag:s2] =	dma.local @!p0 [hbm:s0], s1  }
0x124: {  	s0 =	simm.s32 @!p0 $0x3  }
0x125: {  	_ =	swait.ge @!p0 [sflag:s0], s1  }
0x126: {  	s1 =	ssub.s32 @!p0 $0x0, s1;
	[sflag:s0] =	ssyncset.done @!p0 $0x0  }
0x127: {  	[sflag:s0] =	ssyncadd.s32 @!p0 s1  }
0x128: {  	[bflag:$0x3] =	sbarrier.arrive $0xFFFF  }
0x129: {  	_ =	shalt  }

// kernel: kernel.9.cloned.1.call-start
scs
__scs_entry_jumppad:
0x0: {  	(pc) =	sbr.rel $0x88, $3  }
0x1: {  	(tag) =	ssettag $0x0;
	lr =	simm.s32 $0x1  }
0x2: {  	[smem:$0x3F9B] =	sst lr;
	_ =	strace $0xD0000000  }
0x3: {  	_ = 	snop  }
0x4: {  	_ = 	snop  }
0x5: {  	_ = 	snop  }
0x6: {  	_ = 	snop  }
0x7: {  	_ = 	snop  }
__scs_overlays_trampoline_lowered:
0x8: {  	[smem:$0x3FAA] =	sst s0  }
0x9: {  	[smem:$0x3FAB] =	sst s1  }
0xa: {  	[smem:$0x3FAC] =	sst s2  }
0xb: {  	[smem:$0x3FAD] =	sst s3  }
0xc: {  	[smem:$0x3FAE] =	sst s4  }
0xd: {  	[smem:$0x3FAF] =	sst s5  }
0xe: {  	[smem:$0x3FB0] =	sst s6  }
0xf: {  	[smem:$0x3FB1] =	sst s7  }
0x10: {  	[smem:$0x3FB2] =	sst s8  }
0x11: {  	[smem:$0x3FB3] =	sst s9;
	s0 =	simm.s32 @!p0 $0x0  }
0x12: {  	s1 =	sld [smem:$0x3F99];
	s0 =	simm.s32 @p0 $0x1  }
0x13: {  	[smem:$0x3FB4] =	sst s0;
	s0 =	simm.s32 @!p1 $0x0  }
0x14: {  	s2 =	sld [smem:$0x3F98];
	s0 =	simm.s32 @p1 $0x1  }
0x15: {  	[smem:$0x3FB5] =	sst s0;
	s0 =	simm.s32 @!p2 $0x0  }
0x16: {  	s3 =	sld [smem:$0x3FDB];
	s0 =	simm.s32 @p2 $0x1  }
0x17: {  	s4 =	simm.s32 $0x1BF5;
	[smem:$0x3FB7] =	sst s0  }
0x18: {  	s0 =	sld [smem:$0x3F9A];
	_ =	swait.ge [sflag:s4], $0x0  }
0x19: {  	s7 =	sld [smem:$0x3F9B]  }
0x1a: {  	s8 =	sadd.s32 $0xFFFFE003, lr  }
0x1b: {  	s9 =	sadd.s32 $0xFFFFFEF7, lr;
	s5 =	simm.s32 $0xFFFFFFFF;
	p2 =	slt.u32 s8, $0xFFFFF086  }
0x1c: {  	p1 =	slt.u32 s9, $0xF7A;
	s5 =	simm.s32 @!p2 $0x0  }
0x1d: {  	s5 =	simm.s32 @p1 $0x1;
	p0 =	seq.s32 s7, s2  }
0x1e: {  	s7 =	smul.u32 @!p0 $0xF7A, s2;
	p2 =	seq.s32 @!p0 s5, $0x0  }
0x1f: {  	s9 =	smul.u32 $0xF7A, s1;
	s8 =	simm.s32 @!p0 $0x1BF5;
	p2 =	por !p2, p0  }
0x20: {  	[sflag:s8] =	ssyncset.s32 @!p0 $0xFFFFF086;
	s6 =	sadd.s32 @!p0 s3, s7;
	s7 =	simm.s32 @!p0 $0x108  }
0x21: {  	s3 =	sadd.s32 s3, s9;
	s6 =	sadd.s32 @!p0 $0x88, s6;
	s7 =	simm.s32 @p2 $0x1082  }
0x22: {  	[simem:s7], [sflag:s8] =	dma.local @!p0 [hbm:s6], $0xF7A  }
0x23: {  	s9 =	sor.u32 $0xD0000000, s2;
	s6 =	simm.s32 $0x108;
	_ =	swait.ge @!p0 [sflag:s8], $0x0  }
0x24: {  	s3 =	sadd.s32 $0x88, s3;
	s6 =	simm.s32 @!p1 $0x1082;
	[sflag:s4] =	ssyncset.s32 $0xFFFFF086  }
0x25: {  	[simem:s6], [sflag:s4] =	dma.local [hbm:s3], $0xF7A  }
0x26: {  	[smem:$0x3F9B] =	sst s1;
	(tag) =	ssettag s2;
	_ =	strace s9  }
0x27: {  	s1 =	sld [smem:$0x3FAB]  }
0x28: {  	s2 =	sld [smem:$0x3FAC]  }
0x29: {  	s4 =	sld [smem:$0x3FAE]  }
0x2a: {  	p0 =	seq.s32 s5, $0x0;
	s5 =	sld [smem:$0x3FAF]  }
0x2b: {  	s6 =	sld [smem:$0x3FB0]  }
0x2c: {  	s7 =	sld [smem:$0x3FB1]  }
0x2d: {  	s3 =	simm.s32 $0x108;
	s8 =	sld [smem:$0x3FB2]  }
0x2e: {  	s3 =	simm.s32 @!p0 $0x1082;
	s9 =	sld [smem:$0x3FB3]  }
0x2f: {  	lr =	sadd.s32 s0, s3;
	s0 =	sld [smem:$0x3FAA]  }
0x30: {  	s3 =	sld [smem:$0x3FAD]  }
0x31: {  	[smem:$0x3FB6] =	sst s10  }
0x32: {  	s10 =	sld [smem:$0x3FB4];
	_ =	sdelay $0x3  }
0x33: {  	p0 =	seq.s32 s10, $0x1;
	s10 =	sld [smem:$0x3FB6];
	_ =	sdelay $0x3  }
0x34: {  	[smem:$0x3FB6] =	sst s10  }
0x35: {  	s10 =	sld [smem:$0x3FB5];
	_ =	sdelay $0x3  }
0x36: {  	p1 =	seq.s32 s10, $0x1;
	s10 =	sld [smem:$0x3FB6];
	_ =	sdelay $0x3  }
0x37: {  	[smem:$0x3FB6] =	sst s10  }
0x38: {  	s10 =	sld [smem:$0x3FB7]  }
0x39: {  	_ = 	snop;
	(pc) =	sbr.ind lr, $3  }
0x3a: {  	_ = 	snop  }
0x3b: {  	_ = 	snop  }
0x3c: {  	p2 =	seq.s32 s10, $0x1;
	s10 =	sld [smem:$0x3FB6]  }
0x3d: {  	_ =	shalt  }
0x3e: {  	_ =	shalt  }
0x3f: {  	_ =	shalt  }
0x40: {  	_ =	shalt  }
0x41: {  	_ =	shalt  }
0x42: {  	_ =	shalt  }
0x43: {  	_ =	shalt  }
0x44: {  	_ =	shalt  }
0x45: {  	_ =	shalt  }
0x46: {  	_ =	shalt  }
0x47: {  	_ =	shalt  }
0x48: {  	_ =	shalt  }
0x49: {  	_ =	shalt  }
0x4a: {  	_ =	shalt  }
0x4b: {  	_ =	shalt  }
0x4c: {  	_ =	shalt  }
0x4d: {  	_ =	shalt  }
0x4e: {  	_ =	shalt  }
0x4f: {  	_ =	shalt  }
0x50: {  	_ =	shalt  }
0x51: {  	_ =	shalt  }
0x52: {  	_ =	shalt  }
0x53: {  	_ =	shalt  }
0x54: {  	_ =	shalt  }
0x55: {  	_ =	shalt  }
0x56: {  	_ =	shalt  }
0x57: {  	_ =	shalt  }
0x58: {  	_ =	shalt  }
0x59: {  	_ =	shalt  }
0x5a: {  	_ =	shalt  }
0x5b: {  	_ =	shalt  }
0x5c: {  	_ =	shalt  }
0x5d: {  	_ =	shalt  }
0x5e: {  	_ =	shalt  }
0x5f: {  	_ =	shalt  }
0x60: {  	_ =	shalt  }
0x61: {  	_ =	shalt  }
0x62: {  	_ =	shalt  }
0x63: {  	_ =	shalt  }
0x64: {  	_ =	shalt  }
0x65: {  	_ =	shalt  }
0x66: {  	_ =	shalt  }
0x67: {  	_ =	shalt  }
0x68: {  	_ =	shalt  }
0x69: {  	_ =	shalt  }
0x6a: {  	_ =	shalt  }
0x6b: {  	_ =	shalt  }
0x6c: {  	_ =	shalt  }
0x6d: {  	_ =	shalt  }
0x6e: {  	_ =	shalt  }
0x6f: {  	_ =	shalt  }
0x70: {  	_ =	shalt  }
0x71: {  	_ =	shalt  }
0x72: {  	_ =	shalt  }
0x73: {  	_ =	shalt  }
0x74: {  	_ =	shalt  }
0x75: {  	_ =	shalt  }
0x76: {  	_ =	shalt  }
0x77: {  	_ =	shalt  }
0x78: {  	_ =	shalt  }
0x79: {  	_ =	shalt  }
0x7a: {  	_ =	shalt  }
0x7b: {  	_ =	shalt  }
0x7c: {  	_ =	shalt  }
0x7d: {  	_ =	shalt  }
0x7e: {  	_ =	shalt  }
0x7f: {  	_ =	shalt  }
0x80: {  	_ =	shalt  }
0x81: {  	_ =	shalt  }
0x82: {  	_ =	shalt  }
0x83: {  	_ =	shalt  }
0x84: {  	_ =	shalt  }
0x85: {  	_ =	shalt  }
0x86: {  	_ =	shalt  }
0x87: {  	_ =	shalt  }
.Lfunc_end0:
.L_simem_size_0:
called_computation_lowered:
.L_overlay_start_0:
0x88: {  	s2 =	sld [smem:$0x3FD9]  }
0x89: {  	s3 =	sld [smem:$0x3FFE];
	_ =	sdelay $0x1  }
0x8a: {  	s1 =	srdreg.scid  }
0x8b: {  	s0 =	sand.u32 $0x1, s1  }
0x8c: {  	s17 =	sshll.u32 s0, $0xA;
	s2 =	sadd.s32 s3, s2  }
0x8d: {  	s2 =	sadd.s32 s2, s17  }
0x8e: {  	[smem:$0x3FC2] =	sst s2  }
0x8f: {  	_ = 	snop  }
0x90: {  	s2 =	sld [smem:$0x3FC8];
	(tm) =	ssettm $0x1  }
0x91: {  	s18 =	sld [smem:$0x3FFB];
	_ =	sdelay $0x3  }
0x92: {  	_ =	strace s18  }
0x93: {  	s3 =	sld [smem:$0x3FFC];
	_ =	sdelay $0x3  }
0x94: {  	_ =	strace s3  }
0x95: {  	s3 =	sld [smem:$0x3FFD];
	_ =	sdelay $0x3  }
0x96: {  	_ =	strace s3  }
0x97: {  	_ =	strace $0x8FFFFFFF  }
0x98: {  	s19 =	sld [smem:$0x3FDB];
	_ =	sdelay $0x1  }
0x99: {  	s4 =	simm.s32 $_scs_section_size  }
0x9a: {  	s5 =	simm.s32 $_size__tile_overlayer_lowered;
	s6 =	simm.s32 $_tile_overlayer_lowered  }
0x9b: {  	s22 =	simm.s32 $0x1BFF;
	s21 =	sshll.u32 s6, $0x1;
	s3 =	sadd.s32 s4, s19  }
0x9c: {  	s7 =	simm.s32 $0x0;
	s20 =	sshll.u32 s5, $0x1;
	s5 =	sadd.s32 s21, s3  }
0x9d: {  	[timem:s7], [sflag:s22] =	dma.local [hbm:s5], s20  }
0x9e: {  	_ =	swait.ge [sflag:s22], s20  }
0x9f: {  	s4 =	ssub.s32 $0x0, s20;
	[sflag:s22] =	ssyncset.done $0x0  }
0xa0: {  	[sflag:s22] =	ssyncadd.s32 s4;
	_ =	sdelay $0x1  }
0xa1: {  	s23 =	simm.s32 $0x1B8B  }
0xa2: {  	_ =	swait.ge [sflag:s23], $0x1  }
0xa3: {  	[sflag:s23] =	ssyncset.done $0x0  }
0xa4: {  	s25 =	simm.s32 $0x1B8E;
	s24 =	sld [smem:$0x3FFE];
	[sflag:s23] =	ssyncadd.s32 $0xFFFFFFFF  }
0xa5: {  	s26 =	simm.s32 $execute0_lowered;
	[smem:$0x3FD2] =	sst s25  }
0xa6: {  	s5 =	sshll.u32 s26, $0x1;
	_ =	strace $0x80000046;
	[dreg:$0x1] =	wrdreg $0xFFFFFFFF  }
0xa7: {  	s28 =	simm.s32 $_size_execute0_lowered;
	s3 =	sadd.s32 s3, s5;
	[dreg:$0x0] =	wrdreg $0x0  }
0xa8: {  	s5 =	sshll.u32 s28, $0x1;
	[dreg:$0x2] =	wrdreg s3  }
0xa9: {  	[dreg:$0x3] =	wrdreg s5  }
0xaa: {  	[dreg:$0x4] =	wrdreg $0xC0  }
0xab: {  	_ =	task [dreg:s7], $0x5FFFF  }
0xac: {  	[dreg:$0x1] =	wrdreg $0xFFFFFFFF  }
0xad: {  	[dreg:$0x0] =	wrdreg $0x60  }
0xae: {  	[dreg:$0x2] =	wrdreg s2  }
0xaf: {  	[dreg:$0x3] =	wrdreg s24  }
0xb0: {  	[dreg:$0x4] =	wrdreg $0x1B8000  }
0xb1: {  	[dreg:$0x5] =	wrdreg $0x9  }
0xb2: {  	_ =	task.clear_ibuf [dreg:s7], $0x6FFFF;
	_ =	strace $0x90000046  }
0xb3: {  	s29 =	simm.s32 $0x9;
	_ =	strace $0x80000048  }
0xb4: {  	_ =	swait.ge [sflag:s29], $0x1  }
0xb5: {  	[sflag:s29] =	ssyncadd.s32 $0xFFFFFFFF  }
0xb6: {  	_ =	strace $0x90000048  }
0xb7: {  	_ =	sfence  }
0xb8: {  	s30 =	sld [smem:$0x0];
	_ =	sdelay $0x2  }
0xb9: {  	s31 =	sshll.u32 s1, $0xD;
	s1 =	sshrl.u32 s1, $0x2  }
0xba: {  	s3 =	sand.u32 $0x4000, s31;
	s1 =	sadd.s32 s1, s30  }
0xbb: {  	s0 =	sor.u32 s3, s0;
	s1 =	sshll.u32 s1, $0x11  }
0xbc: {  	s0 =	sor.u32 s1, s0  }
0xbd: {  	s0 =	sadd.s32 $0x8F2B, s0  }
0xbe: {  	[sflag:s0] =	ssyncadd.remote.s32 $0x1  }
0xbf: {  	_ =	sfence.sel $0xFFFF  }
0xc0: {  	[dreg:$0x0] =	wrdreg $0xFFFFFFFF;
	(pc) =	sbr.abs _section_cstart, $3  }
0xc1: {  	[dreg:$0x1] =	wrdreg $0xFFFFFFFF  }
0xc2: {  	_ =	task.clear_ibuf [dreg:s7], $0x2FFFF;
	_ =	strace $0x9FFFFFFF  }
0xc3: {  	(tm) =	ssettm $0x7FFFFFFF  }
tec
execute0_lowered:
.L_overlay_start_1:
0x0: {  	(tag) =	ssettag $0x1  }
0x1: {  	s0 =	rddreg [dreg:$0x0]  }
0x2: {  	s1 =	rddreg [dreg:$0x1]  }
0x3: {  	s2 =	rddreg [dreg:$0x2];
	s20 =	simm.s32 $0x0;
	s3 =	srdreg.scid  }
0x4: {  	s10 =	stileid.u32;
	[smem:$0x7FF] =	sst s20  }
0x5: {  	s3 =	sand.u32 $0x1, s3;
	s6 =	sshrl.u32 s10, $0x3;
	s8 =	sadd.s32 $0x2400, s1  }
0x6: {  	s24 =	sshll.u32 s10, $0x7;
	s9 =	sshll.u32 s10, $0x1;
	s4 =	smul.u32 $0x28000, s3  }
0x7: {  	s5 =	ssub.s32 $0x2, s3;
	s6 =	smul.u32 $0x50000, s6;
	s3 =	sor.u32 s3, s9  }
0x8: {  	_ =	strace $0x80000047;
	s7 =	sshrl.u32 s5, $0x1;
	s17 =	smul.u32 $0xA00, s3  }
0x9: {  	[dreg:$0x4] =	wrdreg s8;
	s7 =	ssub.s32 s5, s7;
	s6 =	sshrl.u32 s6, $0x2  }
0xa: {  	s5 =	sand.u32 $0x380, s24;
	s6 =	sadd.s32 s6, s2;
	s22 =	sadd.s32 s0, s17  }
0xb: {  	s25 =	smul.u32 $0x1400, s10;
	s5 =	sadd.s32 s5, s6;
	[dreg:$0x14] =	wrdreg s22  }
0xc: {  	s4 =	sadd.s32 s4, s1;
	[dreg:$0x5] =	wrdreg s5  }
0xd: {  	s5 =	sadd.s32 s25, s2;
	s25 =	sadd.s32 $0x2E00, s4;
	s4 =	sadd.s32 $0x500, s22  }
0xe: {  	s2 =	sadd.s32 $0x80, s5;
	[dreg:$0x18] =	wrdreg s4  }
0xf: {  	s26 =	sadd.s32 $0x100, s5;
	[dreg:$0x6] =	wrdreg s2  }
0x10: {  	s6 =	sadd.s32 $0x180, s5;
	[dreg:$0x7] =	wrdreg s26  }
0x11: {  	s8 =	sadd.s32 $0x200, s5;
	[dreg:$0x8] =	wrdreg s6  }
0x12: {  	s9 =	sadd.s32 $0x280, s5;
	[dreg:$0x9] =	wrdreg s8  }
0x13: {  	s11 =	sadd.s32 $0x300, s5;
	[dreg:$0xa] =	wrdreg s9  }
0x14: {  	s12 =	sadd.s32 $0x380, s5;
	[dreg:$0xb] =	wrdreg s11  }
0x15: {  	s13 =	sadd.s32 $0x14000, s5;
	[dreg:$0xc] =	wrdreg s12  }
0x16: {  	s14 =	sadd.s32 $0x14080, s5;
	[dreg:$0xd] =	wrdreg s13  }
0x17: {  	s15 =	sadd.s32 $0x14100, s5;
	[dreg:$0xe] =	wrdreg s14  }
0x18: {  	s16 =	sadd.s32 $0x14180, s5;
	[dreg:$0xf] =	wrdreg s15  }
0x19: {  	s18 =	sadd.s32 $0x14200, s5;
	[dreg:$0x10] =	wrdreg s16  }
0x1a: {  	s19 =	sadd.s32 $0x14280, s5;
	[dreg:$0x11] =	wrdreg s18  }
0x1b: {  	s23 =	smul.u32 $0x2800, s10;
	s21 =	sadd.s32 $0x14300, s5;
	[dreg:$0x12] =	wrdreg s19  }
0x1c: {  	s24 =	sadd.s32 $0x14380, s5;
	[dreg:$0x13] =	wrdreg s21  }
0x1d: {  	s0 =	sadd.s32 s23, s25;
	[dreg:$0x15] =	wrdreg s24  }
0x1e: {  	s10 =	sadd.s32 $0x1000, s5;
	[dreg:$0x17] =	wrdreg s0  }
0x1f: {  	s17 =	sadd.s32 $0xD00, s5;
	[dreg:$0x1d] =	wrdreg s10  }
0x20: {  	s22 =	sadd.s32 $0xD80, s5;
	[smem:$0x7DD] =	sst s17  }
0x21: {  	s23 =	sadd.s32 $0x1180, s5;
	[smem:$0x7E1] =	sst s22  }
0x22: {  	s25 =	sadd.s32 $0xA00, s5;
	[smem:$0x7E2] =	sst s23  }
0x23: {  	p0 =	sne.s32 s3, $0x1F;
	s3 =	sadd.s32 $0xA80, s5;
	[smem:$0x7E4] =	sst s25  }
0x24: {  	s4 =	sadd.s32 $0xE80, s5;
	[smem:$0x7E8] =	sst s3  }
0x25: {  	s26 =	smax.u32 s7, $0x1;
	[smem:$0x7E9] =	sst s4  }
0x26: {  	s6 =	sadd.s32 $0x2900, s1;
	[dreg:$0x16] =	wrdreg s26  }
0x27: {  	s7 =	sadd.s32 $0x400, s5;
	[dreg:$0x19] =	wrdreg s6  }
0x28: {  	s8 =	sadd.s32 $0x800, s5;
	[dreg:$0x1a] =	wrdreg s7  }
0x29: {  	s9 =	sadd.s32 $0xC00, s5;
	[dreg:$0x1b] =	wrdreg s8  }
0x2a: {  	s11 =	sadd.s32 $0x480, s5;
	[dreg:$0x1c] =	wrdreg s9  }
0x2b: {  	s12 =	sadd.s32 $0x880, s5;
	[dreg:$0x1e] =	wrdreg s11  }
0x2c: {  	s13 =	sadd.s32 $0xC80, s5;
	[dreg:$0x1f] =	wrdreg s12  }
0x2d: {  	s14 =	sadd.s32 $0x1080, s5;
	[smem:$0x7D9] =	sst s13  }
0x2e: {  	s15 =	sadd.s32 $0x500, s5;
	[smem:$0x7DA] =	sst s14  }
0x2f: {  	s16 =	sadd.s32 $0x900, s5;
	[smem:$0x7DB] =	sst s15  }
0x30: {  	s18 =	sadd.s32 $0x1100, s5;
	[smem:$0x7DC] =	sst s16  }
0x31: {  	s19 =	sadd.s32 $0x580, s5;
	[smem:$0x7DE] =	sst s18  }
0x32: {  	s21 =	sadd.s32 $0x980, s5;
	[smem:$0x7DF] =	sst s19  }
0x33: {  	s24 =	sadd.s32 $0x600, s5;
	[smem:$0x7E0] =	sst s21  }
0x34: {  	s1 =	sadd.s32 $0x1200, s5;
	[smem:$0x7E3] =	sst s24  }
0x35: {  	s2 =	sadd.s32 $0x680, s5;
	[smem:$0x7E6] =	sst s1  }
0x36: {  	s10 =	sadd.s32 $0x1300, s5;
	[smem:$0x7E7] =	sst s2  }
0x37: {  	s17 =	sadd.s32 $0x14C00, s5;
	[smem:$0x7EE] =	sst s10  }
0x38: {  	s22 =	sadd.s32 $0x14C80, s5;
	[smem:$0x7F5] =	sst s17  }
0x39: {  	s23 =	sadd.s32 $0x15080, s5;
	[smem:$0x7F9] =	sst s22  }
0x3a: {  	s25 =	sadd.s32 $0x14900, s5;
	[smem:$0x7FA] =	sst s23  }
0x3b: {  	s26 =	sadd.s32 $0xE00, s5;
	[smem:$0x7FC] =	sst s25  }
0x3c: {  	s6 =	sadd.s32 $0x1280, s5;
	[smem:$0x7E5] =	sst s26  }
0x3d: {  	s7 =	sadd.s32 $0x700, s5;
	[smem:$0x7EA] =	sst s6  }
0x3e: {  	s8 =	sadd.s32 $0xB00, s5;
	[smem:$0x7EB] =	sst s7  }
0x3f: {  	s9 =	sadd.s32 $0xF00, s5;
	[smem:$0x7EC] =	sst s8  }
0x40: {  	s11 =	sadd.s32 $0x780, s5;
	[smem:$0x7ED] =	sst s9  }
0x41: {  	s31 =	simm.s32 $0x1;
	s12 =	sadd.s32 $0xB80, s5;
	[smem:$0x7EF] =	sst s11  }
0x42: {  	s28 =	sadd.s32 $0x14B80, s5;
	s13 =	sadd.s32 $0xF80, s5;
	[smem:$0x7F0] =	sst s12  }
0x43: {  	s29 =	sadd.s32 $0x14F80, s5;
	s14 =	sadd.s32 $0x1380, s5;
	[smem:$0x7F1] =	sst s13  }
0x44: {  	s30 =	sadd.s32 $0x15380, s5;
	s15 =	sadd.s32 $0x14400, s5;
	[smem:$0x7F2] =	sst s14  }
0x45: {  	s0 =	simm.s32 $0x2800;
	s16 =	sadd.s32 $0x14800, s5;
	[smem:$0x7F3] =	sst s15  }
0x46: {  	s18 =	sadd.s32 $0x15000, s5;
	s19 =	sadd.s32 $0x14480, s5;
	[smem:$0x7F4] =	sst s16  }
0x47: {  	s21 =	sadd.s32 $0x14880, s5;
	s24 =	sadd.s32 $0x14500, s5;
	[smem:$0x7F6] =	sst s18  }
0x48: {  	s10 =	sadd.s32 $0x15180, s5;
	s17 =	sadd.s32 $0x14E80, s5;
	[smem:$0x7F7] =	sst s19  }
0x49: {  	s22 =	sadd.s32 $0x14F00, s5;
	s23 =	sadd.s32 $0x15300, s5;
	[smem:$0x7F8] =	sst s21  }
0x4a: {  	s1 =	simm.s32 $0x0;
	[smem:$0x7FB] =	sst s24;
	s26 =	sadd.s32 $0x14D00, s5  }
0x4b: {  	s6 =	sadd.s32 $0x15100, s5;
	s7 =	sadd.s32 $0x14580, s5;
	s8 =	sadd.s32 $0x14980, s5  }
0x4c: {  	s9 =	sadd.s32 $0x14D80, s5;
	s11 =	sadd.s32 $0x14600, s5;
	s12 =	sadd.s32 $0x14A00, s5  }
0x4d: {  	s13 =	sadd.s32 $0x14E00, s5;
	s14 =	sadd.s32 $0x15200, s5;
	s15 =	sadd.s32 $0x14680, s5  }
0x4e: {  	s16 =	sadd.s32 $0x14A80, s5;
	s18 =	sadd.s32 $0x15280, s5;
	s19 =	sadd.s32 $0x14700, s5  }
0x4f: {  	v0 =	vimm.s32 $0x0;
	s21 =	sadd.s32 $0x14B00, s5;
	[smem:$0x7FD] =	sst s26;
	s26 =	sadd.s32 $0x14780, s5  }
.LBB2_1:
0x50: {  	s2 =	simm.s32 $0x40;
	s3 =	simm.s32 $0x0  }
.LBB2_2:
0x51: {  	p1 =	sne.s32 s2, $0x9FC0;
	[tilespmem:s3+$0x2800] =	vst v0;
	s3 =	smov.u32 s2;
	s2 =	sadd.s32 $0x40, s2  }
.Ltmp0:
0x52: {  	(pc) =	sbr.rel @p1 .LBB2_2-.Ltmp0, $2  }
0x53: {  	_ =	sdelay $0x2  }
0x54: {  	s3 =	sshra.s32 s3, $0x2  }
.Ltmp1:
0x55: {  	(pc) =	sbr.rel @p0 .LBB2_8-.Ltmp1, $2  }
0x56: {  	_ =	sdelay $0x2  }
0x57: {  	[tilespmem:s3+$0x2800] =	vst v0  }
0x58: {  	s2 =	rddreg [dreg:$0x4]  }
0x59: {  	[tilespmem:s20], [sflag:$0x1] =	stream.linear.gather [hbm4b:s2+s20], $0x2800, $0x38;
	[tilespmem:$0x1E000] =	vst v63  }
0x5a: {  	_ =	swait.ge [sflag:s31], $0x2800  }
0x5b: {  	[sflag:s31] =	ssyncset.done $0x0  }
0x5c: {  	s2 =	simm.s32 $0x3C0;
	[sflag:s31] =	ssyncadd.s32 $0xFFFFD800  }
.LBB2_5:
0x5d: {  	s3 =	sshra.s32 s2, $0x2  }
0x5e: {  	v1 =	vld [tilespmem:s3+$0xFFFFFF90];
	_ =	sdelay $0x4  }
0x5f: {  	(xrf1) =	vunique.msk.u32 $0xffff, v1;
	_ =	sdelay $0xd  }
0x60: {  	_, v2, vm0 =	vpop (xrf1);
	_ =	sdelay $0x5  }
0x61: {  	[tilespmem:v1+s0+$0x0] =	vst.idx.add.s32.msk vm0, v2  }
0x62: {  	v1 =	vld [tilespmem:s3+$0xFFFFFFA0];
	_ =	sdelay $0x4  }
0x63: {  	(xrf1) =	vunique.msk.u32 $0xffff, v1;
	_ =	sdelay $0xd  }
0x64: {  	_, v2, vm0 =	vpop (xrf1);
	_ =	sdelay $0x5  }
0x65: {  	[tilespmem:v1+s0+$0x0] =	vst.idx.add.s32.msk vm0, v2  }
0x66: {  	v1 =	vld [tilespmem:s3+$0xFFFFFFB0];
	_ =	sdelay $0x4  }
0x67: {  	(xrf1) =	vunique.msk.u32 $0xffff, v1;
	_ =	sdelay $0xd  }
0x68: {  	_, v2, vm0 =	vpop (xrf1);
	_ =	sdelay $0x5  }
0x69: {  	[tilespmem:v1+s0+$0x0] =	vst.idx.add.s32.msk vm0, v2  }
0x6a: {  	v1 =	vld [tilespmem:s3+$0xFFFFFFC0];
	_ =	sdelay $0x4  }
0x6b: {  	(xrf1) =	vunique.msk.u32 $0xffff, v1;
	_ =	sdelay $0xd  }
0x6c: {  	_, v2, vm0 =	vpop (xrf1);
	_ =	sdelay $0x5  }
0x6d: {  	[tilespmem:v1+s0+$0x0] =	vst.idx.add.s32.msk vm0, v2  }
0x6e: {  	v1 =	vld [tilespmem:s3+$0xFFFFFFD0];
	_ =	sdelay $0x4  }
0x6f: {  	(xrf1) =	vunique.msk.u32 $0xffff, v1;
	_ =	sdelay $0xd  }
0x70: {  	_, v2, vm0 =	vpop (xrf1);
	_ =	sdelay $0x5  }
0x71: {  	[tilespmem:v1+s0+$0x0] =	vst.idx.add.s32.msk vm0, v2  }
0x72: {  	v1 =	vld [tilespmem:s3+$0xFFFFFFE0];
	_ =	sdelay $0x4  }
0x73: {  	(xrf1) =	vunique.msk.u32 $0xffff, v1;
	_ =	sdelay $0xd  }
0x74: {  	_, v2, vm0 =	vpop (xrf1);
	_ =	sdelay $0x5  }
0x75: {  	[tilespmem:v1+s0+$0x0] =	vst.idx.add.s32.msk vm0, v2  }
0x76: {  	v1 =	vld [tilespmem:s3+$0xFFFFFFF0];
	_ =	sdelay $0x4  }
0x77: {  	(xrf1) =	vunique.msk.u32 $0xffff, v1;
	_ =	sdelay $0xd  }
0x78: {  	_, v2, vm0 =	vpop (xrf1);
	_ =	sdelay $0x5  }
0x79: {  	[tilespmem:v1+s0+$0x0] =	vst.idx.add.s32.msk vm0, v2  }
0x7a: {  	v1 =	vld [tilespmem:s3+$0x0];
	_ =	sdelay $0x4  }
0x7b: {  	(xrf1) =	vunique.msk.u32 $0xffff, v1;
	_ =	sdelay $0xd  }
0x7c: {  	_, v2, vm0 =	vpop (xrf1)  }
0x7d: {  	p1 =	sne.s32 s2, $0x9FC0  }
.Ltmp2:
0x7e: {  	_ = 	snop;
	(pc) =	sbr.rel @p1 .LBB2_5-.Ltmp2, $2  }
0x7f: {  	_ =	sdelay $0x2  }
0x80: {  	s2 =	sadd.s32 $0x400, s2;
	[tilespmem:v1+s0+$0x0] =	vst.idx.add.s32.msk vm0, v2  }
0x81: {  	s2 =	simm.s32 $0x0;
	s3 =	rddreg [dreg:$0x19]  }
0x82: {  	[tilespmem:s2], [sflag:$0x1] =	stream.linear.gather [hbm4b:s3+s2], $0x2800, $0x38;
	[tilespmem:$0x1E000] =	vst v63  }
0x83: {  	_ =	swait.ge [sflag:s31], $0x2800  }
0x84: {  	[sflag:s31] =	ssyncset.done $0x0  }
0x85: {  	[sflag:s31] =	ssyncadd.s32 $0xFFFFD800  }
.LBB2_7:
0x86: {  	s3 =	sshra.s32 s2, $0x2  }
0x87: {  	v1 =	vld [tilespmem:s3+$0x80];
	_ =	sdelay $0x4  }
0x88: {  	(xrf1) =	vunique.msk.u32 $0xffff, v1;
	_ =	sdelay $0xd  }
0x89: {  	_, v2, vm0 =	vpop (xrf1);
	_ =	sdelay $0x5  }
0x8a: {  	[tilespmem:v1+s0+$0x0] =	vst.idx.add.s32.msk vm0, v2  }
0x8b: {  	v1 =	vld [tilespmem:s3+$0x90];
	_ =	sdelay $0x4  }
0x8c: {  	(xrf1) =	vunique.msk.u32 $0xffff, v1;
	_ =	sdelay $0xd  }
0x8d: {  	_, v2, vm0 =	vpop (xrf1);
	_ =	sdelay $0x5  }
0x8e: {  	[tilespmem:v1+s0+$0x0] =	vst.idx.add.s32.msk vm0, v2  }
0x8f: {  	v1 =	vld [tilespmem:s3+$0xA0];
	_ =	sdelay $0x4  }
0x90: {  	(xrf1) =	vunique.msk.u32 $0xffff, v1;
	_ =	sdelay $0xd  }
0x91: {  	_, v2, vm0 =	vpop (xrf1);
	_ =	sdelay $0x5  }
0x92: {  	[tilespmem:v1+s0+$0x0] =	vst.idx.add.s32.msk vm0, v2  }
0x93: {  	v1 =	vld [tilespmem:s3+$0xB0];
	_ =	sdelay $0x4  }
0x94: {  	(xrf1) =	vunique.msk.u32 $0xffff, v1;
	_ =	sdelay $0xd  }
0x95: {  	_, v2, vm0 =	vpop (xrf1);
	_ =	sdelay $0x5  }
0x96: {  	[tilespmem:v1+s0+$0x0] =	vst.idx.add.s32.msk vm0, v2  }
0x97: {  	v1 =	vld [tilespmem:s3+$0xC0];
	_ =	sdelay $0x4  }
0x98: {  	(xrf1) =	vunique.msk.u32 $0xffff, v1;
	_ =	sdelay $0xd  }
0x99: {  	_, v2, vm0 =	vpop (xrf1);
	_ =	sdelay $0x5  }
0x9a: {  	[tilespmem:v1+s0+$0x0] =	vst.idx.add.s32.msk vm0, v2  }
0x9b: {  	v1 =	vld [tilespmem:s3+$0xD0];
	_ =	sdelay $0x4  }
0x9c: {  	(xrf1) =	vunique.msk.u32 $0xffff, v1;
	_ =	sdelay $0xd  }
0x9d: {  	_, v2, vm0 =	vpop (xrf1);
	_ =	sdelay $0x5  }
0x9e: {  	[tilespmem:v1+s0+$0x0] =	vst.idx.add.s32.msk vm0, v2  }
0x9f: {  	v1 =	vld [tilespmem:s3+$0xE0];
	_ =	sdelay $0x4  }
0xa0: {  	(xrf1) =	vunique.msk.u32 $0xffff, v1;
	_ =	sdelay $0xd  }
0xa1: {  	_, v2, vm0 =	vpop (xrf1);
	_ =	sdelay $0x5  }
0xa2: {  	[tilespmem:v1+s0+$0x0] =	vst.idx.add.s32.msk vm0, v2  }
0xa3: {  	v1 =	vld [tilespmem:s3+$0xF0];
	_ =	sdelay $0x4  }
0xa4: {  	(xrf1) =	vunique.msk.u32 $0xffff, v1;
	_ =	sdelay $0xd  }
0xa5: {  	_, v2, vm0 =	vpop (xrf1)  }
0xa6: {  	p1 =	sne.s32 s2, $0x9C00  }
.Ltmp3:
0xa7: {  	_ = 	snop;
	(pc) =	sbr.rel @p1 .LBB2_7-.Ltmp3, $2  }
0xa8: {  	_ =	sdelay $0x2  }
0xa9: {  	s2 =	sadd.s32 $0x400, s2;
	[tilespmem:v1+s0+$0x0] =	vst.idx.add.s32.msk vm0, v2  }
.Ltmp4:
0xaa: {  	_ = 	snop;
	(pc) =	sbr.rel .LBB2_12-.Ltmp4, $1  }
0xab: {  	_ =	sdelay $0x3  }
.LBB2_8:
0xac: {  	s2 =	rddreg [dreg:$0x14]  }
0xad: {  	[tilespmem:s20], [sflag:$0x1] =	stream.linear.gather [hbm4b:s2+s20], $0x2800, $0x38;
	[tilespmem:$0x1E000] =	vst v63  }
0xae: {  	_ =	swait.ge [sflag:s31], $0x2800  }
0xaf: {  	[sflag:s31] =	ssyncset.done $0x0  }
0xb0: {  	s2 =	simm.s32 $0x3C0;
	[sflag:s31] =	ssyncadd.s32 $0xFFFFD800  }
.LBB2_9:
0xb1: {  	s3 =	sshra.s32 s2, $0x2  }
0xb2: {  	v1 =	vld [tilespmem:s3+$0xFFFFFF90];
	_ =	sdelay $0x4  }
0xb3: {  	(xrf1) =	vunique.msk.u32 $0xffff, v1;
	_ =	sdelay $0xd  }
0xb4: {  	_, v2, vm0 =	vpop (xrf1);
	_ =	sdelay $0x5  }
0xb5: {  	[tilespmem:v1+s0+$0x0] =	vst.idx.add.s32.msk vm0, v2  }
0xb6: {  	v1 =	vld [tilespmem:s3+$0xFFFFFFA0];
	_ =	sdelay $0x4  }
0xb7: {  	(xrf1) =	vunique.msk.u32 $0xffff, v1;
	_ =	sdelay $0xd  }
0xb8: {  	_, v2, vm0 =	vpop (xrf1);
	_ =	sdelay $0x5  }
0xb9: {  	[tilespmem:v1+s0+$0x0] =	vst.idx.add.s32.msk vm0, v2  }
0xba: {  	v1 =	vld [tilespmem:s3+$0xFFFFFFB0];
	_ =	sdelay $0x4  }
0xbb: {  	(xrf1) =	vunique.msk.u32 $0xffff, v1;
	_ =	sdelay $0xd  }
0xbc: {  	_, v2, vm0 =	vpop (xrf1);
	_ =	sdelay $0x5  }
0xbd: {  	[tilespmem:v1+s0+$0x0] =	vst.idx.add.s32.msk vm0, v2  }
0xbe: {  	v1 =	vld [tilespmem:s3+$0xFFFFFFC0];
	_ =	sdelay $0x4  }
0xbf: {  	(xrf1) =	vunique.msk.u32 $0xffff, v1;
	_ =	sdelay $0xd  }
0xc0: {  	_, v2, vm0 =	vpop (xrf1);
	_ =	sdelay $0x5  }
0xc1: {  	[tilespmem:v1+s0+$0x0] =	vst.idx.add.s32.msk vm0, v2  }
0xc2: {  	v1 =	vld [tilespmem:s3+$0xFFFFFFD0];
	_ =	sdelay $0x4  }
0xc3: {  	(xrf1) =	vunique.msk.u32 $0xffff, v1;
	_ =	sdelay $0xd  }
0xc4: {  	_, v2, vm0 =	vpop (xrf1);
	_ =	sdelay $0x5  }
0xc5: {  	[tilespmem:v1+s0+$0x0] =	vst.idx.add.s32.msk vm0, v2  }
0xc6: {  	v1 =	vld [tilespmem:s3+$0xFFFFFFE0];
	_ =	sdelay $0x4  }
0xc7: {  	(xrf1) =	vunique.msk.u32 $0xffff, v1;
	_ =	sdelay $0xd  }
0xc8: {  	_, v2, vm0 =	vpop (xrf1);
	_ =	sdelay $0x5  }
0xc9: {  	[tilespmem:v1+s0+$0x0] =	vst.idx.add.s32.msk vm0, v2  }
0xca: {  	v1 =	vld [tilespmem:s3+$0xFFFFFFF0];
	_ =	sdelay $0x4  }
0xcb: {  	(xrf1) =	vunique.msk.u32 $0xffff, v1;
	_ =	sdelay $0xd  }
0xcc: {  	_, v2, vm0 =	vpop (xrf1);
	_ =	sdelay $0x5  }
0xcd: {  	[tilespmem:v1+s0+$0x0] =	vst.idx.add.s32.msk vm0, v2  }
0xce: {  	v1 =	vld [tilespmem:s3+$0x0];
	_ =	sdelay $0x4  }
0xcf: {  	(xrf1) =	vunique.msk.u32 $0xffff, v1;
	_ =	sdelay $0xd  }
0xd0: {  	_, v2, vm0 =	vpop (xrf1)  }
0xd1: {  	p1 =	sne.s32 s2, $0x9FC0  }
.Ltmp5:
0xd2: {  	_ = 	snop;
	(pc) =	sbr.rel @p1 .LBB2_9-.Ltmp5, $2  }
0xd3: {  	_ =	sdelay $0x2  }
0xd4: {  	s2 =	sadd.s32 $0x400, s2;
	[tilespmem:v1+s0+$0x0] =	vst.idx.add.s32.msk vm0, v2  }
0xd5: {  	s2 =	simm.s32 $0x0;
	s3 =	rddreg [dreg:$0x18]  }
0xd6: {  	[tilespmem:s2], [sflag:$0x1] =	stream.linear.gather [hbm4b:s3+s2], $0x2800, $0x38;
	[tilespmem:$0x1E000] =	vst v63  }
0xd7: {  	_ =	swait.ge [sflag:s31], $0x2800  }
0xd8: {  	[sflag:s31] =	ssyncset.done $0x0  }
0xd9: {  	[sflag:s31] =	ssyncadd.s32 $0xFFFFD800  }
.LBB2_11:
0xda: {  	s3 =	sshra.s32 s2, $0x2  }
0xdb: {  	v1 =	vld [tilespmem:s3+$0x80];
	_ =	sdelay $0x4  }
0xdc: {  	(xrf1) =	vunique.msk.u32 $0xffff, v1;
	_ =	sdelay $0xd  }
0xdd: {  	_, v2, vm0 =	vpop (xrf1);
	_ =	sdelay $0x5  }
0xde: {  	[tilespmem:v1+s0+$0x0] =	vst.idx.add.s32.msk vm0, v2  }
0xdf: {  	v1 =	vld [tilespmem:s3+$0x90];
	_ =	sdelay $0x4  }
0xe0: {  	(xrf1) =	vunique.msk.u32 $0xffff, v1;
	_ =	sdelay $0xd  }
0xe1: {  	_, v2, vm0 =	vpop (xrf1);
	_ =	sdelay $0x5  }
0xe2: {  	[tilespmem:v1+s0+$0x0] =	vst.idx.add.s32.msk vm0, v2  }
0xe3: {  	v1 =	vld [tilespmem:s3+$0xA0];
	_ =	sdelay $0x4  }
0xe4: {  	(xrf1) =	vunique.msk.u32 $0xffff, v1;
	_ =	sdelay $0xd  }
0xe5: {  	_, v2, vm0 =	vpop (xrf1);
	_ =	sdelay $0x5  }
0xe6: {  	[tilespmem:v1+s0+$0x0] =	vst.idx.add.s32.msk vm0, v2  }
0xe7: {  	v1 =	vld [tilespmem:s3+$0xB0];
	_ =	sdelay $0x4  }
0xe8: {  	(xrf1) =	vunique.msk.u32 $0xffff, v1;
	_ =	sdelay $0xd  }
0xe9: {  	_, v2, vm0 =	vpop (xrf1);
	_ =	sdelay $0x5  }
0xea: {  	[tilespmem:v1+s0+$0x0] =	vst.idx.add.s32.msk vm0, v2  }
0xeb: {  	v1 =	vld [tilespmem:s3+$0xC0];
	_ =	sdelay $0x4  }
0xec: {  	(xrf1) =	vunique.msk.u32 $0xffff, v1;
	_ =	sdelay $0xd  }
0xed: {  	_, v2, vm0 =	vpop (xrf1);
	_ =	sdelay $0x5  }
0xee: {  	[tilespmem:v1+s0+$0x0] =	vst.idx.add.s32.msk vm0, v2  }
0xef: {  	v1 =	vld [tilespmem:s3+$0xD0];
	_ =	sdelay $0x4  }
0xf0: {  	(xrf1) =	vunique.msk.u32 $0xffff, v1;
	_ =	sdelay $0xd  }
0xf1: {  	_, v2, vm0 =	vpop (xrf1);
	_ =	sdelay $0x5  }
0xf2: {  	[tilespmem:v1+s0+$0x0] =	vst.idx.add.s32.msk vm0, v2  }
0xf3: {  	v1 =	vld [tilespmem:s3+$0xE0];
	_ =	sdelay $0x4  }
0xf4: {  	(xrf1) =	vunique.msk.u32 $0xffff, v1;
	_ =	sdelay $0xd  }
0xf5: {  	_, v2, vm0 =	vpop (xrf1);
	_ =	sdelay $0x5  }
0xf6: {  	[tilespmem:v1+s0+$0x0] =	vst.idx.add.s32.msk vm0, v2  }
0xf7: {  	v1 =	vld [tilespmem:s3+$0xF0];
	_ =	sdelay $0x4  }
0xf8: {  	(xrf1) =	vunique.msk.u32 $0xffff, v1;
	_ =	sdelay $0xd  }
0xf9: {  	_, v2, vm0 =	vpop (xrf1)  }
0xfa: {  	p1 =	seq.s32 s2, $0x9C00  }
.Ltmp6:
0xfb: {  	_ = 	snop;
	(pc) =	sbr.rel @!p1 .LBB2_11-.Ltmp6, $2  }
0xfc: {  	_ =	sdelay $0x2  }
0xfd: {  	s2 =	sadd.s32 $0x400, s2;
	[tilespmem:v1+s0+$0x0] =	vst.idx.add.s32.msk vm0, v2  }
.LBB2_12:
0xfe: {  	s2 =	rddreg [dreg:$0x5];
	s3 =	simm.s32 $0x80;
	s4 =	simm.s32 $0x400  }
0xff: {  	[spmem:s2] =	stream.strided.scatter [tilespmem:s0], [sflag:$0x1], $0x2800, s4, s3, $0x38;
	[tilespmem:$0x1E000] =	vst v63  }
0x100: {  	_ =	swait.ge [sflag:s31], $0x2800  }
0x101: {  	[sflag:s31] =	ssyncset.done $0x0  }
0x102: {  	[sflag:s31] =	ssyncadd.s32 $0xFFFFD800  }
0x103: {  	s3 =	simm.s32 $0x5000;
	[bflag:$0x0] =	sbarrier.arrive $0xFFFF  }
0x104: {  	[tilespmem:s3], [sflag:$0x1] =	stream.linear.gather [spmem:s5], $0x80, $0x38;
	[tilespmem:$0x1E000] =	vst v63  }
0x105: {  	s20 =	simm.s32 $0x5400;
	s4 =	rddreg [dreg:$0x1a]  }
0x106: {  	[tilespmem:s20], [sflag:$0x1] =	stream.linear.gather [spmem:s4], $0x80, $0x38;
	[tilespmem:$0x1E000] =	vst v63  }
0x107: {  	s25 =	simm.s32 $0x5800;
	s24 =	rddreg [dreg:$0x1b]  }
0x108: {  	[tilespmem:s25], [sflag:$0x1] =	stream.linear.gather [spmem:s24], $0x80, $0x38;
	[tilespmem:$0x1E000] =	vst v63  }
0x109: {  	s4 =	rddreg [dreg:$0x1c];
	s20 =	simm.s32 $0x5C00  }
0x10a: {  	[tilespmem:s20], [sflag:$0x1] =	stream.linear.gather [spmem:s4], $0x80, $0x38;
	[tilespmem:$0x1E000] =	vst v63  }
0x10b: {  	s24 =	rddreg [dreg:$0x1d];
	s25 =	simm.s32 $0x6000  }
0x10c: {  	[tilespmem:s25], [sflag:$0x1] =	stream.linear.gather [spmem:s24], $0x80, $0x38;
	[tilespmem:$0x1E000] =	vst v63  }
0x10d: {  	_ =	swait.ge [sflag:s31], $0x280  }
0x10e: {  	[sflag:s31] =	ssyncset.done $0x0;
	s4 =	rddreg [dreg:$0x6]  }
0x10f: {  	s20 =	simm.s32 $0x5080;
	s24 =	rddreg [dreg:$0x1e];
	[sflag:s31] =	ssyncadd.s32 $0xFFFFFD80  }
0x110: {  	[tilespmem:s20], [sflag:$0x1] =	stream.linear.gather [spmem:s4], $0x80, $0x38;
	[tilespmem:$0x1E000] =	vst v63  }
0x111: {  	s25 =	simm.s32 $0x5480;
	s4 =	rddreg [dreg:$0x1f]  }
0x112: {  	[tilespmem:s25], [sflag:$0x1] =	stream.linear.gather [spmem:s24], $0x80, $0x38;
	[tilespmem:$0x1E000] =	vst v63  }
0x113: {  	s20 =	simm.s32 $0x5880;
	s24 =	sld [smem:$0x7D9]  }
0x114: {  	[tilespmem:s20], [sflag:$0x1] =	stream.linear.gather [spmem:s4], $0x80, $0x38;
	[tilespmem:$0x1E000] =	vst v63  }
0x115: {  	s25 =	simm.s32 $0x5C80;
	s4 =	sld [smem:$0x7DA]  }
0x116: {  	[tilespmem:s25], [sflag:$0x1] =	stream.linear.gather [spmem:s24], $0x80, $0x38;
	[tilespmem:$0x1E000] =	vst v63  }
0x117: {  	s20 =	simm.s32 $0x6080  }
0x118: {  	[tilespmem:s20], [sflag:$0x1] =	stream.linear.gather [spmem:s4], $0x80, $0x38;
	[tilespmem:$0x1E000] =	vst v63  }
0x119: {  	_ =	swait.ge [sflag:s31], $0x280  }
0x11a: {  	[sflag:s31] =	ssyncset.done $0x0;
	s24 =	rddreg [dreg:$0x7]  }
0x11b: {  	s25 =	simm.s32 $0x5100;
	s4 =	sld [smem:$0x7DB];
	[sflag:s31] =	ssyncadd.s32 $0xFFFFFD80  }
0x11c: {  	[tilespmem:s25], [sflag:$0x1] =	stream.linear.gather [spmem:s24], $0x80, $0x38;
	[tilespmem:$0x1E000] =	vst v63  }
0x11d: {  	s20 =	simm.s32 $0x5500;
	s24 =	sld [smem:$0x7DC]  }
0x11e: {  	[tilespmem:s20], [sflag:$0x1] =	stream.linear.gather [spmem:s4], $0x80, $0x38;
	[tilespmem:$0x1E000] =	vst v63  }
0x11f: {  	s25 =	simm.s32 $0x5900;
	s4 =	sld [smem:$0x7DD]  }
0x120: {  	[tilespmem:s25], [sflag:$0x1] =	stream.linear.gather [spmem:s24], $0x80, $0x38;
	[tilespmem:$0x1E000] =	vst v63  }
0x121: {  	s20 =	simm.s32 $0x5D00;
	s24 =	sld [smem:$0x7DE]  }
0x122: {  	[tilespmem:s20], [sflag:$0x1] =	stream.linear.gather [spmem:s4], $0x80, $0x38;
	[tilespmem:$0x1E000] =	vst v63  }
0x123: {  	s25 =	simm.s32 $0x6100  }
0x124: {  	[tilespmem:s25], [sflag:$0x1] =	stream.linear.gather [spmem:s24], $0x80, $0x38;
	[tilespmem:$0x1E000] =	vst v63  }
0x125: {  	_ =	swait.ge [sflag:s31], $0x280  }
0x126: {  	[sflag:s31] =	ssyncset.done $0x0;
	s4 =	rddreg [dreg:$0x8]  }
0x127: {  	s20 =	simm.s32 $0x5180;
	s24 =	sld [smem:$0x7DF];
	[sflag:s31] =	ssyncadd.s32 $0xFFFFFD80  }
0x128: {  	[tilespmem:s20], [sflag:$0x1] =	stream.linear.gather [spmem:s4], $0x80, $0x38;
	[tilespmem:$0x1E000] =	vst v63  }
0x129: {  	s25 =	simm.s32 $0x5580;
	s4 =	sld [smem:$0x7E0]  }
0x12a: {  	[tilespmem:s25], [sflag:$0x1] =	stream.linear.gather [spmem:s24], $0x80, $0x38;
	[tilespmem:$0x1E000] =	vst v63  }
0x12b: {  	s20 =	simm.s32 $0x5980;
	s24 =	sld [smem:$0x7E1]  }
0x12c: {  	[tilespmem:s20], [sflag:$0x1] =	stream.linear.gather [spmem:s4], $0x80, $0x38;
	[tilespmem:$0x1E000] =	vst v63  }
0x12d: {  	s25 =	simm.s32 $0x5D80;
	s4 =	sld [smem:$0x7E2]  }
0x12e: {  	[tilespmem:s25], [sflag:$0x1] =	stream.linear.gather [spmem:s24], $0x80, $0x38;
	[tilespmem:$0x1E000] =	vst v63  }
0x12f: {  	s20 =	simm.s32 $0x6180  }
0x130: {  	[tilespmem:s20], [sflag:$0x1] =	stream.linear.gather [spmem:s4], $0x80, $0x38;
	[tilespmem:$0x1E000] =	vst v63  }
0x131: {  	_ =	swait.ge [sflag:s31], $0x280  }
0x132: {  	[sflag:s31] =	ssyncset.done $0x0;
	s24 =	rddreg [dreg:$0x9]  }
0x133: {  	s25 =	simm.s32 $0x5200;
	s4 =	sld [smem:$0x7E3];
	[sflag:s31] =	ssyncadd.s32 $0xFFFFFD80  }
0x134: {  	[tilespmem:s25], [sflag:$0x1] =	stream.linear.gather [spmem:s24], $0x80, $0x38;
	[tilespmem:$0x1E000] =	vst v63  }
0x135: {  	s20 =	simm.s32 $0x5600;
	s24 =	sld [smem:$0x7E4]  }
0x136: {  	[tilespmem:s20], [sflag:$0x1] =	stream.linear.gather [spmem:s4], $0x80, $0x38;
	[tilespmem:$0x1E000] =	vst v63  }
0x137: {  	s25 =	simm.s32 $0x5A00;
	s4 =	sld [smem:$0x7E5]  }
0x138: {  	[tilespmem:s25], [sflag:$0x1] =	stream.linear.gather [spmem:s24], $0x80, $0x38;
	[tilespmem:$0x1E000] =	vst v63  }
0x139: {  	s20 =	simm.s32 $0x5E00;
	s24 =	sld [smem:$0x7E6]  }
0x13a: {  	[tilespmem:s20], [sflag:$0x1] =	stream.linear.gather [spmem:s4], $0x80, $0x38;
	[tilespmem:$0x1E000] =	vst v63  }
0x13b: {  	s25 =	simm.s32 $0x6200  }
0x13c: {  	[tilespmem:s25], [sflag:$0x1] =	stream.linear.gather [spmem:s24], $0x80, $0x38;
	[tilespmem:$0x1E000] =	vst v63  }
0x13d: {  	_ =	swait.ge [sflag:s31], $0x280  }
0x13e: {  	[sflag:s31] =	ssyncset.done $0x0;
	s4 =	rddreg [dreg:$0xa]  }
0x13f: {  	s20 =	simm.s32 $0x5280;
	s24 =	sld [smem:$0x7E7];
	[sflag:s31] =	ssyncadd.s32 $0xFFFFFD80  }
0x140: {  	[tilespmem:s20], [sflag:$0x1] =	stream.linear.gather [spmem:s4], $0x80, $0x38;
	[tilespmem:$0x1E000] =	vst v63  }
0x141: {  	s25 =	simm.s32 $0x5680;
	s4 =	sld [smem:$0x7E8]  }
0x142: {  	[tilespmem:s25], [sflag:$0x1] =	stream.linear.gather [spmem:s24], $0x80, $0x38;
	[tilespmem:$0x1E000] =	vst v63  }
0x143: {  	s20 =	simm.s32 $0x5A80;
	s24 =	sld [smem:$0x7E9]  }
0x144: {  	[tilespmem:s20], [sflag:$0x1] =	stream.linear.gather [spmem:s4], $0x80, $0x38;
	[tilespmem:$0x1E000] =	vst v63  }
0x145: {  	s25 =	simm.s32 $0x5E80;
	s4 =	sld [smem:$0x7EA]  }
0x146: {  	[tilespmem:s25], [sflag:$0x1] =	stream.linear.gather [spmem:s24], $0x80, $0x38;
	[tilespmem:$0x1E000] =	vst v63  }
0x147: {  	s20 =	simm.s32 $0x6280  }
0x148: {  	[tilespmem:s20], [sflag:$0x1] =	stream.linear.gather [spmem:s4], $0x80, $0x38;
	[tilespmem:$0x1E000] =	vst v63  }
0x149: {  	_ =	swait.ge [sflag:s31], $0x280  }
0x14a: {  	[sflag:s31] =	ssyncset.done $0x0;
	s24 =	rddreg [dreg:$0xb]  }
0x14b: {  	s25 =	simm.s32 $0x5300;
	s4 =	sld [smem:$0x7EB];
	[sflag:s31] =	ssyncadd.s32 $0xFFFFFD80  }
0x14c: {  	[tilespmem:s25], [sflag:$0x1] =	stream.linear.gather [spmem:s24], $0x80, $0x38;
	[tilespmem:$0x1E000] =	vst v63  }
0x14d: {  	s20 =	simm.s32 $0x5700;
	s24 =	sld [smem:$0x7EC]  }
0x14e: {  	[tilespmem:s20], [sflag:$0x1] =	stream.linear.gather [spmem:s4], $0x80, $0x38;
	[tilespmem:$0x1E000] =	vst v63  }
0x14f: {  	s25 =	simm.s32 $0x5B00;
	s4 =	sld [smem:$0x7ED]  }
0x150: {  	[tilespmem:s25], [sflag:$0x1] =	stream.linear.gather [spmem:s24], $0x80, $0x38;
	[tilespmem:$0x1E000] =	vst v63  }
0x151: {  	s20 =	simm.s32 $0x5F00;
	s24 =	sld [smem:$0x7EE]  }
0x152: {  	[tilespmem:s20], [sflag:$0x1] =	stream.linear.gather [spmem:s4], $0x80, $0x38;
	[tilespmem:$0x1E000] =	vst v63  }
0x153: {  	s25 =	simm.s32 $0x6300  }
0x154: {  	[tilespmem:s25], [sflag:$0x1] =	stream.linear.gather [spmem:s24], $0x80, $0x38;
	[tilespmem:$0x1E000] =	vst v63  }
0x155: {  	_ =	swait.ge [sflag:s31], $0x280  }
0x156: {  	[sflag:s31] =	ssyncset.done $0x0;
	s4 =	rddreg [dreg:$0xc]  }
0x157: {  	s20 =	simm.s32 $0x5380;
	s24 =	sld [smem:$0x7EF];
	[sflag:s31] =	ssyncadd.s32 $0xFFFFFD80  }
0x158: {  	[tilespmem:s20], [sflag:$0x1] =	stream.linear.gather [spmem:s4], $0x80, $0x38;
	[tilespmem:$0x1E000] =	vst v63  }
0x159: {  	s25 =	simm.s32 $0x5780;
	s4 =	sld [smem:$0x7F0]  }
0x15a: {  	[tilespmem:s25], [sflag:$0x1] =	stream.linear.gather [spmem:s24], $0x80, $0x38;
	[tilespmem:$0x1E000] =	vst v63  }
0x15b: {  	s20 =	simm.s32 $0x5B80;
	s24 =	sld [smem:$0x7F1]  }
0x15c: {  	[tilespmem:s20], [sflag:$0x1] =	stream.linear.gather [spmem:s4], $0x80, $0x38;
	[tilespmem:$0x1E000] =	vst v63  }
0x15d: {  	s25 =	simm.s32 $0x5F80;
	s4 =	sld [smem:$0x7F2]  }
0x15e: {  	[tilespmem:s25], [sflag:$0x1] =	stream.linear.gather [spmem:s24], $0x80, $0x38;
	[tilespmem:$0x1E000] =	vst v63  }
0x15f: {  	s20 =	simm.s32 $0x6380  }
0x160: {  	[tilespmem:s20], [sflag:$0x1] =	stream.linear.gather [spmem:s4], $0x80, $0x38;
	[tilespmem:$0x1E000] =	vst v63  }
0x161: {  	_ =	swait.ge [sflag:s31], $0x280  }
0x162: {  	[sflag:s31] =	ssyncset.done $0x0;
	s24 =	rddreg [dreg:$0xd]  }
0x163: {  	s25 =	simm.s32 $0x6400;
	s4 =	sld [smem:$0x7F3];
	[sflag:s31] =	ssyncadd.s32 $0xFFFFFD80  }
0x164: {  	[tilespmem:s25], [sflag:$0x1] =	stream.linear.gather [spmem:s24], $0x80, $0x38;
	[tilespmem:$0x1E000] =	vst v63  }
0x165: {  	s20 =	simm.s32 $0x6800;
	s24 =	sld [smem:$0x7F4]  }
0x166: {  	[tilespmem:s20], [sflag:$0x1] =	stream.linear.gather [spmem:s4], $0x80, $0x38;
	[tilespmem:$0x1E000] =	vst v63  }
0x167: {  	s25 =	simm.s32 $0x6C00;
	s4 =	sld [smem:$0x7F5]  }
0x168: {  	[tilespmem:s25], [sflag:$0x1] =	stream.linear.gather [spmem:s24], $0x80, $0x38;
	[tilespmem:$0x1E000] =	vst v63  }
0x169: {  	s20 =	simm.s32 $0x7000;
	s24 =	sld [smem:$0x7F6]  }
0x16a: {  	[tilespmem:s20], [sflag:$0x1] =	stream.linear.gather [spmem:s4], $0x80, $0x38;
	[tilespmem:$0x1E000] =	vst v63  }
0x16b: {  	s25 =	simm.s32 $0x7400  }
0x16c: {  	[tilespmem:s25], [sflag:$0x1] =	stream.linear.gather [spmem:s24], $0x80, $0x38;
	[tilespmem:$0x1E000] =	vst v63  }
0x16d: {  	_ =	swait.ge [sflag:s31], $0x280  }
0x16e: {  	[sflag:s31] =	ssyncset.done $0x0;
	s4 =	rddreg [dreg:$0xe]  }
0x16f: {  	s20 =	simm.s32 $0x6480;
	s24 =	sld [smem:$0x7F7];
	[sflag:s31] =	ssyncadd.s32 $0xFFFFFD80  }
0x170: {  	[tilespmem:s20], [sflag:$0x1] =	stream.linear.gather [spmem:s4], $0x80, $0x38;
	[tilespmem:$0x1E000] =	vst v63  }
0x171: {  	s25 =	simm.s32 $0x6880;
	s4 =	sld [smem:$0x7F8]  }
0x172: {  	[tilespmem:s25], [sflag:$0x1] =	stream.linear.gather [spmem:s24], $0x80, $0x38;
	[tilespmem:$0x1E000] =	vst v63  }
0x173: {  	s20 =	simm.s32 $0x6C80;
	s24 =	sld [smem:$0x7F9]  }
0x174: {  	[tilespmem:s20], [sflag:$0x1] =	stream.linear.gather [spmem:s4], $0x80, $0x38;
	[tilespmem:$0x1E000] =	vst v63  }
0x175: {  	s25 =	simm.s32 $0x7080;
	s4 =	sld [smem:$0x7FA]  }
0x176: {  	[tilespmem:s25], [sflag:$0x1] =	stream.linear.gather [spmem:s24], $0x80, $0x38;
	[tilespmem:$0x1E000] =	vst v63  }
0x177: {  	s20 =	simm.s32 $0x7480  }
0x178: {  	[tilespmem:s20], [sflag:$0x1] =	stream.linear.gather [spmem:s4], $0x80, $0x38;
	[tilespmem:$0x1E000] =	vst v63  }
0x179: {  	_ =	swait.ge [sflag:s31], $0x280  }
0x17a: {  	[sflag:s31] =	ssyncset.done $0x0;
	s24 =	rddreg [dreg:$0xf]  }
0x17b: {  	s25 =	simm.s32 $0x6500;
	s4 =	sld [smem:$0x7FB];
	[sflag:s31] =	ssyncadd.s32 $0xFFFFFD80  }
0x17c: {  	[tilespmem:s25], [sflag:$0x1] =	stream.linear.gather [spmem:s24], $0x80, $0x38;
	[tilespmem:$0x1E000] =	vst v63  }
0x17d: {  	s20 =	simm.s32 $0x6900;
	s24 =	sld [smem:$0x7FC]  }
0x17e: {  	[tilespmem:s20], [sflag:$0x1] =	stream.linear.gather [spmem:s4], $0x80, $0x38;
	[tilespmem:$0x1E000] =	vst v63  }
0x17f: {  	s3 =	sld [smem:$0x7FD];
	s25 =	simm.s32 $0x6D00  }
0x180: {  	[tilespmem:s25], [sflag:$0x1] =	stream.linear.gather [spmem:s24], $0x80, $0x38;
	[tilespmem:$0x1E000] =	vst v63  }
0x181: {  	s4 =	simm.s32 $0x7100  }
0x182: {  	[tilespmem:s4], [sflag:$0x1] =	stream.linear.gather [spmem:s3], $0x80, $0x38;
	[tilespmem:$0x1E000] =	vst v63  }
0x183: {  	s20 =	simm.s32 $0x7500  }
0x184: {  	[tilespmem:s20], [sflag:$0x1] =	stream.linear.gather [spmem:s6], $0x80, $0x38;
	[tilespmem:$0x1E000] =	vst v63  }
0x185: {  	_ =	swait.ge [sflag:s31], $0x280  }
0x186: {  	[sflag:s31] =	ssyncset.done $0x0  }
0x187: {  	s25 =	simm.s32 $0x6580;
	s24 =	rddreg [dreg:$0x10];
	[sflag:s31] =	ssyncadd.s32 $0xFFFFFD80  }
0x188: {  	[tilespmem:s25], [sflag:$0x1] =	stream.linear.gather [spmem:s24], $0x80, $0x38;
	[tilespmem:$0x1E000] =	vst v63  }
0x189: {  	s4 =	simm.s32 $0x6980  }
0x18a: {  	[tilespmem:s4], [sflag:$0x1] =	stream.linear.gather [spmem:s7], $0x80, $0x38;
	[tilespmem:$0x1E000] =	vst v63  }
0x18b: {  	s20 =	simm.s32 $0x6D80  }
0x18c: {  	[tilespmem:s20], [sflag:$0x1] =	stream.linear.gather [spmem:s8], $0x80, $0x38;
	[tilespmem:$0x1E000] =	vst v63  }
0x18d: {  	s24 =	simm.s32 $0x7180  }
0x18e: {  	[tilespmem:s24], [sflag:$0x1] =	stream.linear.gather [spmem:s9], $0x80, $0x38;
	[tilespmem:$0x1E000] =	vst v63  }
0x18f: {  	s25 =	simm.s32 $0x7580  }
0x190: {  	[tilespmem:s25], [sflag:$0x1] =	stream.linear.gather [spmem:s10], $0x80, $0x38;
	[tilespmem:$0x1E000] =	vst v63  }
0x191: {  	_ =	swait.ge [sflag:s31], $0x280  }
0x192: {  	[sflag:s31] =	ssyncset.done $0x0  }
0x193: {  	s4 =	simm.s32 $0x6600;
	s3 =	rddreg [dreg:$0x11];
	[sflag:s31] =	ssyncadd.s32 $0xFFFFFD80  }
0x194: {  	[tilespmem:s4], [sflag:$0x1] =	stream.linear.gather [spmem:s3], $0x80, $0x38;
	[tilespmem:$0x1E000] =	vst v63  }
0x195: {  	s20 =	simm.s32 $0x6A00  }
0x196: {  	[tilespmem:s20], [sflag:$0x1] =	stream.linear.gather [spmem:s11], $0x80, $0x38;
	[tilespmem:$0x1E000] =	vst v63  }
0x197: {  	s24 =	simm.s32 $0x6E00  }
0x198: {  	[tilespmem:s24], [sflag:$0x1] =	stream.linear.gather [spmem:s12], $0x80, $0x38;
	[tilespmem:$0x1E000] =	vst v63  }
0x199: {  	s25 =	simm.s32 $0x7200  }
0x19a: {  	[tilespmem:s25], [sflag:$0x1] =	stream.linear.gather [spmem:s13], $0x80, $0x38;
	[tilespmem:$0x1E000] =	vst v63  }
0x19b: {  	s3 =	simm.s32 $0x7600  }
0x19c: {  	[tilespmem:s3], [sflag:$0x1] =	stream.linear.gather [spmem:s14], $0x80, $0x38;
	[tilespmem:$0x1E000] =	vst v63  }
0x19d: {  	_ =	swait.ge [sflag:s31], $0x280  }
0x19e: {  	[sflag:s31] =	ssyncset.done $0x0  }
0x19f: {  	s20 =	simm.s32 $0x6680;
	s4 =	rddreg [dreg:$0x12];
	[sflag:s31] =	ssyncadd.s32 $0xFFFFFD80  }
0x1a0: {  	[tilespmem:s20], [sflag:$0x1] =	stream.linear.gather [spmem:s4], $0x80, $0x38;
	[tilespmem:$0x1E000] =	vst v63  }
0x1a1: {  	s24 =	simm.s32 $0x6A80  }
0x1a2: {  	[tilespmem:s24], [sflag:$0x1] =	stream.linear.gather [spmem:s15], $0x80, $0x38;
	[tilespmem:$0x1E000] =	vst v63  }
0x1a3: {  	s25 =	simm.s32 $0x6E80  }
0x1a4: {  	[tilespmem:s25], [sflag:$0x1] =	stream.linear.gather [spmem:s16], $0x80, $0x38;
	[tilespmem:$0x1E000] =	vst v63  }
0x1a5: {  	s3 =	simm.s32 $0x7280  }
0x1a6: {  	[tilespmem:s3], [sflag:$0x1] =	stream.linear.gather [spmem:s17], $0x80, $0x38;
	[tilespmem:$0x1E000] =	vst v63  }
0x1a7: {  	s4 =	simm.s32 $0x7680  }
0x1a8: {  	[tilespmem:s4], [sflag:$0x1] =	stream.linear.gather [spmem:s18], $0x80, $0x38;
	[tilespmem:$0x1E000] =	vst v63  }
0x1a9: {  	_ =	swait.ge [sflag:s31], $0x280  }
0x1aa: {  	[sflag:s31] =	ssyncset.done $0x0  }
0x1ab: {  	s24 =	simm.s32 $0x6700;
	s20 =	rddreg [dreg:$0x13];
	[sflag:s31] =	ssyncadd.s32 $0xFFFFFD80  }
0x1ac: {  	[tilespmem:s24], [sflag:$0x1] =	stream.linear.gather [spmem:s20], $0x80, $0x38;
	[tilespmem:$0x1E000] =	vst v63  }
0x1ad: {  	s25 =	simm.s32 $0x6B00  }
0x1ae: {  	[tilespmem:s25], [sflag:$0x1] =	stream.linear.gather [spmem:s19], $0x80, $0x38;
	[tilespmem:$0x1E000] =	vst v63  }
0x1af: {  	s3 =	simm.s32 $0x6F00  }
0x1b0: {  	[tilespmem:s3], [sflag:$0x1] =	stream.linear.gather [spmem:s21], $0x80, $0x38;
	[tilespmem:$0x1E000] =	vst v63  }
0x1b1: {  	s4 =	simm.s32 $0x7300  }
0x1b2: {  	[tilespmem:s4], [sflag:$0x1] =	stream.linear.gather [spmem:s22], $0x80, $0x38;
	[tilespmem:$0x1E000] =	vst v63  }
0x1b3: {  	s20 =	simm.s32 $0x7700  }
0x1b4: {  	[tilespmem:s20], [sflag:$0x1] =	stream.linear.gather [spmem:s23], $0x80, $0x38;
	[tilespmem:$0x1E000] =	vst v63  }
0x1b5: {  	_ =	swait.ge [sflag:s31], $0x280  }
0x1b6: {  	[sflag:s31] =	ssyncset.done $0x0  }
0x1b7: {  	s25 =	simm.s32 $0x6780;
	s24 =	rddreg [dreg:$0x15];
	[sflag:s31] =	ssyncadd.s32 $0xFFFFFD80  }
0x1b8: {  	[tilespmem:s25], [sflag:$0x1] =	stream.linear.gather [spmem:s24], $0x80, $0x38;
	[tilespmem:$0x1E000] =	vst v63  }
0x1b9: {  	s3 =	simm.s32 $0x6B80  }
0x1ba: {  	[tilespmem:s3], [sflag:$0x1] =	stream.linear.gather [spmem:s26], $0x80, $0x38;
	[tilespmem:$0x1E000] =	vst v63  }
0x1bb: {  	s4 =	simm.s32 $0x6F80  }
0x1bc: {  	[tilespmem:s4], [sflag:$0x1] =	stream.linear.gather [spmem:s28], $0x80, $0x38;
	[tilespmem:$0x1E000] =	vst v63  }
0x1bd: {  	s20 =	simm.s32 $0x7380  }
0x1be: {  	[tilespmem:s20], [sflag:$0x1] =	stream.linear.gather [spmem:s29], $0x80, $0x38;
	[tilespmem:$0x1E000] =	vst v63  }
0x1bf: {  	s24 =	simm.s32 $0x7780  }
0x1c0: {  	[tilespmem:s24], [sflag:$0x1] =	stream.linear.gather [spmem:s30], $0x80, $0x38;
	[tilespmem:$0x1E000] =	vst v63  }
0x1c1: {  	s25 =	simm.s32 $0x0;
	_ =	swait.ge [sflag:s31], $0x280  }
0x1c2: {  	s4 =	sand.u32 $0x70, s25;
	s20 =	sand.u32 $0x1C00, s25;
	[sflag:s31] =	ssyncset.done $0x0  }
0x1c3: {  	s3 =	sor.u32 s4, s20;
	[sflag:s31] =	ssyncadd.s32 $0xFFFFFD80  }
0x1c4: {  	v1 =	vld [tilespmem:s3+$0x5080]  }
0x1c5: {  	v2 =	vld [tilespmem:s3+$0x5000]  }
0x1c6: {  	v3 =	vld [tilespmem:s3+$0x5100]  }
0x1c7: {  	v4 =	vld [tilespmem:s3+$0x5180]  }
0x1c8: {  	v5 =	vld [tilespmem:s3+$0x5200]  }
0x1c9: {  	s2 =	sor.u32 s25, s25;
	v6 =	vld [tilespmem:s3+$0x5280]  }
0x1ca: {  	s2 =	sor.u32 $0x380, s2;
	v1 =	vadd.s32 v2, v1;
	v2 =	vld [tilespmem:s3+$0x5300]  }
0x1cb: {  	v1 =	vadd.s32 v3, v1;
	v3 =	vld [tilespmem:s2+$0x5000]  }
0x1cc: {  	v53 =	vld [tilespmem:s3+$0x6400];
	v1 =	vadd.s32 v4, v1  }
0x1cd: {  	v54 =	vld [tilespmem:s3+$0x6480];
	v1 =	vadd.s32 v5, v1  }
0x1ce: {  	v55 =	vld [tilespmem:s3+$0x6500];
	v1 =	vadd.s32 v6, v1  }
0x1cf: {  	v1 =	vadd.s32 v2, v1;
	v2 =	vld [tilespmem:s3+$0x6580]  }
0x1d0: {  	v1 =	vadd.s32 v3, v1;
	v3 =	vld [tilespmem:s3+$0x6600]  }
0x1d1: {  	v56 =	vld [tilespmem:s3+$0x6680];
	v1 =	vadd.s32 v53, v1  }
0x1d2: {  	v57 =	vld [tilespmem:s3+$0x6700];
	v1 =	vadd.s32 v54, v1  }
0x1d3: {  	v58 =	vld [tilespmem:s3+$0x6780];
	v1 =	vadd.s32 v55, v1  }
0x1d4: {  	v1 =	vadd.s32 v2, v1  }
0x1d5: {  	v1 =	vadd.s32 v3, v1  }
0x1d6: {  	v1 =	vadd.s32 v56, v1  }
0x1d7: {  	v1 =	vadd.s32 v57, v1  }
0x1d8: {  	v1 =	vadd.s32 v58, v1  }
0x1d9: {  	v1 =	vcvt.s32.f32 v1;
	_ =	sdelay $0x1  }
0x1da: {  	v2 =	vbroadcast v1, $0xF  }
0x1db: {  	s3 =	simm.s32 $0x7C00;
	v3 =	vbroadcast v1, $0xE  }
0x1dc: {  	v59 =	vbroadcast v1, $0xD;
	[tilespmem:s3+$0x380] =	vst v2  }
0x1dd: {  	v60 =	vbroadcast v1, $0xA;
	[tilespmem:s3+$0x300] =	vst v3  }
0x1de: {  	v61 =	vbroadcast v1, $0x7;
	[tilespmem:s3+$0x280] =	vst v59  }
0x1df: {  	v62 =	vbroadcast v1, $0x4;
	[tilespmem:s3+$0x100] =	vst v60  }
0x1e0: {  	v63 =	vbroadcast v1, $0x1;
	[tilespmem:s3+$0xFFFFFF80] =	vst v61  }
0x1e1: {  	v2 =	vbroadcast v1, $0xC;
	[tilespmem:s3+$0xFFFFFE00] =	vst v62  }
0x1e2: {  	v3 =	vbroadcast v1, $0xB;
	[tilespmem:s3+$0xFFFFFC80] =	vst v63  }
0x1e3: {  	[tilespmem:s3+$0x200] =	vst v2;
	v2 =	vbroadcast v1, $0x9  }
0x1e4: {  	[tilespmem:s3+$0x180] =	vst v3;
	v3 =	vbroadcast v1, $0x8  }
0x1e5: {  	[tilespmem:s3+$0x80] =	vst v2;
	v2 =	vbroadcast v1, $0x6  }
0x1e6: {  	[tilespmem:s3+$0x0] =	vst v3;
	v3 =	vbroadcast v1, $0x5  }
0x1e7: {  	[tilespmem:s3+$0xFFFFFF00] =	vst v2;
	v2 =	vbroadcast v1, $0x3  }
0x1e8: {  	[tilespmem:s3+$0xFFFFFE80] =	vst v3;
	v3 =	vbroadcast v1, $0x2  }
0x1e9: {  	s25 =	simm.s32 $0x80;
	s24 =	simm.s32 $0x10;
	v1 =	vbroadcast v1, $0x0;
	[tilespmem:s3+$0xFFFFFD80] =	vst v2  }
0x1ea: {  	s4 =	sand.u32 $0x1C00, s25;
	s20 =	sand.u32 $0x70, s24;
	[tilespmem:s3+$0xFFFFFD00] =	vst v3  }
0x1eb: {  	s2 =	sor.u32 s20, s4;
	s20 =	simm.s32 $0x20;
	[tilespmem:s3+$0xFFFFFC00] =	vst v1  }
.LBB2_13:
0x1ec: {  	p1 =	sne.s32 s20, $0x270;
	v1 =	vld [tilespmem:s2+$0x5080]  }
0x1ed: {  	v2 =	vld [tilespmem:s2+$0x5000]  }
0x1ee: {  	v3 =	vld [tilespmem:s2+$0x5100]  }
0x1ef: {  	v4 =	vld [tilespmem:s2+$0x5180]  }
0x1f0: {  	v5 =	vld [tilespmem:s2+$0x5200]  }
0x1f1: {  	s4 =	sor.u32 s25, s24;
	s24 =	smov.u32 s20;
	v6 =	vld [tilespmem:s2+$0x5280]  }
0x1f2: {  	s4 =	sor.u32 $0x380, s4;
	v1 =	vadd.s32 v2, v1;
	v2 =	vld [tilespmem:s2+$0x5300]  }
0x1f3: {  	v1 =	vadd.s32 v3, v1;
	v3 =	vld [tilespmem:s4+$0x5000]  }
0x1f4: {  	v1 =	vadd.s32 v4, v1;
	v4 =	vld [tilespmem:s2+$0x6400]  }
0x1f5: {  	v1 =	vadd.s32 v5, v1;
	v5 =	vld [tilespmem:s2+$0x6480]  }
0x1f6: {  	v1 =	vadd.s32 v6, v1;
	v6 =	vld [tilespmem:s2+$0x6500]  }
0x1f7: {  	v1 =	vadd.s32 v2, v1;
	v2 =	vld [tilespmem:s2+$0x6580]  }
0x1f8: {  	v1 =	vadd.s32 v3, v1;
	v3 =	vld [tilespmem:s2+$0x6600]  }
0x1f9: {  	v1 =	vadd.s32 v4, v1;
	v4 =	vld [tilespmem:s2+$0x6680]  }
0x1fa: {  	v1 =	vadd.s32 v5, v1;
	v5 =	vld [tilespmem:s2+$0x6700]  }
0x1fb: {  	v1 =	vadd.s32 v6, v1;
	v6 =	vld [tilespmem:s2+$0x6780]  }
0x1fc: {  	v1 =	vadd.s32 v2, v1  }
0x1fd: {  	v1 =	vadd.s32 v3, v1  }
0x1fe: {  	v1 =	vadd.s32 v4, v1  }
0x1ff: {  	v1 =	vadd.s32 v5, v1  }
0x200: {  	v1 =	vadd.s32 v6, v1  }
0x201: {  	v1 =	vcvt.s32.f32 v1;
	_ =	sdelay $0x1  }
0x202: {  	v2 =	vbroadcast v1, $0xE;
	v3 =	vbroadcast v1, $0xF  }
0x203: {  	s3 =	sadd.s32 $0x800, s3;
	v4 =	vbroadcast v1, $0xC;
	v5 =	vbroadcast v1, $0xD  }
0x204: {  	v6 =	vbroadcast v1, $0xA;
	v7 =	vbroadcast v1, $0xB;
	[tilespmem:s3+$0x380] =	vst v3  }
0x205: {  	v8 =	vbroadcast v1, $0x9;
	v3 =	vbroadcast v1, $0x8;
	[tilespmem:s3+$0x300] =	vst v2  }
0x206: {  	v9 =	vbroadcast v1, $0x7;
	v2 =	vbroadcast v1, $0x6;
	[tilespmem:s3+$0x280] =	vst v5  }
0x207: {  	v10 =	vbroadcast v1, $0x5;
	v5 =	vbroadcast v1, $0x4;
	[tilespmem:s3+$0x200] =	vst v4  }
0x208: {  	v11 =	vbroadcast v1, $0x3;
	v4 =	vbroadcast v1, $0x2;
	[tilespmem:s3+$0x180] =	vst v7  }
0x209: {  	v7 =	vbroadcast v1, $0x0;
	v1 =	vbroadcast v1, $0x1;
	[tilespmem:s3+$0x100] =	vst v6  }
0x20a: {  	[tilespmem:s3+$0x80] =	vst v8  }
0x20b: {  	[tilespmem:s3+$0x0] =	vst v3  }
0x20c: {  	[tilespmem:s3+$0xFFFFFF80] =	vst v9  }
0x20d: {  	[tilespmem:s3+$0xFFFFFF00] =	vst v2  }
0x20e: {  	[tilespmem:s3+$0xFFFFFE80] =	vst v10  }
.Ltmp7:
0x20f: {  	[tilespmem:s3+$0xFFFFFE00] =	vst v5;
	(pc) =	sbr.rel @p1 .LBB2_13-.Ltmp7, $4  }
0x210: {  	[tilespmem:s3+$0xFFFFFD80] =	vst v11  }
0x211: {  	s25 =	sadd.s32 $0x80, s25;
	[tilespmem:s3+$0xFFFFFD00] =	vst v4  }
0x212: {  	s4 =	sand.u32 $0x1C00, s25;
	s2 =	sand.u32 $0x70, s20;
	[tilespmem:s3+$0xFFFFFC80] =	vst v1  }
0x213: {  	s20 =	sadd.s32 $0x10, s20;
	s2 =	sor.u32 s2, s4;
	[tilespmem:s3+$0xFFFFFC00] =	vst v7  }
0x214: {  	v1 =	vld [tilespmem:s2+$0x5080]  }
0x215: {  	v2 =	vld [tilespmem:s2+$0x5000]  }
0x216: {  	v3 =	vld [tilespmem:s2+$0x5100]  }
0x217: {  	v4 =	vld [tilespmem:s2+$0x5180]  }
0x218: {  	v5 =	vld [tilespmem:s2+$0x5200]  }
0x219: {  	v6 =	vld [tilespmem:s2+$0x5280];
	s4 =	sor.u32 s25, s24  }
0x21a: {  	s4 =	sor.u32 $0x380, s4;
	v1 =	vadd.s32 v2, v1;
	v2 =	vld [tilespmem:s2+$0x5300]  }
0x21b: {  	v1 =	vadd.s32 v3, v1;
	v3 =	vld [tilespmem:s4+$0x5000]  }
0x21c: {  	v53 =	vld [tilespmem:s2+$0x6400];
	v1 =	vadd.s32 v4, v1  }
0x21d: {  	v54 =	vld [tilespmem:s2+$0x6480];
	v1 =	vadd.s32 v5, v1  }
0x21e: {  	v55 =	vld [tilespmem:s2+$0x6500];
	v1 =	vadd.s32 v6, v1  }
0x21f: {  	v1 =	vadd.s32 v2, v1;
	v2 =	vld [tilespmem:s2+$0x6580]  }
0x220: {  	v1 =	vadd.s32 v3, v1;
	v3 =	vld [tilespmem:s2+$0x6600]  }
0x221: {  	v56 =	vld [tilespmem:s2+$0x6680];
	v1 =	vadd.s32 v53, v1  }
0x222: {  	v57 =	vld [tilespmem:s2+$0x6700];
	v1 =	vadd.s32 v54, v1  }
0x223: {  	v58 =	vld [tilespmem:s2+$0x6780];
	v1 =	vadd.s32 v55, v1  }
0x224: {  	v1 =	vadd.s32 v2, v1  }
0x225: {  	v1 =	vadd.s32 v3, v1  }
0x226: {  	v1 =	vadd.s32 v56, v1  }
0x227: {  	v1 =	vadd.s32 v57, v1  }
0x228: {  	v1 =	vadd.s32 v58, v1  }
0x229: {  	v1 =	vcvt.s32.f32 v1;
	_ =	sdelay $0x1  }
0x22a: {  	v2 =	vbroadcast v1, $0xF  }
0x22b: {  	s3 =	sadd.s32 $0x800, s3;
	v3 =	vbroadcast v1, $0xE  }
0x22c: {  	v59 =	vbroadcast v1, $0xD;
	[tilespmem:s3+$0x380] =	vst v2  }
0x22d: {  	v60 =	vbroadcast v1, $0xA;
	[tilespmem:s3+$0x300] =	vst v3  }
0x22e: {  	v61 =	vbroadcast v1, $0x7;
	[tilespmem:s3+$0x280] =	vst v59  }
0x22f: {  	v62 =	vbroadcast v1, $0x4;
	[tilespmem:s3+$0x100] =	vst v60  }
0x230: {  	v63 =	vbroadcast v1, $0x1;
	[tilespmem:s3+$0xFFFFFF80] =	vst v61  }
0x231: {  	v2 =	vbroadcast v1, $0xC;
	[tilespmem:s3+$0xFFFFFE00] =	vst v62  }
0x232: {  	v3 =	vbroadcast v1, $0xB;
	[tilespmem:s3+$0xFFFFFC80] =	vst v63  }
0x233: {  	[tilespmem:s3+$0x200] =	vst v2;
	v2 =	vbroadcast v1, $0x9  }
0x234: {  	[tilespmem:s3+$0x180] =	vst v3;
	v3 =	vbroadcast v1, $0x8  }
0x235: {  	[tilespmem:s3+$0x80] =	vst v2;
	v2 =	vbroadcast v1, $0x6  }
0x236: {  	[tilespmem:s3+$0x0] =	vst v3;
	v3 =	vbroadcast v1, $0x5  }
0x237: {  	[tilespmem:s3+$0xFFFFFF00] =	vst v2;
	v2 =	vbroadcast v1, $0x3  }
0x238: {  	[tilespmem:s3+$0xFFFFFE80] =	vst v3;
	v3 =	vbroadcast v1, $0x2  }
0x239: {  	v1 =	vbroadcast v1, $0x0;
	[tilespmem:s3+$0xFFFFFD80] =	vst v2  }
0x23a: {  	[tilespmem:s3+$0xFFFFFD00] =	vst v3  }
0x23b: {  	s20 =	simm.s32 $0x0;
	s24 =	simm.s32 $0x7800;
	s4 =	rddreg [dreg:$0x17];
	[tilespmem:s3+$0xFFFFFC00] =	vst v1  }
0x23c: {  	[hbm4b:s4+s20] =	stream.linear.scatter [tilespmem:s24], [sflag:$0x1], $0x14000, $0x38;
	[tilespmem:$0x1E000] =	vst v63  }
0x23d: {  	_ =	swait.ge [sflag:s31], $0x14000  }
0x23e: {  	s1 =	sadd.s32 $0x1, s1;
	s25 =	rddreg [dreg:$0x16]  }
0x23f: {  	p1 =	sne.s32 s1, s25  }
.Ltmp8:
0x240: {  	_ = 	snop;
	(pc) =	sbr.rel @p1 .LBB2_1-.Ltmp8, $3  }
0x241: {  	_ =	sdelay $0x1  }
0x242: {  	[sflag:s31] =	ssyncset.done $0x0  }
0x243: {  	[sflag:s31] =	ssyncadd.s32 $0xFFFEC000  }
0x244: {  	_ =	sfence.sel $0x180000  }
0x245: {  	[bflag:$0x0] =	sbarrier.arrive $0xFFFF  }
0x246: {  	_ =	strace $0x90000047  }
0x247: {  	s0 =	stileid.u32;
	[bflag:$0x2] =	sbarrier.arrive $0xFFFF  }
0x248: {  	p0 =	sne.s32 s0, $0x0;
	s0 =	rddreg [dreg:$0x3]  }
0x249: {  	s0 =	sadd.s32 @!p0 $0x100000, s0  }
0x24a: {  	[sflag:s0] =	ssyncadd.tile.s32 @!p0 $0x1;
	_ =	shalt  }
.Lfunc_end2:
_tile_overlayer_lowered:
.L_overlay_start_2:
0x24b: {  	(tag) =	ssettag $0x2  }
0x24c: {  	s0 =	rddreg [dreg:$0x0];
	s2 =	stileid.u32  }
0x24d: {  	s1 =	rddreg [dreg:$0x1];
	p0 =	sne.s32 s2, $0x0  }
0x24e: {  	s3 =	rddreg [dreg:$0x2];
	[bflag:$0x3] =	sbarrier.arrive $0xFFFF;
	s2 =	simm.s32 @!p0 $0x1C01  }
0x24f: {  	[timem:s3], [sflag:s2] =	dma.local @!p0 [hbm:s0], s1  }
0x250: {  	s0 =	simm.s32 @!p0 $0x1  }
0x251: {  	_ =	swait.ge @!p0 [sflag:s0], s1  }
0x252: {  	s1 =	ssub.s32 @!p0 $0x0, s1;
	[sflag:s0] =	ssyncset.done @!p0 $0x0  }
0x253: {  	[sflag:s0] =	ssyncadd.s32 @!p0 s1  }
0x254: {  	[bflag:$0x3] =	sbarrier.arrive $0xFFFF  }
0x255: {  	_ =	shalt  }

</sc_bundles>
